<compile_context>
chip_gen: v7x
topology: tpu7x:2x2x1
jax: 0.10.2.dev20260603
libtpu: 0.0.44.dev20260713+nightly
codegen_flags: <defaults>
</compile_context>

<pallas_src>
import jax
import jax.numpy as jnp
import numpy as np
from jax import lax
from jax.experimental import pallas as pl
from jax.experimental.pallas import tpu as pltpu
from jax.experimental.pallas import tpu_sc as plsc

PREFIX = 6
REST_FIELDS = 20
FIELD_SIZE = 40000
EMBED_DIM = 16
BATCH = 4096
TABLE_ROWS = 26 * FIELD_SIZE

NC, NS = 2, 16
NW = NC * NS
LANES = 16

C_TILE_STRIDE = (TABLE_ROWS // 128) * 1024

NUNIT = REST_FIELDS * 2 * 32
U_PER_W = NUNIT // NW
GROUP = 4
NGROUP = U_PER_W // GROUP
LAG = 2


def _body(flat_hbm, ridx_hbm, pidx_hbm, out_hbm, pout_hbm,
          idx_rows, eidx_v, dst_v, pvec_v, peidx_v, pdst_v, sem, psem, osem):
    wid = lax.axis_index("s") * NC + lax.axis_index("c")
    u0 = wid * U_PER_W
    f0 = jnp.minimum(u0 // 64, REST_FIELDS - 2)

    pltpu.sync_copy(ridx_hbm.at[pl.ds(f0 * BATCH, 2 * BATCH)], idx_rows)

    @pl.when(wid == NW - 1)
    def _prefix():
        pltpu.sync_copy(pidx_hbm, pvec_v)
        iota = lax.broadcasted_iota(jnp.int32, (LANES,), 0)
        adj = pvec_v[...] + iota * FIELD_SIZE
        rb = ((adj >> 7) << 10) + (adj & 127)
        offc = (iota >> 3) * C_TILE_STRIDE + (iota & 7) * 128
        for j in range(8):
            rbj = jnp.sum(jnp.where(iota == j, rb, 0))
            peidx_v[pl.ds(j * LANES, LANES)] = rbj + offc
        pltpu.async_copy(flat_hbm.at[peidx_v], pdst_v, psem)

    out0 = wid * (U_PER_W * 1024)
    GE = GROUP * 1024

    def drain(g_local):
        s = pl.ds(g_local * GE, GE)
        pltpu.make_async_copy(flat_hbm.at[eidx_v.at[s]], dst_v.at[s],
                              sem).wait()
        pltpu.async_copy(dst_v.at[s], out_hbm.at[pl.ds(out0 + g_local * GE,
                                                       GE)], osem)

    def drain_store(g_local, _):
        s = pl.ds(g_local * GE, GE)
        pltpu.make_async_copy(dst_v.at[s],
                              out_hbm.at[pl.ds(out0 + g_local * GE, GE)],
                              osem).wait()
        return 0

    def group(g_local, _):
        for t in range(GROUP):
            u_local = g_local * GROUP + t
            u = u0 + u_local
            f = u // 64
            i = (u // 32) & 1
            jb = u & 31
            f_rel = f - f0
            off_f = (PREFIX + f) * FIELD_SIZE
            base_c = i * C_TILE_STRIDE
            e0 = u_local * 1024
            for k in range(8):
                r = idx_rows[pl.ds(f_rel * BATCH + jb * 128 + k * LANES,
                                   LANES)]
                adj = r + off_f
                rb = ((adj >> 7) << 10) + (adj & 127) + base_c
                for s in range(8):
                    eidx_v[pl.ds(e0 + s * 128 + k * LANES, LANES)] = (
                        rb + s * 128
                    )
        sl = pl.ds(g_local * GE, GE)
        pltpu.async_copy(flat_hbm.at[eidx_v.at[sl]], dst_v.at[sl], sem)

        @pl.when(g_local >= LAG)
        def _():
            drain(g_local - LAG)

        return 0

    lax.fori_loop(0, NGROUP, group, 0)
    for t in range(LAG):
        drain(NGROUP - LAG + t)
    lax.fori_loop(0, NGROUP, drain_store, 0)

    @pl.when(wid == NW - 1)
    def _prefix_done():
        pltpu.make_async_copy(flat_hbm.at[peidx_v], pdst_v, psem).wait()
        pltpu.sync_copy(pdst_v, pout_hbm)


@jax.jit
def _lookup(flat_table, ridx, pidx):
    mesh = plsc.VectorSubcoreMesh(
        core_axis_name="c", subcore_axis_name="s", num_cores=NC, num_subcores=NS
    )
    k = pl.kernel(
        _body,
        out_type=(
            jax.ShapeDtypeStruct((NW * U_PER_W * 1024,), jnp.float32),
            jax.ShapeDtypeStruct((128,), jnp.float32),
        ),
        mesh=mesh,
        scratch_types=(
            pltpu.VMEM((2 * BATCH,), jnp.int32),
            pltpu.VMEM((U_PER_W * 1024,), jnp.int32),
            pltpu.VMEM((U_PER_W * 1024,), jnp.float32),
            pltpu.VMEM((LANES,), jnp.int32),
            pltpu.VMEM((128,), jnp.int32),
            pltpu.VMEM((128,), jnp.float32),
            pltpu.SemaphoreType.DMA,
            pltpu.SemaphoreType.DMA,
            pltpu.SemaphoreType.DMA,
        ),
        compiler_params=pltpu.CompilerParams(needs_layout_passes=False),
    )
    return k(flat_table, ridx, pidx)


def kernel(prefix_index, rest_index, table):
    flat = table.reshape(TABLE_ROWS // 128, 128, 2, 8).transpose(2, 0, 3, 1)
    flat = flat.reshape(-1)
    ridx = rest_index.T.astype(jnp.int32).reshape(-1)
    pidx = jnp.concatenate(
        [prefix_index.astype(jnp.int32), jnp.zeros((LANES - PREFIX,), jnp.int32)]
    )
    out, pout = _lookup(flat, ridx, pidx)
    rest_emb = (
        out.reshape(REST_FIELDS, 2, 32, 8, 128)
        .transpose(2, 4, 0, 1, 3)
        .reshape(BATCH, REST_FIELDS, EMBED_DIM)
    )
    prefix_emb = pout.reshape(8, LANES)[:PREFIX].reshape(1, PREFIX, EMBED_DIM)
    return (prefix_emb, rest_emb)

# --- scband reference (transcript-rebuilt; emitter-appended) ---
"""Pipeline reference for scband-re-features-embedding-4758823764683 (READ-ONLY COPY).

The authoritative reference and input builder live on the scoring server;
editing this copy changes nothing except your own understanding.
"""

import jax, jax.numpy as jnp
import numpy as np

FIELD_DIMS = [40000] * 26
PREFIX = 6
EMBED_DIM = 16
NUM_EMB = sum(FIELD_DIMS)
OFFSETS = np.array((0, *np.cumsum(FIELD_DIMS)[:-1]), dtype=np.int64)
PREFIX_OFFSETS = jnp.asarray(OFFSETS[:PREFIX])
REST_OFFSETS = jnp.asarray(OFFSETS[PREFIX:])


def setup_inputs(seed: int = 0) -> dict:
    key = jax.random.key(seed)
    k1, k2, k3 = jax.random.split(key, 3)
    prefix_index = jax.random.randint(k1, (PREFIX,), 0, 40000, dtype=jnp.int64 if jax.config.jax_enable_x64 else jnp.int32)
    rest_index = jax.random.randint(k2, (4096, 26 - PREFIX), 0, 40000, dtype=jnp.int64 if jax.config.jax_enable_x64 else jnp.int32)
    # xavier_uniform init for embedding table: bound = sqrt(6/(fan_in+fan_out))
    bound = float(np.sqrt(6.0 / (NUM_EMB + EMBED_DIM)))
    table = jax.random.uniform(k3, (NUM_EMB, EMBED_DIM), dtype=jnp.float32, minval=-bound, maxval=bound)
    return {"prefix_index": prefix_index, "rest_index": rest_index, "table": table}


def reference(prefix_index, rest_index, table):
    # prefix_index: [prefix_field] -> broadcast with (1, prefix) offsets -> (1, prefix)
    pidx = prefix_index + PREFIX_OFFSETS[None, :].astype(prefix_index.dtype)
    ridx = rest_index + REST_OFFSETS[None, :].astype(rest_index.dtype)
    prefix_emb = jnp.take(table, pidx, axis=0)  # (1, prefix, embed_dim)
    rest_emb = jnp.take(table, ridx, axis=0)    # (batch, rest_field, embed_dim)
    return (prefix_emb, rest_emb)

if __name__ == "__main__":
    import jax
    _d = setup_inputs()
    print(jax.jit(kernel)(*tuple(_d.values())))

</pallas_src>

<mosaic_0001>
#map = affine_map<(d0, d1) -> (0)>
module attributes {stable_mosaic.version = 14 : i64} {
  func.func @_body(%arg0: i32, %arg1: i32, %arg2: memref<16640000xf32, #tpu.memory_space<hbm>>, %arg3: memref<81920xi32, #tpu.memory_space<hbm>>, %arg4: memref<16xi32, #tpu.memory_space<hbm>>, %arg5: memref<1310720xf32, #tpu.memory_space<hbm>>, %arg6: memref<128xf32, #tpu.memory_space<hbm>>, %arg7: memref<8192xi32, #tpu.memory_space<vmem>>, %arg8: memref<40960xi32, #tpu.memory_space<vmem>>, %arg9: memref<40960xf32, #tpu.memory_space<vmem>>, %arg10: memref<16xi32, #tpu.memory_space<vmem>>, %arg11: memref<128xi32, #tpu.memory_space<vmem>>, %arg12: memref<128xf32, #tpu.memory_space<vmem>>, %arg13: memref<!tpu.dma_semaphore, #tpu.memory_space<semaphore_mem>>, %arg14: memref<!tpu.dma_semaphore, #tpu.memory_space<semaphore_mem>>, %arg15: memref<!tpu.dma_semaphore, #tpu.memory_space<semaphore_mem>>) attributes {dimension_semantics = [#tpu.dimension_semantics<core_parallel>, #tpu.dimension_semantics<subcore_parallel>], iteration_bounds = array<i64: 2, 16>, scalar_prefetch = 0 : i64, scratch_operands = 9 : i64, tpu.core_type = #tpu.core_type<sc_vector_subcore>, window_params = [{transform_indices = #map}, {transform_indices = #map}, {transform_indices = #map}, {transform_indices = #map}, {transform_indices = #map}]} {
    %mul3A = arith.constant 2 : i32
    %mul3A_0 = arith.muli %arg1, %mul3A : i32
    %add3A = arith.addi %mul3A_0, %arg0 : i32
    %mul3A_1 = arith.constant 40 : i32
    %mul3A_2 = arith.muli %add3A, %mul3A_1 : i32
    %jit3A = arith.constant 64 : i32
    %div3A = arith.divsi %mul3A_2, %jit3A : i32
    %sign3A = arith.constant 0 : i32
    %sign3A_3 = arith.cmpi sgt, %mul3A_2, %sign3A : i32
    %sign3A_4 = arith.extui %sign3A_3 : i1 to i32
    %sign3A_5 = arith.constant 0 : i32
    %sign3A_6 = arith.cmpi slt, %mul3A_2, %sign3A_5 : i32
    %sign3A_7 = arith.extui %sign3A_6 : i1 to i32
    %sign3A_8 = arith.subi %sign3A_4, %sign3A_7 : i32
    %sign3A_9 = arith.constant 0 : i32
    %sign3A_10 = arith.cmpi sgt, %jit3A, %sign3A_9 : i32
    %sign3A_11 = arith.extui %sign3A_10 : i1 to i32
    %sign3A_12 = arith.constant 0 : i32
    %sign3A_13 = arith.cmpi slt, %jit3A, %sign3A_12 : i32
    %sign3A_14 = arith.extui %sign3A_13 : i1 to i32
    %sign3A_15 = arith.subi %sign3A_11, %sign3A_14 : i32
    %ne3A = arith.cmpi ne, %sign3A_8, %sign3A_15 : i32
    %rem3A = arith.remsi %mul3A_2, %jit3A : i32
    %ne3A_16 = arith.constant 0 : i32
    %ne3A_17 = arith.cmpi ne, %rem3A, %ne3A_16 : i32
    %and3A = arith.andi %ne3A, %ne3A_17 : i1
    %sub3A = arith.constant 1 : i32
    %sub3A_18 = arith.subi %div3A, %sub3A : i32
    %select_n3A = arith.select %and3A, %sub3A_18, %div3A : i32
    %min3A = arith.constant 18 : i32
    %min3A_19 = arith.minsi %select_n3A, %min3A : i32
    %mul3A_20 = arith.constant 4096 : i32
    %mul3A_21 = arith.muli %min3A_19, %mul3A_20 : i32
    "tpu.region"() ({
      %run_scoped3A = tpu.sem_alloc : memref<!tpu.dma_semaphore, #tpu.memory_space<semaphore_mem>>
      %dma_start3A_70 = tpu.memref_slice %arg3[%mul3A_21] : memref<81920xi32, #tpu.memory_space<hbm>> -> memref<8192xi32, #tpu.memory_space<hbm>>
      %dma_start3A_71 = tpu.memref_slice %arg3[%mul3A_21] : memref<81920xi32, #tpu.memory_space<hbm>> -> memref<8192xi32, #tpu.memory_space<hbm>>
      tpu.enqueue_dma source(%dma_start3A_71 : memref<8192xi32, #tpu.memory_space<hbm>>) target(%arg7 : memref<8192xi32, #tpu.memory_space<vmem>>) target_semaphore(%run_scoped3A : memref<!tpu.dma_semaphore, #tpu.memory_space<semaphore_mem>>)
      %dma_wait3A_72 = tpu.memref_slice %arg3[%mul3A_21] : memref<81920xi32, #tpu.memory_space<hbm>> -> memref<8192xi32, #tpu.memory_space<hbm>>
      %dma_wait3A_73 = tpu.memref_slice %arg3[%mul3A_21] : memref<81920xi32, #tpu.memory_space<hbm>> -> memref<8192xi32, #tpu.memory_space<hbm>>
      tpu.wait_dma2 semaphore(%run_scoped3A : memref<!tpu.dma_semaphore, #tpu.memory_space<semaphore_mem>>) src(%dma_wait3A_73 : memref<8192xi32, #tpu.memory_space<hbm>>) dst(%arg7 : memref<8192xi32, #tpu.memory_space<vmem>>)
      tpu.yield
    }) : () -> ()
    %eq3A = arith.constant 31 : i32
    %eq3A_22 = arith.cmpi eq, %add3A, %eq3A : i32
    %convert_element_type3A = arith.extui %eq3A_22 : i1 to i32
    %cond3A = arith.constant 0 : i32
    %cond3A_23 = arith.cmpi ne, %convert_element_type3A, %cond3A : i32
    scf.if %cond3A_23 {
      "tpu.region"() ({
        %run_scoped3A = tpu.sem_alloc : memref<!tpu.dma_semaphore, #tpu.memory_space<semaphore_mem>>
        tpu.enqueue_dma source(%arg4 : memref<16xi32, #tpu.memory_space<hbm>>) target(%arg10 : memref<16xi32, #tpu.memory_space<vmem>>) target_semaphore(%run_scoped3A : memref<!tpu.dma_semaphore, #tpu.memory_space<semaphore_mem>>)
        tpu.wait_dma2 semaphore(%run_scoped3A : memref<!tpu.dma_semaphore, #tpu.memory_space<semaphore_mem>>) src(%arg4 : memref<16xi32, #tpu.memory_space<hbm>>) dst(%arg10 : memref<16xi32, #tpu.memory_space<vmem>>)
        tpu.yield
      }) : () -> ()
      %iota3A = tpu.iota {dimensions = array<i32: 0>} : vector<16xi32>
      %get3A = arith.constant 0 : index
      %get3A_70 = tpu.vector_load %arg10[%get3A] {strides = array<i32>} : memref<16xi32, #tpu.memory_space<vmem>>, vector<16xi32>,
      %mul3A_71 = arith.constant 40000 : i32
      %mul3A_72 = vector.broadcast %mul3A_71 : i32 to vector<16xi32>
      %mul3A_73 = arith.muli %iota3A, %mul3A_72 : vector<16xi32>
      %add3A_74 = arith.addi %get3A_70, %mul3A_73 : vector<16xi32>
      %shift_right_arithmetic3A = arith.constant 7 : i32
      %shift_right_arithmetic3A_75 = vector.broadcast %shift_right_arithmetic3A : i32 to vector<16xi32>
      %shift_right_arithmetic3A_76 = arith.shrsi %add3A_74, %shift_right_arithmetic3A_75 : vector<16xi32>
      %shift_left3A = arith.constant 10 : i32
      %shift_left3A_77 = vector.broadcast %shift_left3A : i32 to vector<16xi32>
      %shift_left3A_78 = arith.shli %shift_right_arithmetic3A_76, %shift_left3A_77 : vector<16xi32>
      %and3A_79 = arith.constant 127 : i32
      %and3A_80 = vector.broadcast %and3A_79 : i32 to vector<16xi32>
      %and3A_81 = arith.andi %add3A_74, %and3A_80 : vector<16xi32>
      %add3A_82 = arith.addi %shift_left3A_78, %and3A_81 : vector<16xi32>
      %shift_right_arithmetic3A_83 = arith.constant 3 : i32
      %shift_right_arithmetic3A_84 = vector.broadcast %shift_right_arithmetic3A_83 : i32 to vector<16xi32>
      %shift_right_arithmetic3A_85 = arith.shrsi %iota3A, %shift_right_arithmetic3A_84 : vector<16xi32>
      %mul3A_86 = arith.constant 8320000 : i32
      %mul3A_87 = vector.broadcast %mul3A_86 : i32 to vector<16xi32>
      %mul3A_88 = arith.muli %shift_right_arithmetic3A_85, %mul3A_87 : vector<16xi32>
      %and3A_89 = arith.constant 7 : i32
      %and3A_90 = vector.broadcast %and3A_89 : i32 to vector<16xi32>
      %and3A_91 = arith.andi %iota3A, %and3A_90 : vector<16xi32>
      %mul3A_92 = arith.constant 128 : i32
      %mul3A_93 = vector.broadcast %mul3A_92 : i32 to vector<16xi32>
      %mul3A_94 = arith.muli %and3A_91, %mul3A_93 : vector<16xi32>
      %add3A_95 = arith.addi %mul3A_88, %mul3A_94 : vector<16xi32>
      %eq3A_96 = arith.constant 0 : i32
      %eq3A_97 = vector.broadcast %eq3A_96 : i32 to vector<16xi32>
      %eq3A_98 = arith.cmpi eq, %iota3A, %eq3A_97 : vector<16xi32>
      %jit3A_99 = arith.constant 0 : i32
      %broadcast_in_dim3A = vector.broadcast %jit3A_99 : i32 to vector<16xi32>
      %select_n3A_100 = arith.select %eq3A_98, %add3A_82, %broadcast_in_dim3A : vector<16xi1>, vector<16xi32>
      %reduce_sum3A = arith.constant true
      %reduce_sum3A_101 = vector.broadcast %reduce_sum3A : i1 to vector<16xi1>
      %reduce_sum3A_102 = tpu.scan <sum>, %select_n3A_100 masked %reduce_sum3A_101 : vector<16xi32>, vector<16xi1> -> vector<16xi32>
      %reduce_sum3A_103 = vector.extract %reduce_sum3A_102[15] : i32 from vector<16xi32>
      %add3A_104 = vector.broadcast %reduce_sum3A_103 : i32 to vector<16xi32>
      %add3A_105 = arith.addi %add3A_104, %add3A_95 : vector<16xi32>
      %swap3A = arith.constant 0 : index
      %swap3A_106 = tpu.vector_load %arg11[%swap3A] {strides = array<i32>} : memref<128xi32, #tpu.memory_space<vmem>>, vector<16xi32>,
      tpu.vector_store %arg11[%swap3A], %add3A_105 {strides = array<i32>} : memref<128xi32, #tpu.memory_space<vmem>>, vector<16xi32>,
      %eq3A_107 = arith.constant 1 : i32
      %eq3A_108 = vector.broadcast %eq3A_107 : i32 to vector<16xi32>
      %eq3A_109 = arith.cmpi eq, %iota3A, %eq3A_108 : vector<16xi32>
      %jit3A_110 = arith.constant 0 : i32
      %broadcast_in_dim3A_111 = vector.broadcast %jit3A_110 : i32 to vector<16xi32>
      %select_n3A_112 = arith.select %eq3A_109, %add3A_82, %broadcast_in_dim3A_111 : vector<16xi1>, vector<16xi32>
      %reduce_sum3A_113 = arith.constant true
      %reduce_sum3A_114 = vector.broadcast %reduce_sum3A_113 : i1 to vector<16xi1>
      %reduce_sum3A_115 = tpu.scan <sum>, %select_n3A_112 masked %reduce_sum3A_114 : vector<16xi32>, vector<16xi1> -> vector<16xi32>
      %reduce_sum3A_116 = vector.extract %reduce_sum3A_115[15] : i32 from vector<16xi32>
      %add3A_117 = vector.broadcast %reduce_sum3A_116 : i32 to vector<16xi32>
      %add3A_118 = arith.addi %add3A_117, %add3A_95 : vector<16xi32>
      %swap3A_119 = arith.constant 16 : index
      %swap3A_120 = tpu.vector_load %arg11[%swap3A_119] {strides = array<i32>} : memref<128xi32, #tpu.memory_space<vmem>>, vector<16xi32>,
      tpu.vector_store %arg11[%swap3A_119], %add3A_118 {strides = array<i32>} : memref<128xi32, #tpu.memory_space<vmem>>, vector<16xi32>,
      %eq3A_121 = arith.constant 2 : i32
      %eq3A_122 = vector.broadcast %eq3A_121 : i32 to vector<16xi32>
      %eq3A_123 = arith.cmpi eq, %iota3A, %eq3A_122 : vector<16xi32>
      %jit3A_124 = arith.constant 0 : i32
      %broadcast_in_dim3A_125 = vector.broadcast %jit3A_124 : i32 to vector<16xi32>
      %select_n3A_126 = arith.select %eq3A_123, %add3A_82, %broadcast_in_dim3A_125 : vector<16xi1>, vector<16xi32>
      %reduce_sum3A_127 = arith.constant true
      %reduce_sum3A_128 = vector.broadcast %reduce_sum3A_127 : i1 to vector<16xi1>
      %reduce_sum3A_129 = tpu.scan <sum>, %select_n3A_126 masked %reduce_sum3A_128 : vector<16xi32>, vector<16xi1> -> vector<16xi32>
      %reduce_sum3A_130 = vector.extract %reduce_sum3A_129[15] : i32 from vector<16xi32>
      %add3A_131 = vector.broadcast %reduce_sum3A_130 : i32 to vector<16xi32>
      %add3A_132 = arith.addi %add3A_131, %add3A_95 : vector<16xi32>
      %swap3A_133 = arith.constant 32 : index
      %swap3A_134 = tpu.vector_load %arg11[%swap3A_133] {strides = array<i32>} : memref<128xi32, #tpu.memory_space<vmem>>, vector<16xi32>,
      tpu.vector_store %arg11[%swap3A_133], %add3A_132 {strides = array<i32>} : memref<128xi32, #tpu.memory_space<vmem>>, vector<16xi32>,
      %eq3A_135 = arith.constant 3 : i32
      %eq3A_136 = vector.broadcast %eq3A_135 : i32 to vector<16xi32>
      %eq3A_137 = arith.cmpi eq, %iota3A, %eq3A_136 : vector<16xi32>
      %jit3A_138 = arith.constant 0 : i32
      %broadcast_in_dim3A_139 = vector.broadcast %jit3A_138 : i32 to vector<16xi32>
      %select_n3A_140 = arith.select %eq3A_137, %add3A_82, %broadcast_in_dim3A_139 : vector<16xi1>, vector<16xi32>
      %reduce_sum3A_141 = arith.constant true
      %reduce_sum3A_142 = vector.broadcast %reduce_sum3A_141 : i1 to vector<16xi1>
      %reduce_sum3A_143 = tpu.scan <sum>, %select_n3A_140 masked %reduce_sum3A_142 : vector<16xi32>, vector<16xi1> -> vector<16xi32>
      %reduce_sum3A_144 = vector.extract %reduce_sum3A_143[15] : i32 from vector<16xi32>
      %add3A_145 = vector.broadcast %reduce_sum3A_144 : i32 to vector<16xi32>
      %add3A_146 = arith.addi %add3A_145, %add3A_95 : vector<16xi32>
      %swap3A_147 = arith.constant 48 : index
      %swap3A_148 = tpu.vector_load %arg11[%swap3A_147] {strides = array<i32>} : memref<128xi32, #tpu.memory_space<vmem>>, vector<16xi32>,
      tpu.vector_store %arg11[%swap3A_147], %add3A_146 {strides = array<i32>} : memref<128xi32, #tpu.memory_space<vmem>>, vector<16xi32>,
      %eq3A_149 = arith.constant 4 : i32
      %eq3A_150 = vector.broadcast %eq3A_149 : i32 to vector<16xi32>
      %eq3A_151 = arith.cmpi eq, %iota3A, %eq3A_150 : vector<16xi32>
      %jit3A_152 = arith.constant 0 : i32
      %broadcast_in_dim3A_153 = vector.broadcast %jit3A_152 : i32 to vector<16xi32>
      %select_n3A_154 = arith.select %eq3A_151, %add3A_82, %broadcast_in_dim3A_153 : vector<16xi1>, vector<16xi32>
      %reduce_sum3A_155 = arith.constant true
      %reduce_sum3A_156 = vector.broadcast %reduce_sum3A_155 : i1 to vector<16xi1>
      %reduce_sum3A_157 = tpu.scan <sum>, %select_n3A_154 masked %reduce_sum3A_156 : vector<16xi32>, vector<16xi1> -> vector<16xi32>
      %reduce_sum3A_158 = vector.extract %reduce_sum3A_157[15] : i32 from vector<16xi32>
      %add3A_159 = vector.broadcast %reduce_sum3A_158 : i32 to vector<16xi32>
      %add3A_160 = arith.addi %add3A_159, %add3A_95 : vector<16xi32>
      %swap3A_161 = arith.constant 64 : index
      %swap3A_162 = tpu.vector_load %arg11[%swap3A_161] {strides = array<i32>} : memref<128xi32, #tpu.memory_space<vmem>>, vector<16xi32>,
      tpu.vector_store %arg11[%swap3A_161], %add3A_160 {strides = array<i32>} : memref<128xi32, #tpu.memory_space<vmem>>, vector<16xi32>,
      %eq3A_163 = arith.constant 5 : i32
      %eq3A_164 = vector.broadcast %eq3A_163 : i32 to vector<16xi32>
      %eq3A_165 = arith.cmpi eq, %iota3A, %eq3A_164 : vector<16xi32>
      %jit3A_166 = arith.constant 0 : i32
      %broadcast_in_dim3A_167 = vector.broadcast %jit3A_166 : i32 to vector<16xi32>
      %select_n3A_168 = arith.select %eq3A_165, %add3A_82, %broadcast_in_dim3A_167 : vector<16xi1>, vector<16xi32>
      %reduce_sum3A_169 = arith.constant true
      %reduce_sum3A_170 = vector.broadcast %reduce_sum3A_169 : i1 to vector<16xi1>
      %reduce_sum3A_171 = tpu.scan <sum>, %select_n3A_168 masked %reduce_sum3A_170 : vector<16xi32>, vector<16xi1> -> vector<16xi32>
      %reduce_sum3A_172 = vector.extract %reduce_sum3A_171[15] : i32 from vector<16xi32>
      %add3A_173 = vector.broadcast %reduce_sum3A_172 : i32 to vector<16xi32>
      %add3A_174 = arith.addi %add3A_173, %add3A_95 : vector<16xi32>
      %swap3A_175 = arith.constant 80 : index
      %swap3A_176 = tpu.vector_load %arg11[%swap3A_175] {strides = array<i32>} : memref<128xi32, #tpu.memory_space<vmem>>, vector<16xi32>,
      tpu.vector_store %arg11[%swap3A_175], %add3A_174 {strides = array<i32>} : memref<128xi32, #tpu.memory_space<vmem>>, vector<16xi32>,
      %eq3A_177 = arith.constant 6 : i32
      %eq3A_178 = vector.broadcast %eq3A_177 : i32 to vector<16xi32>
      %eq3A_179 = arith.cmpi eq, %iota3A, %eq3A_178 : vector<16xi32>
      %jit3A_180 = arith.constant 0 : i32
      %broadcast_in_dim3A_181 = vector.broadcast %jit3A_180 : i32 to vector<16xi32>
      %select_n3A_182 = arith.select %eq3A_179, %add3A_82, %broadcast_in_dim3A_181 : vector<16xi1>, vector<16xi32>
      %reduce_sum3A_183 = arith.constant true
      %reduce_sum3A_184 = vector.broadcast %reduce_sum3A_183 : i1 to vector<16xi1>
      %reduce_sum3A_185 = tpu.scan <sum>, %select_n3A_182 masked %reduce_sum3A_184 : vector<16xi32>, vector<16xi1> -> vector<16xi32>
      %reduce_sum3A_186 = vector.extract %reduce_sum3A_185[15] : i32 from vector<16xi32>
      %add3A_187 = vector.broadcast %reduce_sum3A_186 : i32 to vector<16xi32>
      %add3A_188 = arith.addi %add3A_187, %add3A_95 : vector<16xi32>
      %swap3A_189 = arith.constant 96 : index
      %swap3A_190 = tpu.vector_load %arg11[%swap3A_189] {strides = array<i32>} : memref<128xi32, #tpu.memory_space<vmem>>, vector<16xi32>,
      tpu.vector_store %arg11[%swap3A_189], %add3A_188 {strides = array<i32>} : memref<128xi32, #tpu.memory_space<vmem>>, vector<16xi32>,
      %eq3A_191 = arith.constant 7 : i32
      %eq3A_192 = vector.broadcast %eq3A_191 : i32 to vector<16xi32>
      %eq3A_193 = arith.cmpi eq, %iota3A, %eq3A_192 : vector<16xi32>
      %jit3A_194 = arith.constant 0 : i32
      %broadcast_in_dim3A_195 = vector.broadcast %jit3A_194 : i32 to vector<16xi32>
      %select_n3A_196 = arith.select %eq3A_193, %add3A_82, %broadcast_in_dim3A_195 : vector<16xi1>, vector<16xi32>
      %reduce_sum3A_197 = arith.constant true
      %reduce_sum3A_198 = vector.broadcast %reduce_sum3A_197 : i1 to vector<16xi1>
      %reduce_sum3A_199 = tpu.scan <sum>, %select_n3A_196 masked %reduce_sum3A_198 : vector<16xi32>, vector<16xi1> -> vector<16xi32>
      %reduce_sum3A_200 = vector.extract %reduce_sum3A_199[15] : i32 from vector<16xi32>
      %add3A_201 = vector.broadcast %reduce_sum3A_200 : i32 to vector<16xi32>
      %add3A_202 = arith.addi %add3A_201, %add3A_95 : vector<16xi32>
      %swap3A_203 = arith.constant 112 : index
      %swap3A_204 = tpu.vector_load %arg11[%swap3A_203] {strides = array<i32>} : memref<128xi32, #tpu.memory_space<vmem>>, vector<16xi32>,
      tpu.vector_store %arg11[%swap3A_203], %add3A_202 {strides = array<i32>} : memref<128xi32, #tpu.memory_space<vmem>>, vector<16xi32>,
      %dma_start3A_205 = arith.constant 0 : i32
      %dma_start3A_206 = tpu.memref_slice %arg2[%dma_start3A_205] : memref<16640000xf32, #tpu.memory_space<hbm>> -> memref<16640000xf32, #tpu.memory_space<hbm>>
      tpu.enqueue_indirect_dma source(%dma_start3A_206 : memref<16640000xf32, #tpu.memory_space<hbm>>) target(%arg12 : memref<128xf32, #tpu.memory_space<vmem>>) offsets(%arg11 : memref<128xi32, #tpu.memory_space<vmem>>) semaphore(%arg14 : memref<!tpu.dma_semaphore, #tpu.memory_space<semaphore_mem>>)
    } else {
    }
    %mul3A_24 = arith.constant 40960 : i32
    %mul3A_25 = arith.muli %add3A, %mul3A_24 : i32
    %scan3A = arith.constant 0 : i32
    %scan3A_26 = arith.constant 0 : i32
    %scan3A_27 = arith.constant 10 : i32
    %scan3A_28 = arith.addi %scan3A_26, %scan3A_27 : i32
    %scan3A_29 = arith.constant 1 : i32
    %scan3A_30 = scf.for %scan3A_70 = %scan3A_26 to %scan3A_28 step %scan3A_29 iter_args(%scan3A_71 = %scan3A) -> (i32)  : i32 {
      %mul3A_72 = arith.constant 4 : i32
      %mul3A_73 = arith.muli %scan3A_70, %mul3A_72 : i32
      %add3A_74 = arith.constant 0 : i32
      %add3A_75 = arith.addi %mul3A_73, %add3A_74 : i32
      %add3A_76 = arith.addi %mul3A_2, %add3A_75 : i32
      %jit3A_77 = arith.constant 64 : i32
      %div3A_78 = arith.divsi %add3A_76, %jit3A_77 : i32
      %sign3A_79 = arith.constant 0 : i32
      %sign3A_80 = arith.cmpi sgt, %add3A_76, %sign3A_79 : i32
      %sign3A_81 = arith.extui %sign3A_80 : i1 to i32
      %sign3A_82 = arith.constant 0 : i32
      %sign3A_83 = arith.cmpi slt, %add3A_76, %sign3A_82 : i32
      %sign3A_84 = arith.extui %sign3A_83 : i1 to i32
      %sign3A_85 = arith.subi %sign3A_81, %sign3A_84 : i32
      %sign3A_86 = arith.constant 0 : i32
      %sign3A_87 = arith.cmpi sgt, %jit3A_77, %sign3A_86 : i32
      %sign3A_88 = arith.extui %sign3A_87 : i1 to i32
      %sign3A_89 = arith.constant 0 : i32
      %sign3A_90 = arith.cmpi slt, %jit3A_77, %sign3A_89 : i32
      %sign3A_91 = arith.extui %sign3A_90 : i1 to i32
      %sign3A_92 = arith.subi %sign3A_88, %sign3A_91 : i32
      %ne3A_93 = arith.cmpi ne, %sign3A_85, %sign3A_92 : i32
      %rem3A_94 = arith.remsi %add3A_76, %jit3A_77 : i32
      %ne3A_95 = arith.constant 0 : i32
      %ne3A_96 = arith.cmpi ne, %rem3A_94, %ne3A_95 : i32
      %and3A_97 = arith.andi %ne3A_93, %ne3A_96 : i1
      %sub3A_98 = arith.constant 1 : i32
      %sub3A_99 = arith.subi %div3A_78, %sub3A_98 : i32
      %select_n3A_100 = arith.select %and3A_97, %sub3A_99, %div3A_78 : i32
      %jit3A_101 = arith.constant 32 : i32
      %div3A_102 = arith.divsi %add3A_76, %jit3A_101 : i32
      %sign3A_103 = arith.constant 0 : i32
      %sign3A_104 = arith.cmpi sgt, %add3A_76, %sign3A_103 : i32
      %sign3A_105 = arith.extui %sign3A_104 : i1 to i32
      %sign3A_106 = arith.constant 0 : i32
      %sign3A_107 = arith.cmpi slt, %add3A_76, %sign3A_106 : i32
      %sign3A_108 = arith.extui %sign3A_107 : i1 to i32
      %sign3A_109 = arith.subi %sign3A_105, %sign3A_108 : i32
      %sign3A_110 = arith.constant 0 : i32
      %sign3A_111 = arith.cmpi sgt, %jit3A_101, %sign3A_110 : i32
      %sign3A_112 = arith.extui %sign3A_111 : i1 to i32
      %sign3A_113 = arith.constant 0 : i32
      %sign3A_114 = arith.cmpi slt, %jit3A_101, %sign3A_113 : i32
      %sign3A_115 = arith.extui %sign3A_114 : i1 to i32
      %sign3A_116 = arith.subi %sign3A_112, %sign3A_115 : i32
      %ne3A_117 = arith.cmpi ne, %sign3A_109, %sign3A_116 : i32
      %rem3A_118 = arith.remsi %add3A_76, %jit3A_101 : i32
      %ne3A_119 = arith.constant 0 : i32
      %ne3A_120 = arith.cmpi ne, %rem3A_118, %ne3A_119 : i32
      %and3A_121 = arith.andi %ne3A_117, %ne3A_120 : i1
      %sub3A_122 = arith.constant 1 : i32
      %sub3A_123 = arith.subi %div3A_102, %sub3A_122 : i32
      %select_n3A_124 = arith.select %and3A_121, %sub3A_123, %div3A_102 : i32
      %and3A_125 = arith.constant 1 : i32
      %and3A_126 = arith.andi %select_n3A_124, %and3A_125 : i32
      %and3A_127 = arith.constant 31 : i32
      %and3A_128 = arith.andi %add3A_76, %and3A_127 : i32
      %sub3A_129 = arith.subi %select_n3A_100, %min3A_19 : i32
      %add3A_130 = arith.constant 6 : i32
      %add3A_131 = arith.addi %add3A_130, %select_n3A_100 : i32
      %mul3A_132 = arith.constant 40000 : i32
      %mul3A_133 = arith.muli %add3A_131, %mul3A_132 : i32
      %mul3A_134 = arith.constant 8320000 : i32
      %mul3A_135 = arith.muli %and3A_126, %mul3A_134 : i32
      %mul3A_136 = arith.constant 1024 : i32
      %mul3A_137 = arith.muli %add3A_75, %mul3A_136 : i32
      %mul3A_138 = arith.constant 4096 : i32
      %mul3A_139 = arith.muli %sub3A_129, %mul3A_138 : i32
      %mul3A_140 = arith.constant 128 : i32
      %mul3A_141 = arith.muli %and3A_128, %mul3A_140 : i32
      %add3A_142 = arith.addi %mul3A_139, %mul3A_141 : i32
      %add3A_143 = arith.constant 0 : i32
      %add3A_144 = arith.addi %add3A_142, %add3A_143 : i32
      %get3A = arith.index_cast %add3A_144 : i32 to index
      %get3A_145 = tpu.vector_load %arg7[%get3A] {strides = array<i32>} : memref<8192xi32, #tpu.memory_space<vmem>>, vector<16xi32>,
      %add3A_146 = vector.broadcast %mul3A_133 : i32 to vector<16xi32>
      %add3A_147 = arith.addi %get3A_145, %add3A_146 : vector<16xi32>
      %shift_right_arithmetic3A = arith.constant 7 : i32
      %shift_right_arithmetic3A_148 = vector.broadcast %shift_right_arithmetic3A : i32 to vector<16xi32>
      %shift_right_arithmetic3A_149 = arith.shrsi %add3A_147, %shift_right_arithmetic3A_148 : vector<16xi32>
      %shift_left3A = arith.constant 10 : i32
      %shift_left3A_150 = vector.broadcast %shift_left3A : i32 to vector<16xi32>
      %shift_left3A_151 = arith.shli %shift_right_arithmetic3A_149, %shift_left3A_150 : vector<16xi32>
      %and3A_152 = arith.constant 127 : i32
      %and3A_153 = vector.broadcast %and3A_152 : i32 to vector<16xi32>
      %and3A_154 = arith.andi %add3A_147, %and3A_153 : vector<16xi32>
      %add3A_155 = arith.addi %shift_left3A_151, %and3A_154 : vector<16xi32>
      %add3A_156 = vector.broadcast %mul3A_135 : i32 to vector<16xi32>
      %add3A_157 = arith.addi %add3A_155, %add3A_156 : vector<16xi32>
      %add3A_158 = arith.constant 0 : i32
      %add3A_159 = vector.broadcast %add3A_158 : i32 to vector<16xi32>
      %add3A_160 = arith.addi %add3A_157, %add3A_159 : vector<16xi32>
      %add3A_161 = arith.constant 0 : i32
      %add3A_162 = arith.addi %mul3A_137, %add3A_161 : i32
      %add3A_163 = arith.constant 0 : i32
      %add3A_164 = arith.addi %add3A_162, %add3A_163 : i32
      %swap3A = arith.index_cast %add3A_164 : i32 to index
      %swap3A_165 = tpu.vector_load %arg8[%swap3A] {strides = array<i32>} : memref<40960xi32, #tpu.memory_space<vmem>>, vector<16xi32>,
      tpu.vector_store %arg8[%swap3A], %add3A_160 {strides = array<i32>} : memref<40960xi32, #tpu.memory_space<vmem>>, vector<16xi32>,
      %add3A_166 = arith.constant 128 : i32
      %add3A_167 = vector.broadcast %add3A_166 : i32 to vector<16xi32>
      %add3A_168 = arith.addi %add3A_157, %add3A_167 : vector<16xi32>
      %add3A_169 = arith.constant 128 : i32
      %add3A_170 = arith.addi %mul3A_137, %add3A_169 : i32
      %add3A_171 = arith.constant 0 : i32
      %add3A_172 = arith.addi %add3A_170, %add3A_171 : i32
      %swap3A_173 = arith.index_cast %add3A_172 : i32 to index
      %swap3A_174 = tpu.vector_load %arg8[%swap3A_173] {strides = array<i32>} : memref<40960xi32, #tpu.memory_space<vmem>>, vector<16xi32>,
      tpu.vector_store %arg8[%swap3A_173], %add3A_168 {strides = array<i32>} : memref<40960xi32, #tpu.memory_space<vmem>>, vector<16xi32>,
      %add3A_175 = arith.constant 256 : i32
      %add3A_176 = vector.broadcast %add3A_175 : i32 to vector<16xi32>
      %add3A_177 = arith.addi %add3A_157, %add3A_176 : vector<16xi32>
      %add3A_178 = arith.constant 256 : i32
      %add3A_179 = arith.addi %mul3A_137, %add3A_178 : i32
      %add3A_180 = arith.constant 0 : i32
      %add3A_181 = arith.addi %add3A_179, %add3A_180 : i32
      %swap3A_182 = arith.index_cast %add3A_181 : i32 to index
      %swap3A_183 = tpu.vector_load %arg8[%swap3A_182] {strides = array<i32>} : memref<40960xi32, #tpu.memory_space<vmem>>, vector<16xi32>,
      tpu.vector_store %arg8[%swap3A_182], %add3A_177 {strides = array<i32>} : memref<40960xi32, #tpu.memory_space<vmem>>, vector<16xi32>,
      %add3A_184 = arith.constant 384 : i32
      %add3A_185 = vector.broadcast %add3A_184 : i32 to vector<16xi32>
      %add3A_186 = arith.addi %add3A_157, %add3A_185 : vector<16xi32>
      %add3A_187 = arith.constant 384 : i32
      %add3A_188 = arith.addi %mul3A_137, %add3A_187 : i32
      %add3A_189 = arith.constant 0 : i32
      %add3A_190 = arith.addi %add3A_188, %add3A_189 : i32
      %swap3A_191 = arith.index_cast %add3A_190 : i32 to index
      %swap3A_192 = tpu.vector_load %arg8[%swap3A_191] {strides = array<i32>} : memref<40960xi32, #tpu.memory_space<vmem>>, vector<16xi32>,
      tpu.vector_store %arg8[%swap3A_191], %add3A_186 {strides = array<i32>} : memref<40960xi32, #tpu.memory_space<vmem>>, vector<16xi32>,
      %add3A_193 = arith.constant 512 : i32
      %add3A_194 = vector.broadcast %add3A_193 : i32 to vector<16xi32>
      %add3A_195 = arith.addi %add3A_157, %add3A_194 : vector<16xi32>
      %add3A_196 = arith.constant 512 : i32
      %add3A_197 = arith.addi %mul3A_137, %add3A_196 : i32
      %add3A_198 = arith.constant 0 : i32
      %add3A_199 = arith.addi %add3A_197, %add3A_198 : i32
      %swap3A_200 = arith.index_cast %add3A_199 : i32 to index
      %swap3A_201 = tpu.vector_load %arg8[%swap3A_200] {strides = array<i32>} : memref<40960xi32, #tpu.memory_space<vmem>>, vector<16xi32>,
      tpu.vector_store %arg8[%swap3A_200], %add3A_195 {strides = array<i32>} : memref<40960xi32, #tpu.memory_space<vmem>>, vector<16xi32>,
      %add3A_202 = arith.constant 640 : i32
      %add3A_203 = vector.broadcast %add3A_202 : i32 to vector<16xi32>
      %add3A_204 = arith.addi %add3A_157, %add3A_203 : vector<16xi32>
      %add3A_205 = arith.constant 640 : i32
      %add3A_206 = arith.addi %mul3A_137, %add3A_205 : i32
      %add3A_207 = arith.constant 0 : i32
      %add3A_208 = arith.addi %add3A_206, %add3A_207 : i32
      %swap3A_209 = arith.index_cast %add3A_208 : i32 to index
      %swap3A_210 = tpu.vector_load %arg8[%swap3A_209] {strides = array<i32>} : memref<40960xi32, #tpu.memory_space<vmem>>, vector<16xi32>,
      tpu.vector_store %arg8[%swap3A_209], %add3A_204 {strides = array<i32>} : memref<40960xi32, #tpu.memory_space<vmem>>, vector<16xi32>,
      %add3A_211 = arith.constant 768 : i32
      %add3A_212 = vector.broadcast %add3A_211 : i32 to vector<16xi32>
      %add3A_213 = arith.addi %add3A_157, %add3A_212 : vector<16xi32>
      %add3A_214 = arith.constant 768 : i32
      %add3A_215 = arith.addi %mul3A_137, %add3A_214 : i32
      %add3A_216 = arith.constant 0 : i32
      %add3A_217 = arith.addi %add3A_215, %add3A_216 : i32
      %swap3A_218 = arith.index_cast %add3A_217 : i32 to index
      %swap3A_219 = tpu.vector_load %arg8[%swap3A_218] {strides = array<i32>} : memref<40960xi32, #tpu.memory_space<vmem>>, vector<16xi32>,
      tpu.vector_store %arg8[%swap3A_218], %add3A_213 {strides = array<i32>} : memref<40960xi32, #tpu.memory_space<vmem>>, vector<16xi32>,
      %add3A_220 = arith.constant 896 : i32
      %add3A_221 = vector.broadcast %add3A_220 : i32 to vector<16xi32>
      %add3A_222 = arith.addi %add3A_157, %add3A_221 : vector<16xi32>
      %add3A_223 = arith.constant 896 : i32
      %add3A_224 = arith.addi %mul3A_137, %add3A_223 : i32
      %add3A_225 = arith.constant 0 : i32
      %add3A_226 = arith.addi %add3A_224, %add3A_225 : i32
      %swap3A_227 = arith.index_cast %add3A_226 : i32 to index
      %swap3A_228 = tpu.vector_load %arg8[%swap3A_227] {strides = array<i32>} : memref<40960xi32, #tpu.memory_space<vmem>>, vector<16xi32>,
      tpu.vector_store %arg8[%swap3A_227], %add3A_222 {strides = array<i32>} : memref<40960xi32, #tpu.memory_space<vmem>>, vector<16xi32>,
      %mul3A_229 = arith.constant 4096 : i32
      %mul3A_230 = arith.muli %sub3A_129, %mul3A_229 : i32
      %mul3A_231 = arith.constant 128 : i32
      %mul3A_232 = arith.muli %and3A_128, %mul3A_231 : i32
      %add3A_233 = arith.addi %mul3A_230, %mul3A_232 : i32
      %add3A_234 = arith.constant 16 : i32
      %add3A_235 = arith.addi %add3A_233, %add3A_234 : i32
      %get3A_236 = arith.index_cast %add3A_235 : i32 to index
      %get3A_237 = tpu.vector_load %arg7[%get3A_236] {strides = array<i32>} : memref<8192xi32, #tpu.memory_space<vmem>>, vector<16xi32>,
      %add3A_238 = vector.broadcast %mul3A_133 : i32 to vector<16xi32>
      %add3A_239 = arith.addi %get3A_237, %add3A_238 : vector<16xi32>
      %shift_right_arithmetic3A_240 = arith.constant 7 : i32
      %shift_right_arithmetic3A_241 = vector.broadcast %shift_right_arithmetic3A_240 : i32 to vector<16xi32>
      %shift_right_arithmetic3A_242 = arith.shrsi %add3A_239, %shift_right_arithmetic3A_241 : vector<16xi32>
      %shift_left3A_243 = arith.constant 10 : i32
      %shift_left3A_244 = vector.broadcast %shift_left3A_243 : i32 to vector<16xi32>
      %shift_left3A_245 = arith.shli %shift_right_arithmetic3A_242, %shift_left3A_244 : vector<16xi32>
      %and3A_246 = arith.constant 127 : i32
      %and3A_247 = vector.broadcast %and3A_246 : i32 to vector<16xi32>
      %and3A_248 = arith.andi %add3A_239, %and3A_247 : vector<16xi32>
      %add3A_249 = arith.addi %shift_left3A_245, %and3A_248 : vector<16xi32>
      %add3A_250 = vector.broadcast %mul3A_135 : i32 to vector<16xi32>
      %add3A_251 = arith.addi %add3A_249, %add3A_250 : vector<16xi32>
      %add3A_252 = arith.constant 0 : i32
      %add3A_253 = vector.broadcast %add3A_252 : i32 to vector<16xi32>
      %add3A_254 = arith.addi %add3A_251, %add3A_253 : vector<16xi32>
      %add3A_255 = arith.constant 0 : i32
      %add3A_256 = arith.addi %mul3A_137, %add3A_255 : i32
      %add3A_257 = arith.constant 16 : i32
      %add3A_258 = arith.addi %add3A_256, %add3A_257 : i32
      %swap3A_259 = arith.index_cast %add3A_258 : i32 to index
      %swap3A_260 = tpu.vector_load %arg8[%swap3A_259] {strides = array<i32>} : memref<40960xi32, #tpu.memory_space<vmem>>, vector<16xi32>,
      tpu.vector_store %arg8[%swap3A_259], %add3A_254 {strides = array<i32>} : memref<40960xi32, #tpu.memory_space<vmem>>, vector<16xi32>,
      %add3A_261 = arith.constant 128 : i32
      %add3A_262 = vector.broadcast %add3A_261 : i32 to vector<16xi32>
      %add3A_263 = arith.addi %add3A_251, %add3A_262 : vector<16xi32>
      %add3A_264 = arith.constant 128 : i32
      %add3A_265 = arith.addi %mul3A_137, %add3A_264 : i32
      %add3A_266 = arith.constant 16 : i32
      %add3A_267 = arith.addi %add3A_265, %add3A_266 : i32
      %swap3A_268 = arith.index_cast %add3A_267 : i32 to index
      %swap3A_269 = tpu.vector_load %arg8[%swap3A_268] {strides = array<i32>} : memref<40960xi32, #tpu.memory_space<vmem>>, vector<16xi32>,
      tpu.vector_store %arg8[%swap3A_268], %add3A_263 {strides = array<i32>} : memref<40960xi32, #tpu.memory_space<vmem>>, vector<16xi32>,
      %add3A_270 = arith.constant 256 : i32
      %add3A_271 = vector.broadcast %add3A_270 : i32 to vector<16xi32>
      %add3A_272 = arith.addi %add3A_251, %add3A_271 : vector<16xi32>
      %add3A_273 = arith.constant 256 : i32
      %add3A_274 = arith.addi %mul3A_137, %add3A_273 : i32
      %add3A_275 = arith.constant 16 : i32
      %add3A_276 = arith.addi %add3A_274, %add3A_275 : i32
      %swap3A_277 = arith.index_cast %add3A_276 : i32 to index
      %swap3A_278 = tpu.vector_load %arg8[%swap3A_277] {strides = array<i32>} : memref<40960xi32, #tpu.memory_space<vmem>>, vector<16xi32>,
      tpu.vector_store %arg8[%swap3A_277], %add3A_272 {strides = array<i32>} : memref<40960xi32, #tpu.memory_space<vmem>>, vector<16xi32>,
      %add3A_279 = arith.constant 384 : i32
      %add3A_280 = vector.broadcast %add3A_279 : i32 to vector<16xi32>
      %add3A_281 = arith.addi %add3A_251, %add3A_280 : vector<16xi32>
      %add3A_282 = arith.constant 384 : i32
      %add3A_283 = arith.addi %mul3A_137, %add3A_282 : i32
      %add3A_284 = arith.constant 16 : i32
      %add3A_285 = arith.addi %add3A_283, %add3A_284 : i32
      %swap3A_286 = arith.index_cast %add3A_285 : i32 to index
      %swap3A_287 = tpu.vector_load %arg8[%swap3A_286] {strides = array<i32>} : memref<40960xi32, #tpu.memory_space<vmem>>, vector<16xi32>,
      tpu.vector_store %arg8[%swap3A_286], %add3A_281 {strides = array<i32>} : memref<40960xi32, #tpu.memory_space<vmem>>, vector<16xi32>,
      %add3A_288 = arith.constant 512 : i32
      %add3A_289 = vector.broadcast %add3A_288 : i32 to vector<16xi32>
      %add3A_290 = arith.addi %add3A_251, %add3A_289 : vector<16xi32>
      %add3A_291 = arith.constant 512 : i32
      %add3A_292 = arith.addi %mul3A_137, %add3A_291 : i32
      %add3A_293 = arith.constant 16 : i32
      %add3A_294 = arith.addi %add3A_292, %add3A_293 : i32
      %swap3A_295 = arith.index_cast %add3A_294 : i32 to index
      %swap3A_296 = tpu.vector_load %arg8[%swap3A_295] {strides = array<i32>} : memref<40960xi32, #tpu.memory_space<vmem>>, vector<16xi32>,
      tpu.vector_store %arg8[%swap3A_295], %add3A_290 {strides = array<i32>} : memref<40960xi32, #tpu.memory_space<vmem>>, vector<16xi32>,
      %add3A_297 = arith.constant 640 : i32
      %add3A_298 = vector.broadcast %add3A_297 : i32 to vector<16xi32>
      %add3A_299 = arith.addi %add3A_251, %add3A_298 : vector<16xi32>
      %add3A_300 = arith.constant 640 : i32
      %add3A_301 = arith.addi %mul3A_137, %add3A_300 : i32
      %add3A_302 = arith.constant 16 : i32
      %add3A_303 = arith.addi %add3A_301, %add3A_302 : i32
      %swap3A_304 = arith.index_cast %add3A_303 : i32 to index
      %swap3A_305 = tpu.vector_load %arg8[%swap3A_304] {strides = array<i32>} : memref<40960xi32, #tpu.memory_space<vmem>>, vector<16xi32>,
      tpu.vector_store %arg8[%swap3A_304], %add3A_299 {strides = array<i32>} : memref<40960xi32, #tpu.memory_space<vmem>>, vector<16xi32>,
      %add3A_306 = arith.constant 768 : i32
      %add3A_307 = vector.broadcast %add3A_306 : i32 to vector<16xi32>
      %add3A_308 = arith.addi %add3A_251, %add3A_307 : vector<16xi32>
      %add3A_309 = arith.constant 768 : i32
      %add3A_310 = arith.addi %mul3A_137, %add3A_309 : i32
      %add3A_311 = arith.constant 16 : i32
      %add3A_312 = arith.addi %add3A_310, %add3A_311 : i32
      %swap3A_313 = arith.index_cast %add3A_312 : i32 to index
      %swap3A_314 = tpu.vector_load %arg8[%swap3A_313] {strides = array<i32>} : memref<40960xi32, #tpu.memory_space<vmem>>, vector<16xi32>,
      tpu.vector_store %arg8[%swap3A_313], %add3A_308 {strides = array<i32>} : memref<40960xi32, #tpu.memory_space<vmem>>, vector<16xi32>,
      %add3A_315 = arith.constant 896 : i32
      %add3A_316 = vector.broadcast %add3A_315 : i32 to vector<16xi32>
      %add3A_317 = arith.addi %add3A_251, %add3A_316 : vector<16xi32>
      %add3A_318 = arith.constant 896 : i32
      %add3A_319 = arith.addi %mul3A_137, %add3A_318 : i32
      %add3A_320 = arith.constant 16 : i32
      %add3A_321 = arith.addi %add3A_319, %add3A_320 : i32
      %swap3A_322 = arith.index_cast %add3A_321 : i32 to index
      %swap3A_323 = tpu.vector_load %arg8[%swap3A_322] {strides = array<i32>} : memref<40960xi32, #tpu.memory_space<vmem>>, vector<16xi32>,
      tpu.vector_store %arg8[%swap3A_322], %add3A_317 {strides = array<i32>} : memref<40960xi32, #tpu.memory_space<vmem>>, vector<16xi32>,
      %mul3A_324 = arith.constant 4096 : i32
      %mul3A_325 = arith.muli %sub3A_129, %mul3A_324 : i32
      %mul3A_326 = arith.constant 128 : i32
      %mul3A_327 = arith.muli %and3A_128, %mul3A_326 : i32
      %add3A_328 = arith.addi %mul3A_325, %mul3A_327 : i32
      %add3A_329 = arith.constant 32 : i32
      %add3A_330 = arith.addi %add3A_328, %add3A_329 : i32
      %get3A_331 = arith.index_cast %add3A_330 : i32 to index
      %get3A_332 = tpu.vector_load %arg7[%get3A_331] {strides = array<i32>} : memref<8192xi32, #tpu.memory_space<vmem>>, vector<16xi32>,
      %add3A_333 = vector.broadcast %mul3A_133 : i32 to vector<16xi32>
      %add3A_334 = arith.addi %get3A_332, %add3A_333 : vector<16xi32>
      %shift_right_arithmetic3A_335 = arith.constant 7 : i32
      %shift_right_arithmetic3A_336 = vector.broadcast %shift_right_arithmetic3A_335 : i32 to vector<16xi32>
      %shift_right_arithmetic3A_337 = arith.shrsi %add3A_334, %shift_right_arithmetic3A_336 : vector<16xi32>
      %shift_left3A_338 = arith.constant 10 : i32
      %shift_left3A_339 = vector.broadcast %shift_left3A_338 : i32 to vector<16xi32>
      %shift_left3A_340 = arith.shli %shift_right_arithmetic3A_337, %shift_left3A_339 : vector<16xi32>
      %and3A_341 = arith.constant 127 : i32
      %and3A_342 = vector.broadcast %and3A_341 : i32 to vector<16xi32>
      %and3A_343 = arith.andi %add3A_334, %and3A_342 : vector<16xi32>
      %add3A_344 = arith.addi %shift_left3A_340, %and3A_343 : vector<16xi32>
      %add3A_345 = vector.broadcast %mul3A_135 : i32 to vector<16xi32>
      %add3A_346 = arith.addi %add3A_344, %add3A_345 : vector<16xi32>
      %add3A_347 = arith.constant 0 : i32
      %add3A_348 = vector.broadcast %add3A_347 : i32 to vector<16xi32>
      %add3A_349 = arith.addi %add3A_346, %add3A_348 : vector<16xi32>
      %add3A_350 = arith.constant 0 : i32
      %add3A_351 = arith.addi %mul3A_137, %add3A_350 : i32
      %add3A_352 = arith.constant 32 : i32
      %add3A_353 = arith.addi %add3A_351, %add3A_352 : i32
      %swap3A_354 = arith.index_cast %add3A_353 : i32 to index
      %swap3A_355 = tpu.vector_load %arg8[%swap3A_354] {strides = array<i32>} : memref<40960xi32, #tpu.memory_space<vmem>>, vector<16xi32>,
      tpu.vector_store %arg8[%swap3A_354], %add3A_349 {strides = array<i32>} : memref<40960xi32, #tpu.memory_space<vmem>>, vector<16xi32>,
      %add3A_356 = arith.constant 128 : i32
      %add3A_357 = vector.broadcast %add3A_356 : i32 to vector<16xi32>
      %add3A_358 = arith.addi %add3A_346, %add3A_357 : vector<16xi32>
      %add3A_359 = arith.constant 128 : i32
      %add3A_360 = arith.addi %mul3A_137, %add3A_359 : i32
      %add3A_361 = arith.constant 32 : i32
      %add3A_362 = arith.addi %add3A_360, %add3A_361 : i32
      %swap3A_363 = arith.index_cast %add3A_362 : i32 to index
      %swap3A_364 = tpu.vector_load %arg8[%swap3A_363] {strides = array<i32>} : memref<40960xi32, #tpu.memory_space<vmem>>, vector<16xi32>,
      tpu.vector_store %arg8[%swap3A_363], %add3A_358 {strides = array<i32>} : memref<40960xi32, #tpu.memory_space<vmem>>, vector<16xi32>,
      %add3A_365 = arith.constant 256 : i32
      %add3A_366 = vector.broadcast %add3A_365 : i32 to vector<16xi32>
      %add3A_367 = arith.addi %add3A_346, %add3A_366 : vector<16xi32>
      %add3A_368 = arith.constant 256 : i32
      %add3A_369 = arith.addi %mul3A_137, %add3A_368 : i32
      %add3A_370 = arith.constant 32 : i32
      %add3A_371 = arith.addi %add3A_369, %add3A_370 : i32
      %swap3A_372 = arith.index_cast %add3A_371 : i32 to index
      %swap3A_373 = tpu.vector_load %arg8[%swap3A_372] {strides = array<i32>} : memref<40960xi32, #tpu.memory_space<vmem>>, vector<16xi32>,
      tpu.vector_store %arg8[%swap3A_372], %add3A_367 {strides = array<i32>} : memref<40960xi32, #tpu.memory_space<vmem>>, vector<16xi32>,
      %add3A_374 = arith.constant 384 : i32
      %add3A_375 = vector.broadcast %add3A_374 : i32 to vector<16xi32>
      %add3A_376 = arith.addi %add3A_346, %add3A_375 : vector<16xi32>
      %add3A_377 = arith.constant 384 : i32
      %add3A_378 = arith.addi %mul3A_137, %add3A_377 : i32
      %add3A_379 = arith.constant 32 : i32
      %add3A_380 = arith.addi %add3A_378, %add3A_379 : i32
      %swap3A_381 = arith.index_cast %add3A_380 : i32 to index
      %swap3A_382 = tpu.vector_load %arg8[%swap3A_381] {strides = array<i32>} : memref<40960xi32, #tpu.memory_space<vmem>>, vector<16xi32>,
      tpu.vector_store %arg8[%swap3A_381], %add3A_376 {strides = array<i32>} : memref<40960xi32, #tpu.memory_space<vmem>>, vector<16xi32>,
      %add3A_383 = arith.constant 512 : i32
      %add3A_384 = vector.broadcast %add3A_383 : i32 to vector<16xi32>
      %add3A_385 = arith.addi %add3A_346, %add3A_384 : vector<16xi32>
      %add3A_386 = arith.constant 512 : i32
      %add3A_387 = arith.addi %mul3A_137, %add3A_386 : i32
      %add3A_388 = arith.constant 32 : i32
      %add3A_389 = arith.addi %add3A_387, %add3A_388 : i32
      %swap3A_390 = arith.index_cast %add3A_389 : i32 to index
      %swap3A_391 = tpu.vector_load %arg8[%swap3A_390] {strides = array<i32>} : memref<40960xi32, #tpu.memory_space<vmem>>, vector<16xi32>,
      tpu.vector_store %arg8[%swap3A_390], %add3A_385 {strides = array<i32>} : memref<40960xi32, #tpu.memory_space<vmem>>, vector<16xi32>,
      %add3A_392 = arith.constant 640 : i32
      %add3A_393 = vector.broadcast %add3A_392 : i32 to vector<16xi32>
      %add3A_394 = arith.addi %add3A_346, %add3A_393 : vector<16xi32>
      %add3A_395 = arith.constant 640 : i32
      %add3A_396 = arith.addi %mul3A_137, %add3A_395 : i32
      %add3A_397 = arith.constant 32 : i32
      %add3A_398 = arith.addi %add3A_396, %add3A_397 : i32
      %swap3A_399 = arith.index_cast %add3A_398 : i32 to index
      %swap3A_400 = tpu.vector_load %arg8[%swap3A_399] {strides = array<i32>} : memref<40960xi32, #tpu.memory_space<vmem>>, vector<16xi32>,
      tpu.vector_store %arg8[%swap3A_399], %add3A_394 {strides = array<i32>} : memref<40960xi32, #tpu.memory_space<vmem>>, vector<16xi32>,
      %add3A_401 = arith.constant 768 : i32
      %add3A_402 = vector.broadcast %add3A_401 : i32 to vector<16xi32>
      %add3A_403 = arith.addi %add3A_346, %add3A_402 : vector<16xi32>
      %add3A_404 = arith.constant 768 : i32
      %add3A_405 = arith.addi %mul3A_137, %add3A_404 : i32
      %add3A_406 = arith.constant 32 : i32
      %add3A_407 = arith.addi %add3A_405, %add3A_406 : i32
      %swap3A_408 = arith.index_cast %add3A_407 : i32 to index
      %swap3A_409 = tpu.vector_load %arg8[%swap3A_408] {strides = array<i32>} : memref<40960xi32, #tpu.memory_space<vmem>>, vector<16xi32>,
      tpu.vector_store %arg8[%swap3A_408], %add3A_403 {strides = array<i32>} : memref<40960xi32, #tpu.memory_space<vmem>>, vector<16xi32>,
      %add3A_410 = arith.constant 896 : i32
      %add3A_411 = vector.broadcast %add3A_410 : i32 to vector<16xi32>
      %add3A_412 = arith.addi %add3A_346, %add3A_411 : vector<16xi32>
      %add3A_413 = arith.constant 896 : i32
      %add3A_414 = arith.addi %mul3A_137, %add3A_413 : i32
      %add3A_415 = arith.constant 32 : i32
      %add3A_416 = arith.addi %add3A_414, %add3A_415 : i32
      %swap3A_417 = arith.index_cast %add3A_416 : i32 to index
      %swap3A_418 = tpu.vector_load %arg8[%swap3A_417] {strides = array<i32>} : memref<40960xi32, #tpu.memory_space<vmem>>, vector<16xi32>,
      tpu.vector_store %arg8[%swap3A_417], %add3A_412 {strides = array<i32>} : memref<40960xi32, #tpu.memory_space<vmem>>, vector<16xi32>,
      %mul3A_419 = arith.constant 4096 : i32
      %mul3A_420 = arith.muli %sub3A_129, %mul3A_419 : i32
      %mul3A_421 = arith.constant 128 : i32
      %mul3A_422 = arith.muli %and3A_128, %mul3A_421 : i32
      %add3A_423 = arith.addi %mul3A_420, %mul3A_422 : i32
      %add3A_424 = arith.constant 48 : i32
      %add3A_425 = arith.addi %add3A_423, %add3A_424 : i32
      %get3A_426 = arith.index_cast %add3A_425 : i32 to index
      %get3A_427 = tpu.vector_load %arg7[%get3A_426] {strides = array<i32>} : memref<8192xi32, #tpu.memory_space<vmem>>, vector<16xi32>,
      %add3A_428 = vector.broadcast %mul3A_133 : i32 to vector<16xi32>
      %add3A_429 = arith.addi %get3A_427, %add3A_428 : vector<16xi32>
      %shift_right_arithmetic3A_430 = arith.constant 7 : i32
      %shift_right_arithmetic3A_431 = vector.broadcast %shift_right_arithmetic3A_430 : i32 to vector<16xi32>
      %shift_right_arithmetic3A_432 = arith.shrsi %add3A_429, %shift_right_arithmetic3A_431 : vector<16xi32>
      %shift_left3A_433 = arith.constant 10 : i32
      %shift_left3A_434 = vector.broadcast %shift_left3A_433 : i32 to vector<16xi32>
      %shift_left3A_435 = arith.shli %shift_right_arithmetic3A_432, %shift_left3A_434 : vector<16xi32>
      %and3A_436 = arith.constant 127 : i32
      %and3A_437 = vector.broadcast %and3A_436 : i32 to vector<16xi32>
      %and3A_438 = arith.andi %add3A_429, %and3A_437 : vector<16xi32>
      %add3A_439 = arith.addi %shift_left3A_435, %and3A_438 : vector<16xi32>
      %add3A_440 = vector.broadcast %mul3A_135 : i32 to vector<16xi32>
      %add3A_441 = arith.addi %add3A_439, %add3A_440 : vector<16xi32>
      %add3A_442 = arith.constant 0 : i32
      %add3A_443 = vector.broadcast %add3A_442 : i32 to vector<16xi32>
      %add3A_444 = arith.addi %add3A_441, %add3A_443 : vector<16xi32>
      %add3A_445 = arith.constant 0 : i32
      %add3A_446 = arith.addi %mul3A_137, %add3A_445 : i32
      %add3A_447 = arith.constant 48 : i32
      %add3A_448 = arith.addi %add3A_446, %add3A_447 : i32
      %swap3A_449 = arith.index_cast %add3A_448 : i32 to index
      %swap3A_450 = tpu.vector_load %arg8[%swap3A_449] {strides = array<i32>} : memref<40960xi32, #tpu.memory_space<vmem>>, vector<16xi32>,
      tpu.vector_store %arg8[%swap3A_449], %add3A_444 {strides = array<i32>} : memref<40960xi32, #tpu.memory_space<vmem>>, vector<16xi32>,
      %add3A_451 = arith.constant 128 : i32
      %add3A_452 = vector.broadcast %add3A_451 : i32 to vector<16xi32>
      %add3A_453 = arith.addi %add3A_441, %add3A_452 : vector<16xi32>
      %add3A_454 = arith.constant 128 : i32
      %add3A_455 = arith.addi %mul3A_137, %add3A_454 : i32
      %add3A_456 = arith.constant 48 : i32
      %add3A_457 = arith.addi %add3A_455, %add3A_456 : i32
      %swap3A_458 = arith.index_cast %add3A_457 : i32 to index
      %swap3A_459 = tpu.vector_load %arg8[%swap3A_458] {strides = array<i32>} : memref<40960xi32, #tpu.memory_space<vmem>>, vector<16xi32>,
      tpu.vector_store %arg8[%swap3A_458], %add3A_453 {strides = array<i32>} : memref<40960xi32, #tpu.memory_space<vmem>>, vector<16xi32>,
      %add3A_460 = arith.constant 256 : i32
      %add3A_461 = vector.broadcast %add3A_460 : i32 to vector<16xi32>
      %add3A_462 = arith.addi %add3A_441, %add3A_461 : vector<16xi32>
      %add3A_463 = arith.constant 256 : i32
      %add3A_464 = arith.addi %mul3A_137, %add3A_463 : i32
      %add3A_465 = arith.constant 48 : i32
      %add3A_466 = arith.addi %add3A_464, %add3A_465 : i32
      %swap3A_467 = arith.index_cast %add3A_466 : i32 to index
      %swap3A_468 = tpu.vector_load %arg8[%swap3A_467] {strides = array<i32>} : memref<40960xi32, #tpu.memory_space<vmem>>, vector<16xi32>,
      tpu.vector_store %arg8[%swap3A_467], %add3A_462 {strides = array<i32>} : memref<40960xi32, #tpu.memory_space<vmem>>, vector<16xi32>,
      %add3A_469 = arith.constant 384 : i32
      %add3A_470 = vector.broadcast %add3A_469 : i32 to vector<16xi32>
      %add3A_471 = arith.addi %add3A_441, %add3A_470 : vector<16xi32>
      %add3A_472 = arith.constant 384 : i32
      %add3A_473 = arith.addi %mul3A_137, %add3A_472 : i32
      %add3A_474 = arith.constant 48 : i32
      %add3A_475 = arith.addi %add3A_473, %add3A_474 : i32
      %swap3A_476 = arith.index_cast %add3A_475 : i32 to index
      %swap3A_477 = tpu.vector_load %arg8[%swap3A_476] {strides = array<i32>} : memref<40960xi32, #tpu.memory_space<vmem>>, vector<16xi32>,
      tpu.vector_store %arg8[%swap3A_476], %add3A_471 {strides = array<i32>} : memref<40960xi32, #tpu.memory_space<vmem>>, vector<16xi32>,
      %add3A_478 = arith.constant 512 : i32
      %add3A_479 = vector.broadcast %add3A_478 : i32 to vector<16xi32>
      %add3A_480 = arith.addi %add3A_441, %add3A_479 : vector<16xi32>
      %add3A_481 = arith.constant 512 : i32
      %add3A_482 = arith.addi %mul3A_137, %add3A_481 : i32
      %add3A_483 = arith.constant 48 : i32
      %add3A_484 = arith.addi %add3A_482, %add3A_483 : i32
      %swap3A_485 = arith.index_cast %add3A_484 : i32 to index
      %swap3A_486 = tpu.vector_load %arg8[%swap3A_485] {strides = array<i32>} : memref<40960xi32, #tpu.memory_space<vmem>>, vector<16xi32>,
      tpu.vector_store %arg8[%swap3A_485], %add3A_480 {strides = array<i32>} : memref<40960xi32, #tpu.memory_space<vmem>>, vector<16xi32>,
      %add3A_487 = arith.constant 640 : i32
      %add3A_488 = vector.broadcast %add3A_487 : i32 to vector<16xi32>
      %add3A_489 = arith.addi %add3A_441, %add3A_488 : vector<16xi32>
      %add3A_490 = arith.constant 640 : i32
      %add3A_491 = arith.addi %mul3A_137, %add3A_490 : i32
      %add3A_492 = arith.constant 48 : i32
      %add3A_493 = arith.addi %add3A_491, %add3A_492 : i32
      %swap3A_494 = arith.index_cast %add3A_493 : i32 to index
      %swap3A_495 = tpu.vector_load %arg8[%swap3A_494] {strides = array<i32>} : memref<40960xi32, #tpu.memory_space<vmem>>, vector<16xi32>,
      tpu.vector_store %arg8[%swap3A_494], %add3A_489 {strides = array<i32>} : memref<40960xi32, #tpu.memory_space<vmem>>, vector<16xi32>,
      %add3A_496 = arith.constant 768 : i32
      %add3A_497 = vector.broadcast %add3A_496 : i32 to vector<16xi32>
      %add3A_498 = arith.addi %add3A_441, %add3A_497 : vector<16xi32>
      %add3A_499 = arith.constant 768 : i32
      %add3A_500 = arith.addi %mul3A_137, %add3A_499 : i32
      %add3A_501 = arith.constant 48 : i32
      %add3A_502 = arith.addi %add3A_500, %add3A_501 : i32
      %swap3A_503 = arith.index_cast %add3A_502 : i32 to index
      %swap3A_504 = tpu.vector_load %arg8[%swap3A_503] {strides = array<i32>} : memref<40960xi32, #tpu.memory_space<vmem>>, vector<16xi32>,
      tpu.vector_store %arg8[%swap3A_503], %add3A_498 {strides = array<i32>} : memref<40960xi32, #tpu.memory_space<vmem>>, vector<16xi32>,
      %add3A_505 = arith.constant 896 : i32
      %add3A_506 = vector.broadcast %add3A_505 : i32 to vector<16xi32>
      %add3A_507 = arith.addi %add3A_441, %add3A_506 : vector<16xi32>
      %add3A_508 = arith.constant 896 : i32
      %add3A_509 = arith.addi %mul3A_137, %add3A_508 : i32
      %add3A_510 = arith.constant 48 : i32
      %add3A_511 = arith.addi %add3A_509, %add3A_510 : i32
      %swap3A_512 = arith.index_cast %add3A_511 : i32 to index
      %swap3A_513 = tpu.vector_load %arg8[%swap3A_512] {strides = array<i32>} : memref<40960xi32, #tpu.memory_space<vmem>>, vector<16xi32>,
      tpu.vector_store %arg8[%swap3A_512], %add3A_507 {strides = array<i32>} : memref<40960xi32, #tpu.memory_space<vmem>>, vector<16xi32>,
      %mul3A_514 = arith.constant 4096 : i32
      %mul3A_515 = arith.muli %sub3A_129, %mul3A_514 : i32
      %mul3A_516 = arith.constant 128 : i32
      %mul3A_517 = arith.muli %and3A_128, %mul3A_516 : i32
      %add3A_518 = arith.addi %mul3A_515, %mul3A_517 : i32
      %add3A_519 = arith.constant 64 : i32
      %add3A_520 = arith.addi %add3A_518, %add3A_519 : i32
      %get3A_521 = arith.index_cast %add3A_520 : i32 to index
      %get3A_522 = tpu.vector_load %arg7[%get3A_521] {strides = array<i32>} : memref<8192xi32, #tpu.memory_space<vmem>>, vector<16xi32>,
      %add3A_523 = vector.broadcast %mul3A_133 : i32 to vector<16xi32>
      %add3A_524 = arith.addi %get3A_522, %add3A_523 : vector<16xi32>
      %shift_right_arithmetic3A_525 = arith.constant 7 : i32
      %shift_right_arithmetic3A_526 = vector.broadcast %shift_right_arithmetic3A_525 : i32 to vector<16xi32>
      %shift_right_arithmetic3A_527 = arith.shrsi %add3A_524, %shift_right_arithmetic3A_526 : vector<16xi32>
      %shift_left3A_528 = arith.constant 10 : i32
      %shift_left3A_529 = vector.broadcast %shift_left3A_528 : i32 to vector<16xi32>
      %shift_left3A_530 = arith.shli %shift_right_arithmetic3A_527, %shift_left3A_529 : vector<16xi32>
      %and3A_531 = arith.constant 127 : i32
      %and3A_532 = vector.broadcast %and3A_531 : i32 to vector<16xi32>
      %and3A_533 = arith.andi %add3A_524, %and3A_532 : vector<16xi32>
      %add3A_534 = arith.addi %shift_left3A_530, %and3A_533 : vector<16xi32>
      %add3A_535 = vector.broadcast %mul3A_135 : i32 to vector<16xi32>
      %add3A_536 = arith.addi %add3A_534, %add3A_535 : vector<16xi32>
      %add3A_537 = arith.constant 0 : i32
      %add3A_538 = vector.broadcast %add3A_537 : i32 to vector<16xi32>
      %add3A_539 = arith.addi %add3A_536, %add3A_538 : vector<16xi32>
      %add3A_540 = arith.constant 0 : i32
      %add3A_541 = arith.addi %mul3A_137, %add3A_540 : i32
      %add3A_542 = arith.constant 64 : i32
      %add3A_543 = arith.addi %add3A_541, %add3A_542 : i32
      %swap3A_544 = arith.index_cast %add3A_543 : i32 to index
      %swap3A_545 = tpu.vector_load %arg8[%swap3A_544] {strides = array<i32>} : memref<40960xi32, #tpu.memory_space<vmem>>, vector<16xi32>,
      tpu.vector_store %arg8[%swap3A_544], %add3A_539 {strides = array<i32>} : memref<40960xi32, #tpu.memory_space<vmem>>, vector<16xi32>,
      %add3A_546 = arith.constant 128 : i32
      %add3A_547 = vector.broadcast %add3A_546 : i32 to vector<16xi32>
      %add3A_548 = arith.addi %add3A_536, %add3A_547 : vector<16xi32>
      %add3A_549 = arith.constant 128 : i32
      %add3A_550 = arith.addi %mul3A_137, %add3A_549 : i32
      %add3A_551 = arith.constant 64 : i32
      %add3A_552 = arith.addi %add3A_550, %add3A_551 : i32
      %swap3A_553 = arith.index_cast %add3A_552 : i32 to index
      %swap3A_554 = tpu.vector_load %arg8[%swap3A_553] {strides = array<i32>} : memref<40960xi32, #tpu.memory_space<vmem>>, vector<16xi32>,
      tpu.vector_store %arg8[%swap3A_553], %add3A_548 {strides = array<i32>} : memref<40960xi32, #tpu.memory_space<vmem>>, vector<16xi32>,
      %add3A_555 = arith.constant 256 : i32
      %add3A_556 = vector.broadcast %add3A_555 : i32 to vector<16xi32>
      %add3A_557 = arith.addi %add3A_536, %add3A_556 : vector<16xi32>
      %add3A_558 = arith.constant 256 : i32
      %add3A_559 = arith.addi %mul3A_137, %add3A_558 : i32
      %add3A_560 = arith.constant 64 : i32
      %add3A_561 = arith.addi %add3A_559, %add3A_560 : i32
      %swap3A_562 = arith.index_cast %add3A_561 : i32 to index
      %swap3A_563 = tpu.vector_load %arg8[%swap3A_562] {strides = array<i32>} : memref<40960xi32, #tpu.memory_space<vmem>>, vector<16xi32>,
      tpu.vector_store %arg8[%swap3A_562], %add3A_557 {strides = array<i32>} : memref<40960xi32, #tpu.memory_space<vmem>>, vector<16xi32>,
      %add3A_564 = arith.constant 384 : i32
      %add3A_565 = vector.broadcast %add3A_564 : i32 to vector<16xi32>
      %add3A_566 = arith.addi %add3A_536, %add3A_565 : vector<16xi32>
      %add3A_567 = arith.constant 384 : i32
      %add3A_568 = arith.addi %mul3A_137, %add3A_567 : i32
      %add3A_569 = arith.constant 64 : i32
      %add3A_570 = arith.addi %add3A_568, %add3A_569 : i32
      %swap3A_571 = arith.index_cast %add3A_570 : i32 to index
      %swap3A_572 = tpu.vector_load %arg8[%swap3A_571] {strides = array<i32>} : memref<40960xi32, #tpu.memory_space<vmem>>, vector<16xi32>,
      tpu.vector_store %arg8[%swap3A_571], %add3A_566 {strides = array<i32>} : memref<40960xi32, #tpu.memory_space<vmem>>, vector<16xi32>,
      %add3A_573 = arith.constant 512 : i32
      %add3A_574 = vector.broadcast %add3A_573 : i32 to vector<16xi32>
      %add3A_575 = arith.addi %add3A_536, %add3A_574 : vector<16xi32>
      %add3A_576 = arith.constant 512 : i32
      %add3A_577 = arith.addi %mul3A_137, %add3A_576 : i32
      %add3A_578 = arith.constant 64 : i32
      %add3A_579 = arith.addi %add3A_577, %add3A_578 : i32
      %swap3A_580 = arith.index_cast %add3A_579 : i32 to index
      %swap3A_581 = tpu.vector_load %arg8[%swap3A_580] {strides = array<i32>} : memref<40960xi32, #tpu.memory_space<vmem>>, vector<16xi32>,
      tpu.vector_store %arg8[%swap3A_580], %add3A_575 {strides = array<i32>} : memref<40960xi32, #tpu.memory_space<vmem>>, vector<16xi32>,
      %add3A_582 = arith.constant 640 : i32
      %add3A_583 = vector.broadcast %add3A_582 : i32 to vector<16xi32>
      %add3A_584 = arith.addi %add3A_536, %add3A_583 : vector<16xi32>
      %add3A_585 = arith.constant 640 : i32
      %add3A_586 = arith.addi %mul3A_137, %add3A_585 : i32
      %add3A_587 = arith.constant 64 : i32
      %add3A_588 = arith.addi %add3A_586, %add3A_587 : i32
      %swap3A_589 = arith.index_cast %add3A_588 : i32 to index
      %swap3A_590 = tpu.vector_load %arg8[%swap3A_589] {strides = array<i32>} : memref<40960xi32, #tpu.memory_space<vmem>>, vector<16xi32>,
      tpu.vector_store %arg8[%swap3A_589], %add3A_584 {strides = array<i32>} : memref<40960xi32, #tpu.memory_space<vmem>>, vector<16xi32>,
      %add3A_591 = arith.constant 768 : i32
      %add3A_592 = vector.broadcast %add3A_591 : i32 to vector<16xi32>
      %add3A_593 = arith.addi %add3A_536, %add3A_592 : vector<16xi32>
      %add3A_594 = arith.constant 768 : i32
      %add3A_595 = arith.addi %mul3A_137, %add3A_594 : i32
      %add3A_596 = arith.constant 64 : i32
      %add3A_597 = arith.addi %add3A_595, %add3A_596 : i32
      %swap3A_598 = arith.index_cast %add3A_597 : i32 to index
      %swap3A_599 = tpu.vector_load %arg8[%swap3A_598] {strides = array<i32>} : memref<40960xi32, #tpu.memory_space<vmem>>, vector<16xi32>,
      tpu.vector_store %arg8[%swap3A_598], %add3A_593 {strides = array<i32>} : memref<40960xi32, #tpu.memory_space<vmem>>, vector<16xi32>,
      %add3A_600 = arith.constant 896 : i32
      %add3A_601 = vector.broadcast %add3A_600 : i32 to vector<16xi32>
      %add3A_602 = arith.addi %add3A_536, %add3A_601 : vector<16xi32>
      %add3A_603 = arith.constant 896 : i32
      %add3A_604 = arith.addi %mul3A_137, %add3A_603 : i32
      %add3A_605 = arith.constant 64 : i32
      %add3A_606 = arith.addi %add3A_604, %add3A_605 : i32
      %swap3A_607 = arith.index_cast %add3A_606 : i32 to index
      %swap3A_608 = tpu.vector_load %arg8[%swap3A_607] {strides = array<i32>} : memref<40960xi32, #tpu.memory_space<vmem>>, vector<16xi32>,
      tpu.vector_store %arg8[%swap3A_607], %add3A_602 {strides = array<i32>} : memref<40960xi32, #tpu.memory_space<vmem>>, vector<16xi32>,
      %mul3A_609 = arith.constant 4096 : i32
      %mul3A_610 = arith.muli %sub3A_129, %mul3A_609 : i32
      %mul3A_611 = arith.constant 128 : i32
      %mul3A_612 = arith.muli %and3A_128, %mul3A_611 : i32
      %add3A_613 = arith.addi %mul3A_610, %mul3A_612 : i32
      %add3A_614 = arith.constant 80 : i32
      %add3A_615 = arith.addi %add3A_613, %add3A_614 : i32
      %get3A_616 = arith.index_cast %add3A_615 : i32 to index
      %get3A_617 = tpu.vector_load %arg7[%get3A_616] {strides = array<i32>} : memref<8192xi32, #tpu.memory_space<vmem>>, vector<16xi32>,
      %add3A_618 = vector.broadcast %mul3A_133 : i32 to vector<16xi32>
      %add3A_619 = arith.addi %get3A_617, %add3A_618 : vector<16xi32>
      %shift_right_arithmetic3A_620 = arith.constant 7 : i32
      %shift_right_arithmetic3A_621 = vector.broadcast %shift_right_arithmetic3A_620 : i32 to vector<16xi32>
      %shift_right_arithmetic3A_622 = arith.shrsi %add3A_619, %shift_right_arithmetic3A_621 : vector<16xi32>
      %shift_left3A_623 = arith.constant 10 : i32
      %shift_left3A_624 = vector.broadcast %shift_left3A_623 : i32 to vector<16xi32>
      %shift_left3A_625 = arith.shli %shift_right_arithmetic3A_622, %shift_left3A_624 : vector<16xi32>
      %and3A_626 = arith.constant 127 : i32
      %and3A_627 = vector.broadcast %and3A_626 : i32 to vector<16xi32>
      %and3A_628 = arith.andi %add3A_619, %and3A_627 : vector<16xi32>
      %add3A_629 = arith.addi %shift_left3A_625, %and3A_628 : vector<16xi32>
      %add3A_630 = vector.broadcast %mul3A_135 : i32 to vector<16xi32>
      %add3A_631 = arith.addi %add3A_629, %add3A_630 : vector<16xi32>
      %add3A_632 = arith.constant 0 : i32
      %add3A_633 = vector.broadcast %add3A_632 : i32 to vector<16xi32>
      %add3A_634 = arith.addi %add3A_631, %add3A_633 : vector<16xi32>
      %add3A_635 = arith.constant 0 : i32
      %add3A_636 = arith.addi %mul3A_137, %add3A_635 : i32
      %add3A_637 = arith.constant 80 : i32
      %add3A_638 = arith.addi %add3A_636, %add3A_637 : i32
      %swap3A_639 = arith.index_cast %add3A_638 : i32 to index
      %swap3A_640 = tpu.vector_load %arg8[%swap3A_639] {strides = array<i32>} : memref<40960xi32, #tpu.memory_space<vmem>>, vector<16xi32>,
      tpu.vector_store %arg8[%swap3A_639], %add3A_634 {strides = array<i32>} : memref<40960xi32, #tpu.memory_space<vmem>>, vector<16xi32>,
      %add3A_641 = arith.constant 128 : i32
      %add3A_642 = vector.broadcast %add3A_641 : i32 to vector<16xi32>
      %add3A_643 = arith.addi %add3A_631, %add3A_642 : vector<16xi32>
      %add3A_644 = arith.constant 128 : i32
      %add3A_645 = arith.addi %mul3A_137, %add3A_644 : i32
      %add3A_646 = arith.constant 80 : i32
      %add3A_647 = arith.addi %add3A_645, %add3A_646 : i32
      %swap3A_648 = arith.index_cast %add3A_647 : i32 to index
      %swap3A_649 = tpu.vector_load %arg8[%swap3A_648] {strides = array<i32>} : memref<40960xi32, #tpu.memory_space<vmem>>, vector<16xi32>,
      tpu.vector_store %arg8[%swap3A_648], %add3A_643 {strides = array<i32>} : memref<40960xi32, #tpu.memory_space<vmem>>, vector<16xi32>,
      %add3A_650 = arith.constant 256 : i32
      %add3A_651 = vector.broadcast %add3A_650 : i32 to vector<16xi32>
      %add3A_652 = arith.addi %add3A_631, %add3A_651 : vector<16xi32>
      %add3A_653 = arith.constant 256 : i32
      %add3A_654 = arith.addi %mul3A_137, %add3A_653 : i32
      %add3A_655 = arith.constant 80 : i32
      %add3A_656 = arith.addi %add3A_654, %add3A_655 : i32
      %swap3A_657 = arith.index_cast %add3A_656 : i32 to index
      %swap3A_658 = tpu.vector_load %arg8[%swap3A_657] {strides = array<i32>} : memref<40960xi32, #tpu.memory_space<vmem>>, vector<16xi32>,
      tpu.vector_store %arg8[%swap3A_657], %add3A_652 {strides = array<i32>} : memref<40960xi32, #tpu.memory_space<vmem>>, vector<16xi32>,
      %add3A_659 = arith.constant 384 : i32
      %add3A_660 = vector.broadcast %add3A_659 : i32 to vector<16xi32>
      %add3A_661 = arith.addi %add3A_631, %add3A_660 : vector<16xi32>
      %add3A_662 = arith.constant 384 : i32
      %add3A_663 = arith.addi %mul3A_137, %add3A_662 : i32
      %add3A_664 = arith.constant 80 : i32
      %add3A_665 = arith.addi %add3A_663, %add3A_664 : i32
      %swap3A_666 = arith.index_cast %add3A_665 : i32 to index
      %swap3A_667 = tpu.vector_load %arg8[%swap3A_666] {strides = array<i32>} : memref<40960xi32, #tpu.memory_space<vmem>>, vector<16xi32>,
      tpu.vector_store %arg8[%swap3A_666], %add3A_661 {strides = array<i32>} : memref<40960xi32, #tpu.memory_space<vmem>>, vector<16xi32>,
      %add3A_668 = arith.constant 512 : i32
      %add3A_669 = vector.broadcast %add3A_668 : i32 to vector<16xi32>
      %add3A_670 = arith.addi %add3A_631, %add3A_669 : vector<16xi32>
      %add3A_671 = arith.constant 512 : i32
      %add3A_672 = arith.addi %mul3A_137, %add3A_671 : i32
      %add3A_673 = arith.constant 80 : i32
      %add3A_674 = arith.addi %add3A_672, %add3A_673 : i32
      %swap3A_675 = arith.index_cast %add3A_674 : i32 to index
      %swap3A_676 = tpu.vector_load %arg8[%swap3A_675] {strides = array<i32>} : memref<40960xi32, #tpu.memory_space<vmem>>, vector<16xi32>,
      tpu.vector_store %arg8[%swap3A_675], %add3A_670 {strides = array<i32>} : memref<40960xi32, #tpu.memory_space<vmem>>, vector<16xi32>,
      %add3A_677 = arith.constant 640 : i32
      %add3A_678 = vector.broadcast %add3A_677 : i32 to vector<16xi32>
      %add3A_679 = arith.addi %add3A_631, %add3A_678 : vector<16xi32>
      %add3A_680 = arith.constant 640 : i32
      %add3A_681 = arith.addi %mul3A_137, %add3A_680 : i32
      %add3A_682 = arith.constant 80 : i32
      %add3A_683 = arith.addi %add3A_681, %add3A_682 : i32
      %swap3A_684 = arith.index_cast %add3A_683 : i32 to index
      %swap3A_685 = tpu.vector_load %arg8[%swap3A_684] {strides = array<i32>} : memref<40960xi32, #tpu.memory_space<vmem>>, vector<16xi32>,
      tpu.vector_store %arg8[%swap3A_684], %add3A_679 {strides = array<i32>} : memref<40960xi32, #tpu.memory_space<vmem>>, vector<16xi32>,
      %add3A_686 = arith.constant 768 : i32
      %add3A_687 = vector.broadcast %add3A_686 : i32 to vector<16xi32>
      %add3A_688 = arith.addi %add3A_631, %add3A_687 : vector<16xi32>
      %add3A_689 = arith.constant 768 : i32
      %add3A_690 = arith.addi %mul3A_137, %add3A_689 : i32
      %add3A_691 = arith.constant 80 : i32
      %add3A_692 = arith.addi %add3A_690, %add3A_691 : i32
      %swap3A_693 = arith.index_cast %add3A_692 : i32 to index
      %swap3A_694 = tpu.vector_load %arg8[%swap3A_693] {strides = array<i32>} : memref<40960xi32, #tpu.memory_space<vmem>>, vector<16xi32>,
      tpu.vector_store %arg8[%swap3A_693], %add3A_688 {strides = array<i32>} : memref<40960xi32, #tpu.memory_space<vmem>>, vector<16xi32>,
      %add3A_695 = arith.constant 896 : i32
      %add3A_696 = vector.broadcast %add3A_695 : i32 to vector<16xi32>
      %add3A_697 = arith.addi %add3A_631, %add3A_696 : vector<16xi32>
      %add3A_698 = arith.constant 896 : i32
      %add3A_699 = arith.addi %mul3A_137, %add3A_698 : i32
      %add3A_700 = arith.constant 80 : i32
      %add3A_701 = arith.addi %add3A_699, %add3A_700 : i32
      %swap3A_702 = arith.index_cast %add3A_701 : i32 to index
      %swap3A_703 = tpu.vector_load %arg8[%swap3A_702] {strides = array<i32>} : memref<40960xi32, #tpu.memory_space<vmem>>, vector<16xi32>,
      tpu.vector_store %arg8[%swap3A_702], %add3A_697 {strides = array<i32>} : memref<40960xi32, #tpu.memory_space<vmem>>, vector<16xi32>,
      %mul3A_704 = arith.constant 4096 : i32
      %mul3A_705 = arith.muli %sub3A_129, %mul3A_704 : i32
      %mul3A_706 = arith.constant 128 : i32
      %mul3A_707 = arith.muli %and3A_128, %mul3A_706 : i32
      %add3A_708 = arith.addi %mul3A_705, %mul3A_707 : i32
      %add3A_709 = arith.constant 96 : i32
      %add3A_710 = arith.addi %add3A_708, %add3A_709 : i32
      %get3A_711 = arith.index_cast %add3A_710 : i32 to index
      %get3A_712 = tpu.vector_load %arg7[%get3A_711] {strides = array<i32>} : memref<8192xi32, #tpu.memory_space<vmem>>, vector<16xi32>,
      %add3A_713 = vector.broadcast %mul3A_133 : i32 to vector<16xi32>
      %add3A_714 = arith.addi %get3A_712, %add3A_713 : vector<16xi32>
      %shift_right_arithmetic3A_715 = arith.constant 7 : i32
      %shift_right_arithmetic3A_716 = vector.broadcast %shift_right_arithmetic3A_715 : i32 to vector<16xi32>
      %shift_right_arithmetic3A_717 = arith.shrsi %add3A_714, %shift_right_arithmetic3A_716 : vector<16xi32>
      %shift_left3A_718 = arith.constant 10 : i32
      %shift_left3A_719 = vector.broadcast %shift_left3A_718 : i32 to vector<16xi32>
      %shift_left3A_720 = arith.shli %shift_right_arithmetic3A_717, %shift_left3A_719 : vector<16xi32>
      %and3A_721 = arith.constant 127 : i32
      %and3A_722 = vector.broadcast %and3A_721 : i32 to vector<16xi32>
      %and3A_723 = arith.andi %add3A_714, %and3A_722 : vector<16xi32>
      %add3A_724 = arith.addi %shift_left3A_720, %and3A_723 : vector<16xi32>
      %add3A_725 = vector.broadcast %mul3A_135 : i32 to vector<16xi32>
      %add3A_726 = arith.addi %add3A_724, %add3A_725 : vector<16xi32>
      %add3A_727 = arith.constant 0 : i32
      %add3A_728 = vector.broadcast %add3A_727 : i32 to vector<16xi32>
      %add3A_729 = arith.addi %add3A_726, %add3A_728 : vector<16xi32>
      %add3A_730 = arith.constant 0 : i32
      %add3A_731 = arith.addi %mul3A_137, %add3A_730 : i32
      %add3A_732 = arith.constant 96 : i32
      %add3A_733 = arith.addi %add3A_731, %add3A_732 : i32
      %swap3A_734 = arith.index_cast %add3A_733 : i32 to index
      %swap3A_735 = tpu.vector_load %arg8[%swap3A_734] {strides = array<i32>} : memref<40960xi32, #tpu.memory_space<vmem>>, vector<16xi32>,
      tpu.vector_store %arg8[%swap3A_734], %add3A_729 {strides = array<i32>} : memref<40960xi32, #tpu.memory_space<vmem>>, vector<16xi32>,
      %add3A_736 = arith.constant 128 : i32
      %add3A_737 = vector.broadcast %add3A_736 : i32 to vector<16xi32>
      %add3A_738 = arith.addi %add3A_726, %add3A_737 : vector<16xi32>
      %add3A_739 = arith.constant 128 : i32
      %add3A_740 = arith.addi %mul3A_137, %add3A_739 : i32
      %add3A_741 = arith.constant 96 : i32
      %add3A_742 = arith.addi %add3A_740, %add3A_741 : i32
      %swap3A_743 = arith.index_cast %add3A_742 : i32 to index
      %swap3A_744 = tpu.vector_load %arg8[%swap3A_743] {strides = array<i32>} : memref<40960xi32, #tpu.memory_space<vmem>>, vector<16xi32>,
      tpu.vector_store %arg8[%swap3A_743], %add3A_738 {strides = array<i32>} : memref<40960xi32, #tpu.memory_space<vmem>>, vector<16xi32>,
      %add3A_745 = arith.constant 256 : i32
      %add3A_746 = vector.broadcast %add3A_745 : i32 to vector<16xi32>
      %add3A_747 = arith.addi %add3A_726, %add3A_746 : vector<16xi32>
      %add3A_748 = arith.constant 256 : i32
      %add3A_749 = arith.addi %mul3A_137, %add3A_748 : i32
      %add3A_750 = arith.constant 96 : i32
      %add3A_751 = arith.addi %add3A_749, %add3A_750 : i32
      %swap3A_752 = arith.index_cast %add3A_751 : i32 to index
      %swap3A_753 = tpu.vector_load %arg8[%swap3A_752] {strides = array<i32>} : memref<40960xi32, #tpu.memory_space<vmem>>, vector<16xi32>,
      tpu.vector_store %arg8[%swap3A_752], %add3A_747 {strides = array<i32>} : memref<40960xi32, #tpu.memory_space<vmem>>, vector<16xi32>,
      %add3A_754 = arith.constant 384 : i32
      %add3A_755 = vector.broadcast %add3A_754 : i32 to vector<16xi32>
      %add3A_756 = arith.addi %add3A_726, %add3A_755 : vector<16xi32>
      %add3A_757 = arith.constant 384 : i32
      %add3A_758 = arith.addi %mul3A_137, %add3A_757 : i32
      %add3A_759 = arith.constant 96 : i32
      %add3A_760 = arith.addi %add3A_758, %add3A_759 : i32
      %swap3A_761 = arith.index_cast %add3A_760 : i32 to index
      %swap3A_762 = tpu.vector_load %arg8[%swap3A_761] {strides = array<i32>} : memref<40960xi32, #tpu.memory_space<vmem>>, vector<16xi32>,
      tpu.vector_store %arg8[%swap3A_761], %add3A_756 {strides = array<i32>} : memref<40960xi32, #tpu.memory_space<vmem>>, vector<16xi32>,
      %add3A_763 = arith.constant 512 : i32
      %add3A_764 = vector.broadcast %add3A_763 : i32 to vector<16xi32>
      %add3A_765 = arith.addi %add3A_726, %add3A_764 : vector<16xi32>
      %add3A_766 = arith.constant 512 : i32
      %add3A_767 = arith.addi %mul3A_137, %add3A_766 : i32
      %add3A_768 = arith.constant 96 : i32
      %add3A_769 = arith.addi %add3A_767, %add3A_768 : i32
      %swap3A_770 = arith.index_cast %add3A_769 : i32 to index
      %swap3A_771 = tpu.vector_load %arg8[%swap3A_770] {strides = array<i32>} : memref<40960xi32, #tpu.memory_space<vmem>>, vector<16xi32>,
      tpu.vector_store %arg8[%swap3A_770], %add3A_765 {strides = array<i32>} : memref<40960xi32, #tpu.memory_space<vmem>>, vector<16xi32>,
      %add3A_772 = arith.constant 640 : i32
      %add3A_773 = vector.broadcast %add3A_772 : i32 to vector<16xi32>
      %add3A_774 = arith.addi %add3A_726, %add3A_773 : vector<16xi32>
      %add3A_775 = arith.constant 640 : i32
      %add3A_776 = arith.addi %mul3A_137, %add3A_775 : i32
      %add3A_777 = arith.constant 96 : i32
      %add3A_778 = arith.addi %add3A_776, %add3A_777 : i32
      %swap3A_779 = arith.index_cast %add3A_778 : i32 to index
      %swap3A_780 = tpu.vector_load %arg8[%swap3A_779] {strides = array<i32>} : memref<40960xi32, #tpu.memory_space<vmem>>, vector<16xi32>,
      tpu.vector_store %arg8[%swap3A_779], %add3A_774 {strides = array<i32>} : memref<40960xi32, #tpu.memory_space<vmem>>, vector<16xi32>,
      %add3A_781 = arith.constant 768 : i32
      %add3A_782 = vector.broadcast %add3A_781 : i32 to vector<16xi32>
      %add3A_783 = arith.addi %add3A_726, %add3A_782 : vector<16xi32>
      %add3A_784 = arith.constant 768 : i32
      %add3A_785 = arith.addi %mul3A_137, %add3A_784 : i32
      %add3A_786 = arith.constant 96 : i32
      %add3A_787 = arith.addi %add3A_785, %add3A_786 : i32
      %swap3A_788 = arith.index_cast %add3A_787 : i32 to index
      %swap3A_789 = tpu.vector_load %arg8[%swap3A_788] {strides = array<i32>} : memref<40960xi32, #tpu.memory_space<vmem>>, vector<16xi32>,
      tpu.vector_store %arg8[%swap3A_788], %add3A_783 {strides = array<i32>} : memref<40960xi32, #tpu.memory_space<vmem>>, vector<16xi32>,
      %add3A_790 = arith.constant 896 : i32
      %add3A_791 = vector.broadcast %add3A_790 : i32 to vector<16xi32>
      %add3A_792 = arith.addi %add3A_726, %add3A_791 : vector<16xi32>
      %add3A_793 = arith.constant 896 : i32
      %add3A_794 = arith.addi %mul3A_137, %add3A_793 : i32
      %add3A_795 = arith.constant 96 : i32
      %add3A_796 = arith.addi %add3A_794, %add3A_795 : i32
      %swap3A_797 = arith.index_cast %add3A_796 : i32 to index
      %swap3A_798 = tpu.vector_load %arg8[%swap3A_797] {strides = array<i32>} : memref<40960xi32, #tpu.memory_space<vmem>>, vector<16xi32>,
      tpu.vector_store %arg8[%swap3A_797], %add3A_792 {strides = array<i32>} : memref<40960xi32, #tpu.memory_space<vmem>>, vector<16xi32>,
      %mul3A_799 = arith.constant 4096 : i32
      %mul3A_800 = arith.muli %sub3A_129, %mul3A_799 : i32
      %mul3A_801 = arith.constant 128 : i32
      %mul3A_802 = arith.muli %and3A_128, %mul3A_801 : i32
      %add3A_803 = arith.addi %mul3A_800, %mul3A_802 : i32
      %add3A_804 = arith.constant 112 : i32
      %add3A_805 = arith.addi %add3A_803, %add3A_804 : i32
      %get3A_806 = arith.index_cast %add3A_805 : i32 to index
      %get3A_807 = tpu.vector_load %arg7[%get3A_806] {strides = array<i32>} : memref<8192xi32, #tpu.memory_space<vmem>>, vector<16xi32>,
      %add3A_808 = vector.broadcast %mul3A_133 : i32 to vector<16xi32>
      %add3A_809 = arith.addi %get3A_807, %add3A_808 : vector<16xi32>
      %shift_right_arithmetic3A_810 = arith.constant 7 : i32
      %shift_right_arithmetic3A_811 = vector.broadcast %shift_right_arithmetic3A_810 : i32 to vector<16xi32>
      %shift_right_arithmetic3A_812 = arith.shrsi %add3A_809, %shift_right_arithmetic3A_811 : vector<16xi32>
      %shift_left3A_813 = arith.constant 10 : i32
      %shift_left3A_814 = vector.broadcast %shift_left3A_813 : i32 to vector<16xi32>
      %shift_left3A_815 = arith.shli %shift_right_arithmetic3A_812, %shift_left3A_814 : vector<16xi32>
      %and3A_816 = arith.constant 127 : i32
      %and3A_817 = vector.broadcast %and3A_816 : i32 to vector<16xi32>
      %and3A_818 = arith.andi %add3A_809, %and3A_817 : vector<16xi32>
      %add3A_819 = arith.addi %shift_left3A_815, %and3A_818 : vector<16xi32>
      %add3A_820 = vector.broadcast %mul3A_135 : i32 to vector<16xi32>
      %add3A_821 = arith.addi %add3A_819, %add3A_820 : vector<16xi32>
      %add3A_822 = arith.constant 0 : i32
      %add3A_823 = vector.broadcast %add3A_822 : i32 to vector<16xi32>
      %add3A_824 = arith.addi %add3A_821, %add3A_823 : vector<16xi32>
      %add3A_825 = arith.constant 0 : i32
      %add3A_826 = arith.addi %mul3A_137, %add3A_825 : i32
      %add3A_827 = arith.constant 112 : i32
      %add3A_828 = arith.addi %add3A_826, %add3A_827 : i32
      %swap3A_829 = arith.index_cast %add3A_828 : i32 to index
      %swap3A_830 = tpu.vector_load %arg8[%swap3A_829] {strides = array<i32>} : memref<40960xi32, #tpu.memory_space<vmem>>, vector<16xi32>,
      tpu.vector_store %arg8[%swap3A_829], %add3A_824 {strides = array<i32>} : memref<40960xi32, #tpu.memory_space<vmem>>, vector<16xi32>,
      %add3A_831 = arith.constant 128 : i32
      %add3A_832 = vector.broadcast %add3A_831 : i32 to vector<16xi32>
      %add3A_833 = arith.addi %add3A_821, %add3A_832 : vector<16xi32>
      %add3A_834 = arith.constant 128 : i32
      %add3A_835 = arith.addi %mul3A_137, %add3A_834 : i32
      %add3A_836 = arith.constant 112 : i32
      %add3A_837 = arith.addi %add3A_835, %add3A_836 : i32
      %swap3A_838 = arith.index_cast %add3A_837 : i32 to index
      %swap3A_839 = tpu.vector_load %arg8[%swap3A_838] {strides = array<i32>} : memref<40960xi32, #tpu.memory_space<vmem>>, vector<16xi32>,
      tpu.vector_store %arg8[%swap3A_838], %add3A_833 {strides = array<i32>} : memref<40960xi32, #tpu.memory_space<vmem>>, vector<16xi32>,
      %add3A_840 = arith.constant 256 : i32
      %add3A_841 = vector.broadcast %add3A_840 : i32 to vector<16xi32>
      %add3A_842 = arith.addi %add3A_821, %add3A_841 : vector<16xi32>
      %add3A_843 = arith.constant 256 : i32
      %add3A_844 = arith.addi %mul3A_137, %add3A_843 : i32
      %add3A_845 = arith.constant 112 : i32
      %add3A_846 = arith.addi %add3A_844, %add3A_845 : i32
      %swap3A_847 = arith.index_cast %add3A_846 : i32 to index
      %swap3A_848 = tpu.vector_load %arg8[%swap3A_847] {strides = array<i32>} : memref<40960xi32, #tpu.memory_space<vmem>>, vector<16xi32>,
      tpu.vector_store %arg8[%swap3A_847], %add3A_842 {strides = array<i32>} : memref<40960xi32, #tpu.memory_space<vmem>>, vector<16xi32>,
      %add3A_849 = arith.constant 384 : i32
      %add3A_850 = vector.broadcast %add3A_849 : i32 to vector<16xi32>
      %add3A_851 = arith.addi %add3A_821, %add3A_850 : vector<16xi32>
      %add3A_852 = arith.constant 384 : i32
      %add3A_853 = arith.addi %mul3A_137, %add3A_852 : i32
      %add3A_854 = arith.constant 112 : i32
      %add3A_855 = arith.addi %add3A_853, %add3A_854 : i32
      %swap3A_856 = arith.index_cast %add3A_855 : i32 to index
      %swap3A_857 = tpu.vector_load %arg8[%swap3A_856] {strides = array<i32>} : memref<40960xi32, #tpu.memory_space<vmem>>, vector<16xi32>,
      tpu.vector_store %arg8[%swap3A_856], %add3A_851 {strides = array<i32>} : memref<40960xi32, #tpu.memory_space<vmem>>, vector<16xi32>,
      %add3A_858 = arith.constant 512 : i32
      %add3A_859 = vector.broadcast %add3A_858 : i32 to vector<16xi32>
      %add3A_860 = arith.addi %add3A_821, %add3A_859 : vector<16xi32>
      %add3A_861 = arith.constant 512 : i32
      %add3A_862 = arith.addi %mul3A_137, %add3A_861 : i32
      %add3A_863 = arith.constant 112 : i32
      %add3A_864 = arith.addi %add3A_862, %add3A_863 : i32
      %swap3A_865 = arith.index_cast %add3A_864 : i32 to index
      %swap3A_866 = tpu.vector_load %arg8[%swap3A_865] {strides = array<i32>} : memref<40960xi32, #tpu.memory_space<vmem>>, vector<16xi32>,
      tpu.vector_store %arg8[%swap3A_865], %add3A_860 {strides = array<i32>} : memref<40960xi32, #tpu.memory_space<vmem>>, vector<16xi32>,
      %add3A_867 = arith.constant 640 : i32
      %add3A_868 = vector.broadcast %add3A_867 : i32 to vector<16xi32>
      %add3A_869 = arith.addi %add3A_821, %add3A_868 : vector<16xi32>
      %add3A_870 = arith.constant 640 : i32
      %add3A_871 = arith.addi %mul3A_137, %add3A_870 : i32
      %add3A_872 = arith.constant 112 : i32
      %add3A_873 = arith.addi %add3A_871, %add3A_872 : i32
      %swap3A_874 = arith.index_cast %add3A_873 : i32 to index
      %swap3A_875 = tpu.vector_load %arg8[%swap3A_874] {strides = array<i32>} : memref<40960xi32, #tpu.memory_space<vmem>>, vector<16xi32>,
      tpu.vector_store %arg8[%swap3A_874], %add3A_869 {strides = array<i32>} : memref<40960xi32, #tpu.memory_space<vmem>>, vector<16xi32>,
      %add3A_876 = arith.constant 768 : i32
      %add3A_877 = vector.broadcast %add3A_876 : i32 to vector<16xi32>
      %add3A_878 = arith.addi %add3A_821, %add3A_877 : vector<16xi32>
      %add3A_879 = arith.constant 768 : i32
      %add3A_880 = arith.addi %mul3A_137, %add3A_879 : i32
      %add3A_881 = arith.constant 112 : i32
      %add3A_882 = arith.addi %add3A_880, %add3A_881 : i32
      %swap3A_883 = arith.index_cast %add3A_882 : i32 to index
      %swap3A_884 = tpu.vector_load %arg8[%swap3A_883] {strides = array<i32>} : memref<40960xi32, #tpu.memory_space<vmem>>, vector<16xi32>,
      tpu.vector_store %arg8[%swap3A_883], %add3A_878 {strides = array<i32>} : memref<40960xi32, #tpu.memory_space<vmem>>, vector<16xi32>,
      %add3A_885 = arith.constant 896 : i32
      %add3A_886 = vector.broadcast %add3A_885 : i32 to vector<16xi32>
      %add3A_887 = arith.addi %add3A_821, %add3A_886 : vector<16xi32>
      %add3A_888 = arith.constant 896 : i32
      %add3A_889 = arith.addi %mul3A_137, %add3A_888 : i32
      %add3A_890 = arith.constant 112 : i32
      %add3A_891 = arith.addi %add3A_889, %add3A_890 : i32
      %swap3A_892 = arith.index_cast %add3A_891 : i32 to index
      %swap3A_893 = tpu.vector_load %arg8[%swap3A_892] {strides = array<i32>} : memref<40960xi32, #tpu.memory_space<vmem>>, vector<16xi32>,
      tpu.vector_store %arg8[%swap3A_892], %add3A_887 {strides = array<i32>} : memref<40960xi32, #tpu.memory_space<vmem>>, vector<16xi32>,
      %mul3A_894 = arith.constant 4 : i32
      %mul3A_895 = arith.muli %scan3A_70, %mul3A_894 : i32
      %add3A_896 = arith.constant 1 : i32
      %add3A_897 = arith.addi %mul3A_895, %add3A_896 : i32
      %add3A_898 = arith.addi %mul3A_2, %add3A_897 : i32
      %jit3A_899 = arith.constant 64 : i32
      %div3A_900 = arith.divsi %add3A_898, %jit3A_899 : i32
      %sign3A_901 = arith.constant 0 : i32
      %sign3A_902 = arith.cmpi sgt, %add3A_898, %sign3A_901 : i32
      %sign3A_903 = arith.extui %sign3A_902 : i1 to i32
      %sign3A_904 = arith.constant 0 : i32
      %sign3A_905 = arith.cmpi slt, %add3A_898, %sign3A_904 : i32
      %sign3A_906 = arith.extui %sign3A_905 : i1 to i32
      %sign3A_907 = arith.subi %sign3A_903, %sign3A_906 : i32
      %sign3A_908 = arith.constant 0 : i32
      %sign3A_909 = arith.cmpi sgt, %jit3A_899, %sign3A_908 : i32
      %sign3A_910 = arith.extui %sign3A_909 : i1 to i32
      %sign3A_911 = arith.constant 0 : i32
      %sign3A_912 = arith.cmpi slt, %jit3A_899, %sign3A_911 : i32
      %sign3A_913 = arith.extui %sign3A_912 : i1 to i32
      %sign3A_914 = arith.subi %sign3A_910, %sign3A_913 : i32
      %ne3A_915 = arith.cmpi ne, %sign3A_907, %sign3A_914 : i32
      %rem3A_916 = arith.remsi %add3A_898, %jit3A_899 : i32
      %ne3A_917 = arith.constant 0 : i32
      %ne3A_918 = arith.cmpi ne, %rem3A_916, %ne3A_917 : i32
      %and3A_919 = arith.andi %ne3A_915, %ne3A_918 : i1
      %sub3A_920 = arith.constant 1 : i32
      %sub3A_921 = arith.subi %div3A_900, %sub3A_920 : i32
      %select_n3A_922 = arith.select %and3A_919, %sub3A_921, %div3A_900 : i32
      %jit3A_923 = arith.constant 32 : i32
      %div3A_924 = arith.divsi %add3A_898, %jit3A_923 : i32
      %sign3A_925 = arith.constant 0 : i32
      %sign3A_926 = arith.cmpi sgt, %add3A_898, %sign3A_925 : i32
      %sign3A_927 = arith.extui %sign3A_926 : i1 to i32
      %sign3A_928 = arith.constant 0 : i32
      %sign3A_929 = arith.cmpi slt, %add3A_898, %sign3A_928 : i32
      %sign3A_930 = arith.extui %sign3A_929 : i1 to i32
      %sign3A_931 = arith.subi %sign3A_927, %sign3A_930 : i32
      %sign3A_932 = arith.constant 0 : i32
      %sign3A_933 = arith.cmpi sgt, %jit3A_923, %sign3A_932 : i32
      %sign3A_934 = arith.extui %sign3A_933 : i1 to i32
      %sign3A_935 = arith.constant 0 : i32
      %sign3A_936 = arith.cmpi slt, %jit3A_923, %sign3A_935 : i32
      %sign3A_937 = arith.extui %sign3A_936 : i1 to i32
      %sign3A_938 = arith.subi %sign3A_934, %sign3A_937 : i32
      %ne3A_939 = arith.cmpi ne, %sign3A_931, %sign3A_938 : i32
      %rem3A_940 = arith.remsi %add3A_898, %jit3A_923 : i32
      %ne3A_941 = arith.constant 0 : i32
      %ne3A_942 = arith.cmpi ne, %rem3A_940, %ne3A_941 : i32
      %and3A_943 = arith.andi %ne3A_939, %ne3A_942 : i1
      %sub3A_944 = arith.constant 1 : i32
      %sub3A_945 = arith.subi %div3A_924, %sub3A_944 : i32
      %select_n3A_946 = arith.select %and3A_943, %sub3A_945, %div3A_924 : i32
      %and3A_947 = arith.constant 1 : i32
      %and3A_948 = arith.andi %select_n3A_946, %and3A_947 : i32
      %and3A_949 = arith.constant 31 : i32
      %and3A_950 = arith.andi %add3A_898, %and3A_949 : i32
      %sub3A_951 = arith.subi %select_n3A_922, %min3A_19 : i32
      %add3A_952 = arith.constant 6 : i32
      %add3A_953 = arith.addi %add3A_952, %select_n3A_922 : i32
      %mul3A_954 = arith.constant 40000 : i32
      %mul3A_955 = arith.muli %add3A_953, %mul3A_954 : i32
      %mul3A_956 = arith.constant 8320000 : i32
      %mul3A_957 = arith.muli %and3A_948, %mul3A_956 : i32
      %mul3A_958 = arith.constant 1024 : i32
      %mul3A_959 = arith.muli %add3A_897, %mul3A_958 : i32
      %mul3A_960 = arith.constant 4096 : i32
      %mul3A_961 = arith.muli %sub3A_951, %mul3A_960 : i32
      %mul3A_962 = arith.constant 128 : i32
      %mul3A_963 = arith.muli %and3A_950, %mul3A_962 : i32
      %add3A_964 = arith.addi %mul3A_961, %mul3A_963 : i32
      %add3A_965 = arith.constant 0 : i32
      %add3A_966 = arith.addi %add3A_964, %add3A_965 : i32
      %get3A_967 = arith.index_cast %add3A_966 : i32 to index
      %get3A_968 = tpu.vector_load %arg7[%get3A_967] {strides = array<i32>} : memref<8192xi32, #tpu.memory_space<vmem>>, vector<16xi32>,
      %add3A_969 = vector.broadcast %mul3A_955 : i32 to vector<16xi32>
      %add3A_970 = arith.addi %get3A_968, %add3A_969 : vector<16xi32>
      %shift_right_arithmetic3A_971 = arith.constant 7 : i32
      %shift_right_arithmetic3A_972 = vector.broadcast %shift_right_arithmetic3A_971 : i32 to vector<16xi32>
      %shift_right_arithmetic3A_973 = arith.shrsi %add3A_970, %shift_right_arithmetic3A_972 : vector<16xi32>
      %shift_left3A_974 = arith.constant 10 : i32
      %shift_left3A_975 = vector.broadcast %shift_left3A_974 : i32 to vector<16xi32>
      %shift_left3A_976 = arith.shli %shift_right_arithmetic3A_973, %shift_left3A_975 : vector<16xi32>
      %and3A_977 = arith.constant 127 : i32
      %and3A_978 = vector.broadcast %and3A_977 : i32 to vector<16xi32>
      %and3A_979 = arith.andi %add3A_970, %and3A_978 : vector<16xi32>
      %add3A_980 = arith.addi %shift_left3A_976, %and3A_979 : vector<16xi32>
      %add3A_981 = vector.broadcast %mul3A_957 : i32 to vector<16xi32>
      %add3A_982 = arith.addi %add3A_980, %add3A_981 : vector<16xi32>
      %add3A_983 = arith.constant 0 : i32
      %add3A_984 = vector.broadcast %add3A_983 : i32 to vector<16xi32>
      %add3A_985 = arith.addi %add3A_982, %add3A_984 : vector<16xi32>
      %add3A_986 = arith.constant 0 : i32
      %add3A_987 = arith.addi %mul3A_959, %add3A_986 : i32
      %add3A_988 = arith.constant 0 : i32
      %add3A_989 = arith.addi %add3A_987, %add3A_988 : i32
      %swap3A_990 = arith.index_cast %add3A_989 : i32 to index
      %swap3A_991 = tpu.vector_load %arg8[%swap3A_990] {strides = array<i32>} : memref<40960xi32, #tpu.memory_space<vmem>>, vector<16xi32>,
      tpu.vector_store %arg8[%swap3A_990], %add3A_985 {strides = array<i32>} : memref<40960xi32, #tpu.memory_space<vmem>>, vector<16xi32>,
      %add3A_992 = arith.constant 128 : i32
      %add3A_993 = vector.broadcast %add3A_992 : i32 to vector<16xi32>
      %add3A_994 = arith.addi %add3A_982, %add3A_993 : vector<16xi32>
      %add3A_995 = arith.constant 128 : i32
      %add3A_996 = arith.addi %mul3A_959, %add3A_995 : i32
      %add3A_997 = arith.constant 0 : i32
      %add3A_998 = arith.addi %add3A_996, %add3A_997 : i32
      %swap3A_999 = arith.index_cast %add3A_998 : i32 to index
      %swap3A_1000 = tpu.vector_load %arg8[%swap3A_999] {strides = array<i32>} : memref<40960xi32, #tpu.memory_space<vmem>>, vector<16xi32>,
      tpu.vector_store %arg8[%swap3A_999], %add3A_994 {strides = array<i32>} : memref<40960xi32, #tpu.memory_space<vmem>>, vector<16xi32>,
      %add3A_1001 = arith.constant 256 : i32
      %add3A_1002 = vector.broadcast %add3A_1001 : i32 to vector<16xi32>
      %add3A_1003 = arith.addi %add3A_982, %add3A_1002 : vector<16xi32>
      %add3A_1004 = arith.constant 256 : i32
      %add3A_1005 = arith.addi %mul3A_959, %add3A_1004 : i32
      %add3A_1006 = arith.constant 0 : i32
      %add3A_1007 = arith.addi %add3A_1005, %add3A_1006 : i32
      %swap3A_1008 = arith.index_cast %add3A_1007 : i32 to index
      %swap3A_1009 = tpu.vector_load %arg8[%swap3A_1008] {strides = array<i32>} : memref<40960xi32, #tpu.memory_space<vmem>>, vector<16xi32>,
      tpu.vector_store %arg8[%swap3A_1008], %add3A_1003 {strides = array<i32>} : memref<40960xi32, #tpu.memory_space<vmem>>, vector<16xi32>,
      %add3A_1010 = arith.constant 384 : i32
      %add3A_1011 = vector.broadcast %add3A_1010 : i32 to vector<16xi32>
      %add3A_1012 = arith.addi %add3A_982, %add3A_1011 : vector<16xi32>
      %add3A_1013 = arith.constant 384 : i32
      %add3A_1014 = arith.addi %mul3A_959, %add3A_1013 : i32
      %add3A_1015 = arith.constant 0 : i32
      %add3A_1016 = arith.addi %add3A_1014, %add3A_1015 : i32
      %swap3A_1017 = arith.index_cast %add3A_1016 : i32 to index
      %swap3A_1018 = tpu.vector_load %arg8[%swap3A_1017] {strides = array<i32>} : memref<40960xi32, #tpu.memory_space<vmem>>, vector<16xi32>,
      tpu.vector_store %arg8[%swap3A_1017], %add3A_1012 {strides = array<i32>} : memref<40960xi32, #tpu.memory_space<vmem>>, vector<16xi32>,
      %add3A_1019 = arith.constant 512 : i32
      %add3A_1020 = vector.broadcast %add3A_1019 : i32 to vector<16xi32>
      %add3A_1021 = arith.addi %add3A_982, %add3A_1020 : vector<16xi32>
      %add3A_1022 = arith.constant 512 : i32
      %add3A_1023 = arith.addi %mul3A_959, %add3A_1022 : i32
      %add3A_1024 = arith.constant 0 : i32
      %add3A_1025 = arith.addi %add3A_1023, %add3A_1024 : i32
      %swap3A_1026 = arith.index_cast %add3A_1025 : i32 to index
      %swap3A_1027 = tpu.vector_load %arg8[%swap3A_1026] {strides = array<i32>} : memref<40960xi32, #tpu.memory_space<vmem>>, vector<16xi32>,
      tpu.vector_store %arg8[%swap3A_1026], %add3A_1021 {strides = array<i32>} : memref<40960xi32, #tpu.memory_space<vmem>>, vector<16xi32>,
      %add3A_1028 = arith.constant 640 : i32
      %add3A_1029 = vector.broadcast %add3A_1028 : i32 to vector<16xi32>
      %add3A_1030 = arith.addi %add3A_982, %add3A_1029 : vector<16xi32>
      %add3A_1031 = arith.constant 640 : i32
      %add3A_1032 = arith.addi %mul3A_959, %add3A_1031 : i32
      %add3A_1033 = arith.constant 0 : i32
      %add3A_1034 = arith.addi %add3A_1032, %add3A_1033 : i32
      %swap3A_1035 = arith.index_cast %add3A_1034 : i32 to index
      %swap3A_1036 = tpu.vector_load %arg8[%swap3A_1035] {strides = array<i32>} : memref<40960xi32, #tpu.memory_space<vmem>>, vector<16xi32>,
      tpu.vector_store %arg8[%swap3A_1035], %add3A_1030 {strides = array<i32>} : memref<40960xi32, #tpu.memory_space<vmem>>, vector<16xi32>,
      %add3A_1037 = arith.constant 768 : i32
      %add3A_1038 = vector.broadcast %add3A_1037 : i32 to vector<16xi32>
      %add3A_1039 = arith.addi %add3A_982, %add3A_1038 : vector<16xi32>
      %add3A_1040 = arith.constant 768 : i32
      %add3A_1041 = arith.addi %mul3A_959, %add3A_1040 : i32
      %add3A_1042 = arith.constant 0 : i32
      %add3A_1043 = arith.addi %add3A_1041, %add3A_1042 : i32
      %swap3A_1044 = arith.index_cast %add3A_1043 : i32 to index
      %swap3A_1045 = tpu.vector_load %arg8[%swap3A_1044] {strides = array<i32>} : memref<40960xi32, #tpu.memory_space<vmem>>, vector<16xi32>,
      tpu.vector_store %arg8[%swap3A_1044], %add3A_1039 {strides = array<i32>} : memref<40960xi32, #tpu.memory_space<vmem>>, vector<16xi32>,
      %add3A_1046 = arith.constant 896 : i32
      %add3A_1047 = vector.broadcast %add3A_1046 : i32 to vector<16xi32>
      %add3A_1048 = arith.addi %add3A_982, %add3A_1047 : vector<16xi32>
      %add3A_1049 = arith.constant 896 : i32
      %add3A_1050 = arith.addi %mul3A_959, %add3A_1049 : i32
      %add3A_1051 = arith.constant 0 : i32
      %add3A_1052 = arith.addi %add3A_1050, %add3A_1051 : i32
      %swap3A_1053 = arith.index_cast %add3A_1052 : i32 to index
      %swap3A_1054 = tpu.vector_load %arg8[%swap3A_1053] {strides = array<i32>} : memref<40960xi32, #tpu.memory_space<vmem>>, vector<16xi32>,
      tpu.vector_store %arg8[%swap3A_1053], %add3A_1048 {strides = array<i32>} : memref<40960xi32, #tpu.memory_space<vmem>>, vector<16xi32>,
      %mul3A_1055 = arith.constant 4096 : i32
      %mul3A_1056 = arith.muli %sub3A_951, %mul3A_1055 : i32
      %mul3A_1057 = arith.constant 128 : i32
      %mul3A_1058 = arith.muli %and3A_950, %mul3A_1057 : i32
      %add3A_1059 = arith.addi %mul3A_1056, %mul3A_1058 : i32
      %add3A_1060 = arith.constant 16 : i32
      %add3A_1061 = arith.addi %add3A_1059, %add3A_1060 : i32
      %get3A_1062 = arith.index_cast %add3A_1061 : i32 to index
      %get3A_1063 = tpu.vector_load %arg7[%get3A_1062] {strides = array<i32>} : memref<8192xi32, #tpu.memory_space<vmem>>, vector<16xi32>,
      %add3A_1064 = vector.broadcast %mul3A_955 : i32 to vector<16xi32>
      %add3A_1065 = arith.addi %get3A_1063, %add3A_1064 : vector<16xi32>
      %shift_right_arithmetic3A_1066 = arith.constant 7 : i32
      %shift_right_arithmetic3A_1067 = vector.broadcast %shift_right_arithmetic3A_1066 : i32 to vector<16xi32>
      %shift_right_arithmetic3A_1068 = arith.shrsi %add3A_1065, %shift_right_arithmetic3A_1067 : vector<16xi32>
      %shift_left3A_1069 = arith.constant 10 : i32
      %shift_left3A_1070 = vector.broadcast %shift_left3A_1069 : i32 to vector<16xi32>
      %shift_left3A_1071 = arith.shli %shift_right_arithmetic3A_1068, %shift_left3A_1070 : vector<16xi32>
      %and3A_1072 = arith.constant 127 : i32
      %and3A_1073 = vector.broadcast %and3A_1072 : i32 to vector<16xi32>
      %and3A_1074 = arith.andi %add3A_1065, %and3A_1073 : vector<16xi32>
      %add3A_1075 = arith.addi %shift_left3A_1071, %and3A_1074 : vector<16xi32>
      %add3A_1076 = vector.broadcast %mul3A_957 : i32 to vector<16xi32>
      %add3A_1077 = arith.addi %add3A_1075, %add3A_1076 : vector<16xi32>
      %add3A_1078 = arith.constant 0 : i32
      %add3A_1079 = vector.broadcast %add3A_1078 : i32 to vector<16xi32>
      %add3A_1080 = arith.addi %add3A_1077, %add3A_1079 : vector<16xi32>
      %add3A_1081 = arith.constant 0 : i32
      %add3A_1082 = arith.addi %mul3A_959, %add3A_1081 : i32
      %add3A_1083 = arith.constant 16 : i32
      %add3A_1084 = arith.addi %add3A_1082, %add3A_1083 : i32
      %swap3A_1085 = arith.index_cast %add3A_1084 : i32 to index
      %swap3A_1086 = tpu.vector_load %arg8[%swap3A_1085] {strides = array<i32>} : memref<40960xi32, #tpu.memory_space<vmem>>, vector<16xi32>,
      tpu.vector_store %arg8[%swap3A_1085], %add3A_1080 {strides = array<i32>} : memref<40960xi32, #tpu.memory_space<vmem>>, vector<16xi32>,
      %add3A_1087 = arith.constant 128 : i32
      %add3A_1088 = vector.broadcast %add3A_1087 : i32 to vector<16xi32>
      %add3A_1089 = arith.addi %add3A_1077, %add3A_1088 : vector<16xi32>
      %add3A_1090 = arith.constant 128 : i32
      %add3A_1091 = arith.addi %mul3A_959, %add3A_1090 : i32
      %add3A_1092 = arith.constant 16 : i32
      %add3A_1093 = arith.addi %add3A_1091, %add3A_1092 : i32
      %swap3A_1094 = arith.index_cast %add3A_1093 : i32 to index
      %swap3A_1095 = tpu.vector_load %arg8[%swap3A_1094] {strides = array<i32>} : memref<40960xi32, #tpu.memory_space<vmem>>, vector<16xi32>,
      tpu.vector_store %arg8[%swap3A_1094], %add3A_1089 {strides = array<i32>} : memref<40960xi32, #tpu.memory_space<vmem>>, vector<16xi32>,
      %add3A_1096 = arith.constant 256 : i32
      %add3A_1097 = vector.broadcast %add3A_1096 : i32 to vector<16xi32>
      %add3A_1098 = arith.addi %add3A_1077, %add3A_1097 : vector<16xi32>
      %add3A_1099 = arith.constant 256 : i32
      %add3A_1100 = arith.addi %mul3A_959, %add3A_1099 : i32
      %add3A_1101 = arith.constant 16 : i32
      %add3A_1102 = arith.addi %add3A_1100, %add3A_1101 : i32
      %swap3A_1103 = arith.index_cast %add3A_1102 : i32 to index
      %swap3A_1104 = tpu.vector_load %arg8[%swap3A_1103] {strides = array<i32>} : memref<40960xi32, #tpu.memory_space<vmem>>, vector<16xi32>,
      tpu.vector_store %arg8[%swap3A_1103], %add3A_1098 {strides = array<i32>} : memref<40960xi32, #tpu.memory_space<vmem>>, vector<16xi32>,
      %add3A_1105 = arith.constant 384 : i32
      %add3A_1106 = vector.broadcast %add3A_1105 : i32 to vector<16xi32>
      %add3A_1107 = arith.addi %add3A_1077, %add3A_1106 : vector<16xi32>
      %add3A_1108 = arith.constant 384 : i32
      %add3A_1109 = arith.addi %mul3A_959, %add3A_1108 : i32
      %add3A_1110 = arith.constant 16 : i32
      %add3A_1111 = arith.addi %add3A_1109, %add3A_1110 : i32
      %swap3A_1112 = arith.index_cast %add3A_1111 : i32 to index
      %swap3A_1113 = tpu.vector_load %arg8[%swap3A_1112] {strides = array<i32>} : memref<40960xi32, #tpu.memory_space<vmem>>, vector<16xi32>,
      tpu.vector_store %arg8[%swap3A_1112], %add3A_1107 {strides = array<i32>} : memref<40960xi32, #tpu.memory_space<vmem>>, vector<16xi32>,
      %add3A_1114 = arith.constant 512 : i32
      %add3A_1115 = vector.broadcast %add3A_1114 : i32 to vector<16xi32>
      %add3A_1116 = arith.addi %add3A_1077, %add3A_1115 : vector<16xi32>
      %add3A_1117 = arith.constant 512 : i32
      %add3A_1118 = arith.addi %mul3A_959, %add3A_1117 : i32
      %add3A_1119 = arith.constant 16 : i32
      %add3A_1120 = arith.addi %add3A_1118, %add3A_1119 : i32
      %swap3A_1121 = arith.index_cast %add3A_1120 : i32 to index
      %swap3A_1122 = tpu.vector_load %arg8[%swap3A_1121] {strides = array<i32>} : memref<40960xi32, #tpu.memory_space<vmem>>, vector<16xi32>,
      tpu.vector_store %arg8[%swap3A_1121], %add3A_1116 {strides = array<i32>} : memref<40960xi32, #tpu.memory_space<vmem>>, vector<16xi32>,
      %add3A_1123 = arith.constant 640 : i32
      %add3A_1124 = vector.broadcast %add3A_1123 : i32 to vector<16xi32>
      %add3A_1125 = arith.addi %add3A_1077, %add3A_1124 : vector<16xi32>
      %add3A_1126 = arith.constant 640 : i32
      %add3A_1127 = arith.addi %mul3A_959, %add3A_1126 : i32
      %add3A_1128 = arith.constant 16 : i32
      %add3A_1129 = arith.addi %add3A_1127, %add3A_1128 : i32
      %swap3A_1130 = arith.index_cast %add3A_1129 : i32 to index
      %swap3A_1131 = tpu.vector_load %arg8[%swap3A_1130] {strides = array<i32>} : memref<40960xi32, #tpu.memory_space<vmem>>, vector<16xi32>,
      tpu.vector_store %arg8[%swap3A_1130], %add3A_1125 {strides = array<i32>} : memref<40960xi32, #tpu.memory_space<vmem>>, vector<16xi32>,
      %add3A_1132 = arith.constant 768 : i32
      %add3A_1133 = vector.broadcast %add3A_1132 : i32 to vector<16xi32>
      %add3A_1134 = arith.addi %add3A_1077, %add3A_1133 : vector<16xi32>
      %add3A_1135 = arith.constant 768 : i32
      %add3A_1136 = arith.addi %mul3A_959, %add3A_1135 : i32
      %add3A_1137 = arith.constant 16 : i32
      %add3A_1138 = arith.addi %add3A_1136, %add3A_1137 : i32
      %swap3A_1139 = arith.index_cast %add3A_1138 : i32 to index
      %swap3A_1140 = tpu.vector_load %arg8[%swap3A_1139] {strides = array<i32>} : memref<40960xi32, #tpu.memory_space<vmem>>, vector<16xi32>,
      tpu.vector_store %arg8[%swap3A_1139], %add3A_1134 {strides = array<i32>} : memref<40960xi32, #tpu.memory_space<vmem>>, vector<16xi32>,
      %add3A_1141 = arith.constant 896 : i32
      %add3A_1142 = vector.broadcast %add3A_1141 : i32 to vector<16xi32>
      %add3A_1143 = arith.addi %add3A_1077, %add3A_1142 : vector<16xi32>
      %add3A_1144 = arith.constant 896 : i32
      %add3A_1145 = arith.addi %mul3A_959, %add3A_1144 : i32
      %add3A_1146 = arith.constant 16 : i32
      %add3A_1147 = arith.addi %add3A_1145, %add3A_1146 : i32
      %swap3A_1148 = arith.index_cast %add3A_1147 : i32 to index
      %swap3A_1149 = tpu.vector_load %arg8[%swap3A_1148] {strides = array<i32>} : memref<40960xi32, #tpu.memory_space<vmem>>, vector<16xi32>,
      tpu.vector_store %arg8[%swap3A_1148], %add3A_1143 {strides = array<i32>} : memref<40960xi32, #tpu.memory_space<vmem>>, vector<16xi32>,
      %mul3A_1150 = arith.constant 4096 : i32
      %mul3A_1151 = arith.muli %sub3A_951, %mul3A_1150 : i32
      %mul3A_1152 = arith.constant 128 : i32
      %mul3A_1153 = arith.muli %and3A_950, %mul3A_1152 : i32
      %add3A_1154 = arith.addi %mul3A_1151, %mul3A_1153 : i32
      %add3A_1155 = arith.constant 32 : i32
      %add3A_1156 = arith.addi %add3A_1154, %add3A_1155 : i32
      %get3A_1157 = arith.index_cast %add3A_1156 : i32 to index
      %get3A_1158 = tpu.vector_load %arg7[%get3A_1157] {strides = array<i32>} : memref<8192xi32, #tpu.memory_space<vmem>>, vector<16xi32>,
      %add3A_1159 = vector.broadcast %mul3A_955 : i32 to vector<16xi32>
      %add3A_1160 = arith.addi %get3A_1158, %add3A_1159 : vector<16xi32>
      %shift_right_arithmetic3A_1161 = arith.constant 7 : i32
      %shift_right_arithmetic3A_1162 = vector.broadcast %shift_right_arithmetic3A_1161 : i32 to vector<16xi32>
      %shift_right_arithmetic3A_1163 = arith.shrsi %add3A_1160, %shift_right_arithmetic3A_1162 : vector<16xi32>
      %shift_left3A_1164 = arith.constant 10 : i32
      %shift_left3A_1165 = vector.broadcast %shift_left3A_1164 : i32 to vector<16xi32>
      %shift_left3A_1166 = arith.shli %shift_right_arithmetic3A_1163, %shift_left3A_1165 : vector<16xi32>
      %and3A_1167 = arith.constant 127 : i32
      %and3A_1168 = vector.broadcast %and3A_1167 : i32 to vector<16xi32>
      %and3A_1169 = arith.andi %add3A_1160, %and3A_1168 : vector<16xi32>
      %add3A_1170 = arith.addi %shift_left3A_1166, %and3A_1169 : vector<16xi32>
      %add3A_1171 = vector.broadcast %mul3A_957 : i32 to vector<16xi32>
      %add3A_1172 = arith.addi %add3A_1170, %add3A_1171 : vector<16xi32>
      %add3A_1173 = arith.constant 0 : i32
      %add3A_1174 = vector.broadcast %add3A_1173 : i32 to vector<16xi32>
      %add3A_1175 = arith.addi %add3A_1172, %add3A_1174 : vector<16xi32>
      %add3A_1176 = arith.constant 0 : i32
      %add3A_1177 = arith.addi %mul3A_959, %add3A_1176 : i32
      %add3A_1178 = arith.constant 32 : i32
      %add3A_1179 = arith.addi %add3A_1177, %add3A_1178 : i32
      %swap3A_1180 = arith.index_cast %add3A_1179 : i32 to index
      %swap3A_1181 = tpu.vector_load %arg8[%swap3A_1180] {strides = array<i32>} : memref<40960xi32, #tpu.memory_space<vmem>>, vector<16xi32>,
      tpu.vector_store %arg8[%swap3A_1180], %add3A_1175 {strides = array<i32>} : memref<40960xi32, #tpu.memory_space<vmem>>, vector<16xi32>,
      %add3A_1182 = arith.constant 128 : i32
      %add3A_1183 = vector.broadcast %add3A_1182 : i32 to vector<16xi32>
      %add3A_1184 = arith.addi %add3A_1172, %add3A_1183 : vector<16xi32>
      %add3A_1185 = arith.constant 128 : i32
      %add3A_1186 = arith.addi %mul3A_959, %add3A_1185 : i32
      %add3A_1187 = arith.constant 32 : i32
      %add3A_1188 = arith.addi %add3A_1186, %add3A_1187 : i32
      %swap3A_1189 = arith.index_cast %add3A_1188 : i32 to index
      %swap3A_1190 = tpu.vector_load %arg8[%swap3A_1189] {strides = array<i32>} : memref<40960xi32, #tpu.memory_space<vmem>>, vector<16xi32>,
      tpu.vector_store %arg8[%swap3A_1189], %add3A_1184 {strides = array<i32>} : memref<40960xi32, #tpu.memory_space<vmem>>, vector<16xi32>,
      %add3A_1191 = arith.constant 256 : i32
      %add3A_1192 = vector.broadcast %add3A_1191 : i32 to vector<16xi32>
      %add3A_1193 = arith.addi %add3A_1172, %add3A_1192 : vector<16xi32>
      %add3A_1194 = arith.constant 256 : i32
      %add3A_1195 = arith.addi %mul3A_959, %add3A_1194 : i32
      %add3A_1196 = arith.constant 32 : i32
      %add3A_1197 = arith.addi %add3A_1195, %add3A_1196 : i32
      %swap3A_1198 = arith.index_cast %add3A_1197 : i32 to index
      %swap3A_1199 = tpu.vector_load %arg8[%swap3A_1198] {strides = array<i32>} : memref<40960xi32, #tpu.memory_space<vmem>>, vector<16xi32>,
      tpu.vector_store %arg8[%swap3A_1198], %add3A_1193 {strides = array<i32>} : memref<40960xi32, #tpu.memory_space<vmem>>, vector<16xi32>,
      %add3A_1200 = arith.constant 384 : i32
      %add3A_1201 = vector.broadcast %add3A_1200 : i32 to vector<16xi32>
      %add3A_1202 = arith.addi %add3A_1172, %add3A_1201 : vector<16xi32>
      %add3A_1203 = arith.constant 384 : i32
      %add3A_1204 = arith.addi %mul3A_959, %add3A_1203 : i32
      %add3A_1205 = arith.constant 32 : i32
      %add3A_1206 = arith.addi %add3A_1204, %add3A_1205 : i32
      %swap3A_1207 = arith.index_cast %add3A_1206 : i32 to index
      %swap3A_1208 = tpu.vector_load %arg8[%swap3A_1207] {strides = array<i32>} : memref<40960xi32, #tpu.memory_space<vmem>>, vector<16xi32>,
      tpu.vector_store %arg8[%swap3A_1207], %add3A_1202 {strides = array<i32>} : memref<40960xi32, #tpu.memory_space<vmem>>, vector<16xi32>,
      %add3A_1209 = arith.constant 512 : i32
      %add3A_1210 = vector.broadcast %add3A_1209 : i32 to vector<16xi32>
      %add3A_1211 = arith.addi %add3A_1172, %add3A_1210 : vector<16xi32>
      %add3A_1212 = arith.constant 512 : i32
      %add3A_1213 = arith.addi %mul3A_959, %add3A_1212 : i32
      %add3A_1214 = arith.constant 32 : i32
      %add3A_1215 = arith.addi %add3A_1213, %add3A_1214 : i32
      %swap3A_1216 = arith.index_cast %add3A_1215 : i32 to index
      %swap3A_1217 = tpu.vector_load %arg8[%swap3A_1216] {strides = array<i32>} : memref<40960xi32, #tpu.memory_space<vmem>>, vector<16xi32>,
      tpu.vector_store %arg8[%swap3A_1216], %add3A_1211 {strides = array<i32>} : memref<40960xi32, #tpu.memory_space<vmem>>, vector<16xi32>,
      %add3A_1218 = arith.constant 640 : i32
      %add3A_1219 = vector.broadcast %add3A_1218 : i32 to vector<16xi32>
      %add3A_1220 = arith.addi %add3A_1172, %add3A_1219 : vector<16xi32>
      %add3A_1221 = arith.constant 640 : i32
      %add3A_1222 = arith.addi %mul3A_959, %add3A_1221 : i32
      %add3A_1223 = arith.constant 32 : i32
      %add3A_1224 = arith.addi %add3A_1222, %add3A_1223 : i32
      %swap3A_1225 = arith.index_cast %add3A_1224 : i32 to index
      %swap3A_1226 = tpu.vector_load %arg8[%swap3A_1225] {strides = array<i32>} : memref<40960xi32, #tpu.memory_space<vmem>>, vector<16xi32>,
      tpu.vector_store %arg8[%swap3A_1225], %add3A_1220 {strides = array<i32>} : memref<40960xi32, #tpu.memory_space<vmem>>, vector<16xi32>,
      %add3A_1227 = arith.constant 768 : i32
      %add3A_1228 = vector.broadcast %add3A_1227 : i32 to vector<16xi32>
      %add3A_1229 = arith.addi %add3A_1172, %add3A_1228 : vector<16xi32>
      %add3A_1230 = arith.constant 768 : i32
      %add3A_1231 = arith.addi %mul3A_959, %add3A_1230 : i32
      %add3A_1232 = arith.constant 32 : i32
      %add3A_1233 = arith.addi %add3A_1231, %add3A_1232 : i32
      %swap3A_1234 = arith.index_cast %add3A_1233 : i32 to index
      %swap3A_1235 = tpu.vector_load %arg8[%swap3A_1234] {strides = array<i32>} : memref<40960xi32, #tpu.memory_space<vmem>>, vector<16xi32>,
      tpu.vector_store %arg8[%swap3A_1234], %add3A_1229 {strides = array<i32>} : memref<40960xi32, #tpu.memory_space<vmem>>, vector<16xi32>,
      %add3A_1236 = arith.constant 896 : i32
      %add3A_1237 = vector.broadcast %add3A_1236 : i32 to vector<16xi32>
      %add3A_1238 = arith.addi %add3A_1172, %add3A_1237 : vector<16xi32>
      %add3A_1239 = arith.constant 896 : i32
      %add3A_1240 = arith.addi %mul3A_959, %add3A_1239 : i32
      %add3A_1241 = arith.constant 32 : i32
      %add3A_1242 = arith.addi %add3A_1240, %add3A_1241 : i32
      %swap3A_1243 = arith.index_cast %add3A_1242 : i32 to index
      %swap3A_1244 = tpu.vector_load %arg8[%swap3A_1243] {strides = array<i32>} : memref<40960xi32, #tpu.memory_space<vmem>>, vector<16xi32>,
      tpu.vector_store %arg8[%swap3A_1243], %add3A_1238 {strides = array<i32>} : memref<40960xi32, #tpu.memory_space<vmem>>, vector<16xi32>,
      %mul3A_1245 = arith.constant 4096 : i32
      %mul3A_1246 = arith.muli %sub3A_951, %mul3A_1245 : i32
      %mul3A_1247 = arith.constant 128 : i32
      %mul3A_1248 = arith.muli %and3A_950, %mul3A_1247 : i32
      %add3A_1249 = arith.addi %mul3A_1246, %mul3A_1248 : i32
      %add3A_1250 = arith.constant 48 : i32
      %add3A_1251 = arith.addi %add3A_1249, %add3A_1250 : i32
      %get3A_1252 = arith.index_cast %add3A_1251 : i32 to index
      %get3A_1253 = tpu.vector_load %arg7[%get3A_1252] {strides = array<i32>} : memref<8192xi32, #tpu.memory_space<vmem>>, vector<16xi32>,
      %add3A_1254 = vector.broadcast %mul3A_955 : i32 to vector<16xi32>
      %add3A_1255 = arith.addi %get3A_1253, %add3A_1254 : vector<16xi32>
      %shift_right_arithmetic3A_1256 = arith.constant 7 : i32
      %shift_right_arithmetic3A_1257 = vector.broadcast %shift_right_arithmetic3A_1256 : i32 to vector<16xi32>
      %shift_right_arithmetic3A_1258 = arith.shrsi %add3A_1255, %shift_right_arithmetic3A_1257 : vector<16xi32>
      %shift_left3A_1259 = arith.constant 10 : i32
      %shift_left3A_1260 = vector.broadcast %shift_left3A_1259 : i32 to vector<16xi32>
      %shift_left3A_1261 = arith.shli %shift_right_arithmetic3A_1258, %shift_left3A_1260 : vector<16xi32>
      %and3A_1262 = arith.constant 127 : i32
      %and3A_1263 = vector.broadcast %and3A_1262 : i32 to vector<16xi32>
      %and3A_1264 = arith.andi %add3A_1255, %and3A_1263 : vector<16xi32>
      %add3A_1265 = arith.addi %shift_left3A_1261, %and3A_1264 : vector<16xi32>
      %add3A_1266 = vector.broadcast %mul3A_957 : i32 to vector<16xi32>
      %add3A_1267 = arith.addi %add3A_1265, %add3A_1266 : vector<16xi32>
      %add3A_1268 = arith.constant 0 : i32
      %add3A_1269 = vector.broadcast %add3A_1268 : i32 to vector<16xi32>
      %add3A_1270 = arith.addi %add3A_1267, %add3A_1269 : vector<16xi32>
      %add3A_1271 = arith.constant 0 : i32
      %add3A_1272 = arith.addi %mul3A_959, %add3A_1271 : i32
      %add3A_1273 = arith.constant 48 : i32
      %add3A_1274 = arith.addi %add3A_1272, %add3A_1273 : i32
      %swap3A_1275 = arith.index_cast %add3A_1274 : i32 to index
      %swap3A_1276 = tpu.vector_load %arg8[%swap3A_1275] {strides = array<i32>} : memref<40960xi32, #tpu.memory_space<vmem>>, vector<16xi32>,
      tpu.vector_store %arg8[%swap3A_1275], %add3A_1270 {strides = array<i32>} : memref<40960xi32, #tpu.memory_space<vmem>>, vector<16xi32>,
      %add3A_1277 = arith.constant 128 : i32
      %add3A_1278 = vector.broadcast %add3A_1277 : i32 to vector<16xi32>
      %add3A_1279 = arith.addi %add3A_1267, %add3A_1278 : vector<16xi32>
      %add3A_1280 = arith.constant 128 : i32
      %add3A_1281 = arith.addi %mul3A_959, %add3A_1280 : i32
      %add3A_1282 = arith.constant 48 : i32
      %add3A_1283 = arith.addi %add3A_1281, %add3A_1282 : i32
      %swap3A_1284 = arith.index_cast %add3A_1283 : i32 to index
      %swap3A_1285 = tpu.vector_load %arg8[%swap3A_1284] {strides = array<i32>} : memref<40960xi32, #tpu.memory_space<vmem>>, vector<16xi32>,
      tpu.vector_store %arg8[%swap3A_1284], %add3A_1279 {strides = array<i32>} : memref<40960xi32, #tpu.memory_space<vmem>>, vector<16xi32>,
      %add3A_1286 = arith.constant 256 : i32
      %add3A_1287 = vector.broadcast %add3A_1286 : i32 to vector<16xi32>
      %add3A_1288 = arith.addi %add3A_1267, %add3A_1287 : vector<16xi32>
      %add3A_1289 = arith.constant 256 : i32
      %add3A_1290 = arith.addi %mul3A_959, %add3A_1289 : i32
      %add3A_1291 = arith.constant 48 : i32
      %add3A_1292 = arith.addi %add3A_1290, %add3A_1291 : i32
      %swap3A_1293 = arith.index_cast %add3A_1292 : i32 to index
      %swap3A_1294 = tpu.vector_load %arg8[%swap3A_1293] {strides = array<i32>} : memref<40960xi32, #tpu.memory_space<vmem>>, vector<16xi32>,
      tpu.vector_store %arg8[%swap3A_1293], %add3A_1288 {strides = array<i32>} : memref<40960xi32, #tpu.memory_space<vmem>>, vector<16xi32>,
      %add3A_1295 = arith.constant 384 : i32
      %add3A_1296 = vector.broadcast %add3A_1295 : i32 to vector<16xi32>
      %add3A_1297 = arith.addi %add3A_1267, %add3A_1296 : vector<16xi32>
      %add3A_1298 = arith.constant 384 : i32
      %add3A_1299 = arith.addi %mul3A_959, %add3A_1298 : i32
      %add3A_1300 = arith.constant 48 : i32
      %add3A_1301 = arith.addi %add3A_1299, %add3A_1300 : i32
      %swap3A_1302 = arith.index_cast %add3A_1301 : i32 to index
      %swap3A_1303 = tpu.vector_load %arg8[%swap3A_1302] {strides = array<i32>} : memref<40960xi32, #tpu.memory_space<vmem>>, vector<16xi32>,
      tpu.vector_store %arg8[%swap3A_1302], %add3A_1297 {strides = array<i32>} : memref<40960xi32, #tpu.memory_space<vmem>>, vector<16xi32>,
      %add3A_1304 = arith.constant 512 : i32
      %add3A_1305 = vector.broadcast %add3A_1304 : i32 to vector<16xi32>
      %add3A_1306 = arith.addi %add3A_1267, %add3A_1305 : vector<16xi32>
      %add3A_1307 = arith.constant 512 : i32
      %add3A_1308 = arith.addi %mul3A_959, %add3A_1307 : i32
      %add3A_1309 = arith.constant 48 : i32
      %add3A_1310 = arith.addi %add3A_1308, %add3A_1309 : i32
      %swap3A_1311 = arith.index_cast %add3A_1310 : i32 to index
      %swap3A_1312 = tpu.vector_load %arg8[%swap3A_1311] {strides = array<i32>} : memref<40960xi32, #tpu.memory_space<vmem>>, vector<16xi32>,
      tpu.vector_store %arg8[%swap3A_1311], %add3A_1306 {strides = array<i32>} : memref<40960xi32, #tpu.memory_space<vmem>>, vector<16xi32>,
      %add3A_1313 = arith.constant 640 : i32
      %add3A_1314 = vector.broadcast %add3A_1313 : i32 to vector<16xi32>
      %add3A_1315 = arith.addi %add3A_1267, %add3A_1314 : vector<16xi32>
      %add3A_1316 = arith.constant 640 : i32
      %add3A_1317 = arith.addi %mul3A_959, %add3A_1316 : i32
      %add3A_1318 = arith.constant 48 : i32
      %add3A_1319 = arith.addi %add3A_1317, %add3A_1318 : i32
      %swap3A_1320 = arith.index_cast %add3A_1319 : i32 to index
      %swap3A_1321 = tpu.vector_load %arg8[%swap3A_1320] {strides = array<i32>} : memref<40960xi32, #tpu.memory_space<vmem>>, vector<16xi32>,
      tpu.vector_store %arg8[%swap3A_1320], %add3A_1315 {strides = array<i32>} : memref<40960xi32, #tpu.memory_space<vmem>>, vector<16xi32>,
      %add3A_1322 = arith.constant 768 : i32
      %add3A_1323 = vector.broadcast %add3A_1322 : i32 to vector<16xi32>
      %add3A_1324 = arith.addi %add3A_1267, %add3A_1323 : vector<16xi32>
      %add3A_1325 = arith.constant 768 : i32
      %add3A_1326 = arith.addi %mul3A_959, %add3A_1325 : i32
      %add3A_1327 = arith.constant 48 : i32
      %add3A_1328 = arith.addi %add3A_1326, %add3A_1327 : i32
      %swap3A_1329 = arith.index_cast %add3A_1328 : i32 to index
      %swap3A_1330 = tpu.vector_load %arg8[%swap3A_1329] {strides = array<i32>} : memref<40960xi32, #tpu.memory_space<vmem>>, vector<16xi32>,
      tpu.vector_store %arg8[%swap3A_1329], %add3A_1324 {strides = array<i32>} : memref<40960xi32, #tpu.memory_space<vmem>>, vector<16xi32>,
      %add3A_1331 = arith.constant 896 : i32
      %add3A_1332 = vector.broadcast %add3A_1331 : i32 to vector<16xi32>
      %add3A_1333 = arith.addi %add3A_1267, %add3A_1332 : vector<16xi32>
      %add3A_1334 = arith.constant 896 : i32
      %add3A_1335 = arith.addi %mul3A_959, %add3A_1334 : i32
      %add3A_1336 = arith.constant 48 : i32
      %add3A_1337 = arith.addi %add3A_1335, %add3A_1336 : i32
      %swap3A_1338 = arith.index_cast %add3A_1337 : i32 to index
      %swap3A_1339 = tpu.vector_load %arg8[%swap3A_1338] {strides = array<i32>} : memref<40960xi32, #tpu.memory_space<vmem>>, vector<16xi32>,
      tpu.vector_store %arg8[%swap3A_1338], %add3A_1333 {strides = array<i32>} : memref<40960xi32, #tpu.memory_space<vmem>>, vector<16xi32>,
      %mul3A_1340 = arith.constant 4096 : i32
      %mul3A_1341 = arith.muli %sub3A_951, %mul3A_1340 : i32
      %mul3A_1342 = arith.constant 128 : i32
      %mul3A_1343 = arith.muli %and3A_950, %mul3A_1342 : i32
      %add3A_1344 = arith.addi %mul3A_1341, %mul3A_1343 : i32
      %add3A_1345 = arith.constant 64 : i32
      %add3A_1346 = arith.addi %add3A_1344, %add3A_1345 : i32
      %get3A_1347 = arith.index_cast %add3A_1346 : i32 to index
      %get3A_1348 = tpu.vector_load %arg7[%get3A_1347] {strides = array<i32>} : memref<8192xi32, #tpu.memory_space<vmem>>, vector<16xi32>,
      %add3A_1349 = vector.broadcast %mul3A_955 : i32 to vector<16xi32>
      %add3A_1350 = arith.addi %get3A_1348, %add3A_1349 : vector<16xi32>
      %shift_right_arithmetic3A_1351 = arith.constant 7 : i32
      %shift_right_arithmetic3A_1352 = vector.broadcast %shift_right_arithmetic3A_1351 : i32 to vector<16xi32>
      %shift_right_arithmetic3A_1353 = arith.shrsi %add3A_1350, %shift_right_arithmetic3A_1352 : vector<16xi32>
      %shift_left3A_1354 = arith.constant 10 : i32
      %shift_left3A_1355 = vector.broadcast %shift_left3A_1354 : i32 to vector<16xi32>
      %shift_left3A_1356 = arith.shli %shift_right_arithmetic3A_1353, %shift_left3A_1355 : vector<16xi32>
      %and3A_1357 = arith.constant 127 : i32
      %and3A_1358 = vector.broadcast %and3A_1357 : i32 to vector<16xi32>
      %and3A_1359 = arith.andi %add3A_1350, %and3A_1358 : vector<16xi32>
      %add3A_1360 = arith.addi %shift_left3A_1356, %and3A_1359 : vector<16xi32>
      %add3A_1361 = vector.broadcast %mul3A_957 : i32 to vector<16xi32>
      %add3A_1362 = arith.addi %add3A_1360, %add3A_1361 : vector<16xi32>
      %add3A_1363 = arith.constant 0 : i32
      %add3A_1364 = vector.broadcast %add3A_1363 : i32 to vector<16xi32>
      %add3A_1365 = arith.addi %add3A_1362, %add3A_1364 : vector<16xi32>
      %add3A_1366 = arith.constant 0 : i32
      %add3A_1367 = arith.addi %mul3A_959, %add3A_1366 : i32
      %add3A_1368 = arith.constant 64 : i32
      %add3A_1369 = arith.addi %add3A_1367, %add3A_1368 : i32
      %swap3A_1370 = arith.index_cast %add3A_1369 : i32 to index
      %swap3A_1371 = tpu.vector_load %arg8[%swap3A_1370] {strides = array<i32>} : memref<40960xi32, #tpu.memory_space<vmem>>, vector<16xi32>,
      tpu.vector_store %arg8[%swap3A_1370], %add3A_1365 {strides = array<i32>} : memref<40960xi32, #tpu.memory_space<vmem>>, vector<16xi32>,
      %add3A_1372 = arith.constant 128 : i32
      %add3A_1373 = vector.broadcast %add3A_1372 : i32 to vector<16xi32>
      %add3A_1374 = arith.addi %add3A_1362, %add3A_1373 : vector<16xi32>
      %add3A_1375 = arith.constant 128 : i32
      %add3A_1376 = arith.addi %mul3A_959, %add3A_1375 : i32
      %add3A_1377 = arith.constant 64 : i32
      %add3A_1378 = arith.addi %add3A_1376, %add3A_1377 : i32
      %swap3A_1379 = arith.index_cast %add3A_1378 : i32 to index
      %swap3A_1380 = tpu.vector_load %arg8[%swap3A_1379] {strides = array<i32>} : memref<40960xi32, #tpu.memory_space<vmem>>, vector<16xi32>,
      tpu.vector_store %arg8[%swap3A_1379], %add3A_1374 {strides = array<i32>} : memref<40960xi32, #tpu.memory_space<vmem>>, vector<16xi32>,
      %add3A_1381 = arith.constant 256 : i32
      %add3A_1382 = vector.broadcast %add3A_1381 : i32 to vector<16xi32>
      %add3A_1383 = arith.addi %add3A_1362, %add3A_1382 : vector<16xi32>
      %add3A_1384 = arith.constant 256 : i32
      %add3A_1385 = arith.addi %mul3A_959, %add3A_1384 : i32
      %add3A_1386 = arith.constant 64 : i32
      %add3A_1387 = arith.addi %add3A_1385, %add3A_1386 : i32
      %swap3A_1388 = arith.index_cast %add3A_1387 : i32 to index
      %swap3A_1389 = tpu.vector_load %arg8[%swap3A_1388] {strides = array<i32>} : memref<40960xi32, #tpu.memory_space<vmem>>, vector<16xi32>,
      tpu.vector_store %arg8[%swap3A_1388], %add3A_1383 {strides = array<i32>} : memref<40960xi32, #tpu.memory_space<vmem>>, vector<16xi32>,
      %add3A_1390 = arith.constant 384 : i32
      %add3A_1391 = vector.broadcast %add3A_1390 : i32 to vector<16xi32>
      %add3A_1392 = arith.addi %add3A_1362, %add3A_1391 : vector<16xi32>
      %add3A_1393 = arith.constant 384 : i32
      %add3A_1394 = arith.addi %mul3A_959, %add3A_1393 : i32
      %add3A_1395 = arith.constant 64 : i32
      %add3A_1396 = arith.addi %add3A_1394, %add3A_1395 : i32
      %swap3A_1397 = arith.index_cast %add3A_1396 : i32 to index
      %swap3A_1398 = tpu.vector_load %arg8[%swap3A_1397] {strides = array<i32>} : memref<40960xi32, #tpu.memory_space<vmem>>, vector<16xi32>,
      tpu.vector_store %arg8[%swap3A_1397], %add3A_1392 {strides = array<i32>} : memref<40960xi32, #tpu.memory_space<vmem>>, vector<16xi32>,
      %add3A_1399 = arith.constant 512 : i32
      %add3A_1400 = vector.broadcast %add3A_1399 : i32 to vector<16xi32>
      %add3A_1401 = arith.addi %add3A_1362, %add3A_1400 : vector<16xi32>
      %add3A_1402 = arith.constant 512 : i32
      %add3A_1403 = arith.addi %mul3A_959, %add3A_1402 : i32
      %add3A_1404 = arith.constant 64 : i32
      %add3A_1405 = arith.addi %add3A_1403, %add3A_1404 : i32
      %swap3A_1406 = arith.index_cast %add3A_1405 : i32 to index
      %swap3A_1407 = tpu.vector_load %arg8[%swap3A_1406] {strides = array<i32>} : memref<40960xi32, #tpu.memory_space<vmem>>, vector<16xi32>,
      tpu.vector_store %arg8[%swap3A_1406], %add3A_1401 {strides = array<i32>} : memref<40960xi32, #tpu.memory_space<vmem>>, vector<16xi32>,
      %add3A_1408 = arith.constant 640 : i32
      %add3A_1409 = vector.broadcast %add3A_1408 : i32 to vector<16xi32>
      %add3A_1410 = arith.addi %add3A_1362, %add3A_1409 : vector<16xi32>
      %add3A_1411 = arith.constant 640 : i32
      %add3A_1412 = arith.addi %mul3A_959, %add3A_1411 : i32
      %add3A_1413 = arith.constant 64 : i32
      %add3A_1414 = arith.addi %add3A_1412, %add3A_1413 : i32
      %swap3A_1415 = arith.index_cast %add3A_1414 : i32 to index
      %swap3A_1416 = tpu.vector_load %arg8[%swap3A_1415] {strides = array<i32>} : memref<40960xi32, #tpu.memory_space<vmem>>, vector<16xi32>,
      tpu.vector_store %arg8[%swap3A_1415], %add3A_1410 {strides = array<i32>} : memref<40960xi32, #tpu.memory_space<vmem>>, vector<16xi32>,
      %add3A_1417 = arith.constant 768 : i32
      %add3A_1418 = vector.broadcast %add3A_1417 : i32 to vector<16xi32>
      %add3A_1419 = arith.addi %add3A_1362, %add3A_1418 : vector<16xi32>
      %add3A_1420 = arith.constant 768 : i32
      %add3A_1421 = arith.addi %mul3A_959, %add3A_1420 : i32
      %add3A_1422 = arith.constant 64 : i32
      %add3A_1423 = arith.addi %add3A_1421, %add3A_1422 : i32
      %swap3A_1424 = arith.index_cast %add3A_1423 : i32 to index
      %swap3A_1425 = tpu.vector_load %arg8[%swap3A_1424] {strides = array<i32>} : memref<40960xi32, #tpu.memory_space<vmem>>, vector<16xi32>,
      tpu.vector_store %arg8[%swap3A_1424], %add3A_1419 {strides = array<i32>} : memref<40960xi32, #tpu.memory_space<vmem>>, vector<16xi32>,
      %add3A_1426 = arith.constant 896 : i32
      %add3A_1427 = vector.broadcast %add3A_1426 : i32 to vector<16xi32>
      %add3A_1428 = arith.addi %add3A_1362, %add3A_1427 : vector<16xi32>
      %add3A_1429 = arith.constant 896 : i32
      %add3A_1430 = arith.addi %mul3A_959, %add3A_1429 : i32
      %add3A_1431 = arith.constant 64 : i32
      %add3A_1432 = arith.addi %add3A_1430, %add3A_1431 : i32
      %swap3A_1433 = arith.index_cast %add3A_1432 : i32 to index
      %swap3A_1434 = tpu.vector_load %arg8[%swap3A_1433] {strides = array<i32>} : memref<40960xi32, #tpu.memory_space<vmem>>, vector<16xi32>,
      tpu.vector_store %arg8[%swap3A_1433], %add3A_1428 {strides = array<i32>} : memref<40960xi32, #tpu.memory_space<vmem>>, vector<16xi32>,
      %mul3A_1435 = arith.constant 4096 : i32
      %mul3A_1436 = arith.muli %sub3A_951, %mul3A_1435 : i32
      %mul3A_1437 = arith.constant 128 : i32
      %mul3A_1438 = arith.muli %and3A_950, %mul3A_1437 : i32
      %add3A_1439 = arith.addi %mul3A_1436, %mul3A_1438 : i32
      %add3A_1440 = arith.constant 80 : i32
      %add3A_1441 = arith.addi %add3A_1439, %add3A_1440 : i32
      %get3A_1442 = arith.index_cast %add3A_1441 : i32 to index
      %get3A_1443 = tpu.vector_load %arg7[%get3A_1442] {strides = array<i32>} : memref<8192xi32, #tpu.memory_space<vmem>>, vector<16xi32>,
      %add3A_1444 = vector.broadcast %mul3A_955 : i32 to vector<16xi32>
      %add3A_1445 = arith.addi %get3A_1443, %add3A_1444 : vector<16xi32>
      %shift_right_arithmetic3A_1446 = arith.constant 7 : i32
      %shift_right_arithmetic3A_1447 = vector.broadcast %shift_right_arithmetic3A_1446 : i32 to vector<16xi32>
      %shift_right_arithmetic3A_1448 = arith.shrsi %add3A_1445, %shift_right_arithmetic3A_1447 : vector<16xi32>
      %shift_left3A_1449 = arith.constant 10 : i32
      %shift_left3A_1450 = vector.broadcast %shift_left3A_1449 : i32 to vector<16xi32>
      %shift_left3A_1451 = arith.shli %shift_right_arithmetic3A_1448, %shift_left3A_1450 : vector<16xi32>
      %and3A_1452 = arith.constant 127 : i32
      %and3A_1453 = vector.broadcast %and3A_1452 : i32 to vector<16xi32>
      %and3A_1454 = arith.andi %add3A_1445, %and3A_1453 : vector<16xi32>
      %add3A_1455 = arith.addi %shift_left3A_1451, %and3A_1454 : vector<16xi32>
      %add3A_1456 = vector.broadcast %mul3A_957 : i32 to vector<16xi32>
      %add3A_1457 = arith.addi %add3A_1455, %add3A_1456 : vector<16xi32>
      %add3A_1458 = arith.constant 0 : i32
      %add3A_1459 = vector.broadcast %add3A_1458 : i32 to vector<16xi32>
      %add3A_1460 = arith.addi %add3A_1457, %add3A_1459 : vector<16xi32>
      %add3A_1461 = arith.constant 0 : i32
      %add3A_1462 = arith.addi %mul3A_959, %add3A_1461 : i32
      %add3A_1463 = arith.constant 80 : i32
      %add3A_1464 = arith.addi %add3A_1462, %add3A_1463 : i32
      %swap3A_1465 = arith.index_cast %add3A_1464 : i32 to index
      %swap3A_1466 = tpu.vector_load %arg8[%swap3A_1465] {strides = array<i32>} : memref<40960xi32, #tpu.memory_space<vmem>>, vector<16xi32>,
      tpu.vector_store %arg8[%swap3A_1465], %add3A_1460 {strides = array<i32>} : memref<40960xi32, #tpu.memory_space<vmem>>, vector<16xi32>,
      %add3A_1467 = arith.constant 128 : i32
      %add3A_1468 = vector.broadcast %add3A_1467 : i32 to vector<16xi32>
      %add3A_1469 = arith.addi %add3A_1457, %add3A_1468 : vector<16xi32>
      %add3A_1470 = arith.constant 128 : i32
      %add3A_1471 = arith.addi %mul3A_959, %add3A_1470 : i32
      %add3A_1472 = arith.constant 80 : i32
      %add3A_1473 = arith.addi %add3A_1471, %add3A_1472 : i32
      %swap3A_1474 = arith.index_cast %add3A_1473 : i32 to index
      %swap3A_1475 = tpu.vector_load %arg8[%swap3A_1474] {strides = array<i32>} : memref<40960xi32, #tpu.memory_space<vmem>>, vector<16xi32>,
      tpu.vector_store %arg8[%swap3A_1474], %add3A_1469 {strides = array<i32>} : memref<40960xi32, #tpu.memory_space<vmem>>, vector<16xi32>,
      %add3A_1476 = arith.constant 256 : i32
      %add3A_1477 = vector.broadcast %add3A_1476 : i32 to vector<16xi32>
      %add3A_1478 = arith.addi %add3A_1457, %add3A_1477 : vector<16xi32>
      %add3A_1479 = arith.constant 256 : i32
      %add3A_1480 = arith.addi %mul3A_959, %add3A_1479 : i32
      %add3A_1481 = arith.constant 80 : i32
      %add3A_1482 = arith.addi %add3A_1480, %add3A_1481 : i32
      %swap3A_1483 = arith.index_cast %add3A_1482 : i32 to index
      %swap3A_1484 = tpu.vector_load %arg8[%swap3A_1483] {strides = array<i32>} : memref<40960xi32, #tpu.memory_space<vmem>>, vector<16xi32>,
      tpu.vector_store %arg8[%swap3A_1483], %add3A_1478 {strides = array<i32>} : memref<40960xi32, #tpu.memory_space<vmem>>, vector<16xi32>,
      %add3A_1485 = arith.constant 384 : i32
      %add3A_1486 = vector.broadcast %add3A_1485 : i32 to vector<16xi32>
      %add3A_1487 = arith.addi %add3A_1457, %add3A_1486 : vector<16xi32>
      %add3A_1488 = arith.constant 384 : i32
      %add3A_1489 = arith.addi %mul3A_959, %add3A_1488 : i32
      %add3A_1490 = arith.constant 80 : i32
      %add3A_1491 = arith.addi %add3A_1489, %add3A_1490 : i32
      %swap3A_1492 = arith.index_cast %add3A_1491 : i32 to index
      %swap3A_1493 = tpu.vector_load %arg8[%swap3A_1492] {strides = array<i32>} : memref<40960xi32, #tpu.memory_space<vmem>>, vector<16xi32>,
      tpu.vector_store %arg8[%swap3A_1492], %add3A_1487 {strides = array<i32>} : memref<40960xi32, #tpu.memory_space<vmem>>, vector<16xi32>,
      %add3A_1494 = arith.constant 512 : i32
      %add3A_1495 = vector.broadcast %add3A_1494 : i32 to vector<16xi32>
      %add3A_1496 = arith.addi %add3A_1457, %add3A_1495 : vector<16xi32>
      %add3A_1497 = arith.constant 512 : i32
      %add3A_1498 = arith.addi %mul3A_959, %add3A_1497 : i32
      %add3A_1499 = arith.constant 80 : i32
      %add3A_1500 = arith.addi %add3A_1498, %add3A_1499 : i32
      %swap3A_1501 = arith.index_cast %add3A_1500 : i32 to index
      %swap3A_1502 = tpu.vector_load %arg8[%swap3A_1501] {strides = array<i32>} : memref<40960xi32, #tpu.memory_space<vmem>>, vector<16xi32>,
      tpu.vector_store %arg8[%swap3A_1501], %add3A_1496 {strides = array<i32>} : memref<40960xi32, #tpu.memory_space<vmem>>, vector<16xi32>,
      %add3A_1503 = arith.constant 640 : i32
      %add3A_1504 = vector.broadcast %add3A_1503 : i32 to vector<16xi32>
      %add3A_1505 = arith.addi %add3A_1457, %add3A_1504 : vector<16xi32>
      %add3A_1506 = arith.constant 640 : i32
      %add3A_1507 = arith.addi %mul3A_959, %add3A_1506 : i32
      %add3A_1508 = arith.constant 80 : i32
      %add3A_1509 = arith.addi %add3A_1507, %add3A_1508 : i32
      %swap3A_1510 = arith.index_cast %add3A_1509 : i32 to index
      %swap3A_1511 = tpu.vector_load %arg8[%swap3A_1510] {strides = array<i32>} : memref<40960xi32, #tpu.memory_space<vmem>>, vector<16xi32>,
      tpu.vector_store %arg8[%swap3A_1510], %add3A_1505 {strides = array<i32>} : memref<40960xi32, #tpu.memory_space<vmem>>, vector<16xi32>,
      %add3A_1512 = arith.constant 768 : i32
      %add3A_1513 = vector.broadcast %add3A_1512 : i32 to vector<16xi32>
      %add3A_1514 = arith.addi %add3A_1457, %add3A_1513 : vector<16xi32>
      %add3A_1515 = arith.constant 768 : i32
      %add3A_1516 = arith.addi %mul3A_959, %add3A_1515 : i32
      %add3A_1517 = arith.constant 80 : i32
      %add3A_1518 = arith.addi %add3A_1516, %add3A_1517 : i32
      %swap3A_1519 = arith.index_cast %add3A_1518 : i32 to index
      %swap3A_1520 = tpu.vector_load %arg8[%swap3A_1519] {strides = array<i32>} : memref<40960xi32, #tpu.memory_space<vmem>>, vector<16xi32>,
      tpu.vector_store %arg8[%swap3A_1519], %add3A_1514 {strides = array<i32>} : memref<40960xi32, #tpu.memory_space<vmem>>, vector<16xi32>,
      %add3A_1521 = arith.constant 896 : i32
      %add3A_1522 = vector.broadcast %add3A_1521 : i32 to vector<16xi32>
      %add3A_1523 = arith.addi %add3A_1457, %add3A_1522 : vector<16xi32>
      %add3A_1524 = arith.constant 896 : i32
      %add3A_1525 = arith.addi %mul3A_959, %add3A_1524 : i32
      %add3A_1526 = arith.constant 80 : i32
      %add3A_1527 = arith.addi %add3A_1525, %add3A_1526 : i32
      %swap3A_1528 = arith.index_cast %add3A_1527 : i32 to index
      %swap3A_1529 = tpu.vector_load %arg8[%swap3A_1528] {strides = array<i32>} : memref<40960xi32, #tpu.memory_space<vmem>>, vector<16xi32>,
      tpu.vector_store %arg8[%swap3A_1528], %add3A_1523 {strides = array<i32>} : memref<40960xi32, #tpu.memory_space<vmem>>, vector<16xi32>,
      %mul3A_1530 = arith.constant 4096 : i32
      %mul3A_1531 = arith.muli %sub3A_951, %mul3A_1530 : i32
      %mul3A_1532 = arith.constant 128 : i32
      %mul3A_1533 = arith.muli %and3A_950, %mul3A_1532 : i32
      %add3A_1534 = arith.addi %mul3A_1531, %mul3A_1533 : i32
      %add3A_1535 = arith.constant 96 : i32
      %add3A_1536 = arith.addi %add3A_1534, %add3A_1535 : i32
      %get3A_1537 = arith.index_cast %add3A_1536 : i32 to index
      %get3A_1538 = tpu.vector_load %arg7[%get3A_1537] {strides = array<i32>} : memref<8192xi32, #tpu.memory_space<vmem>>, vector<16xi32>,
      %add3A_1539 = vector.broadcast %mul3A_955 : i32 to vector<16xi32>
      %add3A_1540 = arith.addi %get3A_1538, %add3A_1539 : vector<16xi32>
      %shift_right_arithmetic3A_1541 = arith.constant 7 : i32
      %shift_right_arithmetic3A_1542 = vector.broadcast %shift_right_arithmetic3A_1541 : i32 to vector<16xi32>
      %shift_right_arithmetic3A_1543 = arith.shrsi %add3A_1540, %shift_right_arithmetic3A_1542 : vector<16xi32>
      %shift_left3A_1544 = arith.constant 10 : i32
      %shift_left3A_1545 = vector.broadcast %shift_left3A_1544 : i32 to vector<16xi32>
      %shift_left3A_1546 = arith.shli %shift_right_arithmetic3A_1543, %shift_left3A_1545 : vector<16xi32>
      %and3A_1547 = arith.constant 127 : i32
      %and3A_1548 = vector.broadcast %and3A_1547 : i32 to vector<16xi32>
      %and3A_1549 = arith.andi %add3A_1540, %and3A_1548 : vector<16xi32>
      %add3A_1550 = arith.addi %shift_left3A_1546, %and3A_1549 : vector<16xi32>
      %add3A_1551 = vector.broadcast %mul3A_957 : i32 to vector<16xi32>
      %add3A_1552 = arith.addi %add3A_1550, %add3A_1551 : vector<16xi32>
      %add3A_1553 = arith.constant 0 : i32
      %add3A_1554 = vector.broadcast %add3A_1553 : i32 to vector<16xi32>
      %add3A_1555 = arith.addi %add3A_1552, %add3A_1554 : vector<16xi32>
      %add3A_1556 = arith.constant 0 : i32
      %add3A_1557 = arith.addi %mul3A_959, %add3A_1556 : i32
      %add3A_1558 = arith.constant 96 : i32
      %add3A_1559 = arith.addi %add3A_1557, %add3A_1558 : i32
      %swap3A_1560 = arith.index_cast %add3A_1559 : i32 to index
      %swap3A_1561 = tpu.vector_load %arg8[%swap3A_1560] {strides = array<i32>} : memref<40960xi32, #tpu.memory_space<vmem>>, vector<16xi32>,
      tpu.vector_store %arg8[%swap3A_1560], %add3A_1555 {strides = array<i32>} : memref<40960xi32, #tpu.memory_space<vmem>>, vector<16xi32>,
      %add3A_1562 = arith.constant 128 : i32
      %add3A_1563 = vector.broadcast %add3A_1562 : i32 to vector<16xi32>
      %add3A_1564 = arith.addi %add3A_1552, %add3A_1563 : vector<16xi32>
      %add3A_1565 = arith.constant 128 : i32
      %add3A_1566 = arith.addi %mul3A_959, %add3A_1565 : i32
      %add3A_1567 = arith.constant 96 : i32
      %add3A_1568 = arith.addi %add3A_1566, %add3A_1567 : i32
      %swap3A_1569 = arith.index_cast %add3A_1568 : i32 to index
      %swap3A_1570 = tpu.vector_load %arg8[%swap3A_1569] {strides = array<i32>} : memref<40960xi32, #tpu.memory_space<vmem>>, vector<16xi32>,
      tpu.vector_store %arg8[%swap3A_1569], %add3A_1564 {strides = array<i32>} : memref<40960xi32, #tpu.memory_space<vmem>>, vector<16xi32>,
      %add3A_1571 = arith.constant 256 : i32
      %add3A_1572 = vector.broadcast %add3A_1571 : i32 to vector<16xi32>
      %add3A_1573 = arith.addi %add3A_1552, %add3A_1572 : vector<16xi32>
      %add3A_1574 = arith.constant 256 : i32
      %add3A_1575 = arith.addi %mul3A_959, %add3A_1574 : i32
      %add3A_1576 = arith.constant 96 : i32
      %add3A_1577 = arith.addi %add3A_1575, %add3A_1576 : i32
      %swap3A_1578 = arith.index_cast %add3A_1577 : i32 to index
      %swap3A_1579 = tpu.vector_load %arg8[%swap3A_1578] {strides = array<i32>} : memref<40960xi32, #tpu.memory_space<vmem>>, vector<16xi32>,
      tpu.vector_store %arg8[%swap3A_1578], %add3A_1573 {strides = array<i32>} : memref<40960xi32, #tpu.memory_space<vmem>>, vector<16xi32>,
      %add3A_1580 = arith.constant 384 : i32
      %add3A_1581 = vector.broadcast %add3A_1580 : i32 to vector<16xi32>
      %add3A_1582 = arith.addi %add3A_1552, %add3A_1581 : vector<16xi32>
      %add3A_1583 = arith.constant 384 : i32
      %add3A_1584 = arith.addi %mul3A_959, %add3A_1583 : i32
      %add3A_1585 = arith.constant 96 : i32
      %add3A_1586 = arith.addi %add3A_1584, %add3A_1585 : i32
      %swap3A_1587 = arith.index_cast %add3A_1586 : i32 to index
      %swap3A_1588 = tpu.vector_load %arg8[%swap3A_1587] {strides = array<i32>} : memref<40960xi32, #tpu.memory_space<vmem>>, vector<16xi32>,
      tpu.vector_store %arg8[%swap3A_1587], %add3A_1582 {strides = array<i32>} : memref<40960xi32, #tpu.memory_space<vmem>>, vector<16xi32>,
      %add3A_1589 = arith.constant 512 : i32
      %add3A_1590 = vector.broadcast %add3A_1589 : i32 to vector<16xi32>
      %add3A_1591 = arith.addi %add3A_1552, %add3A_1590 : vector<16xi32>
      %add3A_1592 = arith.constant 512 : i32
      %add3A_1593 = arith.addi %mul3A_959, %add3A_1592 : i32
      %add3A_1594 = arith.constant 96 : i32
      %add3A_1595 = arith.addi %add3A_1593, %add3A_1594 : i32
      %swap3A_1596 = arith.index_cast %add3A_1595 : i32 to index
      %swap3A_1597 = tpu.vector_load %arg8[%swap3A_1596] {strides = array<i32>} : memref<40960xi32, #tpu.memory_space<vmem>>, vector<16xi32>,
      tpu.vector_store %arg8[%swap3A_1596], %add3A_1591 {strides = array<i32>} : memref<40960xi32, #tpu.memory_space<vmem>>, vector<16xi32>,
      %add3A_1598 = arith.constant 640 : i32
      %add3A_1599 = vector.broadcast %add3A_1598 : i32 to vector<16xi32>
      %add3A_1600 = arith.addi %add3A_1552, %add3A_1599 : vector<16xi32>
      %add3A_1601 = arith.constant 640 : i32
      %add3A_1602 = arith.addi %mul3A_959, %add3A_1601 : i32
      %add3A_1603 = arith.constant 96 : i32
      %add3A_1604 = arith.addi %add3A_1602, %add3A_1603 : i32
      %swap3A_1605 = arith.index_cast %add3A_1604 : i32 to index
      %swap3A_1606 = tpu.vector_load %arg8[%swap3A_1605] {strides = array<i32>} : memref<40960xi32, #tpu.memory_space<vmem>>, vector<16xi32>,
      tpu.vector_store %arg8[%swap3A_1605], %add3A_1600 {strides = array<i32>} : memref<40960xi32, #tpu.memory_space<vmem>>, vector<16xi32>,
      %add3A_1607 = arith.constant 768 : i32
      %add3A_1608 = vector.broadcast %add3A_1607 : i32 to vector<16xi32>
      %add3A_1609 = arith.addi %add3A_1552, %add3A_1608 : vector<16xi32>
      %add3A_1610 = arith.constant 768 : i32
      %add3A_1611 = arith.addi %mul3A_959, %add3A_1610 : i32
      %add3A_1612 = arith.constant 96 : i32
      %add3A_1613 = arith.addi %add3A_1611, %add3A_1612 : i32
      %swap3A_1614 = arith.index_cast %add3A_1613 : i32 to index
      %swap3A_1615 = tpu.vector_load %arg8[%swap3A_1614] {strides = array<i32>} : memref<40960xi32, #tpu.memory_space<vmem>>, vector<16xi32>,
      tpu.vector_store %arg8[%swap3A_1614], %add3A_1609 {strides = array<i32>} : memref<40960xi32, #tpu.memory_space<vmem>>, vector<16xi32>,
      %add3A_1616 = arith.constant 896 : i32
      %add3A_1617 = vector.broadcast %add3A_1616 : i32 to vector<16xi32>
      %add3A_1618 = arith.addi %add3A_1552, %add3A_1617 : vector<16xi32>
      %add3A_1619 = arith.constant 896 : i32
      %add3A_1620 = arith.addi %mul3A_959, %add3A_1619 : i32
      %add3A_1621 = arith.constant 96 : i32
      %add3A_1622 = arith.addi %add3A_1620, %add3A_1621 : i32
      %swap3A_1623 = arith.index_cast %add3A_1622 : i32 to index
      %swap3A_1624 = tpu.vector_load %arg8[%swap3A_1623] {strides = array<i32>} : memref<40960xi32, #tpu.memory_space<vmem>>, vector<16xi32>,
      tpu.vector_store %arg8[%swap3A_1623], %add3A_1618 {strides = array<i32>} : memref<40960xi32, #tpu.memory_space<vmem>>, vector<16xi32>,
      %mul3A_1625 = arith.constant 4096 : i32
      %mul3A_1626 = arith.muli %sub3A_951, %mul3A_1625 : i32
      %mul3A_1627 = arith.constant 128 : i32
      %mul3A_1628 = arith.muli %and3A_950, %mul3A_1627 : i32
      %add3A_1629 = arith.addi %mul3A_1626, %mul3A_1628 : i32
      %add3A_1630 = arith.constant 112 : i32
      %add3A_1631 = arith.addi %add3A_1629, %add3A_1630 : i32
      %get3A_1632 = arith.index_cast %add3A_1631 : i32 to index
      %get3A_1633 = tpu.vector_load %arg7[%get3A_1632] {strides = array<i32>} : memref<8192xi32, #tpu.memory_space<vmem>>, vector<16xi32>,
      %add3A_1634 = vector.broadcast %mul3A_955 : i32 to vector<16xi32>
      %add3A_1635 = arith.addi %get3A_1633, %add3A_1634 : vector<16xi32>
      %shift_right_arithmetic3A_1636 = arith.constant 7 : i32
      %shift_right_arithmetic3A_1637 = vector.broadcast %shift_right_arithmetic3A_1636 : i32 to vector<16xi32>
      %shift_right_arithmetic3A_1638 = arith.shrsi %add3A_1635, %shift_right_arithmetic3A_1637 : vector<16xi32>
      %shift_left3A_1639 = arith.constant 10 : i32
      %shift_left3A_1640 = vector.broadcast %shift_left3A_1639 : i32 to vector<16xi32>
      %shift_left3A_1641 = arith.shli %shift_right_arithmetic3A_1638, %shift_left3A_1640 : vector<16xi32>
      %and3A_1642 = arith.constant 127 : i32
      %and3A_1643 = vector.broadcast %and3A_1642 : i32 to vector<16xi32>
      %and3A_1644 = arith.andi %add3A_1635, %and3A_1643 : vector<16xi32>
      %add3A_1645 = arith.addi %shift_left3A_1641, %and3A_1644 : vector<16xi32>
      %add3A_1646 = vector.broadcast %mul3A_957 : i32 to vector<16xi32>
      %add3A_1647 = arith.addi %add3A_1645, %add3A_1646 : vector<16xi32>
      %add3A_1648 = arith.constant 0 : i32
      %add3A_1649 = vector.broadcast %add3A_1648 : i32 to vector<16xi32>
      %add3A_1650 = arith.addi %add3A_1647, %add3A_1649 : vector<16xi32>
      %add3A_1651 = arith.constant 0 : i32
      %add3A_1652 = arith.addi %mul3A_959, %add3A_1651 : i32
      %add3A_1653 = arith.constant 112 : i32
      %add3A_1654 = arith.addi %add3A_1652, %add3A_1653 : i32
      %swap3A_1655 = arith.index_cast %add3A_1654 : i32 to index
      %swap3A_1656 = tpu.vector_load %arg8[%swap3A_1655] {strides = array<i32>} : memref<40960xi32, #tpu.memory_space<vmem>>, vector<16xi32>,
      tpu.vector_store %arg8[%swap3A_1655], %add3A_1650 {strides = array<i32>} : memref<40960xi32, #tpu.memory_space<vmem>>, vector<16xi32>,
      %add3A_1657 = arith.constant 128 : i32
      %add3A_1658 = vector.broadcast %add3A_1657 : i32 to vector<16xi32>
      %add3A_1659 = arith.addi %add3A_1647, %add3A_1658 : vector<16xi32>
      %add3A_1660 = arith.constant 128 : i32
      %add3A_1661 = arith.addi %mul3A_959, %add3A_1660 : i32
      %add3A_1662 = arith.constant 112 : i32
      %add3A_1663 = arith.addi %add3A_1661, %add3A_1662 : i32
      %swap3A_1664 = arith.index_cast %add3A_1663 : i32 to index
      %swap3A_1665 = tpu.vector_load %arg8[%swap3A_1664] {strides = array<i32>} : memref<40960xi32, #tpu.memory_space<vmem>>, vector<16xi32>,
      tpu.vector_store %arg8[%swap3A_1664], %add3A_1659 {strides = array<i32>} : memref<40960xi32, #tpu.memory_space<vmem>>, vector<16xi32>,
      %add3A_1666 = arith.constant 256 : i32
      %add3A_1667 = vector.broadcast %add3A_1666 : i32 to vector<16xi32>
      %add3A_1668 = arith.addi %add3A_1647, %add3A_1667 : vector<16xi32>
      %add3A_1669 = arith.constant 256 : i32
      %add3A_1670 = arith.addi %mul3A_959, %add3A_1669 : i32
      %add3A_1671 = arith.constant 112 : i32
      %add3A_1672 = arith.addi %add3A_1670, %add3A_1671 : i32
      %swap3A_1673 = arith.index_cast %add3A_1672 : i32 to index
      %swap3A_1674 = tpu.vector_load %arg8[%swap3A_1673] {strides = array<i32>} : memref<40960xi32, #tpu.memory_space<vmem>>, vector<16xi32>,
      tpu.vector_store %arg8[%swap3A_1673], %add3A_1668 {strides = array<i32>} : memref<40960xi32, #tpu.memory_space<vmem>>, vector<16xi32>,
      %add3A_1675 = arith.constant 384 : i32
      %add3A_1676 = vector.broadcast %add3A_1675 : i32 to vector<16xi32>
      %add3A_1677 = arith.addi %add3A_1647, %add3A_1676 : vector<16xi32>
      %add3A_1678 = arith.constant 384 : i32
      %add3A_1679 = arith.addi %mul3A_959, %add3A_1678 : i32
      %add3A_1680 = arith.constant 112 : i32
      %add3A_1681 = arith.addi %add3A_1679, %add3A_1680 : i32
      %swap3A_1682 = arith.index_cast %add3A_1681 : i32 to index
      %swap3A_1683 = tpu.vector_load %arg8[%swap3A_1682] {strides = array<i32>} : memref<40960xi32, #tpu.memory_space<vmem>>, vector<16xi32>,
      tpu.vector_store %arg8[%swap3A_1682], %add3A_1677 {strides = array<i32>} : memref<40960xi32, #tpu.memory_space<vmem>>, vector<16xi32>,
      %add3A_1684 = arith.constant 512 : i32
      %add3A_1685 = vector.broadcast %add3A_1684 : i32 to vector<16xi32>
      %add3A_1686 = arith.addi %add3A_1647, %add3A_1685 : vector<16xi32>
      %add3A_1687 = arith.constant 512 : i32
      %add3A_1688 = arith.addi %mul3A_959, %add3A_1687 : i32
      %add3A_1689 = arith.constant 112 : i32
      %add3A_1690 = arith.addi %add3A_1688, %add3A_1689 : i32
      %swap3A_1691 = arith.index_cast %add3A_1690 : i32 to index
      %swap3A_1692 = tpu.vector_load %arg8[%swap3A_1691] {strides = array<i32>} : memref<40960xi32, #tpu.memory_space<vmem>>, vector<16xi32>,
      tpu.vector_store %arg8[%swap3A_1691], %add3A_1686 {strides = array<i32>} : memref<40960xi32, #tpu.memory_space<vmem>>, vector<16xi32>,
      %add3A_1693 = arith.constant 640 : i32
      %add3A_1694 = vector.broadcast %add3A_1693 : i32 to vector<16xi32>
      %add3A_1695 = arith.addi %add3A_1647, %add3A_1694 : vector<16xi32>
      %add3A_1696 = arith.constant 640 : i32
      %add3A_1697 = arith.addi %mul3A_959, %add3A_1696 : i32
      %add3A_1698 = arith.constant 112 : i32
      %add3A_1699 = arith.addi %add3A_1697, %add3A_1698 : i32
      %swap3A_1700 = arith.index_cast %add3A_1699 : i32 to index
      %swap3A_1701 = tpu.vector_load %arg8[%swap3A_1700] {strides = array<i32>} : memref<40960xi32, #tpu.memory_space<vmem>>, vector<16xi32>,
      tpu.vector_store %arg8[%swap3A_1700], %add3A_1695 {strides = array<i32>} : memref<40960xi32, #tpu.memory_space<vmem>>, vector<16xi32>,
      %add3A_1702 = arith.constant 768 : i32
      %add3A_1703 = vector.broadcast %add3A_1702 : i32 to vector<16xi32>
      %add3A_1704 = arith.addi %add3A_1647, %add3A_1703 : vector<16xi32>
      %add3A_1705 = arith.constant 768 : i32
      %add3A_1706 = arith.addi %mul3A_959, %add3A_1705 : i32
      %add3A_1707 = arith.constant 112 : i32
      %add3A_1708 = arith.addi %add3A_1706, %add3A_1707 : i32
      %swap3A_1709 = arith.index_cast %add3A_1708 : i32 to index
      %swap3A_1710 = tpu.vector_load %arg8[%swap3A_1709] {strides = array<i32>} : memref<40960xi32, #tpu.memory_space<vmem>>, vector<16xi32>,
      tpu.vector_store %arg8[%swap3A_1709], %add3A_1704 {strides = array<i32>} : memref<40960xi32, #tpu.memory_space<vmem>>, vector<16xi32>,
      %add3A_1711 = arith.constant 896 : i32
      %add3A_1712 = vector.broadcast %add3A_1711 : i32 to vector<16xi32>
      %add3A_1713 = arith.addi %add3A_1647, %add3A_1712 : vector<16xi32>
      %add3A_1714 = arith.constant 896 : i32
      %add3A_1715 = arith.addi %mul3A_959, %add3A_1714 : i32
      %add3A_1716 = arith.constant 112 : i32
      %add3A_1717 = arith.addi %add3A_1715, %add3A_1716 : i32
      %swap3A_1718 = arith.index_cast %add3A_1717 : i32 to index
      %swap3A_1719 = tpu.vector_load %arg8[%swap3A_1718] {strides = array<i32>} : memref<40960xi32, #tpu.memory_space<vmem>>, vector<16xi32>,
      tpu.vector_store %arg8[%swap3A_1718], %add3A_1713 {strides = array<i32>} : memref<40960xi32, #tpu.memory_space<vmem>>, vector<16xi32>,
      %mul3A_1720 = arith.constant 4 : i32
      %mul3A_1721 = arith.muli %scan3A_70, %mul3A_1720 : i32
      %add3A_1722 = arith.constant 2 : i32
      %add3A_1723 = arith.addi %mul3A_1721, %add3A_1722 : i32
      %add3A_1724 = arith.addi %mul3A_2, %add3A_1723 : i32
      %jit3A_1725 = arith.constant 64 : i32
      %div3A_1726 = arith.divsi %add3A_1724, %jit3A_1725 : i32
      %sign3A_1727 = arith.constant 0 : i32
      %sign3A_1728 = arith.cmpi sgt, %add3A_1724, %sign3A_1727 : i32
      %sign3A_1729 = arith.extui %sign3A_1728 : i1 to i32
      %sign3A_1730 = arith.constant 0 : i32
      %sign3A_1731 = arith.cmpi slt, %add3A_1724, %sign3A_1730 : i32
      %sign3A_1732 = arith.extui %sign3A_1731 : i1 to i32
      %sign3A_1733 = arith.subi %sign3A_1729, %sign3A_1732 : i32
      %sign3A_1734 = arith.constant 0 : i32
      %sign3A_1735 = arith.cmpi sgt, %jit3A_1725, %sign3A_1734 : i32
      %sign3A_1736 = arith.extui %sign3A_1735 : i1 to i32
      %sign3A_1737 = arith.constant 0 : i32
      %sign3A_1738 = arith.cmpi slt, %jit3A_1725, %sign3A_1737 : i32
      %sign3A_1739 = arith.extui %sign3A_1738 : i1 to i32
      %sign3A_1740 = arith.subi %sign3A_1736, %sign3A_1739 : i32
      %ne3A_1741 = arith.cmpi ne, %sign3A_1733, %sign3A_1740 : i32
      %rem3A_1742 = arith.remsi %add3A_1724, %jit3A_1725 : i32
      %ne3A_1743 = arith.constant 0 : i32
      %ne3A_1744 = arith.cmpi ne, %rem3A_1742, %ne3A_1743 : i32
      %and3A_1745 = arith.andi %ne3A_1741, %ne3A_1744 : i1
      %sub3A_1746 = arith.constant 1 : i32
      %sub3A_1747 = arith.subi %div3A_1726, %sub3A_1746 : i32
      %select_n3A_1748 = arith.select %and3A_1745, %sub3A_1747, %div3A_1726 : i32
      %jit3A_1749 = arith.constant 32 : i32
      %div3A_1750 = arith.divsi %add3A_1724, %jit3A_1749 : i32
      %sign3A_1751 = arith.constant 0 : i32
      %sign3A_1752 = arith.cmpi sgt, %add3A_1724, %sign3A_1751 : i32
      %sign3A_1753 = arith.extui %sign3A_1752 : i1 to i32
      %sign3A_1754 = arith.constant 0 : i32
      %sign3A_1755 = arith.cmpi slt, %add3A_1724, %sign3A_1754 : i32
      %sign3A_1756 = arith.extui %sign3A_1755 : i1 to i32
      %sign3A_1757 = arith.subi %sign3A_1753, %sign3A_1756 : i32
      %sign3A_1758 = arith.constant 0 : i32
      %sign3A_1759 = arith.cmpi sgt, %jit3A_1749, %sign3A_1758 : i32
      %sign3A_1760 = arith.extui %sign3A_1759 : i1 to i32
      %sign3A_1761 = arith.constant 0 : i32
      %sign3A_1762 = arith.cmpi slt, %jit3A_1749, %sign3A_1761 : i32
      %sign3A_1763 = arith.extui %sign3A_1762 : i1 to i32
      %sign3A_1764 = arith.subi %sign3A_1760, %sign3A_1763 : i32
      %ne3A_1765 = arith.cmpi ne, %sign3A_1757, %sign3A_1764 : i32
      %rem3A_1766 = arith.remsi %add3A_1724, %jit3A_1749 : i32
      %ne3A_1767 = arith.constant 0 : i32
      %ne3A_1768 = arith.cmpi ne, %rem3A_1766, %ne3A_1767 : i32
      %and3A_1769 = arith.andi %ne3A_1765, %ne3A_1768 : i1
      %sub3A_1770 = arith.constant 1 : i32
      %sub3A_1771 = arith.subi %div3A_1750, %sub3A_1770 : i32
      %select_n3A_1772 = arith.select %and3A_1769, %sub3A_1771, %div3A_1750 : i32
      %and3A_1773 = arith.constant 1 : i32
      %and3A_1774 = arith.andi %select_n3A_1772, %and3A_1773 : i32
      %and3A_1775 = arith.constant 31 : i32
      %and3A_1776 = arith.andi %add3A_1724, %and3A_1775 : i32
      %sub3A_1777 = arith.subi %select_n3A_1748, %min3A_19 : i32
      %add3A_1778 = arith.constant 6 : i32
      %add3A_1779 = arith.addi %add3A_1778, %select_n3A_1748 : i32
      %mul3A_1780 = arith.constant 40000 : i32
      %mul3A_1781 = arith.muli %add3A_1779, %mul3A_1780 : i32
      %mul3A_1782 = arith.constant 8320000 : i32
      %mul3A_1783 = arith.muli %and3A_1774, %mul3A_1782 : i32
      %mul3A_1784 = arith.constant 1024 : i32
      %mul3A_1785 = arith.muli %add3A_1723, %mul3A_1784 : i32
      %mul3A_1786 = arith.constant 4096 : i32
      %mul3A_1787 = arith.muli %sub3A_1777, %mul3A_1786 : i32
      %mul3A_1788 = arith.constant 128 : i32
      %mul3A_1789 = arith.muli %and3A_1776, %mul3A_1788 : i32
      %add3A_1790 = arith.addi %mul3A_1787, %mul3A_1789 : i32
      %add3A_1791 = arith.constant 0 : i32
      %add3A_1792 = arith.addi %add3A_1790, %add3A_1791 : i32
      %get3A_1793 = arith.index_cast %add3A_1792 : i32 to index
      %get3A_1794 = tpu.vector_load %arg7[%get3A_1793] {strides = array<i32>} : memref<8192xi32, #tpu.memory_space<vmem>>, vector<16xi32>,
      %add3A_1795 = vector.broadcast %mul3A_1781 : i32 to vector<16xi32>
      %add3A_1796 = arith.addi %get3A_1794, %add3A_1795 : vector<16xi32>
      %shift_right_arithmetic3A_1797 = arith.constant 7 : i32
      %shift_right_arithmetic3A_1798 = vector.broadcast %shift_right_arithmetic3A_1797 : i32 to vector<16xi32>
      %shift_right_arithmetic3A_1799 = arith.shrsi %add3A_1796, %shift_right_arithmetic3A_1798 : vector<16xi32>
      %shift_left3A_1800 = arith.constant 10 : i32
      %shift_left3A_1801 = vector.broadcast %shift_left3A_1800 : i32 to vector<16xi32>
      %shift_left3A_1802 = arith.shli %shift_right_arithmetic3A_1799, %shift_left3A_1801 : vector<16xi32>
      %and3A_1803 = arith.constant 127 : i32
      %and3A_1804 = vector.broadcast %and3A_1803 : i32 to vector<16xi32>
      %and3A_1805 = arith.andi %add3A_1796, %and3A_1804 : vector<16xi32>
      %add3A_1806 = arith.addi %shift_left3A_1802, %and3A_1805 : vector<16xi32>
      %add3A_1807 = vector.broadcast %mul3A_1783 : i32 to vector<16xi32>
      %add3A_1808 = arith.addi %add3A_1806, %add3A_1807 : vector<16xi32>
      %add3A_1809 = arith.constant 0 : i32
      %add3A_1810 = vector.broadcast %add3A_1809 : i32 to vector<16xi32>
      %add3A_1811 = arith.addi %add3A_1808, %add3A_1810 : vector<16xi32>
      %add3A_1812 = arith.constant 0 : i32
      %add3A_1813 = arith.addi %mul3A_1785, %add3A_1812 : i32
      %add3A_1814 = arith.constant 0 : i32
      %add3A_1815 = arith.addi %add3A_1813, %add3A_1814 : i32
      %swap3A_1816 = arith.index_cast %add3A_1815 : i32 to index
      %swap3A_1817 = tpu.vector_load %arg8[%swap3A_1816] {strides = array<i32>} : memref<40960xi32, #tpu.memory_space<vmem>>, vector<16xi32>,
      tpu.vector_store %arg8[%swap3A_1816], %add3A_1811 {strides = array<i32>} : memref<40960xi32, #tpu.memory_space<vmem>>, vector<16xi32>,
      %add3A_1818 = arith.constant 128 : i32
      %add3A_1819 = vector.broadcast %add3A_1818 : i32 to vector<16xi32>
      %add3A_1820 = arith.addi %add3A_1808, %add3A_1819 : vector<16xi32>
      %add3A_1821 = arith.constant 128 : i32
      %add3A_1822 = arith.addi %mul3A_1785, %add3A_1821 : i32
      %add3A_1823 = arith.constant 0 : i32
      %add3A_1824 = arith.addi %add3A_1822, %add3A_1823 : i32
      %swap3A_1825 = arith.index_cast %add3A_1824 : i32 to index
      %swap3A_1826 = tpu.vector_load %arg8[%swap3A_1825] {strides = array<i32>} : memref<40960xi32, #tpu.memory_space<vmem>>, vector<16xi32>,
      tpu.vector_store %arg8[%swap3A_1825], %add3A_1820 {strides = array<i32>} : memref<40960xi32, #tpu.memory_space<vmem>>, vector<16xi32>,
      %add3A_1827 = arith.constant 256 : i32
      %add3A_1828 = vector.broadcast %add3A_1827 : i32 to vector<16xi32>
      %add3A_1829 = arith.addi %add3A_1808, %add3A_1828 : vector<16xi32>
      %add3A_1830 = arith.constant 256 : i32
      %add3A_1831 = arith.addi %mul3A_1785, %add3A_1830 : i32
      %add3A_1832 = arith.constant 0 : i32
      %add3A_1833 = arith.addi %add3A_1831, %add3A_1832 : i32
      %swap3A_1834 = arith.index_cast %add3A_1833 : i32 to index
      %swap3A_1835 = tpu.vector_load %arg8[%swap3A_1834] {strides = array<i32>} : memref<40960xi32, #tpu.memory_space<vmem>>, vector<16xi32>,
      tpu.vector_store %arg8[%swap3A_1834], %add3A_1829 {strides = array<i32>} : memref<40960xi32, #tpu.memory_space<vmem>>, vector<16xi32>,
      %add3A_1836 = arith.constant 384 : i32
      %add3A_1837 = vector.broadcast %add3A_1836 : i32 to vector<16xi32>
      %add3A_1838 = arith.addi %add3A_1808, %add3A_1837 : vector<16xi32>
      %add3A_1839 = arith.constant 384 : i32
      %add3A_1840 = arith.addi %mul3A_1785, %add3A_1839 : i32
      %add3A_1841 = arith.constant 0 : i32
      %add3A_1842 = arith.addi %add3A_1840, %add3A_1841 : i32
      %swap3A_1843 = arith.index_cast %add3A_1842 : i32 to index
      %swap3A_1844 = tpu.vector_load %arg8[%swap3A_1843] {strides = array<i32>} : memref<40960xi32, #tpu.memory_space<vmem>>, vector<16xi32>,
      tpu.vector_store %arg8[%swap3A_1843], %add3A_1838 {strides = array<i32>} : memref<40960xi32, #tpu.memory_space<vmem>>, vector<16xi32>,
      %add3A_1845 = arith.constant 512 : i32
      %add3A_1846 = vector.broadcast %add3A_1845 : i32 to vector<16xi32>
      %add3A_1847 = arith.addi %add3A_1808, %add3A_1846 : vector<16xi32>
      %add3A_1848 = arith.constant 512 : i32
      %add3A_1849 = arith.addi %mul3A_1785, %add3A_1848 : i32
      %add3A_1850 = arith.constant 0 : i32
      %add3A_1851 = arith.addi %add3A_1849, %add3A_1850 : i32
      %swap3A_1852 = arith.index_cast %add3A_1851 : i32 to index
      %swap3A_1853 = tpu.vector_load %arg8[%swap3A_1852] {strides = array<i32>} : memref<40960xi32, #tpu.memory_space<vmem>>, vector<16xi32>,
      tpu.vector_store %arg8[%swap3A_1852], %add3A_1847 {strides = array<i32>} : memref<40960xi32, #tpu.memory_space<vmem>>, vector<16xi32>,
      %add3A_1854 = arith.constant 640 : i32
      %add3A_1855 = vector.broadcast %add3A_1854 : i32 to vector<16xi32>
      %add3A_1856 = arith.addi %add3A_1808, %add3A_1855 : vector<16xi32>
      %add3A_1857 = arith.constant 640 : i32
      %add3A_1858 = arith.addi %mul3A_1785, %add3A_1857 : i32
      %add3A_1859 = arith.constant 0 : i32
      %add3A_1860 = arith.addi %add3A_1858, %add3A_1859 : i32
      %swap3A_1861 = arith.index_cast %add3A_1860 : i32 to index
      %swap3A_1862 = tpu.vector_load %arg8[%swap3A_1861] {strides = array<i32>} : memref<40960xi32, #tpu.memory_space<vmem>>, vector<16xi32>,
      tpu.vector_store %arg8[%swap3A_1861], %add3A_1856 {strides = array<i32>} : memref<40960xi32, #tpu.memory_space<vmem>>, vector<16xi32>,
      %add3A_1863 = arith.constant 768 : i32
      %add3A_1864 = vector.broadcast %add3A_1863 : i32 to vector<16xi32>
      %add3A_1865 = arith.addi %add3A_1808, %add3A_1864 : vector<16xi32>
      %add3A_1866 = arith.constant 768 : i32
      %add3A_1867 = arith.addi %mul3A_1785, %add3A_1866 : i32
      %add3A_1868 = arith.constant 0 : i32
      %add3A_1869 = arith.addi %add3A_1867, %add3A_1868 : i32
      %swap3A_1870 = arith.index_cast %add3A_1869 : i32 to index
      %swap3A_1871 = tpu.vector_load %arg8[%swap3A_1870] {strides = array<i32>} : memref<40960xi32, #tpu.memory_space<vmem>>, vector<16xi32>,
      tpu.vector_store %arg8[%swap3A_1870], %add3A_1865 {strides = array<i32>} : memref<40960xi32, #tpu.memory_space<vmem>>, vector<16xi32>,
      %add3A_1872 = arith.constant 896 : i32
      %add3A_1873 = vector.broadcast %add3A_1872 : i32 to vector<16xi32>
      %add3A_1874 = arith.addi %add3A_1808, %add3A_1873 : vector<16xi32>
      %add3A_1875 = arith.constant 896 : i32
      %add3A_1876 = arith.addi %mul3A_1785, %add3A_1875 : i32
      %add3A_1877 = arith.constant 0 : i32
      %add3A_1878 = arith.addi %add3A_1876, %add3A_1877 : i32
      %swap3A_1879 = arith.index_cast %add3A_1878 : i32 to index
      %swap3A_1880 = tpu.vector_load %arg8[%swap3A_1879] {strides = array<i32>} : memref<40960xi32, #tpu.memory_space<vmem>>, vector<16xi32>,
      tpu.vector_store %arg8[%swap3A_1879], %add3A_1874 {strides = array<i32>} : memref<40960xi32, #tpu.memory_space<vmem>>, vector<16xi32>,
      %mul3A_1881 = arith.constant 4096 : i32
      %mul3A_1882 = arith.muli %sub3A_1777, %mul3A_1881 : i32
      %mul3A_1883 = arith.constant 128 : i32
      %mul3A_1884 = arith.muli %and3A_1776, %mul3A_1883 : i32
      %add3A_1885 = arith.addi %mul3A_1882, %mul3A_1884 : i32
      %add3A_1886 = arith.constant 16 : i32
      %add3A_1887 = arith.addi %add3A_1885, %add3A_1886 : i32
      %get3A_1888 = arith.index_cast %add3A_1887 : i32 to index
      %get3A_1889 = tpu.vector_load %arg7[%get3A_1888] {strides = array<i32>} : memref<8192xi32, #tpu.memory_space<vmem>>, vector<16xi32>,
      %add3A_1890 = vector.broadcast %mul3A_1781 : i32 to vector<16xi32>
      %add3A_1891 = arith.addi %get3A_1889, %add3A_1890 : vector<16xi32>
      %shift_right_arithmetic3A_1892 = arith.constant 7 : i32
      %shift_right_arithmetic3A_1893 = vector.broadcast %shift_right_arithmetic3A_1892 : i32 to vector<16xi32>
      %shift_right_arithmetic3A_1894 = arith.shrsi %add3A_1891, %shift_right_arithmetic3A_1893 : vector<16xi32>
      %shift_left3A_1895 = arith.constant 10 : i32
      %shift_left3A_1896 = vector.broadcast %shift_left3A_1895 : i32 to vector<16xi32>
      %shift_left3A_1897 = arith.shli %shift_right_arithmetic3A_1894, %shift_left3A_1896 : vector<16xi32>
      %and3A_1898 = arith.constant 127 : i32
      %and3A_1899 = vector.broadcast %and3A_1898 : i32 to vector<16xi32>
      %and3A_1900 = arith.andi %add3A_1891, %and3A_1899 : vector<16xi32>
      %add3A_1901 = arith.addi %shift_left3A_1897, %and3A_1900 : vector<16xi32>
      %add3A_1902 = vector.broadcast %mul3A_1783 : i32 to vector<16xi32>
      %add3A_1903 = arith.addi %add3A_1901, %add3A_1902 : vector<16xi32>
      %add3A_1904 = arith.constant 0 : i32
      %add3A_1905 = vector.broadcast %add3A_1904 : i32 to vector<16xi32>
      %add3A_1906 = arith.addi %add3A_1903, %add3A_1905 : vector<16xi32>
      %add3A_1907 = arith.constant 0 : i32
      %add3A_1908 = arith.addi %mul3A_1785, %add3A_1907 : i32
      %add3A_1909 = arith.constant 16 : i32
      %add3A_1910 = arith.addi %add3A_1908, %add3A_1909 : i32
      %swap3A_1911 = arith.index_cast %add3A_1910 : i32 to index
      %swap3A_1912 = tpu.vector_load %arg8[%swap3A_1911] {strides = array<i32>} : memref<40960xi32, #tpu.memory_space<vmem>>, vector<16xi32>,
      tpu.vector_store %arg8[%swap3A_1911], %add3A_1906 {strides = array<i32>} : memref<40960xi32, #tpu.memory_space<vmem>>, vector<16xi32>,
      %add3A_1913 = arith.constant 128 : i32
      %add3A_1914 = vector.broadcast %add3A_1913 : i32 to vector<16xi32>
      %add3A_1915 = arith.addi %add3A_1903, %add3A_1914 : vector<16xi32>
      %add3A_1916 = arith.constant 128 : i32
      %add3A_1917 = arith.addi %mul3A_1785, %add3A_1916 : i32
      %add3A_1918 = arith.constant 16 : i32
      %add3A_1919 = arith.addi %add3A_1917, %add3A_1918 : i32
      %swap3A_1920 = arith.index_cast %add3A_1919 : i32 to index
      %swap3A_1921 = tpu.vector_load %arg8[%swap3A_1920] {strides = array<i32>} : memref<40960xi32, #tpu.memory_space<vmem>>, vector<16xi32>,
      tpu.vector_store %arg8[%swap3A_1920], %add3A_1915 {strides = array<i32>} : memref<40960xi32, #tpu.memory_space<vmem>>, vector<16xi32>,
      %add3A_1922 = arith.constant 256 : i32
      %add3A_1923 = vector.broadcast %add3A_1922 : i32 to vector<16xi32>
      %add3A_1924 = arith.addi %add3A_1903, %add3A_1923 : vector<16xi32>
      %add3A_1925 = arith.constant 256 : i32
      %add3A_1926 = arith.addi %mul3A_1785, %add3A_1925 : i32
      %add3A_1927 = arith.constant 16 : i32
      %add3A_1928 = arith.addi %add3A_1926, %add3A_1927 : i32
      %swap3A_1929 = arith.index_cast %add3A_1928 : i32 to index
      %swap3A_1930 = tpu.vector_load %arg8[%swap3A_1929] {strides = array<i32>} : memref<40960xi32, #tpu.memory_space<vmem>>, vector<16xi32>,
      tpu.vector_store %arg8[%swap3A_1929], %add3A_1924 {strides = array<i32>} : memref<40960xi32, #tpu.memory_space<vmem>>, vector<16xi32>,
      %add3A_1931 = arith.constant 384 : i32
      %add3A_1932 = vector.broadcast %add3A_1931 : i32 to vector<16xi32>
      %add3A_1933 = arith.addi %add3A_1903, %add3A_1932 : vector<16xi32>
      %add3A_1934 = arith.constant 384 : i32
      %add3A_1935 = arith.addi %mul3A_1785, %add3A_1934 : i32
      %add3A_1936 = arith.constant 16 : i32
      %add3A_1937 = arith.addi %add3A_1935, %add3A_1936 : i32
      %swap3A_1938 = arith.index_cast %add3A_1937 : i32 to index
      %swap3A_1939 = tpu.vector_load %arg8[%swap3A_1938] {strides = array<i32>} : memref<40960xi32, #tpu.memory_space<vmem>>, vector<16xi32>,
      tpu.vector_store %arg8[%swap3A_1938], %add3A_1933 {strides = array<i32>} : memref<40960xi32, #tpu.memory_space<vmem>>, vector<16xi32>,
      %add3A_1940 = arith.constant 512 : i32
      %add3A_1941 = vector.broadcast %add3A_1940 : i32 to vector<16xi32>
      %add3A_1942 = arith.addi %add3A_1903, %add3A_1941 : vector<16xi32>
      %add3A_1943 = arith.constant 512 : i32
      %add3A_1944 = arith.addi %mul3A_1785, %add3A_1943 : i32
      %add3A_1945 = arith.constant 16 : i32
      %add3A_1946 = arith.addi %add3A_1944, %add3A_1945 : i32
      %swap3A_1947 = arith.index_cast %add3A_1946 : i32 to index
      %swap3A_1948 = tpu.vector_load %arg8[%swap3A_1947] {strides = array<i32>} : memref<40960xi32, #tpu.memory_space<vmem>>, vector<16xi32>,
      tpu.vector_store %arg8[%swap3A_1947], %add3A_1942 {strides = array<i32>} : memref<40960xi32, #tpu.memory_space<vmem>>, vector<16xi32>,
      %add3A_1949 = arith.constant 640 : i32
      %add3A_1950 = vector.broadcast %add3A_1949 : i32 to vector<16xi32>
      %add3A_1951 = arith.addi %add3A_1903, %add3A_1950 : vector<16xi32>
      %add3A_1952 = arith.constant 640 : i32
      %add3A_1953 = arith.addi %mul3A_1785, %add3A_1952 : i32
      %add3A_1954 = arith.constant 16 : i32
      %add3A_1955 = arith.addi %add3A_1953, %add3A_1954 : i32
      %swap3A_1956 = arith.index_cast %add3A_1955 : i32 to index
      %swap3A_1957 = tpu.vector_load %arg8[%swap3A_1956] {strides = array<i32>} : memref<40960xi32, #tpu.memory_space<vmem>>, vector<16xi32>,
      tpu.vector_store %arg8[%swap3A_1956], %add3A_1951 {strides = array<i32>} : memref<40960xi32, #tpu.memory_space<vmem>>, vector<16xi32>,
      %add3A_1958 = arith.constant 768 : i32
      %add3A_1959 = vector.broadcast %add3A_1958 : i32 to vector<16xi32>
      %add3A_1960 = arith.addi %add3A_1903, %add3A_1959 : vector<16xi32>
      %add3A_1961 = arith.constant 768 : i32
      %add3A_1962 = arith.addi %mul3A_1785, %add3A_1961 : i32
      %add3A_1963 = arith.constant 16 : i32
      %add3A_1964 = arith.addi %add3A_1962, %add3A_1963 : i32
      %swap3A_1965 = arith.index_cast %add3A_1964 : i32 to index
      %swap3A_1966 = tpu.vector_load %arg8[%swap3A_1965] {strides = array<i32>} : memref<40960xi32, #tpu.memory_space<vmem>>, vector<16xi32>,
      tpu.vector_store %arg8[%swap3A_1965], %add3A_1960 {strides = array<i32>} : memref<40960xi32, #tpu.memory_space<vmem>>, vector<16xi32>,
      %add3A_1967 = arith.constant 896 : i32
      %add3A_1968 = vector.broadcast %add3A_1967 : i32 to vector<16xi32>
      %add3A_1969 = arith.addi %add3A_1903, %add3A_1968 : vector<16xi32>
      %add3A_1970 = arith.constant 896 : i32
      %add3A_1971 = arith.addi %mul3A_1785, %add3A_1970 : i32
      %add3A_1972 = arith.constant 16 : i32
      %add3A_1973 = arith.addi %add3A_1971, %add3A_1972 : i32
      %swap3A_1974 = arith.index_cast %add3A_1973 : i32 to index
      %swap3A_1975 = tpu.vector_load %arg8[%swap3A_1974] {strides = array<i32>} : memref<40960xi32, #tpu.memory_space<vmem>>, vector<16xi32>,
      tpu.vector_store %arg8[%swap3A_1974], %add3A_1969 {strides = array<i32>} : memref<40960xi32, #tpu.memory_space<vmem>>, vector<16xi32>,
      %mul3A_1976 = arith.constant 4096 : i32
      %mul3A_1977 = arith.muli %sub3A_1777, %mul3A_1976 : i32
      %mul3A_1978 = arith.constant 128 : i32
      %mul3A_1979 = arith.muli %and3A_1776, %mul3A_1978 : i32
      %add3A_1980 = arith.addi %mul3A_1977, %mul3A_1979 : i32
      %add3A_1981 = arith.constant 32 : i32
      %add3A_1982 = arith.addi %add3A_1980, %add3A_1981 : i32
      %get3A_1983 = arith.index_cast %add3A_1982 : i32 to index
      %get3A_1984 = tpu.vector_load %arg7[%get3A_1983] {strides = array<i32>} : memref<8192xi32, #tpu.memory_space<vmem>>, vector<16xi32>,
      %add3A_1985 = vector.broadcast %mul3A_1781 : i32 to vector<16xi32>
      %add3A_1986 = arith.addi %get3A_1984, %add3A_1985 : vector<16xi32>
      %shift_right_arithmetic3A_1987 = arith.constant 7 : i32
      %shift_right_arithmetic3A_1988 = vector.broadcast %shift_right_arithmetic3A_1987 : i32 to vector<16xi32>
      %shift_right_arithmetic3A_1989 = arith.shrsi %add3A_1986, %shift_right_arithmetic3A_1988 : vector<16xi32>
      %shift_left3A_1990 = arith.constant 10 : i32
      %shift_left3A_1991 = vector.broadcast %shift_left3A_1990 : i32 to vector<16xi32>
      %shift_left3A_1992 = arith.shli %shift_right_arithmetic3A_1989, %shift_left3A_1991 : vector<16xi32>
      %and3A_1993 = arith.constant 127 : i32
      %and3A_1994 = vector.broadcast %and3A_1993 : i32 to vector<16xi32>
      %and3A_1995 = arith.andi %add3A_1986, %and3A_1994 : vector<16xi32>
      %add3A_1996 = arith.addi %shift_left3A_1992, %and3A_1995 : vector<16xi32>
      %add3A_1997 = vector.broadcast %mul3A_1783 : i32 to vector<16xi32>
      %add3A_1998 = arith.addi %add3A_1996, %add3A_1997 : vector<16xi32>
      %add3A_1999 = arith.constant 0 : i32
      %add3A_2000 = vector.broadcast %add3A_1999 : i32 to vector<16xi32>
      %add3A_2001 = arith.addi %add3A_1998, %add3A_2000 : vector<16xi32>
      %add3A_2002 = arith.constant 0 : i32
      %add3A_2003 = arith.addi %mul3A_1785, %add3A_2002 : i32
      %add3A_2004 = arith.constant 32 : i32
      %add3A_2005 = arith.addi %add3A_2003, %add3A_2004 : i32
      %swap3A_2006 = arith.index_cast %add3A_2005 : i32 to index
      %swap3A_2007 = tpu.vector_load %arg8[%swap3A_2006] {strides = array<i32>} : memref<40960xi32, #tpu.memory_space<vmem>>, vector<16xi32>,
      tpu.vector_store %arg8[%swap3A_2006], %add3A_2001 {strides = array<i32>} : memref<40960xi32, #tpu.memory_space<vmem>>, vector<16xi32>,
      %add3A_2008 = arith.constant 128 : i32
      %add3A_2009 = vector.broadcast %add3A_2008 : i32 to vector<16xi32>
      %add3A_2010 = arith.addi %add3A_1998, %add3A_2009 : vector<16xi32>
      %add3A_2011 = arith.constant 128 : i32
      %add3A_2012 = arith.addi %mul3A_1785, %add3A_2011 : i32
      %add3A_2013 = arith.constant 32 : i32
      %add3A_2014 = arith.addi %add3A_2012, %add3A_2013 : i32
      %swap3A_2015 = arith.index_cast %add3A_2014 : i32 to index
      %swap3A_2016 = tpu.vector_load %arg8[%swap3A_2015] {strides = array<i32>} : memref<40960xi32, #tpu.memory_space<vmem>>, vector<16xi32>,
      tpu.vector_store %arg8[%swap3A_2015], %add3A_2010 {strides = array<i32>} : memref<40960xi32, #tpu.memory_space<vmem>>, vector<16xi32>,
      %add3A_2017 = arith.constant 256 : i32
      %add3A_2018 = vector.broadcast %add3A_2017 : i32 to vector<16xi32>
      %add3A_2019 = arith.addi %add3A_1998, %add3A_2018 : vector<16xi32>
      %add3A_2020 = arith.constant 256 : i32
      %add3A_2021 = arith.addi %mul3A_1785, %add3A_2020 : i32
      %add3A_2022 = arith.constant 32 : i32
      %add3A_2023 = arith.addi %add3A_2021, %add3A_2022 : i32
      %swap3A_2024 = arith.index_cast %add3A_2023 : i32 to index
      %swap3A_2025 = tpu.vector_load %arg8[%swap3A_2024] {strides = array<i32>} : memref<40960xi32, #tpu.memory_space<vmem>>, vector<16xi32>,
      tpu.vector_store %arg8[%swap3A_2024], %add3A_2019 {strides = array<i32>} : memref<40960xi32, #tpu.memory_space<vmem>>, vector<16xi32>,
      %add3A_2026 = arith.constant 384 : i32
      %add3A_2027 = vector.broadcast %add3A_2026 : i32 to vector<16xi32>
      %add3A_2028 = arith.addi %add3A_1998, %add3A_2027 : vector<16xi32>
      %add3A_2029 = arith.constant 384 : i32
      %add3A_2030 = arith.addi %mul3A_1785, %add3A_2029 : i32
      %add3A_2031 = arith.constant 32 : i32
      %add3A_2032 = arith.addi %add3A_2030, %add3A_2031 : i32
      %swap3A_2033 = arith.index_cast %add3A_2032 : i32 to index
      %swap3A_2034 = tpu.vector_load %arg8[%swap3A_2033] {strides = array<i32>} : memref<40960xi32, #tpu.memory_space<vmem>>, vector<16xi32>,
      tpu.vector_store %arg8[%swap3A_2033], %add3A_2028 {strides = array<i32>} : memref<40960xi32, #tpu.memory_space<vmem>>, vector<16xi32>,
      %add3A_2035 = arith.constant 512 : i32
      %add3A_2036 = vector.broadcast %add3A_2035 : i32 to vector<16xi32>
      %add3A_2037 = arith.addi %add3A_1998, %add3A_2036 : vector<16xi32>
      %add3A_2038 = arith.constant 512 : i32
      %add3A_2039 = arith.addi %mul3A_1785, %add3A_2038 : i32
      %add3A_2040 = arith.constant 32 : i32
      %add3A_2041 = arith.addi %add3A_2039, %add3A_2040 : i32
      %swap3A_2042 = arith.index_cast %add3A_2041 : i32 to index
      %swap3A_2043 = tpu.vector_load %arg8[%swap3A_2042] {strides = array<i32>} : memref<40960xi32, #tpu.memory_space<vmem>>, vector<16xi32>,
      tpu.vector_store %arg8[%swap3A_2042], %add3A_2037 {strides = array<i32>} : memref<40960xi32, #tpu.memory_space<vmem>>, vector<16xi32>,
      %add3A_2044 = arith.constant 640 : i32
      %add3A_2045 = vector.broadcast %add3A_2044 : i32 to vector<16xi32>
      %add3A_2046 = arith.addi %add3A_1998, %add3A_2045 : vector<16xi32>
      %add3A_2047 = arith.constant 640 : i32
      %add3A_2048 = arith.addi %mul3A_1785, %add3A_2047 : i32
      %add3A_2049 = arith.constant 32 : i32
      %add3A_2050 = arith.addi %add3A_2048, %add3A_2049 : i32
      %swap3A_2051 = arith.index_cast %add3A_2050 : i32 to index
      %swap3A_2052 = tpu.vector_load %arg8[%swap3A_2051] {strides = array<i32>} : memref<40960xi32, #tpu.memory_space<vmem>>, vector<16xi32>,
      tpu.vector_store %arg8[%swap3A_2051], %add3A_2046 {strides = array<i32>} : memref<40960xi32, #tpu.memory_space<vmem>>, vector<16xi32>,
      %add3A_2053 = arith.constant 768 : i32
      %add3A_2054 = vector.broadcast %add3A_2053 : i32 to vector<16xi32>
      %add3A_2055 = arith.addi %add3A_1998, %add3A_2054 : vector<16xi32>
      %add3A_2056 = arith.constant 768 : i32
      %add3A_2057 = arith.addi %mul3A_1785, %add3A_2056 : i32
      %add3A_2058 = arith.constant 32 : i32
      %add3A_2059 = arith.addi %add3A_2057, %add3A_2058 : i32
      %swap3A_2060 = arith.index_cast %add3A_2059 : i32 to index
      %swap3A_2061 = tpu.vector_load %arg8[%swap3A_2060] {strides = array<i32>} : memref<40960xi32, #tpu.memory_space<vmem>>, vector<16xi32>,
      tpu.vector_store %arg8[%swap3A_2060], %add3A_2055 {strides = array<i32>} : memref<40960xi32, #tpu.memory_space<vmem>>, vector<16xi32>,
      %add3A_2062 = arith.constant 896 : i32
      %add3A_2063 = vector.broadcast %add3A_2062 : i32 to vector<16xi32>
      %add3A_2064 = arith.addi %add3A_1998, %add3A_2063 : vector<16xi32>
      %add3A_2065 = arith.constant 896 : i32
      %add3A_2066 = arith.addi %mul3A_1785, %add3A_2065 : i32
      %add3A_2067 = arith.constant 32 : i32
      %add3A_2068 = arith.addi %add3A_2066, %add3A_2067 : i32
      %swap3A_2069 = arith.index_cast %add3A_2068 : i32 to index
      %swap3A_2070 = tpu.vector_load %arg8[%swap3A_2069] {strides = array<i32>} : memref<40960xi32, #tpu.memory_space<vmem>>, vector<16xi32>,
      tpu.vector_store %arg8[%swap3A_2069], %add3A_2064 {strides = array<i32>} : memref<40960xi32, #tpu.memory_space<vmem>>, vector<16xi32>,
      %mul3A_2071 = arith.constant 4096 : i32
      %mul3A_2072 = arith.muli %sub3A_1777, %mul3A_2071 : i32
      %mul3A_2073 = arith.constant 128 : i32
      %mul3A_2074 = arith.muli %and3A_1776, %mul3A_2073 : i32
      %add3A_2075 = arith.addi %mul3A_2072, %mul3A_2074 : i32
      %add3A_2076 = arith.constant 48 : i32
      %add3A_2077 = arith.addi %add3A_2075, %add3A_2076 : i32
      %get3A_2078 = arith.index_cast %add3A_2077 : i32 to index
      %get3A_2079 = tpu.vector_load %arg7[%get3A_2078] {strides = array<i32>} : memref<8192xi32, #tpu.memory_space<vmem>>, vector<16xi32>,
      %add3A_2080 = vector.broadcast %mul3A_1781 : i32 to vector<16xi32>
      %add3A_2081 = arith.addi %get3A_2079, %add3A_2080 : vector<16xi32>
      %shift_right_arithmetic3A_2082 = arith.constant 7 : i32
      %shift_right_arithmetic3A_2083 = vector.broadcast %shift_right_arithmetic3A_2082 : i32 to vector<16xi32>
      %shift_right_arithmetic3A_2084 = arith.shrsi %add3A_2081, %shift_right_arithmetic3A_2083 : vector<16xi32>
      %shift_left3A_2085 = arith.constant 10 : i32
      %shift_left3A_2086 = vector.broadcast %shift_left3A_2085 : i32 to vector<16xi32>
      %shift_left3A_2087 = arith.shli %shift_right_arithmetic3A_2084, %shift_left3A_2086 : vector<16xi32>
      %and3A_2088 = arith.constant 127 : i32
      %and3A_2089 = vector.broadcast %and3A_2088 : i32 to vector<16xi32>
      %and3A_2090 = arith.andi %add3A_2081, %and3A_2089 : vector<16xi32>
      %add3A_2091 = arith.addi %shift_left3A_2087, %and3A_2090 : vector<16xi32>
      %add3A_2092 = vector.broadcast %mul3A_1783 : i32 to vector<16xi32>
      %add3A_2093 = arith.addi %add3A_2091, %add3A_2092 : vector<16xi32>
      %add3A_2094 = arith.constant 0 : i32
      %add3A_2095 = vector.broadcast %add3A_2094 : i32 to vector<16xi32>
      %add3A_2096 = arith.addi %add3A_2093, %add3A_2095 : vector<16xi32>
      %add3A_2097 = arith.constant 0 : i32
      %add3A_2098 = arith.addi %mul3A_1785, %add3A_2097 : i32
      %add3A_2099 = arith.constant 48 : i32
      %add3A_2100 = arith.addi %add3A_2098, %add3A_2099 : i32
      %swap3A_2101 = arith.index_cast %add3A_2100 : i32 to index
      %swap3A_2102 = tpu.vector_load %arg8[%swap3A_2101] {strides = array<i32>} : memref<40960xi32, #tpu.memory_space<vmem>>, vector<16xi32>,
      tpu.vector_store %arg8[%swap3A_2101], %add3A_2096 {strides = array<i32>} : memref<40960xi32, #tpu.memory_space<vmem>>, vector<16xi32>,
      %add3A_2103 = arith.constant 128 : i32
      %add3A_2104 = vector.broadcast %add3A_2103 : i32 to vector<16xi32>
      %add3A_2105 = arith.addi %add3A_2093, %add3A_2104 : vector<16xi32>
      %add3A_2106 = arith.constant 128 : i32
      %add3A_2107 = arith.addi %mul3A_1785, %add3A_2106 : i32
      %add3A_2108 = arith.constant 48 : i32
      %add3A_2109 = arith.addi %add3A_2107, %add3A_2108 : i32
      %swap3A_2110 = arith.index_cast %add3A_2109 : i32 to index
      %swap3A_2111 = tpu.vector_load %arg8[%swap3A_2110] {strides = array<i32>} : memref<40960xi32, #tpu.memory_space<vmem>>, vector<16xi32>,
      tpu.vector_store %arg8[%swap3A_2110], %add3A_2105 {strides = array<i32>} : memref<40960xi32, #tpu.memory_space<vmem>>, vector<16xi32>,
      %add3A_2112 = arith.constant 256 : i32
      %add3A_2113 = vector.broadcast %add3A_2112 : i32 to vector<16xi32>
      %add3A_2114 = arith.addi %add3A_2093, %add3A_2113 : vector<16xi32>
      %add3A_2115 = arith.constant 256 : i32
      %add3A_2116 = arith.addi %mul3A_1785, %add3A_2115 : i32
      %add3A_2117 = arith.constant 48 : i32
      %add3A_2118 = arith.addi %add3A_2116, %add3A_2117 : i32
      %swap3A_2119 = arith.index_cast %add3A_2118 : i32 to index
      %swap3A_2120 = tpu.vector_load %arg8[%swap3A_2119] {strides = array<i32>} : memref<40960xi32, #tpu.memory_space<vmem>>, vector<16xi32>,
      tpu.vector_store %arg8[%swap3A_2119], %add3A_2114 {strides = array<i32>} : memref<40960xi32, #tpu.memory_space<vmem>>, vector<16xi32>,
      %add3A_2121 = arith.constant 384 : i32
      %add3A_2122 = vector.broadcast %add3A_2121 : i32 to vector<16xi32>
      %add3A_2123 = arith.addi %add3A_2093, %add3A_2122 : vector<16xi32>
      %add3A_2124 = arith.constant 384 : i32
      %add3A_2125 = arith.addi %mul3A_1785, %add3A_2124 : i32
      %add3A_2126 = arith.constant 48 : i32
      %add3A_2127 = arith.addi %add3A_2125, %add3A_2126 : i32
      %swap3A_2128 = arith.index_cast %add3A_2127 : i32 to index
      %swap3A_2129 = tpu.vector_load %arg8[%swap3A_2128] {strides = array<i32>} : memref<40960xi32, #tpu.memory_space<vmem>>, vector<16xi32>,
      tpu.vector_store %arg8[%swap3A_2128], %add3A_2123 {strides = array<i32>} : memref<40960xi32, #tpu.memory_space<vmem>>, vector<16xi32>,
      %add3A_2130 = arith.constant 512 : i32
      %add3A_2131 = vector.broadcast %add3A_2130 : i32 to vector<16xi32>
      %add3A_2132 = arith.addi %add3A_2093, %add3A_2131 : vector<16xi32>
      %add3A_2133 = arith.constant 512 : i32
      %add3A_2134 = arith.addi %mul3A_1785, %add3A_2133 : i32
      %add3A_2135 = arith.constant 48 : i32
      %add3A_2136 = arith.addi %add3A_2134, %add3A_2135 : i32
      %swap3A_2137 = arith.index_cast %add3A_2136 : i32 to index
      %swap3A_2138 = tpu.vector_load %arg8[%swap3A_2137] {strides = array<i32>} : memref<40960xi32, #tpu.memory_space<vmem>>, vector<16xi32>,
      tpu.vector_store %arg8[%swap3A_2137], %add3A_2132 {strides = array<i32>} : memref<40960xi32, #tpu.memory_space<vmem>>, vector<16xi32>,
      %add3A_2139 = arith.constant 640 : i32
      %add3A_2140 = vector.broadcast %add3A_2139 : i32 to vector<16xi32>
      %add3A_2141 = arith.addi %add3A_2093, %add3A_2140 : vector<16xi32>
      %add3A_2142 = arith.constant 640 : i32
      %add3A_2143 = arith.addi %mul3A_1785, %add3A_2142 : i32
      %add3A_2144 = arith.constant 48 : i32
      %add3A_2145 = arith.addi %add3A_2143, %add3A_2144 : i32
      %swap3A_2146 = arith.index_cast %add3A_2145 : i32 to index
      %swap3A_2147 = tpu.vector_load %arg8[%swap3A_2146] {strides = array<i32>} : memref<40960xi32, #tpu.memory_space<vmem>>, vector<16xi32>,
      tpu.vector_store %arg8[%swap3A_2146], %add3A_2141 {strides = array<i32>} : memref<40960xi32, #tpu.memory_space<vmem>>, vector<16xi32>,
      %add3A_2148 = arith.constant 768 : i32
      %add3A_2149 = vector.broadcast %add3A_2148 : i32 to vector<16xi32>
      %add3A_2150 = arith.addi %add3A_2093, %add3A_2149 : vector<16xi32>
      %add3A_2151 = arith.constant 768 : i32
      %add3A_2152 = arith.addi %mul3A_1785, %add3A_2151 : i32
      %add3A_2153 = arith.constant 48 : i32
      %add3A_2154 = arith.addi %add3A_2152, %add3A_2153 : i32
      %swap3A_2155 = arith.index_cast %add3A_2154 : i32 to index
      %swap3A_2156 = tpu.vector_load %arg8[%swap3A_2155] {strides = array<i32>} : memref<40960xi32, #tpu.memory_space<vmem>>, vector<16xi32>,
      tpu.vector_store %arg8[%swap3A_2155], %add3A_2150 {strides = array<i32>} : memref<40960xi32, #tpu.memory_space<vmem>>, vector<16xi32>,
      %add3A_2157 = arith.constant 896 : i32
      %add3A_2158 = vector.broadcast %add3A_2157 : i32 to vector<16xi32>
      %add3A_2159 = arith.addi %add3A_2093, %add3A_2158 : vector<16xi32>
      %add3A_2160 = arith.constant 896 : i32
      %add3A_2161 = arith.addi %mul3A_1785, %add3A_2160 : i32
      %add3A_2162 = arith.constant 48 : i32
      %add3A_2163 = arith.addi %add3A_2161, %add3A_2162 : i32
      %swap3A_2164 = arith.index_cast %add3A_2163 : i32 to index
      %swap3A_2165 = tpu.vector_load %arg8[%swap3A_2164] {strides = array<i32>} : memref<40960xi32, #tpu.memory_space<vmem>>, vector<16xi32>,
      tpu.vector_store %arg8[%swap3A_2164], %add3A_2159 {strides = array<i32>} : memref<40960xi32, #tpu.memory_space<vmem>>, vector<16xi32>,
      %mul3A_2166 = arith.constant 4096 : i32
      %mul3A_2167 = arith.muli %sub3A_1777, %mul3A_2166 : i32
      %mul3A_2168 = arith.constant 128 : i32
      %mul3A_2169 = arith.muli %and3A_1776, %mul3A_2168 : i32
      %add3A_2170 = arith.addi %mul3A_2167, %mul3A_2169 : i32
      %add3A_2171 = arith.constant 64 : i32
      %add3A_2172 = arith.addi %add3A_2170, %add3A_2171 : i32
      %get3A_2173 = arith.index_cast %add3A_2172 : i32 to index
      %get3A_2174 = tpu.vector_load %arg7[%get3A_2173] {strides = array<i32>} : memref<8192xi32, #tpu.memory_space<vmem>>, vector<16xi32>,
      %add3A_2175 = vector.broadcast %mul3A_1781 : i32 to vector<16xi32>
      %add3A_2176 = arith.addi %get3A_2174, %add3A_2175 : vector<16xi32>
      %shift_right_arithmetic3A_2177 = arith.constant 7 : i32
      %shift_right_arithmetic3A_2178 = vector.broadcast %shift_right_arithmetic3A_2177 : i32 to vector<16xi32>
      %shift_right_arithmetic3A_2179 = arith.shrsi %add3A_2176, %shift_right_arithmetic3A_2178 : vector<16xi32>
      %shift_left3A_2180 = arith.constant 10 : i32
      %shift_left3A_2181 = vector.broadcast %shift_left3A_2180 : i32 to vector<16xi32>
      %shift_left3A_2182 = arith.shli %shift_right_arithmetic3A_2179, %shift_left3A_2181 : vector<16xi32>
      %and3A_2183 = arith.constant 127 : i32
      %and3A_2184 = vector.broadcast %and3A_2183 : i32 to vector<16xi32>
      %and3A_2185 = arith.andi %add3A_2176, %and3A_2184 : vector<16xi32>
      %add3A_2186 = arith.addi %shift_left3A_2182, %and3A_2185 : vector<16xi32>
      %add3A_2187 = vector.broadcast %mul3A_1783 : i32 to vector<16xi32>
      %add3A_2188 = arith.addi %add3A_2186, %add3A_2187 : vector<16xi32>
      %add3A_2189 = arith.constant 0 : i32
      %add3A_2190 = vector.broadcast %add3A_2189 : i32 to vector<16xi32>
      %add3A_2191 = arith.addi %add3A_2188, %add3A_2190 : vector<16xi32>
      %add3A_2192 = arith.constant 0 : i32
      %add3A_2193 = arith.addi %mul3A_1785, %add3A_2192 : i32
      %add3A_2194 = arith.constant 64 : i32
      %add3A_2195 = arith.addi %add3A_2193, %add3A_2194 : i32
      %swap3A_2196 = arith.index_cast %add3A_2195 : i32 to index
      %swap3A_2197 = tpu.vector_load %arg8[%swap3A_2196] {strides = array<i32>} : memref<40960xi32, #tpu.memory_space<vmem>>, vector<16xi32>,
      tpu.vector_store %arg8[%swap3A_2196], %add3A_2191 {strides = array<i32>} : memref<40960xi32, #tpu.memory_space<vmem>>, vector<16xi32>,
      %add3A_2198 = arith.constant 128 : i32
      %add3A_2199 = vector.broadcast %add3A_2198 : i32 to vector<16xi32>
      %add3A_2200 = arith.addi %add3A_2188, %add3A_2199 : vector<16xi32>
      %add3A_2201 = arith.constant 128 : i32
      %add3A_2202 = arith.addi %mul3A_1785, %add3A_2201 : i32
      %add3A_2203 = arith.constant 64 : i32
      %add3A_2204 = arith.addi %add3A_2202, %add3A_2203 : i32
      %swap3A_2205 = arith.index_cast %add3A_2204 : i32 to index
      %swap3A_2206 = tpu.vector_load %arg8[%swap3A_2205] {strides = array<i32>} : memref<40960xi32, #tpu.memory_space<vmem>>, vector<16xi32>,
      tpu.vector_store %arg8[%swap3A_2205], %add3A_2200 {strides = array<i32>} : memref<40960xi32, #tpu.memory_space<vmem>>, vector<16xi32>,
      %add3A_2207 = arith.constant 256 : i32
      %add3A_2208 = vector.broadcast %add3A_2207 : i32 to vector<16xi32>
      %add3A_2209 = arith.addi %add3A_2188, %add3A_2208 : vector<16xi32>
      %add3A_2210 = arith.constant 256 : i32
      %add3A_2211 = arith.addi %mul3A_1785, %add3A_2210 : i32
      %add3A_2212 = arith.constant 64 : i32
      %add3A_2213 = arith.addi %add3A_2211, %add3A_2212 : i32
      %swap3A_2214 = arith.index_cast %add3A_2213 : i32 to index
      %swap3A_2215 = tpu.vector_load %arg8[%swap3A_2214] {strides = array<i32>} : memref<40960xi32, #tpu.memory_space<vmem>>, vector<16xi32>,
      tpu.vector_store %arg8[%swap3A_2214], %add3A_2209 {strides = array<i32>} : memref<40960xi32, #tpu.memory_space<vmem>>, vector<16xi32>,
      %add3A_2216 = arith.constant 384 : i32
      %add3A_2217 = vector.broadcast %add3A_2216 : i32 to vector<16xi32>
      %add3A_2218 = arith.addi %add3A_2188, %add3A_2217 : vector<16xi32>
      %add3A_2219 = arith.constant 384 : i32
      %add3A_2220 = arith.addi %mul3A_1785, %add3A_2219 : i32
      %add3A_2221 = arith.constant 64 : i32
      %add3A_2222 = arith.addi %add3A_2220, %add3A_2221 : i32
      %swap3A_2223 = arith.index_cast %add3A_2222 : i32 to index
      %swap3A_2224 = tpu.vector_load %arg8[%swap3A_2223] {strides = array<i32>} : memref<40960xi32, #tpu.memory_space<vmem>>, vector<16xi32>,
      tpu.vector_store %arg8[%swap3A_2223], %add3A_2218 {strides = array<i32>} : memref<40960xi32, #tpu.memory_space<vmem>>, vector<16xi32>,
      %add3A_2225 = arith.constant 512 : i32
      %add3A_2226 = vector.broadcast %add3A_2225 : i32 to vector<16xi32>
      %add3A_2227 = arith.addi %add3A_2188, %add3A_2226 : vector<16xi32>
      %add3A_2228 = arith.constant 512 : i32
      %add3A_2229 = arith.addi %mul3A_1785, %add3A_2228 : i32
      %add3A_2230 = arith.constant 64 : i32
      %add3A_2231 = arith.addi %add3A_2229, %add3A_2230 : i32
      %swap3A_2232 = arith.index_cast %add3A_2231 : i32 to index
      %swap3A_2233 = tpu.vector_load %arg8[%swap3A_2232] {strides = array<i32>} : memref<40960xi32, #tpu.memory_space<vmem>>, vector<16xi32>,
      tpu.vector_store %arg8[%swap3A_2232], %add3A_2227 {strides = array<i32>} : memref<40960xi32, #tpu.memory_space<vmem>>, vector<16xi32>,
      %add3A_2234 = arith.constant 640 : i32
      %add3A_2235 = vector.broadcast %add3A_2234 : i32 to vector<16xi32>
      %add3A_2236 = arith.addi %add3A_2188, %add3A_2235 : vector<16xi32>
      %add3A_2237 = arith.constant 640 : i32
      %add3A_2238 = arith.addi %mul3A_1785, %add3A_2237 : i32
      %add3A_2239 = arith.constant 64 : i32
      %add3A_2240 = arith.addi %add3A_2238, %add3A_2239 : i32
      %swap3A_2241 = arith.index_cast %add3A_2240 : i32 to index
      %swap3A_2242 = tpu.vector_load %arg8[%swap3A_2241] {strides = array<i32>} : memref<40960xi32, #tpu.memory_space<vmem>>, vector<16xi32>,
      tpu.vector_store %arg8[%swap3A_2241], %add3A_2236 {strides = array<i32>} : memref<40960xi32, #tpu.memory_space<vmem>>, vector<16xi32>,
      %add3A_2243 = arith.constant 768 : i32
      %add3A_2244 = vector.broadcast %add3A_2243 : i32 to vector<16xi32>
      %add3A_2245 = arith.addi %add3A_2188, %add3A_2244 : vector<16xi32>
      %add3A_2246 = arith.constant 768 : i32
      %add3A_2247 = arith.addi %mul3A_1785, %add3A_2246 : i32
      %add3A_2248 = arith.constant 64 : i32
      %add3A_2249 = arith.addi %add3A_2247, %add3A_2248 : i32
      %swap3A_2250 = arith.index_cast %add3A_2249 : i32 to index
      %swap3A_2251 = tpu.vector_load %arg8[%swap3A_2250] {strides = array<i32>} : memref<40960xi32, #tpu.memory_space<vmem>>, vector<16xi32>,
      tpu.vector_store %arg8[%swap3A_2250], %add3A_2245 {strides = array<i32>} : memref<40960xi32, #tpu.memory_space<vmem>>, vector<16xi32>,
      %add3A_2252 = arith.constant 896 : i32
      %add3A_2253 = vector.broadcast %add3A_2252 : i32 to vector<16xi32>
      %add3A_2254 = arith.addi %add3A_2188, %add3A_2253 : vector<16xi32>
      %add3A_2255 = arith.constant 896 : i32
      %add3A_2256 = arith.addi %mul3A_1785, %add3A_2255 : i32
      %add3A_2257 = arith.constant 64 : i32
      %add3A_2258 = arith.addi %add3A_2256, %add3A_2257 : i32
      %swap3A_2259 = arith.index_cast %add3A_2258 : i32 to index
      %swap3A_2260 = tpu.vector_load %arg8[%swap3A_2259] {strides = array<i32>} : memref<40960xi32, #tpu.memory_space<vmem>>, vector<16xi32>,
      tpu.vector_store %arg8[%swap3A_2259], %add3A_2254 {strides = array<i32>} : memref<40960xi32, #tpu.memory_space<vmem>>, vector<16xi32>,
      %mul3A_2261 = arith.constant 4096 : i32
      %mul3A_2262 = arith.muli %sub3A_1777, %mul3A_2261 : i32
      %mul3A_2263 = arith.constant 128 : i32
      %mul3A_2264 = arith.muli %and3A_1776, %mul3A_2263 : i32
      %add3A_2265 = arith.addi %mul3A_2262, %mul3A_2264 : i32
      %add3A_2266 = arith.constant 80 : i32
      %add3A_2267 = arith.addi %add3A_2265, %add3A_2266 : i32
      %get3A_2268 = arith.index_cast %add3A_2267 : i32 to index
      %get3A_2269 = tpu.vector_load %arg7[%get3A_2268] {strides = array<i32>} : memref<8192xi32, #tpu.memory_space<vmem>>, vector<16xi32>,
      %add3A_2270 = vector.broadcast %mul3A_1781 : i32 to vector<16xi32>
      %add3A_2271 = arith.addi %get3A_2269, %add3A_2270 : vector<16xi32>
      %shift_right_arithmetic3A_2272 = arith.constant 7 : i32
      %shift_right_arithmetic3A_2273 = vector.broadcast %shift_right_arithmetic3A_2272 : i32 to vector<16xi32>
      %shift_right_arithmetic3A_2274 = arith.shrsi %add3A_2271, %shift_right_arithmetic3A_2273 : vector<16xi32>
      %shift_left3A_2275 = arith.constant 10 : i32
      %shift_left3A_2276 = vector.broadcast %shift_left3A_2275 : i32 to vector<16xi32>
      %shift_left3A_2277 = arith.shli %shift_right_arithmetic3A_2274, %shift_left3A_2276 : vector<16xi32>
      %and3A_2278 = arith.constant 127 : i32
      %and3A_2279 = vector.broadcast %and3A_2278 : i32 to vector<16xi32>
      %and3A_2280 = arith.andi %add3A_2271, %and3A_2279 : vector<16xi32>
      %add3A_2281 = arith.addi %shift_left3A_2277, %and3A_2280 : vector<16xi32>
      %add3A_2282 = vector.broadcast %mul3A_1783 : i32 to vector<16xi32>
      %add3A_2283 = arith.addi %add3A_2281, %add3A_2282 : vector<16xi32>
      %add3A_2284 = arith.constant 0 : i32
      %add3A_2285 = vector.broadcast %add3A_2284 : i32 to vector<16xi32>
      %add3A_2286 = arith.addi %add3A_2283, %add3A_2285 : vector<16xi32>
      %add3A_2287 = arith.constant 0 : i32
      %add3A_2288 = arith.addi %mul3A_1785, %add3A_2287 : i32
      %add3A_2289 = arith.constant 80 : i32
      %add3A_2290 = arith.addi %add3A_2288, %add3A_2289 : i32
      %swap3A_2291 = arith.index_cast %add3A_2290 : i32 to index
      %swap3A_2292 = tpu.vector_load %arg8[%swap3A_2291] {strides = array<i32>} : memref<40960xi32, #tpu.memory_space<vmem>>, vector<16xi32>,
      tpu.vector_store %arg8[%swap3A_2291], %add3A_2286 {strides = array<i32>} : memref<40960xi32, #tpu.memory_space<vmem>>, vector<16xi32>,
      %add3A_2293 = arith.constant 128 : i32
      %add3A_2294 = vector.broadcast %add3A_2293 : i32 to vector<16xi32>
      %add3A_2295 = arith.addi %add3A_2283, %add3A_2294 : vector<16xi32>
      %add3A_2296 = arith.constant 128 : i32
      %add3A_2297 = arith.addi %mul3A_1785, %add3A_2296 : i32
      %add3A_2298 = arith.constant 80 : i32
      %add3A_2299 = arith.addi %add3A_2297, %add3A_2298 : i32
      %swap3A_2300 = arith.index_cast %add3A_2299 : i32 to index
      %swap3A_2301 = tpu.vector_load %arg8[%swap3A_2300] {strides = array<i32>} : memref<40960xi32, #tpu.memory_space<vmem>>, vector<16xi32>,
      tpu.vector_store %arg8[%swap3A_2300], %add3A_2295 {strides = array<i32>} : memref<40960xi32, #tpu.memory_space<vmem>>, vector<16xi32>,
      %add3A_2302 = arith.constant 256 : i32
      %add3A_2303 = vector.broadcast %add3A_2302 : i32 to vector<16xi32>
      %add3A_2304 = arith.addi %add3A_2283, %add3A_2303 : vector<16xi32>
      %add3A_2305 = arith.constant 256 : i32
      %add3A_2306 = arith.addi %mul3A_1785, %add3A_2305 : i32
      %add3A_2307 = arith.constant 80 : i32
      %add3A_2308 = arith.addi %add3A_2306, %add3A_2307 : i32
      %swap3A_2309 = arith.index_cast %add3A_2308 : i32 to index
      %swap3A_2310 = tpu.vector_load %arg8[%swap3A_2309] {strides = array<i32>} : memref<40960xi32, #tpu.memory_space<vmem>>, vector<16xi32>,
      tpu.vector_store %arg8[%swap3A_2309], %add3A_2304 {strides = array<i32>} : memref<40960xi32, #tpu.memory_space<vmem>>, vector<16xi32>,
      %add3A_2311 = arith.constant 384 : i32
      %add3A_2312 = vector.broadcast %add3A_2311 : i32 to vector<16xi32>
      %add3A_2313 = arith.addi %add3A_2283, %add3A_2312 : vector<16xi32>
      %add3A_2314 = arith.constant 384 : i32
      %add3A_2315 = arith.addi %mul3A_1785, %add3A_2314 : i32
      %add3A_2316 = arith.constant 80 : i32
      %add3A_2317 = arith.addi %add3A_2315, %add3A_2316 : i32
      %swap3A_2318 = arith.index_cast %add3A_2317 : i32 to index
      %swap3A_2319 = tpu.vector_load %arg8[%swap3A_2318] {strides = array<i32>} : memref<40960xi32, #tpu.memory_space<vmem>>, vector<16xi32>,
      tpu.vector_store %arg8[%swap3A_2318], %add3A_2313 {strides = array<i32>} : memref<40960xi32, #tpu.memory_space<vmem>>, vector<16xi32>,
      %add3A_2320 = arith.constant 512 : i32
      %add3A_2321 = vector.broadcast %add3A_2320 : i32 to vector<16xi32>
      %add3A_2322 = arith.addi %add3A_2283, %add3A_2321 : vector<16xi32>
      %add3A_2323 = arith.constant 512 : i32
      %add3A_2324 = arith.addi %mul3A_1785, %add3A_2323 : i32
      %add3A_2325 = arith.constant 80 : i32
      %add3A_2326 = arith.addi %add3A_2324, %add3A_2325 : i32
      %swap3A_2327 = arith.index_cast %add3A_2326 : i32 to index
      %swap3A_2328 = tpu.vector_load %arg8[%swap3A_2327] {strides = array<i32>} : memref<40960xi32, #tpu.memory_space<vmem>>, vector<16xi32>,
      tpu.vector_store %arg8[%swap3A_2327], %add3A_2322 {strides = array<i32>} : memref<40960xi32, #tpu.memory_space<vmem>>, vector<16xi32>,
      %add3A_2329 = arith.constant 640 : i32
      %add3A_2330 = vector.broadcast %add3A_2329 : i32 to vector<16xi32>
      %add3A_2331 = arith.addi %add3A_2283, %add3A_2330 : vector<16xi32>
      %add3A_2332 = arith.constant 640 : i32
      %add3A_2333 = arith.addi %mul3A_1785, %add3A_2332 : i32
      %add3A_2334 = arith.constant 80 : i32
      %add3A_2335 = arith.addi %add3A_2333, %add3A_2334 : i32
      %swap3A_2336 = arith.index_cast %add3A_2335 : i32 to index
      %swap3A_2337 = tpu.vector_load %arg8[%swap3A_2336] {strides = array<i32>} : memref<40960xi32, #tpu.memory_space<vmem>>, vector<16xi32>,
      tpu.vector_store %arg8[%swap3A_2336], %add3A_2331 {strides = array<i32>} : memref<40960xi32, #tpu.memory_space<vmem>>, vector<16xi32>,
      %add3A_2338 = arith.constant 768 : i32
      %add3A_2339 = vector.broadcast %add3A_2338 : i32 to vector<16xi32>
      %add3A_2340 = arith.addi %add3A_2283, %add3A_2339 : vector<16xi32>
      %add3A_2341 = arith.constant 768 : i32
      %add3A_2342 = arith.addi %mul3A_1785, %add3A_2341 : i32
      %add3A_2343 = arith.constant 80 : i32
      %add3A_2344 = arith.addi %add3A_2342, %add3A_2343 : i32
      %swap3A_2345 = arith.index_cast %add3A_2344 : i32 to index
      %swap3A_2346 = tpu.vector_load %arg8[%swap3A_2345] {strides = array<i32>} : memref<40960xi32, #tpu.memory_space<vmem>>, vector<16xi32>,
      tpu.vector_store %arg8[%swap3A_2345], %add3A_2340 {strides = array<i32>} : memref<40960xi32, #tpu.memory_space<vmem>>, vector<16xi32>,
      %add3A_2347 = arith.constant 896 : i32
      %add3A_2348 = vector.broadcast %add3A_2347 : i32 to vector<16xi32>
      %add3A_2349 = arith.addi %add3A_2283, %add3A_2348 : vector<16xi32>
      %add3A_2350 = arith.constant 896 : i32
      %add3A_2351 = arith.addi %mul3A_1785, %add3A_2350 : i32
      %add3A_2352 = arith.constant 80 : i32
      %add3A_2353 = arith.addi %add3A_2351, %add3A_2352 : i32
      %swap3A_2354 = arith.index_cast %add3A_2353 : i32 to index
      %swap3A_2355 = tpu.vector_load %arg8[%swap3A_2354] {strides = array<i32>} : memref<40960xi32, #tpu.memory_space<vmem>>, vector<16xi32>,
      tpu.vector_store %arg8[%swap3A_2354], %add3A_2349 {strides = array<i32>} : memref<40960xi32, #tpu.memory_space<vmem>>, vector<16xi32>,
      %mul3A_2356 = arith.constant 4096 : i32
      %mul3A_2357 = arith.muli %sub3A_1777, %mul3A_2356 : i32
      %mul3A_2358 = arith.constant 128 : i32
      %mul3A_2359 = arith.muli %and3A_1776, %mul3A_2358 : i32
      %add3A_2360 = arith.addi %mul3A_2357, %mul3A_2359 : i32
      %add3A_2361 = arith.constant 96 : i32
      %add3A_2362 = arith.addi %add3A_2360, %add3A_2361 : i32
      %get3A_2363 = arith.index_cast %add3A_2362 : i32 to index
      %get3A_2364 = tpu.vector_load %arg7[%get3A_2363] {strides = array<i32>} : memref<8192xi32, #tpu.memory_space<vmem>>, vector<16xi32>,
      %add3A_2365 = vector.broadcast %mul3A_1781 : i32 to vector<16xi32>
      %add3A_2366 = arith.addi %get3A_2364, %add3A_2365 : vector<16xi32>
      %shift_right_arithmetic3A_2367 = arith.constant 7 : i32
      %shift_right_arithmetic3A_2368 = vector.broadcast %shift_right_arithmetic3A_2367 : i32 to vector<16xi32>
      %shift_right_arithmetic3A_2369 = arith.shrsi %add3A_2366, %shift_right_arithmetic3A_2368 : vector<16xi32>
      %shift_left3A_2370 = arith.constant 10 : i32
      %shift_left3A_2371 = vector.broadcast %shift_left3A_2370 : i32 to vector<16xi32>
      %shift_left3A_2372 = arith.shli %shift_right_arithmetic3A_2369, %shift_left3A_2371 : vector<16xi32>
      %and3A_2373 = arith.constant 127 : i32
      %and3A_2374 = vector.broadcast %and3A_2373 : i32 to vector<16xi32>
      %and3A_2375 = arith.andi %add3A_2366, %and3A_2374 : vector<16xi32>
      %add3A_2376 = arith.addi %shift_left3A_2372, %and3A_2375 : vector<16xi32>
      %add3A_2377 = vector.broadcast %mul3A_1783 : i32 to vector<16xi32>
      %add3A_2378 = arith.addi %add3A_2376, %add3A_2377 : vector<16xi32>
      %add3A_2379 = arith.constant 0 : i32
      %add3A_2380 = vector.broadcast %add3A_2379 : i32 to vector<16xi32>
      %add3A_2381 = arith.addi %add3A_2378, %add3A_2380 : vector<16xi32>
      %add3A_2382 = arith.constant 0 : i32
      %add3A_2383 = arith.addi %mul3A_1785, %add3A_2382 : i32
      %add3A_2384 = arith.constant 96 : i32
      %add3A_2385 = arith.addi %add3A_2383, %add3A_2384 : i32
      %swap3A_2386 = arith.index_cast %add3A_2385 : i32 to index
      %swap3A_2387 = tpu.vector_load %arg8[%swap3A_2386] {strides = array<i32>} : memref<40960xi32, #tpu.memory_space<vmem>>, vector<16xi32>,
      tpu.vector_store %arg8[%swap3A_2386], %add3A_2381 {strides = array<i32>} : memref<40960xi32, #tpu.memory_space<vmem>>, vector<16xi32>,
      %add3A_2388 = arith.constant 128 : i32
      %add3A_2389 = vector.broadcast %add3A_2388 : i32 to vector<16xi32>
      %add3A_2390 = arith.addi %add3A_2378, %add3A_2389 : vector<16xi32>
      %add3A_2391 = arith.constant 128 : i32
      %add3A_2392 = arith.addi %mul3A_1785, %add3A_2391 : i32
      %add3A_2393 = arith.constant 96 : i32
      %add3A_2394 = arith.addi %add3A_2392, %add3A_2393 : i32
      %swap3A_2395 = arith.index_cast %add3A_2394 : i32 to index
      %swap3A_2396 = tpu.vector_load %arg8[%swap3A_2395] {strides = array<i32>} : memref<40960xi32, #tpu.memory_space<vmem>>, vector<16xi32>,
      tpu.vector_store %arg8[%swap3A_2395], %add3A_2390 {strides = array<i32>} : memref<40960xi32, #tpu.memory_space<vmem>>, vector<16xi32>,
      %add3A_2397 = arith.constant 256 : i32
      %add3A_2398 = vector.broadcast %add3A_2397 : i32 to vector<16xi32>
      %add3A_2399 = arith.addi %add3A_2378, %add3A_2398 : vector<16xi32>
      %add3A_2400 = arith.constant 256 : i32
      %add3A_2401 = arith.addi %mul3A_1785, %add3A_2400 : i32
      %add3A_2402 = arith.constant 96 : i32
      %add3A_2403 = arith.addi %add3A_2401, %add3A_2402 : i32
      %swap3A_2404 = arith.index_cast %add3A_2403 : i32 to index
      %swap3A_2405 = tpu.vector_load %arg8[%swap3A_2404] {strides = array<i32>} : memref<40960xi32, #tpu.memory_space<vmem>>, vector<16xi32>,
      tpu.vector_store %arg8[%swap3A_2404], %add3A_2399 {strides = array<i32>} : memref<40960xi32, #tpu.memory_space<vmem>>, vector<16xi32>,
      %add3A_2406 = arith.constant 384 : i32
      %add3A_2407 = vector.broadcast %add3A_2406 : i32 to vector<16xi32>
      %add3A_2408 = arith.addi %add3A_2378, %add3A_2407 : vector<16xi32>
      %add3A_2409 = arith.constant 384 : i32
      %add3A_2410 = arith.addi %mul3A_1785, %add3A_2409 : i32
      %add3A_2411 = arith.constant 96 : i32
      %add3A_2412 = arith.addi %add3A_2410, %add3A_2411 : i32
      %swap3A_2413 = arith.index_cast %add3A_2412 : i32 to index
      %swap3A_2414 = tpu.vector_load %arg8[%swap3A_2413] {strides = array<i32>} : memref<40960xi32, #tpu.memory_space<vmem>>, vector<16xi32>,
      tpu.vector_store %arg8[%swap3A_2413], %add3A_2408 {strides = array<i32>} : memref<40960xi32, #tpu.memory_space<vmem>>, vector<16xi32>,
      %add3A_2415 = arith.constant 512 : i32
      %add3A_2416 = vector.broadcast %add3A_2415 : i32 to vector<16xi32>
      %add3A_2417 = arith.addi %add3A_2378, %add3A_2416 : vector<16xi32>
      %add3A_2418 = arith.constant 512 : i32
      %add3A_2419 = arith.addi %mul3A_1785, %add3A_2418 : i32
      %add3A_2420 = arith.constant 96 : i32
      %add3A_2421 = arith.addi %add3A_2419, %add3A_2420 : i32
      %swap3A_2422 = arith.index_cast %add3A_2421 : i32 to index
      %swap3A_2423 = tpu.vector_load %arg8[%swap3A_2422] {strides = array<i32>} : memref<40960xi32, #tpu.memory_space<vmem>>, vector<16xi32>,
      tpu.vector_store %arg8[%swap3A_2422], %add3A_2417 {strides = array<i32>} : memref<40960xi32, #tpu.memory_space<vmem>>, vector<16xi32>,
      %add3A_2424 = arith.constant 640 : i32
      %add3A_2425 = vector.broadcast %add3A_2424 : i32 to vector<16xi32>
      %add3A_2426 = arith.addi %add3A_2378, %add3A_2425 : vector<16xi32>
      %add3A_2427 = arith.constant 640 : i32
      %add3A_2428 = arith.addi %mul3A_1785, %add3A_2427 : i32
      %add3A_2429 = arith.constant 96 : i32
      %add3A_2430 = arith.addi %add3A_2428, %add3A_2429 : i32
      %swap3A_2431 = arith.index_cast %add3A_2430 : i32 to index
      %swap3A_2432 = tpu.vector_load %arg8[%swap3A_2431] {strides = array<i32>} : memref<40960xi32, #tpu.memory_space<vmem>>, vector<16xi32>,
      tpu.vector_store %arg8[%swap3A_2431], %add3A_2426 {strides = array<i32>} : memref<40960xi32, #tpu.memory_space<vmem>>, vector<16xi32>,
      %add3A_2433 = arith.constant 768 : i32
      %add3A_2434 = vector.broadcast %add3A_2433 : i32 to vector<16xi32>
      %add3A_2435 = arith.addi %add3A_2378, %add3A_2434 : vector<16xi32>
      %add3A_2436 = arith.constant 768 : i32
      %add3A_2437 = arith.addi %mul3A_1785, %add3A_2436 : i32
      %add3A_2438 = arith.constant 96 : i32
      %add3A_2439 = arith.addi %add3A_2437, %add3A_2438 : i32
      %swap3A_2440 = arith.index_cast %add3A_2439 : i32 to index
      %swap3A_2441 = tpu.vector_load %arg8[%swap3A_2440] {strides = array<i32>} : memref<40960xi32, #tpu.memory_space<vmem>>, vector<16xi32>,
      tpu.vector_store %arg8[%swap3A_2440], %add3A_2435 {strides = array<i32>} : memref<40960xi32, #tpu.memory_space<vmem>>, vector<16xi32>,
      %add3A_2442 = arith.constant 896 : i32
      %add3A_2443 = vector.broadcast %add3A_2442 : i32 to vector<16xi32>
      %add3A_2444 = arith.addi %add3A_2378, %add3A_2443 : vector<16xi32>
      %add3A_2445 = arith.constant 896 : i32
      %add3A_2446 = arith.addi %mul3A_1785, %add3A_2445 : i32
      %add3A_2447 = arith.constant 96 : i32
      %add3A_2448 = arith.addi %add3A_2446, %add3A_2447 : i32
      %swap3A_2449 = arith.index_cast %add3A_2448 : i32 to index
      %swap3A_2450 = tpu.vector_load %arg8[%swap3A_2449] {strides = array<i32>} : memref<40960xi32, #tpu.memory_space<vmem>>, vector<16xi32>,
      tpu.vector_store %arg8[%swap3A_2449], %add3A_2444 {strides = array<i32>} : memref<40960xi32, #tpu.memory_space<vmem>>, vector<16xi32>,
      %mul3A_2451 = arith.constant 4096 : i32
      %mul3A_2452 = arith.muli %sub3A_1777, %mul3A_2451 : i32
      %mul3A_2453 = arith.constant 128 : i32
      %mul3A_2454 = arith.muli %and3A_1776, %mul3A_2453 : i32
      %add3A_2455 = arith.addi %mul3A_2452, %mul3A_2454 : i32
      %add3A_2456 = arith.constant 112 : i32
      %add3A_2457 = arith.addi %add3A_2455, %add3A_2456 : i32
      %get3A_2458 = arith.index_cast %add3A_2457 : i32 to index
      %get3A_2459 = tpu.vector_load %arg7[%get3A_2458] {strides = array<i32>} : memref<8192xi32, #tpu.memory_space<vmem>>, vector<16xi32>,
      %add3A_2460 = vector.broadcast %mul3A_1781 : i32 to vector<16xi32>
      %add3A_2461 = arith.addi %get3A_2459, %add3A_2460 : vector<16xi32>
      %shift_right_arithmetic3A_2462 = arith.constant 7 : i32
      %shift_right_arithmetic3A_2463 = vector.broadcast %shift_right_arithmetic3A_2462 : i32 to vector<16xi32>
      %shift_right_arithmetic3A_2464 = arith.shrsi %add3A_2461, %shift_right_arithmetic3A_2463 : vector<16xi32>
      %shift_left3A_2465 = arith.constant 10 : i32
      %shift_left3A_2466 = vector.broadcast %shift_left3A_2465 : i32 to vector<16xi32>
      %shift_left3A_2467 = arith.shli %shift_right_arithmetic3A_2464, %shift_left3A_2466 : vector<16xi32>
      %and3A_2468 = arith.constant 127 : i32
      %and3A_2469 = vector.broadcast %and3A_2468 : i32 to vector<16xi32>
      %and3A_2470 = arith.andi %add3A_2461, %and3A_2469 : vector<16xi32>
      %add3A_2471 = arith.addi %shift_left3A_2467, %and3A_2470 : vector<16xi32>
      %add3A_2472 = vector.broadcast %mul3A_1783 : i32 to vector<16xi32>
      %add3A_2473 = arith.addi %add3A_2471, %add3A_2472 : vector<16xi32>
      %add3A_2474 = arith.constant 0 : i32
      %add3A_2475 = vector.broadcast %add3A_2474 : i32 to vector<16xi32>
      %add3A_2476 = arith.addi %add3A_2473, %add3A_2475 : vector<16xi32>
      %add3A_2477 = arith.constant 0 : i32
      %add3A_2478 = arith.addi %mul3A_1785, %add3A_2477 : i32
      %add3A_2479 = arith.constant 112 : i32
      %add3A_2480 = arith.addi %add3A_2478, %add3A_2479 : i32
      %swap3A_2481 = arith.index_cast %add3A_2480 : i32 to index
      %swap3A_2482 = tpu.vector_load %arg8[%swap3A_2481] {strides = array<i32>} : memref<40960xi32, #tpu.memory_space<vmem>>, vector<16xi32>,
      tpu.vector_store %arg8[%swap3A_2481], %add3A_2476 {strides = array<i32>} : memref<40960xi32, #tpu.memory_space<vmem>>, vector<16xi32>,
      %add3A_2483 = arith.constant 128 : i32
      %add3A_2484 = vector.broadcast %add3A_2483 : i32 to vector<16xi32>
      %add3A_2485 = arith.addi %add3A_2473, %add3A_2484 : vector<16xi32>
      %add3A_2486 = arith.constant 128 : i32
      %add3A_2487 = arith.addi %mul3A_1785, %add3A_2486 : i32
      %add3A_2488 = arith.constant 112 : i32
      %add3A_2489 = arith.addi %add3A_2487, %add3A_2488 : i32
      %swap3A_2490 = arith.index_cast %add3A_2489 : i32 to index
      %swap3A_2491 = tpu.vector_load %arg8[%swap3A_2490] {strides = array<i32>} : memref<40960xi32, #tpu.memory_space<vmem>>, vector<16xi32>,
      tpu.vector_store %arg8[%swap3A_2490], %add3A_2485 {strides = array<i32>} : memref<40960xi32, #tpu.memory_space<vmem>>, vector<16xi32>,
      %add3A_2492 = arith.constant 256 : i32
      %add3A_2493 = vector.broadcast %add3A_2492 : i32 to vector<16xi32>
      %add3A_2494 = arith.addi %add3A_2473, %add3A_2493 : vector<16xi32>
      %add3A_2495 = arith.constant 256 : i32
      %add3A_2496 = arith.addi %mul3A_1785, %add3A_2495 : i32
      %add3A_2497 = arith.constant 112 : i32
      %add3A_2498 = arith.addi %add3A_2496, %add3A_2497 : i32
      %swap3A_2499 = arith.index_cast %add3A_2498 : i32 to index
      %swap3A_2500 = tpu.vector_load %arg8[%swap3A_2499] {strides = array<i32>} : memref<40960xi32, #tpu.memory_space<vmem>>, vector<16xi32>,
      tpu.vector_store %arg8[%swap3A_2499], %add3A_2494 {strides = array<i32>} : memref<40960xi32, #tpu.memory_space<vmem>>, vector<16xi32>,
      %add3A_2501 = arith.constant 384 : i32
      %add3A_2502 = vector.broadcast %add3A_2501 : i32 to vector<16xi32>
      %add3A_2503 = arith.addi %add3A_2473, %add3A_2502 : vector<16xi32>
      %add3A_2504 = arith.constant 384 : i32
      %add3A_2505 = arith.addi %mul3A_1785, %add3A_2504 : i32
      %add3A_2506 = arith.constant 112 : i32
      %add3A_2507 = arith.addi %add3A_2505, %add3A_2506 : i32
      %swap3A_2508 = arith.index_cast %add3A_2507 : i32 to index
      %swap3A_2509 = tpu.vector_load %arg8[%swap3A_2508] {strides = array<i32>} : memref<40960xi32, #tpu.memory_space<vmem>>, vector<16xi32>,
      tpu.vector_store %arg8[%swap3A_2508], %add3A_2503 {strides = array<i32>} : memref<40960xi32, #tpu.memory_space<vmem>>, vector<16xi32>,
      %add3A_2510 = arith.constant 512 : i32
      %add3A_2511 = vector.broadcast %add3A_2510 : i32 to vector<16xi32>
      %add3A_2512 = arith.addi %add3A_2473, %add3A_2511 : vector<16xi32>
      %add3A_2513 = arith.constant 512 : i32
      %add3A_2514 = arith.addi %mul3A_1785, %add3A_2513 : i32
      %add3A_2515 = arith.constant 112 : i32
      %add3A_2516 = arith.addi %add3A_2514, %add3A_2515 : i32
      %swap3A_2517 = arith.index_cast %add3A_2516 : i32 to index
      %swap3A_2518 = tpu.vector_load %arg8[%swap3A_2517] {strides = array<i32>} : memref<40960xi32, #tpu.memory_space<vmem>>, vector<16xi32>,
      tpu.vector_store %arg8[%swap3A_2517], %add3A_2512 {strides = array<i32>} : memref<40960xi32, #tpu.memory_space<vmem>>, vector<16xi32>,
      %add3A_2519 = arith.constant 640 : i32
      %add3A_2520 = vector.broadcast %add3A_2519 : i32 to vector<16xi32>
      %add3A_2521 = arith.addi %add3A_2473, %add3A_2520 : vector<16xi32>
      %add3A_2522 = arith.constant 640 : i32
      %add3A_2523 = arith.addi %mul3A_1785, %add3A_2522 : i32
      %add3A_2524 = arith.constant 112 : i32
      %add3A_2525 = arith.addi %add3A_2523, %add3A_2524 : i32
      %swap3A_2526 = arith.index_cast %add3A_2525 : i32 to index
      %swap3A_2527 = tpu.vector_load %arg8[%swap3A_2526] {strides = array<i32>} : memref<40960xi32, #tpu.memory_space<vmem>>, vector<16xi32>,
      tpu.vector_store %arg8[%swap3A_2526], %add3A_2521 {strides = array<i32>} : memref<40960xi32, #tpu.memory_space<vmem>>, vector<16xi32>,
      %add3A_2528 = arith.constant 768 : i32
      %add3A_2529 = vector.broadcast %add3A_2528 : i32 to vector<16xi32>
      %add3A_2530 = arith.addi %add3A_2473, %add3A_2529 : vector<16xi32>
      %add3A_2531 = arith.constant 768 : i32
      %add3A_2532 = arith.addi %mul3A_1785, %add3A_2531 : i32
      %add3A_2533 = arith.constant 112 : i32
      %add3A_2534 = arith.addi %add3A_2532, %add3A_2533 : i32
      %swap3A_2535 = arith.index_cast %add3A_2534 : i32 to index
      %swap3A_2536 = tpu.vector_load %arg8[%swap3A_2535] {strides = array<i32>} : memref<40960xi32, #tpu.memory_space<vmem>>, vector<16xi32>,
      tpu.vector_store %arg8[%swap3A_2535], %add3A_2530 {strides = array<i32>} : memref<40960xi32, #tpu.memory_space<vmem>>, vector<16xi32>,
      %add3A_2537 = arith.constant 896 : i32
      %add3A_2538 = vector.broadcast %add3A_2537 : i32 to vector<16xi32>
      %add3A_2539 = arith.addi %add3A_2473, %add3A_2538 : vector<16xi32>
      %add3A_2540 = arith.constant 896 : i32
      %add3A_2541 = arith.addi %mul3A_1785, %add3A_2540 : i32
      %add3A_2542 = arith.constant 112 : i32
      %add3A_2543 = arith.addi %add3A_2541, %add3A_2542 : i32
      %swap3A_2544 = arith.index_cast %add3A_2543 : i32 to index
      %swap3A_2545 = tpu.vector_load %arg8[%swap3A_2544] {strides = array<i32>} : memref<40960xi32, #tpu.memory_space<vmem>>, vector<16xi32>,
      tpu.vector_store %arg8[%swap3A_2544], %add3A_2539 {strides = array<i32>} : memref<40960xi32, #tpu.memory_space<vmem>>, vector<16xi32>,
      %mul3A_2546 = arith.constant 4 : i32
      %mul3A_2547 = arith.muli %scan3A_70, %mul3A_2546 : i32
      %add3A_2548 = arith.constant 3 : i32
      %add3A_2549 = arith.addi %mul3A_2547, %add3A_2548 : i32
      %add3A_2550 = arith.addi %mul3A_2, %add3A_2549 : i32
      %jit3A_2551 = arith.constant 64 : i32
      %div3A_2552 = arith.divsi %add3A_2550, %jit3A_2551 : i32
      %sign3A_2553 = arith.constant 0 : i32
      %sign3A_2554 = arith.cmpi sgt, %add3A_2550, %sign3A_2553 : i32
      %sign3A_2555 = arith.extui %sign3A_2554 : i1 to i32
      %sign3A_2556 = arith.constant 0 : i32
      %sign3A_2557 = arith.cmpi slt, %add3A_2550, %sign3A_2556 : i32
      %sign3A_2558 = arith.extui %sign3A_2557 : i1 to i32
      %sign3A_2559 = arith.subi %sign3A_2555, %sign3A_2558 : i32
      %sign3A_2560 = arith.constant 0 : i32
      %sign3A_2561 = arith.cmpi sgt, %jit3A_2551, %sign3A_2560 : i32
      %sign3A_2562 = arith.extui %sign3A_2561 : i1 to i32
      %sign3A_2563 = arith.constant 0 : i32
      %sign3A_2564 = arith.cmpi slt, %jit3A_2551, %sign3A_2563 : i32
      %sign3A_2565 = arith.extui %sign3A_2564 : i1 to i32
      %sign3A_2566 = arith.subi %sign3A_2562, %sign3A_2565 : i32
      %ne3A_2567 = arith.cmpi ne, %sign3A_2559, %sign3A_2566 : i32
      %rem3A_2568 = arith.remsi %add3A_2550, %jit3A_2551 : i32
      %ne3A_2569 = arith.constant 0 : i32
      %ne3A_2570 = arith.cmpi ne, %rem3A_2568, %ne3A_2569 : i32
      %and3A_2571 = arith.andi %ne3A_2567, %ne3A_2570 : i1
      %sub3A_2572 = arith.constant 1 : i32
      %sub3A_2573 = arith.subi %div3A_2552, %sub3A_2572 : i32
      %select_n3A_2574 = arith.select %and3A_2571, %sub3A_2573, %div3A_2552 : i32
      %jit3A_2575 = arith.constant 32 : i32
      %div3A_2576 = arith.divsi %add3A_2550, %jit3A_2575 : i32
      %sign3A_2577 = arith.constant 0 : i32
      %sign3A_2578 = arith.cmpi sgt, %add3A_2550, %sign3A_2577 : i32
      %sign3A_2579 = arith.extui %sign3A_2578 : i1 to i32
      %sign3A_2580 = arith.constant 0 : i32
      %sign3A_2581 = arith.cmpi slt, %add3A_2550, %sign3A_2580 : i32
      %sign3A_2582 = arith.extui %sign3A_2581 : i1 to i32
      %sign3A_2583 = arith.subi %sign3A_2579, %sign3A_2582 : i32
      %sign3A_2584 = arith.constant 0 : i32
      %sign3A_2585 = arith.cmpi sgt, %jit3A_2575, %sign3A_2584 : i32
      %sign3A_2586 = arith.extui %sign3A_2585 : i1 to i32
      %sign3A_2587 = arith.constant 0 : i32
      %sign3A_2588 = arith.cmpi slt, %jit3A_2575, %sign3A_2587 : i32
      %sign3A_2589 = arith.extui %sign3A_2588 : i1 to i32
      %sign3A_2590 = arith.subi %sign3A_2586, %sign3A_2589 : i32
      %ne3A_2591 = arith.cmpi ne, %sign3A_2583, %sign3A_2590 : i32
      %rem3A_2592 = arith.remsi %add3A_2550, %jit3A_2575 : i32
      %ne3A_2593 = arith.constant 0 : i32
      %ne3A_2594 = arith.cmpi ne, %rem3A_2592, %ne3A_2593 : i32
      %and3A_2595 = arith.andi %ne3A_2591, %ne3A_2594 : i1
      %sub3A_2596 = arith.constant 1 : i32
      %sub3A_2597 = arith.subi %div3A_2576, %sub3A_2596 : i32
      %select_n3A_2598 = arith.select %and3A_2595, %sub3A_2597, %div3A_2576 : i32
      %and3A_2599 = arith.constant 1 : i32
      %and3A_2600 = arith.andi %select_n3A_2598, %and3A_2599 : i32
      %and3A_2601 = arith.constant 31 : i32
      %and3A_2602 = arith.andi %add3A_2550, %and3A_2601 : i32
      %sub3A_2603 = arith.subi %select_n3A_2574, %min3A_19 : i32
      %add3A_2604 = arith.constant 6 : i32
      %add3A_2605 = arith.addi %add3A_2604, %select_n3A_2574 : i32
      %mul3A_2606 = arith.constant 40000 : i32
      %mul3A_2607 = arith.muli %add3A_2605, %mul3A_2606 : i32
      %mul3A_2608 = arith.constant 8320000 : i32
      %mul3A_2609 = arith.muli %and3A_2600, %mul3A_2608 : i32
      %mul3A_2610 = arith.constant 1024 : i32
      %mul3A_2611 = arith.muli %add3A_2549, %mul3A_2610 : i32
      %mul3A_2612 = arith.constant 4096 : i32
      %mul3A_2613 = arith.muli %sub3A_2603, %mul3A_2612 : i32
      %mul3A_2614 = arith.constant 128 : i32
      %mul3A_2615 = arith.muli %and3A_2602, %mul3A_2614 : i32
      %add3A_2616 = arith.addi %mul3A_2613, %mul3A_2615 : i32
      %add3A_2617 = arith.constant 0 : i32
      %add3A_2618 = arith.addi %add3A_2616, %add3A_2617 : i32
      %get3A_2619 = arith.index_cast %add3A_2618 : i32 to index
      %get3A_2620 = tpu.vector_load %arg7[%get3A_2619] {strides = array<i32>} : memref<8192xi32, #tpu.memory_space<vmem>>, vector<16xi32>,
      %add3A_2621 = vector.broadcast %mul3A_2607 : i32 to vector<16xi32>
      %add3A_2622 = arith.addi %get3A_2620, %add3A_2621 : vector<16xi32>
      %shift_right_arithmetic3A_2623 = arith.constant 7 : i32
      %shift_right_arithmetic3A_2624 = vector.broadcast %shift_right_arithmetic3A_2623 : i32 to vector<16xi32>
      %shift_right_arithmetic3A_2625 = arith.shrsi %add3A_2622, %shift_right_arithmetic3A_2624 : vector<16xi32>
      %shift_left3A_2626 = arith.constant 10 : i32
      %shift_left3A_2627 = vector.broadcast %shift_left3A_2626 : i32 to vector<16xi32>
      %shift_left3A_2628 = arith.shli %shift_right_arithmetic3A_2625, %shift_left3A_2627 : vector<16xi32>
      %and3A_2629 = arith.constant 127 : i32
      %and3A_2630 = vector.broadcast %and3A_2629 : i32 to vector<16xi32>
      %and3A_2631 = arith.andi %add3A_2622, %and3A_2630 : vector<16xi32>
      %add3A_2632 = arith.addi %shift_left3A_2628, %and3A_2631 : vector<16xi32>
      %add3A_2633 = vector.broadcast %mul3A_2609 : i32 to vector<16xi32>
      %add3A_2634 = arith.addi %add3A_2632, %add3A_2633 : vector<16xi32>
      %add3A_2635 = arith.constant 0 : i32
      %add3A_2636 = vector.broadcast %add3A_2635 : i32 to vector<16xi32>
      %add3A_2637 = arith.addi %add3A_2634, %add3A_2636 : vector<16xi32>
      %add3A_2638 = arith.constant 0 : i32
      %add3A_2639 = arith.addi %mul3A_2611, %add3A_2638 : i32
      %add3A_2640 = arith.constant 0 : i32
      %add3A_2641 = arith.addi %add3A_2639, %add3A_2640 : i32
      %swap3A_2642 = arith.index_cast %add3A_2641 : i32 to index
      %swap3A_2643 = tpu.vector_load %arg8[%swap3A_2642] {strides = array<i32>} : memref<40960xi32, #tpu.memory_space<vmem>>, vector<16xi32>,
      tpu.vector_store %arg8[%swap3A_2642], %add3A_2637 {strides = array<i32>} : memref<40960xi32, #tpu.memory_space<vmem>>, vector<16xi32>,
      %add3A_2644 = arith.constant 128 : i32
      %add3A_2645 = vector.broadcast %add3A_2644 : i32 to vector<16xi32>
      %add3A_2646 = arith.addi %add3A_2634, %add3A_2645 : vector<16xi32>
      %add3A_2647 = arith.constant 128 : i32
      %add3A_2648 = arith.addi %mul3A_2611, %add3A_2647 : i32
      %add3A_2649 = arith.constant 0 : i32
      %add3A_2650 = arith.addi %add3A_2648, %add3A_2649 : i32
      %swap3A_2651 = arith.index_cast %add3A_2650 : i32 to index
      %swap3A_2652 = tpu.vector_load %arg8[%swap3A_2651] {strides = array<i32>} : memref<40960xi32, #tpu.memory_space<vmem>>, vector<16xi32>,
      tpu.vector_store %arg8[%swap3A_2651], %add3A_2646 {strides = array<i32>} : memref<40960xi32, #tpu.memory_space<vmem>>, vector<16xi32>,
      %add3A_2653 = arith.constant 256 : i32
      %add3A_2654 = vector.broadcast %add3A_2653 : i32 to vector<16xi32>
      %add3A_2655 = arith.addi %add3A_2634, %add3A_2654 : vector<16xi32>
      %add3A_2656 = arith.constant 256 : i32
      %add3A_2657 = arith.addi %mul3A_2611, %add3A_2656 : i32
      %add3A_2658 = arith.constant 0 : i32
      %add3A_2659 = arith.addi %add3A_2657, %add3A_2658 : i32
      %swap3A_2660 = arith.index_cast %add3A_2659 : i32 to index
      %swap3A_2661 = tpu.vector_load %arg8[%swap3A_2660] {strides = array<i32>} : memref<40960xi32, #tpu.memory_space<vmem>>, vector<16xi32>,
      tpu.vector_store %arg8[%swap3A_2660], %add3A_2655 {strides = array<i32>} : memref<40960xi32, #tpu.memory_space<vmem>>, vector<16xi32>,
      %add3A_2662 = arith.constant 384 : i32
      %add3A_2663 = vector.broadcast %add3A_2662 : i32 to vector<16xi32>
      %add3A_2664 = arith.addi %add3A_2634, %add3A_2663 : vector<16xi32>
      %add3A_2665 = arith.constant 384 : i32
      %add3A_2666 = arith.addi %mul3A_2611, %add3A_2665 : i32
      %add3A_2667 = arith.constant 0 : i32
      %add3A_2668 = arith.addi %add3A_2666, %add3A_2667 : i32
      %swap3A_2669 = arith.index_cast %add3A_2668 : i32 to index
      %swap3A_2670 = tpu.vector_load %arg8[%swap3A_2669] {strides = array<i32>} : memref<40960xi32, #tpu.memory_space<vmem>>, vector<16xi32>,
      tpu.vector_store %arg8[%swap3A_2669], %add3A_2664 {strides = array<i32>} : memref<40960xi32, #tpu.memory_space<vmem>>, vector<16xi32>,
      %add3A_2671 = arith.constant 512 : i32
      %add3A_2672 = vector.broadcast %add3A_2671 : i32 to vector<16xi32>
      %add3A_2673 = arith.addi %add3A_2634, %add3A_2672 : vector<16xi32>
      %add3A_2674 = arith.constant 512 : i32
      %add3A_2675 = arith.addi %mul3A_2611, %add3A_2674 : i32
      %add3A_2676 = arith.constant 0 : i32
      %add3A_2677 = arith.addi %add3A_2675, %add3A_2676 : i32
      %swap3A_2678 = arith.index_cast %add3A_2677 : i32 to index
      %swap3A_2679 = tpu.vector_load %arg8[%swap3A_2678] {strides = array<i32>} : memref<40960xi32, #tpu.memory_space<vmem>>, vector<16xi32>,
      tpu.vector_store %arg8[%swap3A_2678], %add3A_2673 {strides = array<i32>} : memref<40960xi32, #tpu.memory_space<vmem>>, vector<16xi32>,
      %add3A_2680 = arith.constant 640 : i32
      %add3A_2681 = vector.broadcast %add3A_2680 : i32 to vector<16xi32>
      %add3A_2682 = arith.addi %add3A_2634, %add3A_2681 : vector<16xi32>
      %add3A_2683 = arith.constant 640 : i32
      %add3A_2684 = arith.addi %mul3A_2611, %add3A_2683 : i32
      %add3A_2685 = arith.constant 0 : i32
      %add3A_2686 = arith.addi %add3A_2684, %add3A_2685 : i32
      %swap3A_2687 = arith.index_cast %add3A_2686 : i32 to index
      %swap3A_2688 = tpu.vector_load %arg8[%swap3A_2687] {strides = array<i32>} : memref<40960xi32, #tpu.memory_space<vmem>>, vector<16xi32>,
      tpu.vector_store %arg8[%swap3A_2687], %add3A_2682 {strides = array<i32>} : memref<40960xi32, #tpu.memory_space<vmem>>, vector<16xi32>,
      %add3A_2689 = arith.constant 768 : i32
      %add3A_2690 = vector.broadcast %add3A_2689 : i32 to vector<16xi32>
      %add3A_2691 = arith.addi %add3A_2634, %add3A_2690 : vector<16xi32>
      %add3A_2692 = arith.constant 768 : i32
      %add3A_2693 = arith.addi %mul3A_2611, %add3A_2692 : i32
      %add3A_2694 = arith.constant 0 : i32
      %add3A_2695 = arith.addi %add3A_2693, %add3A_2694 : i32
      %swap3A_2696 = arith.index_cast %add3A_2695 : i32 to index
      %swap3A_2697 = tpu.vector_load %arg8[%swap3A_2696] {strides = array<i32>} : memref<40960xi32, #tpu.memory_space<vmem>>, vector<16xi32>,
      tpu.vector_store %arg8[%swap3A_2696], %add3A_2691 {strides = array<i32>} : memref<40960xi32, #tpu.memory_space<vmem>>, vector<16xi32>,
      %add3A_2698 = arith.constant 896 : i32
      %add3A_2699 = vector.broadcast %add3A_2698 : i32 to vector<16xi32>
      %add3A_2700 = arith.addi %add3A_2634, %add3A_2699 : vector<16xi32>
      %add3A_2701 = arith.constant 896 : i32
      %add3A_2702 = arith.addi %mul3A_2611, %add3A_2701 : i32
      %add3A_2703 = arith.constant 0 : i32
      %add3A_2704 = arith.addi %add3A_2702, %add3A_2703 : i32
      %swap3A_2705 = arith.index_cast %add3A_2704 : i32 to index
      %swap3A_2706 = tpu.vector_load %arg8[%swap3A_2705] {strides = array<i32>} : memref<40960xi32, #tpu.memory_space<vmem>>, vector<16xi32>,
      tpu.vector_store %arg8[%swap3A_2705], %add3A_2700 {strides = array<i32>} : memref<40960xi32, #tpu.memory_space<vmem>>, vector<16xi32>,
      %mul3A_2707 = arith.constant 4096 : i32
      %mul3A_2708 = arith.muli %sub3A_2603, %mul3A_2707 : i32
      %mul3A_2709 = arith.constant 128 : i32
      %mul3A_2710 = arith.muli %and3A_2602, %mul3A_2709 : i32
      %add3A_2711 = arith.addi %mul3A_2708, %mul3A_2710 : i32
      %add3A_2712 = arith.constant 16 : i32
      %add3A_2713 = arith.addi %add3A_2711, %add3A_2712 : i32
      %get3A_2714 = arith.index_cast %add3A_2713 : i32 to index
      %get3A_2715 = tpu.vector_load %arg7[%get3A_2714] {strides = array<i32>} : memref<8192xi32, #tpu.memory_space<vmem>>, vector<16xi32>,
      %add3A_2716 = vector.broadcast %mul3A_2607 : i32 to vector<16xi32>
      %add3A_2717 = arith.addi %get3A_2715, %add3A_2716 : vector<16xi32>
      %shift_right_arithmetic3A_2718 = arith.constant 7 : i32
      %shift_right_arithmetic3A_2719 = vector.broadcast %shift_right_arithmetic3A_2718 : i32 to vector<16xi32>
      %shift_right_arithmetic3A_2720 = arith.shrsi %add3A_2717, %shift_right_arithmetic3A_2719 : vector<16xi32>
      %shift_left3A_2721 = arith.constant 10 : i32
      %shift_left3A_2722 = vector.broadcast %shift_left3A_2721 : i32 to vector<16xi32>
      %shift_left3A_2723 = arith.shli %shift_right_arithmetic3A_2720, %shift_left3A_2722 : vector<16xi32>
      %and3A_2724 = arith.constant 127 : i32
      %and3A_2725 = vector.broadcast %and3A_2724 : i32 to vector<16xi32>
      %and3A_2726 = arith.andi %add3A_2717, %and3A_2725 : vector<16xi32>
      %add3A_2727 = arith.addi %shift_left3A_2723, %and3A_2726 : vector<16xi32>
      %add3A_2728 = vector.broadcast %mul3A_2609 : i32 to vector<16xi32>
      %add3A_2729 = arith.addi %add3A_2727, %add3A_2728 : vector<16xi32>
      %add3A_2730 = arith.constant 0 : i32
      %add3A_2731 = vector.broadcast %add3A_2730 : i32 to vector<16xi32>
      %add3A_2732 = arith.addi %add3A_2729, %add3A_2731 : vector<16xi32>
      %add3A_2733 = arith.constant 0 : i32
      %add3A_2734 = arith.addi %mul3A_2611, %add3A_2733 : i32
      %add3A_2735 = arith.constant 16 : i32
      %add3A_2736 = arith.addi %add3A_2734, %add3A_2735 : i32
      %swap3A_2737 = arith.index_cast %add3A_2736 : i32 to index
      %swap3A_2738 = tpu.vector_load %arg8[%swap3A_2737] {strides = array<i32>} : memref<40960xi32, #tpu.memory_space<vmem>>, vector<16xi32>,
      tpu.vector_store %arg8[%swap3A_2737], %add3A_2732 {strides = array<i32>} : memref<40960xi32, #tpu.memory_space<vmem>>, vector<16xi32>,
      %add3A_2739 = arith.constant 128 : i32
      %add3A_2740 = vector.broadcast %add3A_2739 : i32 to vector<16xi32>
      %add3A_2741 = arith.addi %add3A_2729, %add3A_2740 : vector<16xi32>
      %add3A_2742 = arith.constant 128 : i32
      %add3A_2743 = arith.addi %mul3A_2611, %add3A_2742 : i32
      %add3A_2744 = arith.constant 16 : i32
      %add3A_2745 = arith.addi %add3A_2743, %add3A_2744 : i32
      %swap3A_2746 = arith.index_cast %add3A_2745 : i32 to index
      %swap3A_2747 = tpu.vector_load %arg8[%swap3A_2746] {strides = array<i32>} : memref<40960xi32, #tpu.memory_space<vmem>>, vector<16xi32>,
      tpu.vector_store %arg8[%swap3A_2746], %add3A_2741 {strides = array<i32>} : memref<40960xi32, #tpu.memory_space<vmem>>, vector<16xi32>,
      %add3A_2748 = arith.constant 256 : i32
      %add3A_2749 = vector.broadcast %add3A_2748 : i32 to vector<16xi32>
      %add3A_2750 = arith.addi %add3A_2729, %add3A_2749 : vector<16xi32>
      %add3A_2751 = arith.constant 256 : i32
      %add3A_2752 = arith.addi %mul3A_2611, %add3A_2751 : i32
      %add3A_2753 = arith.constant 16 : i32
      %add3A_2754 = arith.addi %add3A_2752, %add3A_2753 : i32
      %swap3A_2755 = arith.index_cast %add3A_2754 : i32 to index
      %swap3A_2756 = tpu.vector_load %arg8[%swap3A_2755] {strides = array<i32>} : memref<40960xi32, #tpu.memory_space<vmem>>, vector<16xi32>,
      tpu.vector_store %arg8[%swap3A_2755], %add3A_2750 {strides = array<i32>} : memref<40960xi32, #tpu.memory_space<vmem>>, vector<16xi32>,
      %add3A_2757 = arith.constant 384 : i32
      %add3A_2758 = vector.broadcast %add3A_2757 : i32 to vector<16xi32>
      %add3A_2759 = arith.addi %add3A_2729, %add3A_2758 : vector<16xi32>
      %add3A_2760 = arith.constant 384 : i32
      %add3A_2761 = arith.addi %mul3A_2611, %add3A_2760 : i32
      %add3A_2762 = arith.constant 16 : i32
      %add3A_2763 = arith.addi %add3A_2761, %add3A_2762 : i32
      %swap3A_2764 = arith.index_cast %add3A_2763 : i32 to index
      %swap3A_2765 = tpu.vector_load %arg8[%swap3A_2764] {strides = array<i32>} : memref<40960xi32, #tpu.memory_space<vmem>>, vector<16xi32>,
      tpu.vector_store %arg8[%swap3A_2764], %add3A_2759 {strides = array<i32>} : memref<40960xi32, #tpu.memory_space<vmem>>, vector<16xi32>,
      %add3A_2766 = arith.constant 512 : i32
      %add3A_2767 = vector.broadcast %add3A_2766 : i32 to vector<16xi32>
      %add3A_2768 = arith.addi %add3A_2729, %add3A_2767 : vector<16xi32>
      %add3A_2769 = arith.constant 512 : i32
      %add3A_2770 = arith.addi %mul3A_2611, %add3A_2769 : i32
      %add3A_2771 = arith.constant 16 : i32
      %add3A_2772 = arith.addi %add3A_2770, %add3A_2771 : i32
      %swap3A_2773 = arith.index_cast %add3A_2772 : i32 to index
      %swap3A_2774 = tpu.vector_load %arg8[%swap3A_2773] {strides = array<i32>} : memref<40960xi32, #tpu.memory_space<vmem>>, vector<16xi32>,
      tpu.vector_store %arg8[%swap3A_2773], %add3A_2768 {strides = array<i32>} : memref<40960xi32, #tpu.memory_space<vmem>>, vector<16xi32>,
      %add3A_2775 = arith.constant 640 : i32
      %add3A_2776 = vector.broadcast %add3A_2775 : i32 to vector<16xi32>
      %add3A_2777 = arith.addi %add3A_2729, %add3A_2776 : vector<16xi32>
      %add3A_2778 = arith.constant 640 : i32
      %add3A_2779 = arith.addi %mul3A_2611, %add3A_2778 : i32
      %add3A_2780 = arith.constant 16 : i32
      %add3A_2781 = arith.addi %add3A_2779, %add3A_2780 : i32
      %swap3A_2782 = arith.index_cast %add3A_2781 : i32 to index
      %swap3A_2783 = tpu.vector_load %arg8[%swap3A_2782] {strides = array<i32>} : memref<40960xi32, #tpu.memory_space<vmem>>, vector<16xi32>,
      tpu.vector_store %arg8[%swap3A_2782], %add3A_2777 {strides = array<i32>} : memref<40960xi32, #tpu.memory_space<vmem>>, vector<16xi32>,
      %add3A_2784 = arith.constant 768 : i32
      %add3A_2785 = vector.broadcast %add3A_2784 : i32 to vector<16xi32>
      %add3A_2786 = arith.addi %add3A_2729, %add3A_2785 : vector<16xi32>
      %add3A_2787 = arith.constant 768 : i32
      %add3A_2788 = arith.addi %mul3A_2611, %add3A_2787 : i32
      %add3A_2789 = arith.constant 16 : i32
      %add3A_2790 = arith.addi %add3A_2788, %add3A_2789 : i32
      %swap3A_2791 = arith.index_cast %add3A_2790 : i32 to index
      %swap3A_2792 = tpu.vector_load %arg8[%swap3A_2791] {strides = array<i32>} : memref<40960xi32, #tpu.memory_space<vmem>>, vector<16xi32>,
      tpu.vector_store %arg8[%swap3A_2791], %add3A_2786 {strides = array<i32>} : memref<40960xi32, #tpu.memory_space<vmem>>, vector<16xi32>,
      %add3A_2793 = arith.constant 896 : i32
      %add3A_2794 = vector.broadcast %add3A_2793 : i32 to vector<16xi32>
      %add3A_2795 = arith.addi %add3A_2729, %add3A_2794 : vector<16xi32>
      %add3A_2796 = arith.constant 896 : i32
      %add3A_2797 = arith.addi %mul3A_2611, %add3A_2796 : i32
      %add3A_2798 = arith.constant 16 : i32
      %add3A_2799 = arith.addi %add3A_2797, %add3A_2798 : i32
      %swap3A_2800 = arith.index_cast %add3A_2799 : i32 to index
      %swap3A_2801 = tpu.vector_load %arg8[%swap3A_2800] {strides = array<i32>} : memref<40960xi32, #tpu.memory_space<vmem>>, vector<16xi32>,
      tpu.vector_store %arg8[%swap3A_2800], %add3A_2795 {strides = array<i32>} : memref<40960xi32, #tpu.memory_space<vmem>>, vector<16xi32>,
      %mul3A_2802 = arith.constant 4096 : i32
      %mul3A_2803 = arith.muli %sub3A_2603, %mul3A_2802 : i32
      %mul3A_2804 = arith.constant 128 : i32
      %mul3A_2805 = arith.muli %and3A_2602, %mul3A_2804 : i32
      %add3A_2806 = arith.addi %mul3A_2803, %mul3A_2805 : i32
      %add3A_2807 = arith.constant 32 : i32
      %add3A_2808 = arith.addi %add3A_2806, %add3A_2807 : i32
      %get3A_2809 = arith.index_cast %add3A_2808 : i32 to index
      %get3A_2810 = tpu.vector_load %arg7[%get3A_2809] {strides = array<i32>} : memref<8192xi32, #tpu.memory_space<vmem>>, vector<16xi32>,
      %add3A_2811 = vector.broadcast %mul3A_2607 : i32 to vector<16xi32>
      %add3A_2812 = arith.addi %get3A_2810, %add3A_2811 : vector<16xi32>
      %shift_right_arithmetic3A_2813 = arith.constant 7 : i32
      %shift_right_arithmetic3A_2814 = vector.broadcast %shift_right_arithmetic3A_2813 : i32 to vector<16xi32>
      %shift_right_arithmetic3A_2815 = arith.shrsi %add3A_2812, %shift_right_arithmetic3A_2814 : vector<16xi32>
      %shift_left3A_2816 = arith.constant 10 : i32
      %shift_left3A_2817 = vector.broadcast %shift_left3A_2816 : i32 to vector<16xi32>
      %shift_left3A_2818 = arith.shli %shift_right_arithmetic3A_2815, %shift_left3A_2817 : vector<16xi32>
      %and3A_2819 = arith.constant 127 : i32
      %and3A_2820 = vector.broadcast %and3A_2819 : i32 to vector<16xi32>
      %and3A_2821 = arith.andi %add3A_2812, %and3A_2820 : vector<16xi32>
      %add3A_2822 = arith.addi %shift_left3A_2818, %and3A_2821 : vector<16xi32>
      %add3A_2823 = vector.broadcast %mul3A_2609 : i32 to vector<16xi32>
      %add3A_2824 = arith.addi %add3A_2822, %add3A_2823 : vector<16xi32>
      %add3A_2825 = arith.constant 0 : i32
      %add3A_2826 = vector.broadcast %add3A_2825 : i32 to vector<16xi32>
      %add3A_2827 = arith.addi %add3A_2824, %add3A_2826 : vector<16xi32>
      %add3A_2828 = arith.constant 0 : i32
      %add3A_2829 = arith.addi %mul3A_2611, %add3A_2828 : i32
      %add3A_2830 = arith.constant 32 : i32
      %add3A_2831 = arith.addi %add3A_2829, %add3A_2830 : i32
      %swap3A_2832 = arith.index_cast %add3A_2831 : i32 to index
      %swap3A_2833 = tpu.vector_load %arg8[%swap3A_2832] {strides = array<i32>} : memref<40960xi32, #tpu.memory_space<vmem>>, vector<16xi32>,
      tpu.vector_store %arg8[%swap3A_2832], %add3A_2827 {strides = array<i32>} : memref<40960xi32, #tpu.memory_space<vmem>>, vector<16xi32>,
      %add3A_2834 = arith.constant 128 : i32
      %add3A_2835 = vector.broadcast %add3A_2834 : i32 to vector<16xi32>
      %add3A_2836 = arith.addi %add3A_2824, %add3A_2835 : vector<16xi32>
      %add3A_2837 = arith.constant 128 : i32
      %add3A_2838 = arith.addi %mul3A_2611, %add3A_2837 : i32
      %add3A_2839 = arith.constant 32 : i32
      %add3A_2840 = arith.addi %add3A_2838, %add3A_2839 : i32
      %swap3A_2841 = arith.index_cast %add3A_2840 : i32 to index
      %swap3A_2842 = tpu.vector_load %arg8[%swap3A_2841] {strides = array<i32>} : memref<40960xi32, #tpu.memory_space<vmem>>, vector<16xi32>,
      tpu.vector_store %arg8[%swap3A_2841], %add3A_2836 {strides = array<i32>} : memref<40960xi32, #tpu.memory_space<vmem>>, vector<16xi32>,
      %add3A_2843 = arith.constant 256 : i32
      %add3A_2844 = vector.broadcast %add3A_2843 : i32 to vector<16xi32>
      %add3A_2845 = arith.addi %add3A_2824, %add3A_2844 : vector<16xi32>
      %add3A_2846 = arith.constant 256 : i32
      %add3A_2847 = arith.addi %mul3A_2611, %add3A_2846 : i32
      %add3A_2848 = arith.constant 32 : i32
      %add3A_2849 = arith.addi %add3A_2847, %add3A_2848 : i32
      %swap3A_2850 = arith.index_cast %add3A_2849 : i32 to index
      %swap3A_2851 = tpu.vector_load %arg8[%swap3A_2850] {strides = array<i32>} : memref<40960xi32, #tpu.memory_space<vmem>>, vector<16xi32>,
      tpu.vector_store %arg8[%swap3A_2850], %add3A_2845 {strides = array<i32>} : memref<40960xi32, #tpu.memory_space<vmem>>, vector<16xi32>,
      %add3A_2852 = arith.constant 384 : i32
      %add3A_2853 = vector.broadcast %add3A_2852 : i32 to vector<16xi32>
      %add3A_2854 = arith.addi %add3A_2824, %add3A_2853 : vector<16xi32>
      %add3A_2855 = arith.constant 384 : i32
      %add3A_2856 = arith.addi %mul3A_2611, %add3A_2855 : i32
      %add3A_2857 = arith.constant 32 : i32
      %add3A_2858 = arith.addi %add3A_2856, %add3A_2857 : i32
      %swap3A_2859 = arith.index_cast %add3A_2858 : i32 to index
      %swap3A_2860 = tpu.vector_load %arg8[%swap3A_2859] {strides = array<i32>} : memref<40960xi32, #tpu.memory_space<vmem>>, vector<16xi32>,
      tpu.vector_store %arg8[%swap3A_2859], %add3A_2854 {strides = array<i32>} : memref<40960xi32, #tpu.memory_space<vmem>>, vector<16xi32>,
      %add3A_2861 = arith.constant 512 : i32
      %add3A_2862 = vector.broadcast %add3A_2861 : i32 to vector<16xi32>
      %add3A_2863 = arith.addi %add3A_2824, %add3A_2862 : vector<16xi32>
      %add3A_2864 = arith.constant 512 : i32
      %add3A_2865 = arith.addi %mul3A_2611, %add3A_2864 : i32
      %add3A_2866 = arith.constant 32 : i32
      %add3A_2867 = arith.addi %add3A_2865, %add3A_2866 : i32
      %swap3A_2868 = arith.index_cast %add3A_2867 : i32 to index
      %swap3A_2869 = tpu.vector_load %arg8[%swap3A_2868] {strides = array<i32>} : memref<40960xi32, #tpu.memory_space<vmem>>, vector<16xi32>,
      tpu.vector_store %arg8[%swap3A_2868], %add3A_2863 {strides = array<i32>} : memref<40960xi32, #tpu.memory_space<vmem>>, vector<16xi32>,
      %add3A_2870 = arith.constant 640 : i32
      %add3A_2871 = vector.broadcast %add3A_2870 : i32 to vector<16xi32>
      %add3A_2872 = arith.addi %add3A_2824, %add3A_2871 : vector<16xi32>
      %add3A_2873 = arith.constant 640 : i32
      %add3A_2874 = arith.addi %mul3A_2611, %add3A_2873 : i32
      %add3A_2875 = arith.constant 32 : i32
      %add3A_2876 = arith.addi %add3A_2874, %add3A_2875 : i32
      %swap3A_2877 = arith.index_cast %add3A_2876 : i32 to index
      %swap3A_2878 = tpu.vector_load %arg8[%swap3A_2877] {strides = array<i32>} : memref<40960xi32, #tpu.memory_space<vmem>>, vector<16xi32>,
      tpu.vector_store %arg8[%swap3A_2877], %add3A_2872 {strides = array<i32>} : memref<40960xi32, #tpu.memory_space<vmem>>, vector<16xi32>,
      %add3A_2879 = arith.constant 768 : i32
      %add3A_2880 = vector.broadcast %add3A_2879 : i32 to vector<16xi32>
      %add3A_2881 = arith.addi %add3A_2824, %add3A_2880 : vector<16xi32>
      %add3A_2882 = arith.constant 768 : i32
      %add3A_2883 = arith.addi %mul3A_2611, %add3A_2882 : i32
      %add3A_2884 = arith.constant 32 : i32
      %add3A_2885 = arith.addi %add3A_2883, %add3A_2884 : i32
      %swap3A_2886 = arith.index_cast %add3A_2885 : i32 to index
      %swap3A_2887 = tpu.vector_load %arg8[%swap3A_2886] {strides = array<i32>} : memref<40960xi32, #tpu.memory_space<vmem>>, vector<16xi32>,
      tpu.vector_store %arg8[%swap3A_2886], %add3A_2881 {strides = array<i32>} : memref<40960xi32, #tpu.memory_space<vmem>>, vector<16xi32>,
      %add3A_2888 = arith.constant 896 : i32
      %add3A_2889 = vector.broadcast %add3A_2888 : i32 to vector<16xi32>
      %add3A_2890 = arith.addi %add3A_2824, %add3A_2889 : vector<16xi32>
      %add3A_2891 = arith.constant 896 : i32
      %add3A_2892 = arith.addi %mul3A_2611, %add3A_2891 : i32
      %add3A_2893 = arith.constant 32 : i32
      %add3A_2894 = arith.addi %add3A_2892, %add3A_2893 : i32
      %swap3A_2895 = arith.index_cast %add3A_2894 : i32 to index
      %swap3A_2896 = tpu.vector_load %arg8[%swap3A_2895] {strides = array<i32>} : memref<40960xi32, #tpu.memory_space<vmem>>, vector<16xi32>,
      tpu.vector_store %arg8[%swap3A_2895], %add3A_2890 {strides = array<i32>} : memref<40960xi32, #tpu.memory_space<vmem>>, vector<16xi32>,
      %mul3A_2897 = arith.constant 4096 : i32
      %mul3A_2898 = arith.muli %sub3A_2603, %mul3A_2897 : i32
      %mul3A_2899 = arith.constant 128 : i32
      %mul3A_2900 = arith.muli %and3A_2602, %mul3A_2899 : i32
      %add3A_2901 = arith.addi %mul3A_2898, %mul3A_2900 : i32
      %add3A_2902 = arith.constant 48 : i32
      %add3A_2903 = arith.addi %add3A_2901, %add3A_2902 : i32
      %get3A_2904 = arith.index_cast %add3A_2903 : i32 to index
      %get3A_2905 = tpu.vector_load %arg7[%get3A_2904] {strides = array<i32>} : memref<8192xi32, #tpu.memory_space<vmem>>, vector<16xi32>,
      %add3A_2906 = vector.broadcast %mul3A_2607 : i32 to vector<16xi32>
      %add3A_2907 = arith.addi %get3A_2905, %add3A_2906 : vector<16xi32>
      %shift_right_arithmetic3A_2908 = arith.constant 7 : i32
      %shift_right_arithmetic3A_2909 = vector.broadcast %shift_right_arithmetic3A_2908 : i32 to vector<16xi32>
      %shift_right_arithmetic3A_2910 = arith.shrsi %add3A_2907, %shift_right_arithmetic3A_2909 : vector<16xi32>
      %shift_left3A_2911 = arith.constant 10 : i32
      %shift_left3A_2912 = vector.broadcast %shift_left3A_2911 : i32 to vector<16xi32>
      %shift_left3A_2913 = arith.shli %shift_right_arithmetic3A_2910, %shift_left3A_2912 : vector<16xi32>
      %and3A_2914 = arith.constant 127 : i32
      %and3A_2915 = vector.broadcast %and3A_2914 : i32 to vector<16xi32>
      %and3A_2916 = arith.andi %add3A_2907, %and3A_2915 : vector<16xi32>
      %add3A_2917 = arith.addi %shift_left3A_2913, %and3A_2916 : vector<16xi32>
      %add3A_2918 = vector.broadcast %mul3A_2609 : i32 to vector<16xi32>
      %add3A_2919 = arith.addi %add3A_2917, %add3A_2918 : vector<16xi32>
      %add3A_2920 = arith.constant 0 : i32
      %add3A_2921 = vector.broadcast %add3A_2920 : i32 to vector<16xi32>
      %add3A_2922 = arith.addi %add3A_2919, %add3A_2921 : vector<16xi32>
      %add3A_2923 = arith.constant 0 : i32
      %add3A_2924 = arith.addi %mul3A_2611, %add3A_2923 : i32
      %add3A_2925 = arith.constant 48 : i32
      %add3A_2926 = arith.addi %add3A_2924, %add3A_2925 : i32
      %swap3A_2927 = arith.index_cast %add3A_2926 : i32 to index
      %swap3A_2928 = tpu.vector_load %arg8[%swap3A_2927] {strides = array<i32>} : memref<40960xi32, #tpu.memory_space<vmem>>, vector<16xi32>,
      tpu.vector_store %arg8[%swap3A_2927], %add3A_2922 {strides = array<i32>} : memref<40960xi32, #tpu.memory_space<vmem>>, vector<16xi32>,
      %add3A_2929 = arith.constant 128 : i32
      %add3A_2930 = vector.broadcast %add3A_2929 : i32 to vector<16xi32>
      %add3A_2931 = arith.addi %add3A_2919, %add3A_2930 : vector<16xi32>
      %add3A_2932 = arith.constant 128 : i32
      %add3A_2933 = arith.addi %mul3A_2611, %add3A_2932 : i32
      %add3A_2934 = arith.constant 48 : i32
      %add3A_2935 = arith.addi %add3A_2933, %add3A_2934 : i32
      %swap3A_2936 = arith.index_cast %add3A_2935 : i32 to index
      %swap3A_2937 = tpu.vector_load %arg8[%swap3A_2936] {strides = array<i32>} : memref<40960xi32, #tpu.memory_space<vmem>>, vector<16xi32>,
      tpu.vector_store %arg8[%swap3A_2936], %add3A_2931 {strides = array<i32>} : memref<40960xi32, #tpu.memory_space<vmem>>, vector<16xi32>,
      %add3A_2938 = arith.constant 256 : i32
      %add3A_2939 = vector.broadcast %add3A_2938 : i32 to vector<16xi32>
      %add3A_2940 = arith.addi %add3A_2919, %add3A_2939 : vector<16xi32>
      %add3A_2941 = arith.constant 256 : i32
      %add3A_2942 = arith.addi %mul3A_2611, %add3A_2941 : i32
      %add3A_2943 = arith.constant 48 : i32
      %add3A_2944 = arith.addi %add3A_2942, %add3A_2943 : i32
      %swap3A_2945 = arith.index_cast %add3A_2944 : i32 to index
      %swap3A_2946 = tpu.vector_load %arg8[%swap3A_2945] {strides = array<i32>} : memref<40960xi32, #tpu.memory_space<vmem>>, vector<16xi32>,
      tpu.vector_store %arg8[%swap3A_2945], %add3A_2940 {strides = array<i32>} : memref<40960xi32, #tpu.memory_space<vmem>>, vector<16xi32>,
      %add3A_2947 = arith.constant 384 : i32
      %add3A_2948 = vector.broadcast %add3A_2947 : i32 to vector<16xi32>
      %add3A_2949 = arith.addi %add3A_2919, %add3A_2948 : vector<16xi32>
      %add3A_2950 = arith.constant 384 : i32
      %add3A_2951 = arith.addi %mul3A_2611, %add3A_2950 : i32
      %add3A_2952 = arith.constant 48 : i32
      %add3A_2953 = arith.addi %add3A_2951, %add3A_2952 : i32
      %swap3A_2954 = arith.index_cast %add3A_2953 : i32 to index
      %swap3A_2955 = tpu.vector_load %arg8[%swap3A_2954] {strides = array<i32>} : memref<40960xi32, #tpu.memory_space<vmem>>, vector<16xi32>,
      tpu.vector_store %arg8[%swap3A_2954], %add3A_2949 {strides = array<i32>} : memref<40960xi32, #tpu.memory_space<vmem>>, vector<16xi32>,
      %add3A_2956 = arith.constant 512 : i32
      %add3A_2957 = vector.broadcast %add3A_2956 : i32 to vector<16xi32>
      %add3A_2958 = arith.addi %add3A_2919, %add3A_2957 : vector<16xi32>
      %add3A_2959 = arith.constant 512 : i32
      %add3A_2960 = arith.addi %mul3A_2611, %add3A_2959 : i32
      %add3A_2961 = arith.constant 48 : i32
      %add3A_2962 = arith.addi %add3A_2960, %add3A_2961 : i32
      %swap3A_2963 = arith.index_cast %add3A_2962 : i32 to index
      %swap3A_2964 = tpu.vector_load %arg8[%swap3A_2963] {strides = array<i32>} : memref<40960xi32, #tpu.memory_space<vmem>>, vector<16xi32>,
      tpu.vector_store %arg8[%swap3A_2963], %add3A_2958 {strides = array<i32>} : memref<40960xi32, #tpu.memory_space<vmem>>, vector<16xi32>,
      %add3A_2965 = arith.constant 640 : i32
      %add3A_2966 = vector.broadcast %add3A_2965 : i32 to vector<16xi32>
      %add3A_2967 = arith.addi %add3A_2919, %add3A_2966 : vector<16xi32>
      %add3A_2968 = arith.constant 640 : i32
      %add3A_2969 = arith.addi %mul3A_2611, %add3A_2968 : i32
      %add3A_2970 = arith.constant 48 : i32
      %add3A_2971 = arith.addi %add3A_2969, %add3A_2970 : i32
      %swap3A_2972 = arith.index_cast %add3A_2971 : i32 to index
      %swap3A_2973 = tpu.vector_load %arg8[%swap3A_2972] {strides = array<i32>} : memref<40960xi32, #tpu.memory_space<vmem>>, vector<16xi32>,
      tpu.vector_store %arg8[%swap3A_2972], %add3A_2967 {strides = array<i32>} : memref<40960xi32, #tpu.memory_space<vmem>>, vector<16xi32>,
      %add3A_2974 = arith.constant 768 : i32
      %add3A_2975 = vector.broadcast %add3A_2974 : i32 to vector<16xi32>
      %add3A_2976 = arith.addi %add3A_2919, %add3A_2975 : vector<16xi32>
      %add3A_2977 = arith.constant 768 : i32
      %add3A_2978 = arith.addi %mul3A_2611, %add3A_2977 : i32
      %add3A_2979 = arith.constant 48 : i32
      %add3A_2980 = arith.addi %add3A_2978, %add3A_2979 : i32
      %swap3A_2981 = arith.index_cast %add3A_2980 : i32 to index
      %swap3A_2982 = tpu.vector_load %arg8[%swap3A_2981] {strides = array<i32>} : memref<40960xi32, #tpu.memory_space<vmem>>, vector<16xi32>,
      tpu.vector_store %arg8[%swap3A_2981], %add3A_2976 {strides = array<i32>} : memref<40960xi32, #tpu.memory_space<vmem>>, vector<16xi32>,
      %add3A_2983 = arith.constant 896 : i32
      %add3A_2984 = vector.broadcast %add3A_2983 : i32 to vector<16xi32>
      %add3A_2985 = arith.addi %add3A_2919, %add3A_2984 : vector<16xi32>
      %add3A_2986 = arith.constant 896 : i32
      %add3A_2987 = arith.addi %mul3A_2611, %add3A_2986 : i32
      %add3A_2988 = arith.constant 48 : i32
      %add3A_2989 = arith.addi %add3A_2987, %add3A_2988 : i32
      %swap3A_2990 = arith.index_cast %add3A_2989 : i32 to index
      %swap3A_2991 = tpu.vector_load %arg8[%swap3A_2990] {strides = array<i32>} : memref<40960xi32, #tpu.memory_space<vmem>>, vector<16xi32>,
      tpu.vector_store %arg8[%swap3A_2990], %add3A_2985 {strides = array<i32>} : memref<40960xi32, #tpu.memory_space<vmem>>, vector<16xi32>,
      %mul3A_2992 = arith.constant 4096 : i32
      %mul3A_2993 = arith.muli %sub3A_2603, %mul3A_2992 : i32
      %mul3A_2994 = arith.constant 128 : i32
      %mul3A_2995 = arith.muli %and3A_2602, %mul3A_2994 : i32
      %add3A_2996 = arith.addi %mul3A_2993, %mul3A_2995 : i32
      %add3A_2997 = arith.constant 64 : i32
      %add3A_2998 = arith.addi %add3A_2996, %add3A_2997 : i32
      %get3A_2999 = arith.index_cast %add3A_2998 : i32 to index
      %get3A_3000 = tpu.vector_load %arg7[%get3A_2999] {strides = array<i32>} : memref<8192xi32, #tpu.memory_space<vmem>>, vector<16xi32>,
      %add3A_3001 = vector.broadcast %mul3A_2607 : i32 to vector<16xi32>
      %add3A_3002 = arith.addi %get3A_3000, %add3A_3001 : vector<16xi32>
      %shift_right_arithmetic3A_3003 = arith.constant 7 : i32
      %shift_right_arithmetic3A_3004 = vector.broadcast %shift_right_arithmetic3A_3003 : i32 to vector<16xi32>
      %shift_right_arithmetic3A_3005 = arith.shrsi %add3A_3002, %shift_right_arithmetic3A_3004 : vector<16xi32>
      %shift_left3A_3006 = arith.constant 10 : i32
      %shift_left3A_3007 = vector.broadcast %shift_left3A_3006 : i32 to vector<16xi32>
      %shift_left3A_3008 = arith.shli %shift_right_arithmetic3A_3005, %shift_left3A_3007 : vector<16xi32>
      %and3A_3009 = arith.constant 127 : i32
      %and3A_3010 = vector.broadcast %and3A_3009 : i32 to vector<16xi32>
      %and3A_3011 = arith.andi %add3A_3002, %and3A_3010 : vector<16xi32>
      %add3A_3012 = arith.addi %shift_left3A_3008, %and3A_3011 : vector<16xi32>
      %add3A_3013 = vector.broadcast %mul3A_2609 : i32 to vector<16xi32>
      %add3A_3014 = arith.addi %add3A_3012, %add3A_3013 : vector<16xi32>
      %add3A_3015 = arith.constant 0 : i32
      %add3A_3016 = vector.broadcast %add3A_3015 : i32 to vector<16xi32>
      %add3A_3017 = arith.addi %add3A_3014, %add3A_3016 : vector<16xi32>
      %add3A_3018 = arith.constant 0 : i32
      %add3A_3019 = arith.addi %mul3A_2611, %add3A_3018 : i32
      %add3A_3020 = arith.constant 64 : i32
      %add3A_3021 = arith.addi %add3A_3019, %add3A_3020 : i32
      %swap3A_3022 = arith.index_cast %add3A_3021 : i32 to index
      %swap3A_3023 = tpu.vector_load %arg8[%swap3A_3022] {strides = array<i32>} : memref<40960xi32, #tpu.memory_space<vmem>>, vector<16xi32>,
      tpu.vector_store %arg8[%swap3A_3022], %add3A_3017 {strides = array<i32>} : memref<40960xi32, #tpu.memory_space<vmem>>, vector<16xi32>,
      %add3A_3024 = arith.constant 128 : i32
      %add3A_3025 = vector.broadcast %add3A_3024 : i32 to vector<16xi32>
      %add3A_3026 = arith.addi %add3A_3014, %add3A_3025 : vector<16xi32>
      %add3A_3027 = arith.constant 128 : i32
      %add3A_3028 = arith.addi %mul3A_2611, %add3A_3027 : i32
      %add3A_3029 = arith.constant 64 : i32
      %add3A_3030 = arith.addi %add3A_3028, %add3A_3029 : i32
      %swap3A_3031 = arith.index_cast %add3A_3030 : i32 to index
      %swap3A_3032 = tpu.vector_load %arg8[%swap3A_3031] {strides = array<i32>} : memref<40960xi32, #tpu.memory_space<vmem>>, vector<16xi32>,
      tpu.vector_store %arg8[%swap3A_3031], %add3A_3026 {strides = array<i32>} : memref<40960xi32, #tpu.memory_space<vmem>>, vector<16xi32>,
      %add3A_3033 = arith.constant 256 : i32
      %add3A_3034 = vector.broadcast %add3A_3033 : i32 to vector<16xi32>
      %add3A_3035 = arith.addi %add3A_3014, %add3A_3034 : vector<16xi32>
      %add3A_3036 = arith.constant 256 : i32
      %add3A_3037 = arith.addi %mul3A_2611, %add3A_3036 : i32
      %add3A_3038 = arith.constant 64 : i32
      %add3A_3039 = arith.addi %add3A_3037, %add3A_3038 : i32
      %swap3A_3040 = arith.index_cast %add3A_3039 : i32 to index
      %swap3A_3041 = tpu.vector_load %arg8[%swap3A_3040] {strides = array<i32>} : memref<40960xi32, #tpu.memory_space<vmem>>, vector<16xi32>,
      tpu.vector_store %arg8[%swap3A_3040], %add3A_3035 {strides = array<i32>} : memref<40960xi32, #tpu.memory_space<vmem>>, vector<16xi32>,
      %add3A_3042 = arith.constant 384 : i32
      %add3A_3043 = vector.broadcast %add3A_3042 : i32 to vector<16xi32>
      %add3A_3044 = arith.addi %add3A_3014, %add3A_3043 : vector<16xi32>
      %add3A_3045 = arith.constant 384 : i32
      %add3A_3046 = arith.addi %mul3A_2611, %add3A_3045 : i32
      %add3A_3047 = arith.constant 64 : i32
      %add3A_3048 = arith.addi %add3A_3046, %add3A_3047 : i32
      %swap3A_3049 = arith.index_cast %add3A_3048 : i32 to index
      %swap3A_3050 = tpu.vector_load %arg8[%swap3A_3049] {strides = array<i32>} : memref<40960xi32, #tpu.memory_space<vmem>>, vector<16xi32>,
      tpu.vector_store %arg8[%swap3A_3049], %add3A_3044 {strides = array<i32>} : memref<40960xi32, #tpu.memory_space<vmem>>, vector<16xi32>,
      %add3A_3051 = arith.constant 512 : i32
      %add3A_3052 = vector.broadcast %add3A_3051 : i32 to vector<16xi32>
      %add3A_3053 = arith.addi %add3A_3014, %add3A_3052 : vector<16xi32>
      %add3A_3054 = arith.constant 512 : i32
      %add3A_3055 = arith.addi %mul3A_2611, %add3A_3054 : i32
      %add3A_3056 = arith.constant 64 : i32
      %add3A_3057 = arith.addi %add3A_3055, %add3A_3056 : i32
      %swap3A_3058 = arith.index_cast %add3A_3057 : i32 to index
      %swap3A_3059 = tpu.vector_load %arg8[%swap3A_3058] {strides = array<i32>} : memref<40960xi32, #tpu.memory_space<vmem>>, vector<16xi32>,
      tpu.vector_store %arg8[%swap3A_3058], %add3A_3053 {strides = array<i32>} : memref<40960xi32, #tpu.memory_space<vmem>>, vector<16xi32>,
      %add3A_3060 = arith.constant 640 : i32
      %add3A_3061 = vector.broadcast %add3A_3060 : i32 to vector<16xi32>
      %add3A_3062 = arith.addi %add3A_3014, %add3A_3061 : vector<16xi32>
      %add3A_3063 = arith.constant 640 : i32
      %add3A_3064 = arith.addi %mul3A_2611, %add3A_3063 : i32
      %add3A_3065 = arith.constant 64 : i32
      %add3A_3066 = arith.addi %add3A_3064, %add3A_3065 : i32
      %swap3A_3067 = arith.index_cast %add3A_3066 : i32 to index
      %swap3A_3068 = tpu.vector_load %arg8[%swap3A_3067] {strides = array<i32>} : memref<40960xi32, #tpu.memory_space<vmem>>, vector<16xi32>,
      tpu.vector_store %arg8[%swap3A_3067], %add3A_3062 {strides = array<i32>} : memref<40960xi32, #tpu.memory_space<vmem>>, vector<16xi32>,
      %add3A_3069 = arith.constant 768 : i32
      %add3A_3070 = vector.broadcast %add3A_3069 : i32 to vector<16xi32>
      %add3A_3071 = arith.addi %add3A_3014, %add3A_3070 : vector<16xi32>
      %add3A_3072 = arith.constant 768 : i32
      %add3A_3073 = arith.addi %mul3A_2611, %add3A_3072 : i32
      %add3A_3074 = arith.constant 64 : i32
      %add3A_3075 = arith.addi %add3A_3073, %add3A_3074 : i32
      %swap3A_3076 = arith.index_cast %add3A_3075 : i32 to index
      %swap3A_3077 = tpu.vector_load %arg8[%swap3A_3076] {strides = array<i32>} : memref<40960xi32, #tpu.memory_space<vmem>>, vector<16xi32>,
      tpu.vector_store %arg8[%swap3A_3076], %add3A_3071 {strides = array<i32>} : memref<40960xi32, #tpu.memory_space<vmem>>, vector<16xi32>,
      %add3A_3078 = arith.constant 896 : i32
      %add3A_3079 = vector.broadcast %add3A_3078 : i32 to vector<16xi32>
      %add3A_3080 = arith.addi %add3A_3014, %add3A_3079 : vector<16xi32>
      %add3A_3081 = arith.constant 896 : i32
      %add3A_3082 = arith.addi %mul3A_2611, %add3A_3081 : i32
      %add3A_3083 = arith.constant 64 : i32
      %add3A_3084 = arith.addi %add3A_3082, %add3A_3083 : i32
      %swap3A_3085 = arith.index_cast %add3A_3084 : i32 to index
      %swap3A_3086 = tpu.vector_load %arg8[%swap3A_3085] {strides = array<i32>} : memref<40960xi32, #tpu.memory_space<vmem>>, vector<16xi32>,
      tpu.vector_store %arg8[%swap3A_3085], %add3A_3080 {strides = array<i32>} : memref<40960xi32, #tpu.memory_space<vmem>>, vector<16xi32>,
      %mul3A_3087 = arith.constant 4096 : i32
      %mul3A_3088 = arith.muli %sub3A_2603, %mul3A_3087 : i32
      %mul3A_3089 = arith.constant 128 : i32
      %mul3A_3090 = arith.muli %and3A_2602, %mul3A_3089 : i32
      %add3A_3091 = arith.addi %mul3A_3088, %mul3A_3090 : i32
      %add3A_3092 = arith.constant 80 : i32
      %add3A_3093 = arith.addi %add3A_3091, %add3A_3092 : i32
      %get3A_3094 = arith.index_cast %add3A_3093 : i32 to index
      %get3A_3095 = tpu.vector_load %arg7[%get3A_3094] {strides = array<i32>} : memref<8192xi32, #tpu.memory_space<vmem>>, vector<16xi32>,
      %add3A_3096 = vector.broadcast %mul3A_2607 : i32 to vector<16xi32>
      %add3A_3097 = arith.addi %get3A_3095, %add3A_3096 : vector<16xi32>
      %shift_right_arithmetic3A_3098 = arith.constant 7 : i32
      %shift_right_arithmetic3A_3099 = vector.broadcast %shift_right_arithmetic3A_3098 : i32 to vector<16xi32>
      %shift_right_arithmetic3A_3100 = arith.shrsi %add3A_3097, %shift_right_arithmetic3A_3099 : vector<16xi32>
      %shift_left3A_3101 = arith.constant 10 : i32
      %shift_left3A_3102 = vector.broadcast %shift_left3A_3101 : i32 to vector<16xi32>
      %shift_left3A_3103 = arith.shli %shift_right_arithmetic3A_3100, %shift_left3A_3102 : vector<16xi32>
      %and3A_3104 = arith.constant 127 : i32
      %and3A_3105 = vector.broadcast %and3A_3104 : i32 to vector<16xi32>
      %and3A_3106 = arith.andi %add3A_3097, %and3A_3105 : vector<16xi32>
      %add3A_3107 = arith.addi %shift_left3A_3103, %and3A_3106 : vector<16xi32>
      %add3A_3108 = vector.broadcast %mul3A_2609 : i32 to vector<16xi32>
      %add3A_3109 = arith.addi %add3A_3107, %add3A_3108 : vector<16xi32>
      %add3A_3110 = arith.constant 0 : i32
      %add3A_3111 = vector.broadcast %add3A_3110 : i32 to vector<16xi32>
      %add3A_3112 = arith.addi %add3A_3109, %add3A_3111 : vector<16xi32>
      %add3A_3113 = arith.constant 0 : i32
      %add3A_3114 = arith.addi %mul3A_2611, %add3A_3113 : i32
      %add3A_3115 = arith.constant 80 : i32
      %add3A_3116 = arith.addi %add3A_3114, %add3A_3115 : i32
      %swap3A_3117 = arith.index_cast %add3A_3116 : i32 to index
      %swap3A_3118 = tpu.vector_load %arg8[%swap3A_3117] {strides = array<i32>} : memref<40960xi32, #tpu.memory_space<vmem>>, vector<16xi32>,
      tpu.vector_store %arg8[%swap3A_3117], %add3A_3112 {strides = array<i32>} : memref<40960xi32, #tpu.memory_space<vmem>>, vector<16xi32>,
      %add3A_3119 = arith.constant 128 : i32
      %add3A_3120 = vector.broadcast %add3A_3119 : i32 to vector<16xi32>
      %add3A_3121 = arith.addi %add3A_3109, %add3A_3120 : vector<16xi32>
      %add3A_3122 = arith.constant 128 : i32
      %add3A_3123 = arith.addi %mul3A_2611, %add3A_3122 : i32
      %add3A_3124 = arith.constant 80 : i32
      %add3A_3125 = arith.addi %add3A_3123, %add3A_3124 : i32
      %swap3A_3126 = arith.index_cast %add3A_3125 : i32 to index
      %swap3A_3127 = tpu.vector_load %arg8[%swap3A_3126] {strides = array<i32>} : memref<40960xi32, #tpu.memory_space<vmem>>, vector<16xi32>,
      tpu.vector_store %arg8[%swap3A_3126], %add3A_3121 {strides = array<i32>} : memref<40960xi32, #tpu.memory_space<vmem>>, vector<16xi32>,
      %add3A_3128 = arith.constant 256 : i32
      %add3A_3129 = vector.broadcast %add3A_3128 : i32 to vector<16xi32>
      %add3A_3130 = arith.addi %add3A_3109, %add3A_3129 : vector<16xi32>
      %add3A_3131 = arith.constant 256 : i32
      %add3A_3132 = arith.addi %mul3A_2611, %add3A_3131 : i32
      %add3A_3133 = arith.constant 80 : i32
      %add3A_3134 = arith.addi %add3A_3132, %add3A_3133 : i32
      %swap3A_3135 = arith.index_cast %add3A_3134 : i32 to index
      %swap3A_3136 = tpu.vector_load %arg8[%swap3A_3135] {strides = array<i32>} : memref<40960xi32, #tpu.memory_space<vmem>>, vector<16xi32>,
      tpu.vector_store %arg8[%swap3A_3135], %add3A_3130 {strides = array<i32>} : memref<40960xi32, #tpu.memory_space<vmem>>, vector<16xi32>,
      %add3A_3137 = arith.constant 384 : i32
      %add3A_3138 = vector.broadcast %add3A_3137 : i32 to vector<16xi32>
      %add3A_3139 = arith.addi %add3A_3109, %add3A_3138 : vector<16xi32>
      %add3A_3140 = arith.constant 384 : i32
      %add3A_3141 = arith.addi %mul3A_2611, %add3A_3140 : i32
      %add3A_3142 = arith.constant 80 : i32
      %add3A_3143 = arith.addi %add3A_3141, %add3A_3142 : i32
      %swap3A_3144 = arith.index_cast %add3A_3143 : i32 to index
      %swap3A_3145 = tpu.vector_load %arg8[%swap3A_3144] {strides = array<i32>} : memref<40960xi32, #tpu.memory_space<vmem>>, vector<16xi32>,
      tpu.vector_store %arg8[%swap3A_3144], %add3A_3139 {strides = array<i32>} : memref<40960xi32, #tpu.memory_space<vmem>>, vector<16xi32>,
      %add3A_3146 = arith.constant 512 : i32
      %add3A_3147 = vector.broadcast %add3A_3146 : i32 to vector<16xi32>
      %add3A_3148 = arith.addi %add3A_3109, %add3A_3147 : vector<16xi32>
      %add3A_3149 = arith.constant 512 : i32
      %add3A_3150 = arith.addi %mul3A_2611, %add3A_3149 : i32
      %add3A_3151 = arith.constant 80 : i32
      %add3A_3152 = arith.addi %add3A_3150, %add3A_3151 : i32
      %swap3A_3153 = arith.index_cast %add3A_3152 : i32 to index
      %swap3A_3154 = tpu.vector_load %arg8[%swap3A_3153] {strides = array<i32>} : memref<40960xi32, #tpu.memory_space<vmem>>, vector<16xi32>,
      tpu.vector_store %arg8[%swap3A_3153], %add3A_3148 {strides = array<i32>} : memref<40960xi32, #tpu.memory_space<vmem>>, vector<16xi32>,
      %add3A_3155 = arith.constant 640 : i32
      %add3A_3156 = vector.broadcast %add3A_3155 : i32 to vector<16xi32>
      %add3A_3157 = arith.addi %add3A_3109, %add3A_3156 : vector<16xi32>
      %add3A_3158 = arith.constant 640 : i32
      %add3A_3159 = arith.addi %mul3A_2611, %add3A_3158 : i32
      %add3A_3160 = arith.constant 80 : i32
      %add3A_3161 = arith.addi %add3A_3159, %add3A_3160 : i32
      %swap3A_3162 = arith.index_cast %add3A_3161 : i32 to index
      %swap3A_3163 = tpu.vector_load %arg8[%swap3A_3162] {strides = array<i32>} : memref<40960xi32, #tpu.memory_space<vmem>>, vector<16xi32>,
      tpu.vector_store %arg8[%swap3A_3162], %add3A_3157 {strides = array<i32>} : memref<40960xi32, #tpu.memory_space<vmem>>, vector<16xi32>,
      %add3A_3164 = arith.constant 768 : i32
      %add3A_3165 = vector.broadcast %add3A_3164 : i32 to vector<16xi32>
      %add3A_3166 = arith.addi %add3A_3109, %add3A_3165 : vector<16xi32>
      %add3A_3167 = arith.constant 768 : i32
      %add3A_3168 = arith.addi %mul3A_2611, %add3A_3167 : i32
      %add3A_3169 = arith.constant 80 : i32
      %add3A_3170 = arith.addi %add3A_3168, %add3A_3169 : i32
      %swap3A_3171 = arith.index_cast %add3A_3170 : i32 to index
      %swap3A_3172 = tpu.vector_load %arg8[%swap3A_3171] {strides = array<i32>} : memref<40960xi32, #tpu.memory_space<vmem>>, vector<16xi32>,
      tpu.vector_store %arg8[%swap3A_3171], %add3A_3166 {strides = array<i32>} : memref<40960xi32, #tpu.memory_space<vmem>>, vector<16xi32>,
      %add3A_3173 = arith.constant 896 : i32
      %add3A_3174 = vector.broadcast %add3A_3173 : i32 to vector<16xi32>
      %add3A_3175 = arith.addi %add3A_3109, %add3A_3174 : vector<16xi32>
      %add3A_3176 = arith.constant 896 : i32
      %add3A_3177 = arith.addi %mul3A_2611, %add3A_3176 : i32
      %add3A_3178 = arith.constant 80 : i32
      %add3A_3179 = arith.addi %add3A_3177, %add3A_3178 : i32
      %swap3A_3180 = arith.index_cast %add3A_3179 : i32 to index
      %swap3A_3181 = tpu.vector_load %arg8[%swap3A_3180] {strides = array<i32>} : memref<40960xi32, #tpu.memory_space<vmem>>, vector<16xi32>,
      tpu.vector_store %arg8[%swap3A_3180], %add3A_3175 {strides = array<i32>} : memref<40960xi32, #tpu.memory_space<vmem>>, vector<16xi32>,
      %mul3A_3182 = arith.constant 4096 : i32
      %mul3A_3183 = arith.muli %sub3A_2603, %mul3A_3182 : i32
      %mul3A_3184 = arith.constant 128 : i32
      %mul3A_3185 = arith.muli %and3A_2602, %mul3A_3184 : i32
      %add3A_3186 = arith.addi %mul3A_3183, %mul3A_3185 : i32
      %add3A_3187 = arith.constant 96 : i32
      %add3A_3188 = arith.addi %add3A_3186, %add3A_3187 : i32
      %get3A_3189 = arith.index_cast %add3A_3188 : i32 to index
      %get3A_3190 = tpu.vector_load %arg7[%get3A_3189] {strides = array<i32>} : memref<8192xi32, #tpu.memory_space<vmem>>, vector<16xi32>,
      %add3A_3191 = vector.broadcast %mul3A_2607 : i32 to vector<16xi32>
      %add3A_3192 = arith.addi %get3A_3190, %add3A_3191 : vector<16xi32>
      %shift_right_arithmetic3A_3193 = arith.constant 7 : i32
      %shift_right_arithmetic3A_3194 = vector.broadcast %shift_right_arithmetic3A_3193 : i32 to vector<16xi32>
      %shift_right_arithmetic3A_3195 = arith.shrsi %add3A_3192, %shift_right_arithmetic3A_3194 : vector<16xi32>
      %shift_left3A_3196 = arith.constant 10 : i32
      %shift_left3A_3197 = vector.broadcast %shift_left3A_3196 : i32 to vector<16xi32>
      %shift_left3A_3198 = arith.shli %shift_right_arithmetic3A_3195, %shift_left3A_3197 : vector<16xi32>
      %and3A_3199 = arith.constant 127 : i32
      %and3A_3200 = vector.broadcast %and3A_3199 : i32 to vector<16xi32>
      %and3A_3201 = arith.andi %add3A_3192, %and3A_3200 : vector<16xi32>
      %add3A_3202 = arith.addi %shift_left3A_3198, %and3A_3201 : vector<16xi32>
      %add3A_3203 = vector.broadcast %mul3A_2609 : i32 to vector<16xi32>
      %add3A_3204 = arith.addi %add3A_3202, %add3A_3203 : vector<16xi32>
      %add3A_3205 = arith.constant 0 : i32
      %add3A_3206 = vector.broadcast %add3A_3205 : i32 to vector<16xi32>
      %add3A_3207 = arith.addi %add3A_3204, %add3A_3206 : vector<16xi32>
      %add3A_3208 = arith.constant 0 : i32
      %add3A_3209 = arith.addi %mul3A_2611, %add3A_3208 : i32
      %add3A_3210 = arith.constant 96 : i32
      %add3A_3211 = arith.addi %add3A_3209, %add3A_3210 : i32
      %swap3A_3212 = arith.index_cast %add3A_3211 : i32 to index
      %swap3A_3213 = tpu.vector_load %arg8[%swap3A_3212] {strides = array<i32>} : memref<40960xi32, #tpu.memory_space<vmem>>, vector<16xi32>,
      tpu.vector_store %arg8[%swap3A_3212], %add3A_3207 {strides = array<i32>} : memref<40960xi32, #tpu.memory_space<vmem>>, vector<16xi32>,
      %add3A_3214 = arith.constant 128 : i32
      %add3A_3215 = vector.broadcast %add3A_3214 : i32 to vector<16xi32>
      %add3A_3216 = arith.addi %add3A_3204, %add3A_3215 : vector<16xi32>
      %add3A_3217 = arith.constant 128 : i32
      %add3A_3218 = arith.addi %mul3A_2611, %add3A_3217 : i32
      %add3A_3219 = arith.constant 96 : i32
      %add3A_3220 = arith.addi %add3A_3218, %add3A_3219 : i32
      %swap3A_3221 = arith.index_cast %add3A_3220 : i32 to index
      %swap3A_3222 = tpu.vector_load %arg8[%swap3A_3221] {strides = array<i32>} : memref<40960xi32, #tpu.memory_space<vmem>>, vector<16xi32>,
      tpu.vector_store %arg8[%swap3A_3221], %add3A_3216 {strides = array<i32>} : memref<40960xi32, #tpu.memory_space<vmem>>, vector<16xi32>,
      %add3A_3223 = arith.constant 256 : i32
      %add3A_3224 = vector.broadcast %add3A_3223 : i32 to vector<16xi32>
      %add3A_3225 = arith.addi %add3A_3204, %add3A_3224 : vector<16xi32>
      %add3A_3226 = arith.constant 256 : i32
      %add3A_3227 = arith.addi %mul3A_2611, %add3A_3226 : i32
      %add3A_3228 = arith.constant 96 : i32
      %add3A_3229 = arith.addi %add3A_3227, %add3A_3228 : i32
      %swap3A_3230 = arith.index_cast %add3A_3229 : i32 to index
      %swap3A_3231 = tpu.vector_load %arg8[%swap3A_3230] {strides = array<i32>} : memref<40960xi32, #tpu.memory_space<vmem>>, vector<16xi32>,
      tpu.vector_store %arg8[%swap3A_3230], %add3A_3225 {strides = array<i32>} : memref<40960xi32, #tpu.memory_space<vmem>>, vector<16xi32>,
      %add3A_3232 = arith.constant 384 : i32
      %add3A_3233 = vector.broadcast %add3A_3232 : i32 to vector<16xi32>
      %add3A_3234 = arith.addi %add3A_3204, %add3A_3233 : vector<16xi32>
      %add3A_3235 = arith.constant 384 : i32
      %add3A_3236 = arith.addi %mul3A_2611, %add3A_3235 : i32
      %add3A_3237 = arith.constant 96 : i32
      %add3A_3238 = arith.addi %add3A_3236, %add3A_3237 : i32
      %swap3A_3239 = arith.index_cast %add3A_3238 : i32 to index
      %swap3A_3240 = tpu.vector_load %arg8[%swap3A_3239] {strides = array<i32>} : memref<40960xi32, #tpu.memory_space<vmem>>, vector<16xi32>,
      tpu.vector_store %arg8[%swap3A_3239], %add3A_3234 {strides = array<i32>} : memref<40960xi32, #tpu.memory_space<vmem>>, vector<16xi32>,
      %add3A_3241 = arith.constant 512 : i32
      %add3A_3242 = vector.broadcast %add3A_3241 : i32 to vector<16xi32>
      %add3A_3243 = arith.addi %add3A_3204, %add3A_3242 : vector<16xi32>
      %add3A_3244 = arith.constant 512 : i32
      %add3A_3245 = arith.addi %mul3A_2611, %add3A_3244 : i32
      %add3A_3246 = arith.constant 96 : i32
      %add3A_3247 = arith.addi %add3A_3245, %add3A_3246 : i32
      %swap3A_3248 = arith.index_cast %add3A_3247 : i32 to index
      %swap3A_3249 = tpu.vector_load %arg8[%swap3A_3248] {strides = array<i32>} : memref<40960xi32, #tpu.memory_space<vmem>>, vector<16xi32>,
      tpu.vector_store %arg8[%swap3A_3248], %add3A_3243 {strides = array<i32>} : memref<40960xi32, #tpu.memory_space<vmem>>, vector<16xi32>,
      %add3A_3250 = arith.constant 640 : i32
      %add3A_3251 = vector.broadcast %add3A_3250 : i32 to vector<16xi32>
      %add3A_3252 = arith.addi %add3A_3204, %add3A_3251 : vector<16xi32>
      %add3A_3253 = arith.constant 640 : i32
      %add3A_3254 = arith.addi %mul3A_2611, %add3A_3253 : i32
      %add3A_3255 = arith.constant 96 : i32
      %add3A_3256 = arith.addi %add3A_3254, %add3A_3255 : i32
      %swap3A_3257 = arith.index_cast %add3A_3256 : i32 to index
      %swap3A_3258 = tpu.vector_load %arg8[%swap3A_3257] {strides = array<i32>} : memref<40960xi32, #tpu.memory_space<vmem>>, vector<16xi32>,
      tpu.vector_store %arg8[%swap3A_3257], %add3A_3252 {strides = array<i32>} : memref<40960xi32, #tpu.memory_space<vmem>>, vector<16xi32>,
      %add3A_3259 = arith.constant 768 : i32
      %add3A_3260 = vector.broadcast %add3A_3259 : i32 to vector<16xi32>
      %add3A_3261 = arith.addi %add3A_3204, %add3A_3260 : vector<16xi32>
      %add3A_3262 = arith.constant 768 : i32
      %add3A_3263 = arith.addi %mul3A_2611, %add3A_3262 : i32
      %add3A_3264 = arith.constant 96 : i32
      %add3A_3265 = arith.addi %add3A_3263, %add3A_3264 : i32
      %swap3A_3266 = arith.index_cast %add3A_3265 : i32 to index
      %swap3A_3267 = tpu.vector_load %arg8[%swap3A_3266] {strides = array<i32>} : memref<40960xi32, #tpu.memory_space<vmem>>, vector<16xi32>,
      tpu.vector_store %arg8[%swap3A_3266], %add3A_3261 {strides = array<i32>} : memref<40960xi32, #tpu.memory_space<vmem>>, vector<16xi32>,
      %add3A_3268 = arith.constant 896 : i32
      %add3A_3269 = vector.broadcast %add3A_3268 : i32 to vector<16xi32>
      %add3A_3270 = arith.addi %add3A_3204, %add3A_3269 : vector<16xi32>
      %add3A_3271 = arith.constant 896 : i32
      %add3A_3272 = arith.addi %mul3A_2611, %add3A_3271 : i32
      %add3A_3273 = arith.constant 96 : i32
      %add3A_3274 = arith.addi %add3A_3272, %add3A_3273 : i32
      %swap3A_3275 = arith.index_cast %add3A_3274 : i32 to index
      %swap3A_3276 = tpu.vector_load %arg8[%swap3A_3275] {strides = array<i32>} : memref<40960xi32, #tpu.memory_space<vmem>>, vector<16xi32>,
      tpu.vector_store %arg8[%swap3A_3275], %add3A_3270 {strides = array<i32>} : memref<40960xi32, #tpu.memory_space<vmem>>, vector<16xi32>,
      %mul3A_3277 = arith.constant 4096 : i32
      %mul3A_3278 = arith.muli %sub3A_2603, %mul3A_3277 : i32
      %mul3A_3279 = arith.constant 128 : i32
      %mul3A_3280 = arith.muli %and3A_2602, %mul3A_3279 : i32
      %add3A_3281 = arith.addi %mul3A_3278, %mul3A_3280 : i32
      %add3A_3282 = arith.constant 112 : i32
      %add3A_3283 = arith.addi %add3A_3281, %add3A_3282 : i32
      %get3A_3284 = arith.index_cast %add3A_3283 : i32 to index
      %get3A_3285 = tpu.vector_load %arg7[%get3A_3284] {strides = array<i32>} : memref<8192xi32, #tpu.memory_space<vmem>>, vector<16xi32>,
      %add3A_3286 = vector.broadcast %mul3A_2607 : i32 to vector<16xi32>
      %add3A_3287 = arith.addi %get3A_3285, %add3A_3286 : vector<16xi32>
      %shift_right_arithmetic3A_3288 = arith.constant 7 : i32
      %shift_right_arithmetic3A_3289 = vector.broadcast %shift_right_arithmetic3A_3288 : i32 to vector<16xi32>
      %shift_right_arithmetic3A_3290 = arith.shrsi %add3A_3287, %shift_right_arithmetic3A_3289 : vector<16xi32>
      %shift_left3A_3291 = arith.constant 10 : i32
      %shift_left3A_3292 = vector.broadcast %shift_left3A_3291 : i32 to vector<16xi32>
      %shift_left3A_3293 = arith.shli %shift_right_arithmetic3A_3290, %shift_left3A_3292 : vector<16xi32>
      %and3A_3294 = arith.constant 127 : i32
      %and3A_3295 = vector.broadcast %and3A_3294 : i32 to vector<16xi32>
      %and3A_3296 = arith.andi %add3A_3287, %and3A_3295 : vector<16xi32>
      %add3A_3297 = arith.addi %shift_left3A_3293, %and3A_3296 : vector<16xi32>
      %add3A_3298 = vector.broadcast %mul3A_2609 : i32 to vector<16xi32>
      %add3A_3299 = arith.addi %add3A_3297, %add3A_3298 : vector<16xi32>
      %add3A_3300 = arith.constant 0 : i32
      %add3A_3301 = vector.broadcast %add3A_3300 : i32 to vector<16xi32>
      %add3A_3302 = arith.addi %add3A_3299, %add3A_3301 : vector<16xi32>
      %add3A_3303 = arith.constant 0 : i32
      %add3A_3304 = arith.addi %mul3A_2611, %add3A_3303 : i32
      %add3A_3305 = arith.constant 112 : i32
      %add3A_3306 = arith.addi %add3A_3304, %add3A_3305 : i32
      %swap3A_3307 = arith.index_cast %add3A_3306 : i32 to index
      %swap3A_3308 = tpu.vector_load %arg8[%swap3A_3307] {strides = array<i32>} : memref<40960xi32, #tpu.memory_space<vmem>>, vector<16xi32>,
      tpu.vector_store %arg8[%swap3A_3307], %add3A_3302 {strides = array<i32>} : memref<40960xi32, #tpu.memory_space<vmem>>, vector<16xi32>,
      %add3A_3309 = arith.constant 128 : i32
      %add3A_3310 = vector.broadcast %add3A_3309 : i32 to vector<16xi32>
      %add3A_3311 = arith.addi %add3A_3299, %add3A_3310 : vector<16xi32>
      %add3A_3312 = arith.constant 128 : i32
      %add3A_3313 = arith.addi %mul3A_2611, %add3A_3312 : i32
      %add3A_3314 = arith.constant 112 : i32
      %add3A_3315 = arith.addi %add3A_3313, %add3A_3314 : i32
      %swap3A_3316 = arith.index_cast %add3A_3315 : i32 to index
      %swap3A_3317 = tpu.vector_load %arg8[%swap3A_3316] {strides = array<i32>} : memref<40960xi32, #tpu.memory_space<vmem>>, vector<16xi32>,
      tpu.vector_store %arg8[%swap3A_3316], %add3A_3311 {strides = array<i32>} : memref<40960xi32, #tpu.memory_space<vmem>>, vector<16xi32>,
      %add3A_3318 = arith.constant 256 : i32
      %add3A_3319 = vector.broadcast %add3A_3318 : i32 to vector<16xi32>
      %add3A_3320 = arith.addi %add3A_3299, %add3A_3319 : vector<16xi32>
      %add3A_3321 = arith.constant 256 : i32
      %add3A_3322 = arith.addi %mul3A_2611, %add3A_3321 : i32
      %add3A_3323 = arith.constant 112 : i32
      %add3A_3324 = arith.addi %add3A_3322, %add3A_3323 : i32
      %swap3A_3325 = arith.index_cast %add3A_3324 : i32 to index
      %swap3A_3326 = tpu.vector_load %arg8[%swap3A_3325] {strides = array<i32>} : memref<40960xi32, #tpu.memory_space<vmem>>, vector<16xi32>,
      tpu.vector_store %arg8[%swap3A_3325], %add3A_3320 {strides = array<i32>} : memref<40960xi32, #tpu.memory_space<vmem>>, vector<16xi32>,
      %add3A_3327 = arith.constant 384 : i32
      %add3A_3328 = vector.broadcast %add3A_3327 : i32 to vector<16xi32>
      %add3A_3329 = arith.addi %add3A_3299, %add3A_3328 : vector<16xi32>
      %add3A_3330 = arith.constant 384 : i32
      %add3A_3331 = arith.addi %mul3A_2611, %add3A_3330 : i32
      %add3A_3332 = arith.constant 112 : i32
      %add3A_3333 = arith.addi %add3A_3331, %add3A_3332 : i32
      %swap3A_3334 = arith.index_cast %add3A_3333 : i32 to index
      %swap3A_3335 = tpu.vector_load %arg8[%swap3A_3334] {strides = array<i32>} : memref<40960xi32, #tpu.memory_space<vmem>>, vector<16xi32>,
      tpu.vector_store %arg8[%swap3A_3334], %add3A_3329 {strides = array<i32>} : memref<40960xi32, #tpu.memory_space<vmem>>, vector<16xi32>,
      %add3A_3336 = arith.constant 512 : i32
      %add3A_3337 = vector.broadcast %add3A_3336 : i32 to vector<16xi32>
      %add3A_3338 = arith.addi %add3A_3299, %add3A_3337 : vector<16xi32>
      %add3A_3339 = arith.constant 512 : i32
      %add3A_3340 = arith.addi %mul3A_2611, %add3A_3339 : i32
      %add3A_3341 = arith.constant 112 : i32
      %add3A_3342 = arith.addi %add3A_3340, %add3A_3341 : i32
      %swap3A_3343 = arith.index_cast %add3A_3342 : i32 to index
      %swap3A_3344 = tpu.vector_load %arg8[%swap3A_3343] {strides = array<i32>} : memref<40960xi32, #tpu.memory_space<vmem>>, vector<16xi32>,
      tpu.vector_store %arg8[%swap3A_3343], %add3A_3338 {strides = array<i32>} : memref<40960xi32, #tpu.memory_space<vmem>>, vector<16xi32>,
      %add3A_3345 = arith.constant 640 : i32
      %add3A_3346 = vector.broadcast %add3A_3345 : i32 to vector<16xi32>
      %add3A_3347 = arith.addi %add3A_3299, %add3A_3346 : vector<16xi32>
      %add3A_3348 = arith.constant 640 : i32
      %add3A_3349 = arith.addi %mul3A_2611, %add3A_3348 : i32
      %add3A_3350 = arith.constant 112 : i32
      %add3A_3351 = arith.addi %add3A_3349, %add3A_3350 : i32
      %swap3A_3352 = arith.index_cast %add3A_3351 : i32 to index
      %swap3A_3353 = tpu.vector_load %arg8[%swap3A_3352] {strides = array<i32>} : memref<40960xi32, #tpu.memory_space<vmem>>, vector<16xi32>,
      tpu.vector_store %arg8[%swap3A_3352], %add3A_3347 {strides = array<i32>} : memref<40960xi32, #tpu.memory_space<vmem>>, vector<16xi32>,
      %add3A_3354 = arith.constant 768 : i32
      %add3A_3355 = vector.broadcast %add3A_3354 : i32 to vector<16xi32>
      %add3A_3356 = arith.addi %add3A_3299, %add3A_3355 : vector<16xi32>
      %add3A_3357 = arith.constant 768 : i32
      %add3A_3358 = arith.addi %mul3A_2611, %add3A_3357 : i32
      %add3A_3359 = arith.constant 112 : i32
      %add3A_3360 = arith.addi %add3A_3358, %add3A_3359 : i32
      %swap3A_3361 = arith.index_cast %add3A_3360 : i32 to index
      %swap3A_3362 = tpu.vector_load %arg8[%swap3A_3361] {strides = array<i32>} : memref<40960xi32, #tpu.memory_space<vmem>>, vector<16xi32>,
      tpu.vector_store %arg8[%swap3A_3361], %add3A_3356 {strides = array<i32>} : memref<40960xi32, #tpu.memory_space<vmem>>, vector<16xi32>,
      %add3A_3363 = arith.constant 896 : i32
      %add3A_3364 = vector.broadcast %add3A_3363 : i32 to vector<16xi32>
      %add3A_3365 = arith.addi %add3A_3299, %add3A_3364 : vector<16xi32>
      %add3A_3366 = arith.constant 896 : i32
      %add3A_3367 = arith.addi %mul3A_2611, %add3A_3366 : i32
      %add3A_3368 = arith.constant 112 : i32
      %add3A_3369 = arith.addi %add3A_3367, %add3A_3368 : i32
      %swap3A_3370 = arith.index_cast %add3A_3369 : i32 to index
      %swap3A_3371 = tpu.vector_load %arg8[%swap3A_3370] {strides = array<i32>} : memref<40960xi32, #tpu.memory_space<vmem>>, vector<16xi32>,
      tpu.vector_store %arg8[%swap3A_3370], %add3A_3365 {strides = array<i32>} : memref<40960xi32, #tpu.memory_space<vmem>>, vector<16xi32>,
      %mul3A_3372 = arith.constant 4096 : i32
      %mul3A_3373 = arith.muli %scan3A_70, %mul3A_3372 : i32
      %dma_start3A_3374 = tpu.memref_slice %arg9[%mul3A_3373] : memref<40960xf32, #tpu.memory_space<vmem>> -> memref<4096xf32, #tpu.memory_space<vmem>>
      %dma_start3A_3375 = tpu.memref_slice %arg8[%mul3A_3373] : memref<40960xi32, #tpu.memory_space<vmem>> -> memref<4096xi32, #tpu.memory_space<vmem>>
      %dma_start3A_3376 = arith.constant 0 : i32
      %dma_start3A_3377 = tpu.memref_slice %arg2[%dma_start3A_3376] : memref<16640000xf32, #tpu.memory_space<hbm>> -> memref<16640000xf32, #tpu.memory_space<hbm>>
      tpu.enqueue_indirect_dma source(%dma_start3A_3377 : memref<16640000xf32, #tpu.memory_space<hbm>>) target(%dma_start3A_3374 : memref<4096xf32, #tpu.memory_space<vmem>>) offsets(%dma_start3A_3375 : memref<4096xi32, #tpu.memory_space<vmem>>) semaphore(%arg13 : memref<!tpu.dma_semaphore, #tpu.memory_space<semaphore_mem>>)
      %ge3A = arith.constant 2 : i32
      %ge3A_3378 = arith.cmpi sge, %scan3A_70, %ge3A : i32
      %convert_element_type3A_3379 = arith.extui %ge3A_3378 : i1 to i32
      %cond3A_3380 = arith.constant 0 : i32
      %cond3A_3381 = arith.cmpi ne, %convert_element_type3A_3379, %cond3A_3380 : i32
      scf.if %cond3A_3381 {
        %sub3A_3383 = arith.constant 2 : i32
        %sub3A_3384 = arith.subi %scan3A_70, %sub3A_3383 : i32
        %mul3A_3385 = arith.constant 4096 : i32
        %mul3A_3386 = arith.muli %sub3A_3384, %mul3A_3385 : i32
        %dma_wait3A_3387 = tpu.memref_slice %arg9[%mul3A_3386] : memref<40960xf32, #tpu.memory_space<vmem>> -> memref<4096xf32, #tpu.memory_space<vmem>>
        %dma_wait3A_3388 = tpu.memref_slice %arg8[%mul3A_3386] : memref<40960xi32, #tpu.memory_space<vmem>> -> memref<4096xi32, #tpu.memory_space<vmem>>
        %dma_wait3A_3389 = arith.constant 0 : i32
        %dma_wait3A_3390 = tpu.memref_slice %arg2[%dma_wait3A_3389] : memref<16640000xf32, #tpu.memory_space<hbm>> -> memref<16640000xf32, #tpu.memory_space<hbm>>
        tpu.wait_indirect_dma semaphore(%arg13 : memref<!tpu.dma_semaphore, #tpu.memory_space<semaphore_mem>>) src(%dma_wait3A_3390 : memref<16640000xf32, #tpu.memory_space<hbm>>) dst(%dma_wait3A_3387 : memref<4096xf32, #tpu.memory_space<vmem>>)
        %mul3A_3391 = arith.constant 4096 : i32
        %mul3A_3392 = arith.muli %sub3A_3384, %mul3A_3391 : i32
        %add3A_3393 = arith.addi %mul3A_25, %mul3A_3392 : i32
        %dma_start3A_3394 = tpu.memref_slice %arg9[%mul3A_3386] : memref<40960xf32, #tpu.memory_space<vmem>> -> memref<4096xf32, #tpu.memory_space<vmem>>
        %dma_start3A_3395 = tpu.memref_slice %arg5[%add3A_3393] : memref<1310720xf32, #tpu.memory_space<hbm>> -> memref<4096xf32, #tpu.memory_space<hbm>>
        %dma_start3A_3396 = tpu.memref_slice %arg5[%add3A_3393] : memref<1310720xf32, #tpu.memory_space<hbm>> -> memref<4096xf32, #tpu.memory_space<hbm>>
        %dma_start3A_3397 = tpu.memref_slice %arg9[%mul3A_3386] : memref<40960xf32, #tpu.memory_space<vmem>> -> memref<4096xf32, #tpu.memory_space<vmem>>
        tpu.enqueue_dma source(%dma_start3A_3397 : memref<4096xf32, #tpu.memory_space<vmem>>) target(%dma_start3A_3396 : memref<4096xf32, #tpu.memory_space<hbm>>) target_semaphore(%arg15 : memref<!tpu.dma_semaphore, #tpu.memory_space<semaphore_mem>>)
      } else {
      }
      %scan3A_3382 = arith.constant 0 : i32
      scf.yield %scan3A_3382 : i32
    }
    %scan3A_31 = arith.constant 10 : i32
    %dma_wait3A = arith.constant 32768 : i32
    %dma_wait3A_32 = tpu.memref_slice %arg9[%dma_wait3A] : memref<40960xf32, #tpu.memory_space<vmem>> -> memref<4096xf32, #tpu.memory_space<vmem>>
    %dma_wait3A_33 = arith.constant 32768 : i32
    %dma_wait3A_34 = tpu.memref_slice %arg8[%dma_wait3A_33] : memref<40960xi32, #tpu.memory_space<vmem>> -> memref<4096xi32, #tpu.memory_space<vmem>>
    %dma_wait3A_35 = arith.constant 0 : i32
    %dma_wait3A_36 = tpu.memref_slice %arg2[%dma_wait3A_35] : memref<16640000xf32, #tpu.memory_space<hbm>> -> memref<16640000xf32, #tpu.memory_space<hbm>>
    tpu.wait_indirect_dma semaphore(%arg13 : memref<!tpu.dma_semaphore, #tpu.memory_space<semaphore_mem>>) src(%dma_wait3A_36 : memref<16640000xf32, #tpu.memory_space<hbm>>) dst(%dma_wait3A_32 : memref<4096xf32, #tpu.memory_space<vmem>>)
    %add3A_37 = arith.constant 32768 : i32
    %add3A_38 = arith.addi %mul3A_25, %add3A_37 : i32
    %dma_start3A = arith.constant 32768 : i32
    %dma_start3A_39 = tpu.memref_slice %arg9[%dma_start3A] : memref<40960xf32, #tpu.memory_space<vmem>> -> memref<4096xf32, #tpu.memory_space<vmem>>
    %dma_start3A_40 = tpu.memref_slice %arg5[%add3A_38] : memref<1310720xf32, #tpu.memory_space<hbm>> -> memref<4096xf32, #tpu.memory_space<hbm>>
    %dma_start3A_41 = tpu.memref_slice %arg5[%add3A_38] : memref<1310720xf32, #tpu.memory_space<hbm>> -> memref<4096xf32, #tpu.memory_space<hbm>>
    %dma_start3A_42 = arith.constant 32768 : i32
    %dma_start3A_43 = tpu.memref_slice %arg9[%dma_start3A_42] : memref<40960xf32, #tpu.memory_space<vmem>> -> memref<4096xf32, #tpu.memory_space<vmem>>
    tpu.enqueue_dma source(%dma_start3A_43 : memref<4096xf32, #tpu.memory_space<vmem>>) target(%dma_start3A_41 : memref<4096xf32, #tpu.memory_space<hbm>>) target_semaphore(%arg15 : memref<!tpu.dma_semaphore, #tpu.memory_space<semaphore_mem>>)
    %dma_wait3A_44 = arith.constant 36864 : i32
    %dma_wait3A_45 = tpu.memref_slice %arg9[%dma_wait3A_44] : memref<40960xf32, #tpu.memory_space<vmem>> -> memref<4096xf32, #tpu.memory_space<vmem>>
    %dma_wait3A_46 = arith.constant 36864 : i32
    %dma_wait3A_47 = tpu.memref_slice %arg8[%dma_wait3A_46] : memref<40960xi32, #tpu.memory_space<vmem>> -> memref<4096xi32, #tpu.memory_space<vmem>>
    %dma_wait3A_48 = arith.constant 0 : i32
    %dma_wait3A_49 = tpu.memref_slice %arg2[%dma_wait3A_48] : memref<16640000xf32, #tpu.memory_space<hbm>> -> memref<16640000xf32, #tpu.memory_space<hbm>>
    tpu.wait_indirect_dma semaphore(%arg13 : memref<!tpu.dma_semaphore, #tpu.memory_space<semaphore_mem>>) src(%dma_wait3A_49 : memref<16640000xf32, #tpu.memory_space<hbm>>) dst(%dma_wait3A_45 : memref<4096xf32, #tpu.memory_space<vmem>>)
    %add3A_50 = arith.constant 36864 : i32
    %add3A_51 = arith.addi %mul3A_25, %add3A_50 : i32
    %dma_start3A_52 = arith.constant 36864 : i32
    %dma_start3A_53 = tpu.memref_slice %arg9[%dma_start3A_52] : memref<40960xf32, #tpu.memory_space<vmem>> -> memref<4096xf32, #tpu.memory_space<vmem>>
    %dma_start3A_54 = tpu.memref_slice %arg5[%add3A_51] : memref<1310720xf32, #tpu.memory_space<hbm>> -> memref<4096xf32, #tpu.memory_space<hbm>>
    %dma_start3A_55 = tpu.memref_slice %arg5[%add3A_51] : memref<1310720xf32, #tpu.memory_space<hbm>> -> memref<4096xf32, #tpu.memory_space<hbm>>
    %dma_start3A_56 = arith.constant 36864 : i32
    %dma_start3A_57 = tpu.memref_slice %arg9[%dma_start3A_56] : memref<40960xf32, #tpu.memory_space<vmem>> -> memref<4096xf32, #tpu.memory_space<vmem>>
    tpu.enqueue_dma source(%dma_start3A_57 : memref<4096xf32, #tpu.memory_space<vmem>>) target(%dma_start3A_55 : memref<4096xf32, #tpu.memory_space<hbm>>) target_semaphore(%arg15 : memref<!tpu.dma_semaphore, #tpu.memory_space<semaphore_mem>>)
    %scan3A_58 = arith.constant 0 : i32
    %scan3A_59 = arith.constant 0 : i32
    %scan3A_60 = arith.constant 10 : i32
    %scan3A_61 = arith.addi %scan3A_59, %scan3A_60 : i32
    %scan3A_62 = arith.constant 1 : i32
    %scan3A_63 = scf.for %scan3A_70 = %scan3A_59 to %scan3A_61 step %scan3A_62 iter_args(%scan3A_71 = %scan3A_58) -> (i32)  : i32 {
      %mul3A_72 = arith.constant 4096 : i32
      %mul3A_73 = arith.muli %scan3A_70, %mul3A_72 : i32
      %mul3A_74 = arith.constant 4096 : i32
      %mul3A_75 = arith.muli %scan3A_70, %mul3A_74 : i32
      %add3A_76 = arith.addi %mul3A_25, %mul3A_75 : i32
      %dma_wait3A_77 = tpu.memref_slice %arg9[%mul3A_73] : memref<40960xf32, #tpu.memory_space<vmem>> -> memref<4096xf32, #tpu.memory_space<vmem>>
      %dma_wait3A_78 = tpu.memref_slice %arg5[%add3A_76] : memref<1310720xf32, #tpu.memory_space<hbm>> -> memref<4096xf32, #tpu.memory_space<hbm>>
      %dma_wait3A_79 = tpu.memref_slice %arg5[%add3A_76] : memref<1310720xf32, #tpu.memory_space<hbm>> -> memref<4096xf32, #tpu.memory_space<hbm>>
      %dma_wait3A_80 = tpu.memref_slice %arg9[%mul3A_73] : memref<40960xf32, #tpu.memory_space<vmem>> -> memref<4096xf32, #tpu.memory_space<vmem>>
      tpu.wait_dma2 semaphore(%arg15 : memref<!tpu.dma_semaphore, #tpu.memory_space<semaphore_mem>>) src(%dma_wait3A_80 : memref<4096xf32, #tpu.memory_space<vmem>>) dst(%dma_wait3A_79 : memref<4096xf32, #tpu.memory_space<hbm>>)
      %scan3A_81 = arith.constant 0 : i32
      scf.yield %scan3A_81 : i32
    }
    %scan3A_64 = arith.constant 10 : i32
    %eq3A_65 = arith.constant 31 : i32
    %eq3A_66 = arith.cmpi eq, %add3A, %eq3A_65 : i32
    %convert_element_type3A_67 = arith.extui %eq3A_66 : i1 to i32
    %cond3A_68 = arith.constant 0 : i32
    %cond3A_69 = arith.cmpi ne, %convert_element_type3A_67, %cond3A_68 : i32
    scf.if %cond3A_69 {
      %dma_wait3A_70 = arith.constant 0 : i32
      %dma_wait3A_71 = tpu.memref_slice %arg2[%dma_wait3A_70] : memref<16640000xf32, #tpu.memory_space<hbm>> -> memref<16640000xf32, #tpu.memory_space<hbm>>
      tpu.wait_indirect_dma semaphore(%arg14 : memref<!tpu.dma_semaphore, #tpu.memory_space<semaphore_mem>>) src(%dma_wait3A_71 : memref<16640000xf32, #tpu.memory_space<hbm>>) dst(%arg12 : memref<128xf32, #tpu.memory_space<vmem>>)
      "tpu.region"() ({
        %run_scoped3A = tpu.sem_alloc : memref<!tpu.dma_semaphore, #tpu.memory_space<semaphore_mem>>
        tpu.enqueue_dma source(%arg12 : memref<128xf32, #tpu.memory_space<vmem>>) target(%arg6 : memref<128xf32, #tpu.memory_space<hbm>>) target_semaphore(%run_scoped3A : memref<!tpu.dma_semaphore, #tpu.memory_space<semaphore_mem>>)
        tpu.wait_dma2 semaphore(%run_scoped3A : memref<!tpu.dma_semaphore, #tpu.memory_space<semaphore_mem>>) src(%arg12 : memref<128xf32, #tpu.memory_space<vmem>>) dst(%arg6 : memref<128xf32, #tpu.memory_space<hbm>>)
        tpu.yield
      }) : () -> ()
    } else {
    }
    return
  }
}

</mosaic_0001>

<sc_bundles>
// kernel: _lookup.3.cloned.1.call-start
scs
__scs_entry_jumppad:
0x0: {  	(pc) =	sbr.rel $0x88, $3  }
0x1: {  	(tag) =	ssettag $0x0;
	lr =	simm.s32 $0x1  }
0x2: {  	[smem:$0x3F9E] =	sst lr;
	_ =	strace $0xD0000000  }
0x3: {  	_ = 	snop  }
0x4: {  	_ = 	snop  }
0x5: {  	_ = 	snop  }
0x6: {  	_ = 	snop  }
0x7: {  	_ = 	snop  }
__scs_overlays_trampoline_lowered:
0x8: {  	[smem:$0x3FAD] =	sst s0  }
0x9: {  	[smem:$0x3FAE] =	sst s1  }
0xa: {  	[smem:$0x3FAF] =	sst s2  }
0xb: {  	[smem:$0x3FB0] =	sst s3  }
0xc: {  	[smem:$0x3FB1] =	sst s4  }
0xd: {  	[smem:$0x3FB2] =	sst s5  }
0xe: {  	[smem:$0x3FB3] =	sst s6  }
0xf: {  	[smem:$0x3FB4] =	sst s7  }
0x10: {  	[smem:$0x3FB5] =	sst s8  }
0x11: {  	[smem:$0x3FB6] =	sst s9;
	s0 =	simm.s32 @!p0 $0x0  }
0x12: {  	s1 =	sld [smem:$0x3F9C];
	s0 =	simm.s32 @p0 $0x1  }
0x13: {  	[smem:$0x3FB7] =	sst s0;
	s0 =	simm.s32 @!p1 $0x0  }
0x14: {  	s2 =	sld [smem:$0x3F9B];
	s0 =	simm.s32 @p1 $0x1  }
0x15: {  	[smem:$0x3FB8] =	sst s0;
	s0 =	simm.s32 @!p2 $0x0  }
0x16: {  	s3 =	sld [smem:$0x3FDB];
	s0 =	simm.s32 @p2 $0x1  }
0x17: {  	s4 =	simm.s32 $0x1BF5;
	[smem:$0x3FBA] =	sst s0  }
0x18: {  	s0 =	sld [smem:$0x3F9D];
	_ =	swait.ge [sflag:s4], $0x0  }
0x19: {  	s7 =	sld [smem:$0x3F9E]  }
0x1a: {  	s8 =	sadd.s32 $0xFFFFE003, lr  }
0x1b: {  	s9 =	sadd.s32 $0xFFFFFEF7, lr;
	s5 =	simm.s32 $0xFFFFFFFF;
	p2 =	slt.u32 s8, $0xFFFFF086  }
0x1c: {  	p1 =	slt.u32 s9, $0xF7A;
	s5 =	simm.s32 @!p2 $0x0  }
0x1d: {  	s5 =	simm.s32 @p1 $0x1;
	p0 =	seq.s32 s7, s2  }
0x1e: {  	s7 =	smul.u32 @!p0 $0xF7A, s2;
	p2 =	seq.s32 @!p0 s5, $0x0  }
0x1f: {  	s9 =	smul.u32 $0xF7A, s1;
	s8 =	simm.s32 @!p0 $0x1BF5;
	p2 =	por !p2, p0  }
0x20: {  	[sflag:s8] =	ssyncset.s32 @!p0 $0xFFFFF086;
	s6 =	sadd.s32 @!p0 s3, s7;
	s7 =	simm.s32 @!p0 $0x108  }
0x21: {  	s3 =	sadd.s32 s3, s9;
	s6 =	sadd.s32 @!p0 $0x88, s6;
	s7 =	simm.s32 @p2 $0x1082  }
0x22: {  	[simem:s7], [sflag:s8] =	dma.local @!p0 [hbm:s6], $0xF7A  }
0x23: {  	s9 =	sor.u32 $0xD0000000, s2;
	s6 =	simm.s32 $0x108;
	_ =	swait.ge @!p0 [sflag:s8], $0x0  }
0x24: {  	s3 =	sadd.s32 $0x88, s3;
	s6 =	simm.s32 @!p1 $0x1082;
	[sflag:s4] =	ssyncset.s32 $0xFFFFF086  }
0x25: {  	[simem:s6], [sflag:s4] =	dma.local [hbm:s3], $0xF7A  }
0x26: {  	[smem:$0x3F9E] =	sst s1;
	(tag) =	ssettag s2;
	_ =	strace s9  }
0x27: {  	s1 =	sld [smem:$0x3FAE]  }
0x28: {  	s2 =	sld [smem:$0x3FAF]  }
0x29: {  	s4 =	sld [smem:$0x3FB1]  }
0x2a: {  	p0 =	seq.s32 s5, $0x0;
	s5 =	sld [smem:$0x3FB2]  }
0x2b: {  	s6 =	sld [smem:$0x3FB3]  }
0x2c: {  	s7 =	sld [smem:$0x3FB4]  }
0x2d: {  	s3 =	simm.s32 $0x108;
	s8 =	sld [smem:$0x3FB5]  }
0x2e: {  	s3 =	simm.s32 @!p0 $0x1082;
	s9 =	sld [smem:$0x3FB6]  }
0x2f: {  	lr =	sadd.s32 s0, s3;
	s0 =	sld [smem:$0x3FAD]  }
0x30: {  	s3 =	sld [smem:$0x3FB0]  }
0x31: {  	[smem:$0x3FB9] =	sst s10  }
0x32: {  	s10 =	sld [smem:$0x3FB7];
	_ =	sdelay $0x3  }
0x33: {  	p0 =	seq.s32 s10, $0x1;
	s10 =	sld [smem:$0x3FB9];
	_ =	sdelay $0x3  }
0x34: {  	[smem:$0x3FB9] =	sst s10  }
0x35: {  	s10 =	sld [smem:$0x3FB8];
	_ =	sdelay $0x3  }
0x36: {  	p1 =	seq.s32 s10, $0x1;
	s10 =	sld [smem:$0x3FB9];
	_ =	sdelay $0x3  }
0x37: {  	[smem:$0x3FB9] =	sst s10  }
0x38: {  	s10 =	sld [smem:$0x3FBA]  }
0x39: {  	_ = 	snop;
	(pc) =	sbr.ind lr, $3  }
0x3a: {  	_ = 	snop  }
0x3b: {  	_ = 	snop  }
0x3c: {  	p2 =	seq.s32 s10, $0x1;
	s10 =	sld [smem:$0x3FB9]  }
0x3d: {  	_ =	shalt  }
0x3e: {  	_ =	shalt  }
0x3f: {  	_ =	shalt  }
0x40: {  	_ =	shalt  }
0x41: {  	_ =	shalt  }
0x42: {  	_ =	shalt  }
0x43: {  	_ =	shalt  }
0x44: {  	_ =	shalt  }
0x45: {  	_ =	shalt  }
0x46: {  	_ =	shalt  }
0x47: {  	_ =	shalt  }
0x48: {  	_ =	shalt  }
0x49: {  	_ =	shalt  }
0x4a: {  	_ =	shalt  }
0x4b: {  	_ =	shalt  }
0x4c: {  	_ =	shalt  }
0x4d: {  	_ =	shalt  }
0x4e: {  	_ =	shalt  }
0x4f: {  	_ =	shalt  }
0x50: {  	_ =	shalt  }
0x51: {  	_ =	shalt  }
0x52: {  	_ =	shalt  }
0x53: {  	_ =	shalt  }
0x54: {  	_ =	shalt  }
0x55: {  	_ =	shalt  }
0x56: {  	_ =	shalt  }
0x57: {  	_ =	shalt  }
0x58: {  	_ =	shalt  }
0x59: {  	_ =	shalt  }
0x5a: {  	_ =	shalt  }
0x5b: {  	_ =	shalt  }
0x5c: {  	_ =	shalt  }
0x5d: {  	_ =	shalt  }
0x5e: {  	_ =	shalt  }
0x5f: {  	_ =	shalt  }
0x60: {  	_ =	shalt  }
0x61: {  	_ =	shalt  }
0x62: {  	_ =	shalt  }
0x63: {  	_ =	shalt  }
0x64: {  	_ =	shalt  }
0x65: {  	_ =	shalt  }
0x66: {  	_ =	shalt  }
0x67: {  	_ =	shalt  }
0x68: {  	_ =	shalt  }
0x69: {  	_ =	shalt  }
0x6a: {  	_ =	shalt  }
0x6b: {  	_ =	shalt  }
0x6c: {  	_ =	shalt  }
0x6d: {  	_ =	shalt  }
0x6e: {  	_ =	shalt  }
0x6f: {  	_ =	shalt  }
0x70: {  	_ =	shalt  }
0x71: {  	_ =	shalt  }
0x72: {  	_ =	shalt  }
0x73: {  	_ =	shalt  }
0x74: {  	_ =	shalt  }
0x75: {  	_ =	shalt  }
0x76: {  	_ =	shalt  }
0x77: {  	_ =	shalt  }
0x78: {  	_ =	shalt  }
0x79: {  	_ =	shalt  }
0x7a: {  	_ =	shalt  }
0x7b: {  	_ =	shalt  }
0x7c: {  	_ =	shalt  }
0x7d: {  	_ =	shalt  }
0x7e: {  	_ =	shalt  }
0x7f: {  	_ =	shalt  }
0x80: {  	_ =	shalt  }
0x81: {  	_ =	shalt  }
0x82: {  	_ =	shalt  }
0x83: {  	_ =	shalt  }
0x84: {  	_ =	shalt  }
0x85: {  	_ =	shalt  }
0x86: {  	_ =	shalt  }
0x87: {  	_ =	shalt  }
.Lfunc_end0:
.L_simem_size_0:
called_computation_lowered:
.L_overlay_start_0:
0x88: {  	s2 =	sld [smem:$0x3FD9]  }
0x89: {  	s3 =	sld [smem:$0x3FFE];
	_ =	sdelay $0x1  }
0x8a: {  	s1 =	srdreg.scid  }
0x8b: {  	s0 =	sand.u32 $0x1, s1  }
0x8c: {  	s15 =	sshll.u32 s0, $0xA;
	s2 =	sadd.s32 s3, s2  }
0x8d: {  	s2 =	sadd.s32 s2, s15  }
0x8e: {  	[smem:$0x3FC5] =	sst s2  }
0x8f: {  	_ = 	snop  }
0x90: {  	s2 =	sld [smem:$0x3FD0]  }
0x91: {  	s16 =	sld [smem:$0x3FC9]  }
0x92: {  	s4 =	sld [smem:$0x3FC8]  }
0x93: {  	s6 =	simm.s32 $0xA;
	s7 =	simm.s32 $0x10;
	s5 =	sld [smem:$0x3FC7]  }
0x94: {  	[smem:s7], [sflag:s6] =	dma.local [hbm:s2], $0x1  }
0x95: {  	_ =	swait.eq [sflag:s6], $0x1  }
0x96: {  	[sflag:s6] =	ssyncset.done $0x0  }
0x97: {  	s17 =	sld [smem:$0x10];
	[sflag:s6] =	ssyncadd.s32 $0xFFFFFFFF  }
0x98: {  	s18 =	sld [smem:$0x11];
	(tm) =	ssettm $0x1  }
0x99: {  	s19 =	sld [smem:$0x3FFB];
	_ =	sdelay $0x3  }
0x9a: {  	_ =	strace s19  }
0x9b: {  	s7 =	sld [smem:$0x3FFC];
	_ =	sdelay $0x3  }
0x9c: {  	_ =	strace s7  }
0x9d: {  	s7 =	sld [smem:$0x3FFD];
	_ =	sdelay $0x3  }
0x9e: {  	_ =	strace s7  }
0x9f: {  	_ =	strace $0x8FFFFFFF  }
0xa0: {  	s20 =	sld [smem:$0x3FDB];
	_ =	sdelay $0x1  }
0xa1: {  	s8 =	simm.s32 $_scs_section_size  }
0xa2: {  	s9 =	simm.s32 $_size__tile_overlayer_lowered;
	s10 =	simm.s32 $_tile_overlayer_lowered  }
0xa3: {  	s23 =	simm.s32 $0x1BFF;
	s22 =	sshll.u32 s10, $0x1;
	s7 =	sadd.s32 s8, s20  }
0xa4: {  	s11 =	simm.s32 $0x0;
	s21 =	sshll.u32 s9, $0x1;
	s9 =	sadd.s32 s22, s7  }
0xa5: {  	[timem:s11], [sflag:s23] =	dma.local [hbm:s9], s21  }
0xa6: {  	_ =	swait.ge [sflag:s23], s21  }
0xa7: {  	s8 =	ssub.s32 $0x0, s21;
	[sflag:s23] =	ssyncset.done $0x0  }
0xa8: {  	[sflag:s23] =	ssyncadd.s32 s8;
	_ =	sdelay $0x1  }
0xa9: {  	s24 =	simm.s32 $0x1B8B  }
0xaa: {  	_ =	swait.ge [sflag:s24], $0x1  }
0xab: {  	[sflag:s24] =	ssyncset.done $0x0  }
0xac: {  	s25 =	simm.s32 $0x1B8E;
	[sflag:s24] =	ssyncadd.s32 $0xFFFFFFFF  }
0xad: {  	s26 =	simm.s32 $execute0_lowered;
	[smem:$0x3FD2] =	sst s25  }
0xae: {  	s8 =	sshll.u32 s26, $0x1;
	_ =	strace $0x80000046;
	[dreg:$0x1] =	wrdreg $0xFFFFFFFF  }
0xaf: {  	s28 =	simm.s32 $_size_execute0_lowered;
	s7 =	sadd.s32 s7, s8;
	[dreg:$0x0] =	wrdreg $0x0  }
0xb0: {  	s8 =	sshll.u32 s28, $0x1;
	[dreg:$0x2] =	wrdreg s7  }
0xb1: {  	[dreg:$0x3] =	wrdreg s8  }
0xb2: {  	[dreg:$0x4] =	wrdreg $0xC0  }
0xb3: {  	_ =	task [dreg:s11], $0x5FFFF  }
0xb4: {  	[dreg:$0x1] =	wrdreg $0xFFFFFFFF  }
0xb5: {  	[dreg:$0x0] =	wrdreg $0x60  }
0xb6: {  	[dreg:$0x2] =	wrdreg s16  }
0xb7: {  	[dreg:$0x3] =	wrdreg s4  }
0xb8: {  	[dreg:$0x4] =	wrdreg s5  }
0xb9: {  	[dreg:$0x5] =	wrdreg s17  }
0xba: {  	[dreg:$0x6] =	wrdreg s18  }
0xbb: {  	[dreg:$0x7] =	wrdreg $0x9  }
0xbc: {  	_ =	task.clear_ibuf [dreg:s11], $0x8FFFF;
	_ =	strace $0x90000046  }
0xbd: {  	s29 =	simm.s32 $0x9;
	_ =	strace $0x80000048  }
0xbe: {  	_ =	swait.ge [sflag:s29], $0x1  }
0xbf: {  	[sflag:s29] =	ssyncadd.s32 $0xFFFFFFFF  }
0xc0: {  	_ =	strace $0x90000048  }
0xc1: {  	_ =	sfence  }
0xc2: {  	s30 =	sld [smem:$0x0];
	_ =	sdelay $0x2  }
0xc3: {  	s31 =	sshll.u32 s1, $0xD;
	s1 =	sshrl.u32 s1, $0x2  }
0xc4: {  	s3 =	sand.u32 $0x4000, s31;
	s1 =	sadd.s32 s1, s30  }
0xc5: {  	s0 =	sor.u32 s3, s0;
	s1 =	sshll.u32 s1, $0x11  }
0xc6: {  	s0 =	sor.u32 s1, s0  }
0xc7: {  	s0 =	sadd.s32 $0x8F2B, s0  }
0xc8: {  	[sflag:s0] =	ssyncadd.remote.s32 $0x1  }
0xc9: {  	_ =	sfence.sel $0xFFFF  }
0xca: {  	[dreg:$0x0] =	wrdreg $0xFFFFFFFF;
	(pc) =	sbr.abs _section_cstart, $3  }
0xcb: {  	[dreg:$0x1] =	wrdreg $0xFFFFFFFF  }
0xcc: {  	_ =	task.clear_ibuf [dreg:s11], $0x2FFFF;
	_ =	strace $0x9FFFFFFF  }
0xcd: {  	(tm) =	ssettm $0x7FFFFFFF  }
tec
execute0_lowered:
.L_overlay_start_1:
0x0: {  	(tag) =	ssettag $0x1  }
0x1: {  	v0 =	vimm.s32 $0x7EF780;
	vm0 =	vcmask $0x300;
	s0 =	rddreg [dreg:$0x0]  }
0x2: {  	s10 =	rddreg [dreg:$0x1];
	v0 =	vsel vm0, $0x0, v0;
	vm0 =	vcmask $0x704  }
0x3: {  	s2 =	rddreg [dreg:$0x2];
	v0 =	vsel vm0, $0x80, v0;
	vm0 =	vcmask $0xB08  }
0x4: {  	s4 =	srdreg.scid;
	s3 =	rddreg [dreg:$0x3];
	v0 =	vsel vm0, $0x100, v0;
	vm0 =	vcmask $0xF0C  }
0x5: {  	s1 =	stileid.u32;
	s5 =	rddreg [dreg:$0x4];
	v0 =	vsel vm0, $0x180, v0;
	vm0 =	vcmask $0x1310  }
0x6: {  	s6 =	simm.s32 $0x0;
	s17 =	simm.s32 $0x16080;
	s18 =	simm.s32 $0x16100;
	v0 =	vsel vm0, $0x200, v0;
	vm0 =	vcmask $0x1714  }
0x7: {  	s19 =	simm.s32 $0x1000;
	s20 =	simm.s32 $0x14000;
	s21 =	simm.s32 $0x15000;
	v0 =	vsel vm0, $0x280, v0;
	vm0 =	vcmask $0x1B18  }
0x8: {  	v1 =	vlaneseq.u32;
	s9 =	sand.u32 $0x1, s4;
	s30 =	sshll.u32 s1, $0x1;
	[smem:$0x7FF] =	sst s6;
	v0 =	vsel vm0, $0x300, v0;
	vm0 =	vcmask $0x1F1C  }
0x9: {  	vm1 =	vcmask $0x308;
	s22 =	simm.s32 $0x3;
	s14 =	sor.u32 s9, s30;
	_ =	strace $0x80000047;
	v0 =	vsel vm0, $0x380, v0;
	vm0 =	vcmask $0x2320  }
0xa: {  	vm2 =	vcmask $0x70C;
	s23 =	simm.s32 $0x0;
	s12 =	ssub.s32 $0x2, s9;
	s7 =	smul.u32 $0x28, s14;
	v0 =	vsel vm0, $0x7EF400, v0;
	vm0 =	vcmask $0x2724  }
0xb: {  	vm3 =	vcmask $0xB10;
	[dreg:$0x6] =	wrdreg s19;
	s19 =	simm.s32 $0x1;
	s8 =	smul.u32 $0xA000, s14;
	v0 =	vsel vm0, $0x7EF480, v0;
	vm0 =	vcmask $0x2B28  }
0xc: {  	vm4 =	vcmask $0xF14;
	s13 =	sshrl.u32 s12, $0x1;
	p0 =	sne.s32 s14, $0x1F;
	s11 =	sshrl.u32 s7, $0x6;
	v0 =	vsel vm0, $0x7EF500, v0;
	vm0 =	vcmask $0x2F2C  }
0xd: {  	vm5 =	vcmask $0x1318;
	s14 =	simm.s32 $0x4;
	s31 =	sshrl.u32 s8, $0x3;
	s9 =	smin.u32 s11, $0x12;
	v0 =	vsel vm0, $0x7EF580, v0;
	vm0 =	vcmask $0x3330  }
0xe: {  	vm6 =	vcmask $0x171C;
	s13 =	ssub.s32 s12, s13;
	s16 =	sadd.s32 s3, s31;
	s15 =	sshll.u32 s9, $0x9;
	v0 =	vsel vm0, $0x7EF600, v0;
	vm0 =	vcmask $0x3734  }
0xf: {  	vm7 =	vcmask $0x1B20;
	s13 =	smax.u32 s13, $0x1;
	s11 =	sadd.s32 $0x1000, s16;
	s12 =	sadd.s32 $0x1200, s16;
	v0 =	vsel vm0, $0x7EF680, v0;
	vm0 =	vcmask $0x3B38  }
0x10: {  	v1 =	vmul.u32 $0x9C40, v1;
	s16 =	simm.s32 $0x80;
	s10 =	sadd.s32 s10, s15;
	s15 =	simm.s32 $0x16000;
	v0 =	vsel vm0, $0x7EF700, v0;
	vm0 =	vmmov $0x1  }
.LBB2_1:
0x11: {  	[tilespmem:s6], [sflag:$0x4] =	stream.linear.gather [hbm4b:s10+s6], $0x2000, $0x38;
	[tilespmem:$0x16180] =	vst v63  }
0x12: {  	_ =	swait.ge [sflag:s14], $0x2000  }
0x13: {  	[sflag:s14] =	ssyncset.done $0x0  }
0x14: {  	[sflag:s14] =	ssyncadd.s32 $0xFFFFE000  }
0x15: {  	[tilespmem:s15], [sflag:$0x4] =	stream.linear.gather @!p0 [hbm4b:s2+s6], $0x80, $0x38;
	[tilespmem:$0x16180] =	vst v63  }
0x16: {  	_ =	swait.ge @!p0 [sflag:s14], $0x80  }
0x17: {  	[sflag:s14] =	ssyncset.done @!p0 $0x0  }
0x18: {  	[sflag:s14] =	ssyncadd.s32 @!p0 $0xFFFFFF80  }
0x19: {  	v2 =	vld @!p0 [tilespmem:$0x16000];
	_ =	sdelay $0x4  }
0x1a: {  	v2 =	vadd.s32 @!p0 v1, v2  }
0x1b: {  	v3 =	vshll.u32 @!p0 v2, $0x3  }
0x1c: {  	v2 =	vand.u32 @!p0 $0x7F, v2;
	v3 =	vand.u32 @!p0 $0xFFFFFC00, v3  }
0x1d: {  	v2 =	vor.u32 @!p0 v2, v3  }
0x1e: {  	v3 =	vnsel @!p0 vm0, $0x0, v2  }
0x1f: {  	(xrf0) =	vadd.scan.msk.s32 @!p0 $0xffff, v3;
	v3 =	vsel @!p0 vm1, $0x0, v2  }
0x20: {  	(xrf0) =	vadd.scan.msk.s32 @!p0 $0xffff, v3;
	v3 =	vsel @!p0 vm2, $0x0, v2  }
0x21: {  	(xrf0) =	vadd.scan.msk.s32 @!p0 $0xffff, v3;
	v3 =	vsel @!p0 vm3, $0x0, v2  }
0x22: {  	(xrf0) =	vadd.scan.msk.s32 @!p0 $0xffff, v3;
	v3 =	vsel @!p0 vm4, $0x0, v2  }
0x23: {  	(xrf0) =	vadd.scan.msk.s32 @!p0 $0xffff, v3;
	v3 =	vsel @!p0 vm5, $0x0, v2  }
0x24: {  	(xrf0) =	vadd.scan.msk.s32 @!p0 $0xffff, v3;
	v3 =	vsel @!p0 vm6, $0x0, v2;
	v2 =	vsel @!p0 vm7, $0x0, v2  }
0x25: {  	v4, _, _ =	vpop @!p0 (xrf0);
	(xrf0) =	vadd.scan.msk.s32 @!p0 $0xffff, v3  }
0x26: {  	v3 =	vbroadcast @!p0 v4, $0xF;
	v4, _, _ =	vpop @!p0 (xrf0);
	(xrf0) =	vadd.scan.msk.s32 @!p0 $0xffff, v2  }
0x27: {  	v2, _, _ =	vpop @!p0 (xrf0);
	v4 =	vbroadcast @!p0 v4, $0xF  }
0x28: {  	v5, _, _ =	vpop @!p0 (xrf0);
	v3 =	vadd.s32 @!p0 v0, v3;
	v2 =	vbroadcast @!p0 v2, $0xF  }
0x29: {  	v6, _, _ =	vpop @!p0 (xrf0);
	[tilespmem:$0x16080] =	vst @!p0 v3;
	v3 =	vadd.s32 @!p0 v0, v4;
	v4 =	vbroadcast @!p0 v5, $0xF  }
0x2a: {  	v5, _, _ =	vpop @!p0 (xrf0);
	[tilespmem:$0x16090] =	vst @!p0 v3;
	v2 =	vadd.s32 @!p0 v0, v2;
	v3 =	vbroadcast @!p0 v6, $0xF  }
0x2b: {  	v6, _, _ =	vpop @!p0 (xrf0);
	[tilespmem:$0x160A0] =	vst @!p0 v2;
	v2 =	vadd.s32 @!p0 v0, v4;
	v4 =	vbroadcast @!p0 v5, $0xF  }
0x2c: {  	[tilespmem:$0x160B0] =	vst @!p0 v2;
	v2 =	vadd.s32 @!p0 v0, v3;
	v3 =	vbroadcast @!p0 v6, $0xF;
	v5, _, _ =	vpop @!p0 (xrf0)  }
0x2d: {  	[tilespmem:$0x160C0] =	vst @!p0 v2;
	v2 =	vadd.s32 @!p0 v0, v4;
	v4 =	vbroadcast @!p0 v5, $0xF  }
0x2e: {  	[tilespmem:$0x160D0] =	vst @!p0 v2;
	v2 =	vadd.s32 @!p0 v0, v3  }
0x2f: {  	[tilespmem:$0x160E0] =	vst @!p0 v2;
	v2 =	vadd.s32 @!p0 v0, v4  }
0x30: {  	s24 =	simm.s32 $0x0;
	[tilespmem:$0x160F0] =	vst @!p0 v2  }
0x31: {  	[tilespmem:s18], [sflag:$0x2] =	stream.indirect.gather @!p0 [hbm4b:s0+s16], $0x1, s17, s16, $0xb8;
	[tilespmem:$0x16180] =	vst v63  }
.LBB2_2:
0x32: {  	s26 =	sshll.u32 s24, $0x2  }
0x33: {  	s25 =	sadd.s32 s7, s26  }
0x34: {  	s29 =	sshrl.u32 s25, $0x6  }
0x35: {  	s28 =	ssub.s32 s29, s9  }
0x36: {  	s30 =	sshll.u32 s25, $0x7;
	s28 =	sshll.u32 s28, $0xE  }
0x37: {  	s30 =	sand.u32 $0xE00, s30;
	s28 =	sshra.s32 s28, $0x2  }
0x38: {  	s28 =	sor.u32 s30, s28  }
0x39: {  	v2 =	vld [tilespmem:s28+$0x0];
	_ =	sdelay $0x1  }
0x3a: {  	s29 =	smul.u32 $0x9C40, s29;
	_ =	sdelay $0x1  }
0x3b: {  	s29 =	sadd.s32 $0x3A980, s29  }
0x3c: {  	v2 =	vadd.s32 s29, v2  }
0x3d: {  	s25 =	sshll.u32 s25, $0x1A;
	v3 =	vshll.u32 v2, $0x3  }
0x3e: {  	s25 =	sshra.s32 s25, $0x1F;
	v2 =	vand.u32 $0x7F, v2;
	v3 =	vand.u32 $0xFFFFFC00, v3  }
0x3f: {  	s4 =	sand.u32 $0x7EF400, s25;
	v2 =	vor.u32 v2, v3  }
0x40: {  	s25 =	sshll.u32 s24, $0xC;
	v2 =	vadd.s32 s4, v2  }
0x41: {  	[tilespmem:s25+$0x2000] =	vst v2;
	v3 =	vor.u32 $0x80, v2  }
0x42: {  	[tilespmem:s25+$0x2080] =	vst v3;
	v3 =	vor.u32 $0x100, v2  }
0x43: {  	[tilespmem:s25+$0x2100] =	vst v3;
	v3 =	vor.u32 $0x180, v2  }
0x44: {  	[tilespmem:s25+$0x2180] =	vst v3;
	v3 =	vor.u32 $0x200, v2  }
0x45: {  	[tilespmem:s25+$0x2200] =	vst v3;
	v3 =	vor.u32 $0x280, v2  }
0x46: {  	[tilespmem:s25+$0x2280] =	vst v3;
	v3 =	vor.u32 $0x300, v2  }
0x47: {  	v2 =	vor.u32 $0x380, v2;
	[tilespmem:s25+$0x2300] =	vst v3  }
0x48: {  	[tilespmem:s25+$0x2380] =	vst v2  }
0x49: {  	v2 =	vld [tilespmem:s28+$0x10];
	_ =	sdelay $0x4  }
0x4a: {  	v2 =	vadd.s32 s29, v2  }
0x4b: {  	v3 =	vshll.u32 v2, $0x3  }
0x4c: {  	v2 =	vand.u32 $0x7F, v2;
	v3 =	vand.u32 $0xFFFFFC00, v3  }
0x4d: {  	v2 =	vor.u32 v2, v3  }
0x4e: {  	v2 =	vadd.s32 s4, v2  }
0x4f: {  	[tilespmem:s25+$0x2010] =	vst v2;
	v3 =	vor.u32 $0x80, v2  }
0x50: {  	[tilespmem:s25+$0x2090] =	vst v3;
	v3 =	vor.u32 $0x100, v2  }
0x51: {  	[tilespmem:s25+$0x2110] =	vst v3;
	v3 =	vor.u32 $0x180, v2  }
0x52: {  	[tilespmem:s25+$0x2190] =	vst v3;
	v3 =	vor.u32 $0x200, v2  }
0x53: {  	[tilespmem:s25+$0x2210] =	vst v3;
	v3 =	vor.u32 $0x280, v2  }
0x54: {  	[tilespmem:s25+$0x2290] =	vst v3;
	v3 =	vor.u32 $0x300, v2  }
0x55: {  	v2 =	vor.u32 $0x380, v2;
	[tilespmem:s25+$0x2310] =	vst v3  }
0x56: {  	[tilespmem:s25+$0x2390] =	vst v2  }
0x57: {  	v2 =	vld [tilespmem:s28+$0x20];
	_ =	sdelay $0x4  }
0x58: {  	v2 =	vadd.s32 s29, v2  }
0x59: {  	v3 =	vshll.u32 v2, $0x3  }
0x5a: {  	v2 =	vand.u32 $0x7F, v2;
	v3 =	vand.u32 $0xFFFFFC00, v3  }
0x5b: {  	v2 =	vor.u32 v2, v3  }
0x5c: {  	v2 =	vadd.s32 s4, v2  }
0x5d: {  	[tilespmem:s25+$0x2020] =	vst v2;
	v3 =	vor.u32 $0x80, v2  }
0x5e: {  	[tilespmem:s25+$0x20A0] =	vst v3;
	v3 =	vor.u32 $0x100, v2  }
0x5f: {  	[tilespmem:s25+$0x2120] =	vst v3;
	v3 =	vor.u32 $0x180, v2  }
0x60: {  	[tilespmem:s25+$0x21A0] =	vst v3;
	v3 =	vor.u32 $0x200, v2  }
0x61: {  	[tilespmem:s25+$0x2220] =	vst v3;
	v3 =	vor.u32 $0x280, v2  }
0x62: {  	[tilespmem:s25+$0x22A0] =	vst v3;
	v3 =	vor.u32 $0x300, v2  }
0x63: {  	v2 =	vor.u32 $0x380, v2;
	[tilespmem:s25+$0x2320] =	vst v3  }
0x64: {  	[tilespmem:s25+$0x23A0] =	vst v2  }
0x65: {  	v2 =	vld [tilespmem:s28+$0x30];
	_ =	sdelay $0x4  }
0x66: {  	v2 =	vadd.s32 s29, v2  }
0x67: {  	v3 =	vshll.u32 v2, $0x3  }
0x68: {  	v2 =	vand.u32 $0x7F, v2;
	v3 =	vand.u32 $0xFFFFFC00, v3  }
0x69: {  	v2 =	vor.u32 v2, v3  }
0x6a: {  	v2 =	vadd.s32 s4, v2  }
0x6b: {  	[tilespmem:s25+$0x2030] =	vst v2;
	v3 =	vor.u32 $0x80, v2  }
0x6c: {  	[tilespmem:s25+$0x20B0] =	vst v3;
	v3 =	vor.u32 $0x100, v2  }
0x6d: {  	[tilespmem:s25+$0x2130] =	vst v3;
	v3 =	vor.u32 $0x180, v2  }
0x6e: {  	[tilespmem:s25+$0x21B0] =	vst v3;
	v3 =	vor.u32 $0x200, v2  }
0x6f: {  	[tilespmem:s25+$0x2230] =	vst v3;
	v3 =	vor.u32 $0x280, v2  }
0x70: {  	[tilespmem:s25+$0x22B0] =	vst v3;
	v3 =	vor.u32 $0x300, v2  }
0x71: {  	v2 =	vor.u32 $0x380, v2;
	[tilespmem:s25+$0x2330] =	vst v3  }
0x72: {  	[tilespmem:s25+$0x23B0] =	vst v2  }
0x73: {  	v2 =	vld [tilespmem:s28+$0x40];
	_ =	sdelay $0x4  }
0x74: {  	v2 =	vadd.s32 s29, v2  }
0x75: {  	v3 =	vshll.u32 v2, $0x3  }
0x76: {  	v2 =	vand.u32 $0x7F, v2;
	v3 =	vand.u32 $0xFFFFFC00, v3  }
0x77: {  	v2 =	vor.u32 v2, v3  }
0x78: {  	v2 =	vadd.s32 s4, v2  }
0x79: {  	[tilespmem:s25+$0x2040] =	vst v2;
	v3 =	vor.u32 $0x80, v2  }
0x7a: {  	[tilespmem:s25+$0x20C0] =	vst v3;
	v3 =	vor.u32 $0x100, v2  }
0x7b: {  	[tilespmem:s25+$0x2140] =	vst v3;
	v3 =	vor.u32 $0x180, v2  }
0x7c: {  	[tilespmem:s25+$0x21C0] =	vst v3;
	v3 =	vor.u32 $0x200, v2  }
0x7d: {  	[tilespmem:s25+$0x2240] =	vst v3;
	v3 =	vor.u32 $0x280, v2  }
0x7e: {  	[tilespmem:s25+$0x22C0] =	vst v3;
	v3 =	vor.u32 $0x300, v2  }
0x7f: {  	v2 =	vor.u32 $0x380, v2;
	[tilespmem:s25+$0x2340] =	vst v3  }
0x80: {  	[tilespmem:s25+$0x23C0] =	vst v2  }
0x81: {  	v2 =	vld [tilespmem:s28+$0x50];
	_ =	sdelay $0x4  }
0x82: {  	v2 =	vadd.s32 s29, v2  }
0x83: {  	v3 =	vshll.u32 v2, $0x3  }
0x84: {  	v2 =	vand.u32 $0x7F, v2;
	v3 =	vand.u32 $0xFFFFFC00, v3  }
0x85: {  	v2 =	vor.u32 v2, v3  }
0x86: {  	v2 =	vadd.s32 s4, v2  }
0x87: {  	[tilespmem:s25+$0x2050] =	vst v2;
	v3 =	vor.u32 $0x80, v2  }
0x88: {  	[tilespmem:s25+$0x20D0] =	vst v3;
	v3 =	vor.u32 $0x100, v2  }
0x89: {  	[tilespmem:s25+$0x2150] =	vst v3;
	v3 =	vor.u32 $0x180, v2  }
0x8a: {  	[tilespmem:s25+$0x21D0] =	vst v3;
	v3 =	vor.u32 $0x200, v2  }
0x8b: {  	[tilespmem:s25+$0x2250] =	vst v3;
	v3 =	vor.u32 $0x280, v2  }
0x8c: {  	[tilespmem:s25+$0x22D0] =	vst v3;
	v3 =	vor.u32 $0x300, v2  }
0x8d: {  	v2 =	vor.u32 $0x380, v2;
	[tilespmem:s25+$0x2350] =	vst v3  }
0x8e: {  	[tilespmem:s25+$0x23D0] =	vst v2  }
0x8f: {  	v2 =	vld [tilespmem:s28+$0x60];
	_ =	sdelay $0x4  }
0x90: {  	v2 =	vadd.s32 s29, v2  }
0x91: {  	v3 =	vshll.u32 v2, $0x3  }
0x92: {  	v2 =	vand.u32 $0x7F, v2;
	v3 =	vand.u32 $0xFFFFFC00, v3  }
0x93: {  	v2 =	vor.u32 v2, v3  }
0x94: {  	v2 =	vadd.s32 s4, v2  }
0x95: {  	[tilespmem:s25+$0x2060] =	vst v2;
	v3 =	vor.u32 $0x80, v2  }
0x96: {  	[tilespmem:s25+$0x20E0] =	vst v3;
	v3 =	vor.u32 $0x100, v2  }
0x97: {  	[tilespmem:s25+$0x2160] =	vst v3;
	v3 =	vor.u32 $0x180, v2  }
0x98: {  	[tilespmem:s25+$0x21E0] =	vst v3;
	v3 =	vor.u32 $0x200, v2  }
0x99: {  	[tilespmem:s25+$0x2260] =	vst v3;
	v3 =	vor.u32 $0x280, v2  }
0x9a: {  	[tilespmem:s25+$0x22E0] =	vst v3;
	v3 =	vor.u32 $0x300, v2  }
0x9b: {  	v2 =	vor.u32 $0x380, v2;
	[tilespmem:s25+$0x2360] =	vst v3  }
0x9c: {  	[tilespmem:s25+$0x23E0] =	vst v2  }
0x9d: {  	v2 =	vld [tilespmem:s28+$0x70];
	_ =	sdelay $0x4  }
0x9e: {  	v2 =	vadd.s32 s29, v2  }
0x9f: {  	v3 =	vshll.u32 v2, $0x3  }
0xa0: {  	v2 =	vand.u32 $0x7F, v2;
	v3 =	vand.u32 $0xFFFFFC00, v3  }
0xa1: {  	v2 =	vor.u32 v2, v3  }
0xa2: {  	v2 =	vadd.s32 s4, v2  }
0xa3: {  	[tilespmem:s25+$0x2070] =	vst v2;
	v3 =	vor.u32 $0x80, v2  }
0xa4: {  	s28 =	sor.u32 $0x1, s26;
	[tilespmem:s25+$0x20F0] =	vst v3;
	v3 =	vor.u32 $0x100, v2  }
0xa5: {  	s31 =	sadd.s32 s7, s28;
	[tilespmem:s25+$0x2170] =	vst v3;
	v3 =	vor.u32 $0x180, v2  }
0xa6: {  	s30 =	sshrl.u32 s31, $0x6;
	[tilespmem:s25+$0x21F0] =	vst v3;
	v3 =	vor.u32 $0x200, v2  }
0xa7: {  	s29 =	ssub.s32 s30, s9;
	[tilespmem:s25+$0x2270] =	vst v3;
	v3 =	vor.u32 $0x280, v2  }
0xa8: {  	s29 =	sshll.u32 s29, $0xE;
	s4 =	sshll.u32 s31, $0x7;
	[tilespmem:s25+$0x22F0] =	vst v3;
	v3 =	vor.u32 $0x300, v2  }
0xa9: {  	s29 =	sshra.s32 s29, $0x2;
	s4 =	sand.u32 $0xE80, s4;
	v2 =	vor.u32 $0x380, v2;
	[tilespmem:s25+$0x2370] =	vst v3  }
0xaa: {  	s29 =	sor.u32 s4, s29;
	[tilespmem:s25+$0x23F0] =	vst v2  }
0xab: {  	v2 =	vld [tilespmem:s29+$0x0];
	_ =	sdelay $0x1  }
0xac: {  	s30 =	smul.u32 $0x9C40, s30;
	_ =	sdelay $0x1  }
0xad: {  	s30 =	sadd.s32 $0x3A980, s30  }
0xae: {  	v2 =	vadd.s32 s30, v2  }
0xaf: {  	s31 =	sshll.u32 s31, $0x1A;
	v3 =	vshll.u32 v2, $0x3  }
0xb0: {  	s4 =	sshra.s32 s31, $0x1F;
	v2 =	vand.u32 $0x7F, v2;
	v3 =	vand.u32 $0xFFFFFC00, v3  }
0xb1: {  	s28 =	sshll.u32 s28, $0xA;
	s31 =	sand.u32 $0x7EF400, s4;
	v2 =	vor.u32 v2, v3  }
0xb2: {  	s28 =	sand.u32 $0x3FFFF400, s28;
	v2 =	vadd.s32 s31, v2  }
0xb3: {  	[tilespmem:s28+$0x2000] =	vst v2;
	v3 =	vor.u32 $0x80, v2  }
0xb4: {  	[tilespmem:s28+$0x2080] =	vst v3;
	v3 =	vor.u32 $0x100, v2  }
0xb5: {  	[tilespmem:s28+$0x2100] =	vst v3;
	v3 =	vor.u32 $0x180, v2  }
0xb6: {  	[tilespmem:s28+$0x2180] =	vst v3;
	v3 =	vor.u32 $0x200, v2  }
0xb7: {  	[tilespmem:s28+$0x2200] =	vst v3;
	v3 =	vor.u32 $0x280, v2  }
0xb8: {  	[tilespmem:s28+$0x2280] =	vst v3;
	v3 =	vor.u32 $0x300, v2  }
0xb9: {  	v2 =	vor.u32 $0x380, v2;
	[tilespmem:s28+$0x2300] =	vst v3  }
0xba: {  	[tilespmem:s28+$0x2380] =	vst v2  }
0xbb: {  	v2 =	vld [tilespmem:s29+$0x10];
	_ =	sdelay $0x4  }
0xbc: {  	v2 =	vadd.s32 s30, v2  }
0xbd: {  	v3 =	vshll.u32 v2, $0x3  }
0xbe: {  	v2 =	vand.u32 $0x7F, v2;
	v3 =	vand.u32 $0xFFFFFC00, v3  }
0xbf: {  	v2 =	vor.u32 v2, v3  }
0xc0: {  	v2 =	vadd.s32 s31, v2  }
0xc1: {  	[tilespmem:s28+$0x2010] =	vst v2;
	v3 =	vor.u32 $0x80, v2  }
0xc2: {  	[tilespmem:s28+$0x2090] =	vst v3;
	v3 =	vor.u32 $0x100, v2  }
0xc3: {  	[tilespmem:s28+$0x2110] =	vst v3;
	v3 =	vor.u32 $0x180, v2  }
0xc4: {  	[tilespmem:s28+$0x2190] =	vst v3;
	v3 =	vor.u32 $0x200, v2  }
0xc5: {  	[tilespmem:s28+$0x2210] =	vst v3;
	v3 =	vor.u32 $0x280, v2  }
0xc6: {  	[tilespmem:s28+$0x2290] =	vst v3;
	v3 =	vor.u32 $0x300, v2  }
0xc7: {  	v2 =	vor.u32 $0x380, v2;
	[tilespmem:s28+$0x2310] =	vst v3  }
0xc8: {  	[tilespmem:s28+$0x2390] =	vst v2  }
0xc9: {  	v2 =	vld [tilespmem:s29+$0x20];
	_ =	sdelay $0x4  }
0xca: {  	v2 =	vadd.s32 s30, v2  }
0xcb: {  	v3 =	vshll.u32 v2, $0x3  }
0xcc: {  	v2 =	vand.u32 $0x7F, v2;
	v3 =	vand.u32 $0xFFFFFC00, v3  }
0xcd: {  	v2 =	vor.u32 v2, v3  }
0xce: {  	v2 =	vadd.s32 s31, v2  }
0xcf: {  	[tilespmem:s28+$0x2020] =	vst v2;
	v3 =	vor.u32 $0x80, v2  }
0xd0: {  	[tilespmem:s28+$0x20A0] =	vst v3;
	v3 =	vor.u32 $0x100, v2  }
0xd1: {  	[tilespmem:s28+$0x2120] =	vst v3;
	v3 =	vor.u32 $0x180, v2  }
0xd2: {  	[tilespmem:s28+$0x21A0] =	vst v3;
	v3 =	vor.u32 $0x200, v2  }
0xd3: {  	[tilespmem:s28+$0x2220] =	vst v3;
	v3 =	vor.u32 $0x280, v2  }
0xd4: {  	[tilespmem:s28+$0x22A0] =	vst v3;
	v3 =	vor.u32 $0x300, v2  }
0xd5: {  	v2 =	vor.u32 $0x380, v2;
	[tilespmem:s28+$0x2320] =	vst v3  }
0xd6: {  	[tilespmem:s28+$0x23A0] =	vst v2  }
0xd7: {  	v2 =	vld [tilespmem:s29+$0x30];
	_ =	sdelay $0x4  }
0xd8: {  	v2 =	vadd.s32 s30, v2  }
0xd9: {  	v3 =	vshll.u32 v2, $0x3  }
0xda: {  	v2 =	vand.u32 $0x7F, v2;
	v3 =	vand.u32 $0xFFFFFC00, v3  }
0xdb: {  	v2 =	vor.u32 v2, v3  }
0xdc: {  	v2 =	vadd.s32 s31, v2  }
0xdd: {  	[tilespmem:s28+$0x2030] =	vst v2;
	v3 =	vor.u32 $0x80, v2  }
0xde: {  	[tilespmem:s28+$0x20B0] =	vst v3;
	v3 =	vor.u32 $0x100, v2  }
0xdf: {  	[tilespmem:s28+$0x2130] =	vst v3;
	v3 =	vor.u32 $0x180, v2  }
0xe0: {  	[tilespmem:s28+$0x21B0] =	vst v3;
	v3 =	vor.u32 $0x200, v2  }
0xe1: {  	[tilespmem:s28+$0x2230] =	vst v3;
	v3 =	vor.u32 $0x280, v2  }
0xe2: {  	[tilespmem:s28+$0x22B0] =	vst v3;
	v3 =	vor.u32 $0x300, v2  }
0xe3: {  	v2 =	vor.u32 $0x380, v2;
	[tilespmem:s28+$0x2330] =	vst v3  }
0xe4: {  	[tilespmem:s28+$0x23B0] =	vst v2  }
0xe5: {  	v2 =	vld [tilespmem:s29+$0x40];
	_ =	sdelay $0x4  }
0xe6: {  	v2 =	vadd.s32 s30, v2  }
0xe7: {  	v3 =	vshll.u32 v2, $0x3  }
0xe8: {  	v2 =	vand.u32 $0x7F, v2;
	v3 =	vand.u32 $0xFFFFFC00, v3  }
0xe9: {  	v2 =	vor.u32 v2, v3  }
0xea: {  	v2 =	vadd.s32 s31, v2  }
0xeb: {  	[tilespmem:s28+$0x2040] =	vst v2;
	v3 =	vor.u32 $0x80, v2  }
0xec: {  	[tilespmem:s28+$0x20C0] =	vst v3;
	v3 =	vor.u32 $0x100, v2  }
0xed: {  	[tilespmem:s28+$0x2140] =	vst v3;
	v3 =	vor.u32 $0x180, v2  }
0xee: {  	[tilespmem:s28+$0x21C0] =	vst v3;
	v3 =	vor.u32 $0x200, v2  }
0xef: {  	[tilespmem:s28+$0x2240] =	vst v3;
	v3 =	vor.u32 $0x280, v2  }
0xf0: {  	[tilespmem:s28+$0x22C0] =	vst v3;
	v3 =	vor.u32 $0x300, v2  }
0xf1: {  	v2 =	vor.u32 $0x380, v2;
	[tilespmem:s28+$0x2340] =	vst v3  }
0xf2: {  	[tilespmem:s28+$0x23C0] =	vst v2  }
0xf3: {  	v2 =	vld [tilespmem:s29+$0x50];
	_ =	sdelay $0x4  }
0xf4: {  	v2 =	vadd.s32 s30, v2  }
0xf5: {  	v3 =	vshll.u32 v2, $0x3  }
0xf6: {  	v2 =	vand.u32 $0x7F, v2;
	v3 =	vand.u32 $0xFFFFFC00, v3  }
0xf7: {  	v2 =	vor.u32 v2, v3  }
0xf8: {  	v2 =	vadd.s32 s31, v2  }
0xf9: {  	[tilespmem:s28+$0x2050] =	vst v2;
	v3 =	vor.u32 $0x80, v2  }
0xfa: {  	[tilespmem:s28+$0x20D0] =	vst v3;
	v3 =	vor.u32 $0x100, v2  }
0xfb: {  	[tilespmem:s28+$0x2150] =	vst v3;
	v3 =	vor.u32 $0x180, v2  }
0xfc: {  	[tilespmem:s28+$0x21D0] =	vst v3;
	v3 =	vor.u32 $0x200, v2  }
0xfd: {  	[tilespmem:s28+$0x2250] =	vst v3;
	v3 =	vor.u32 $0x280, v2  }
0xfe: {  	[tilespmem:s28+$0x22D0] =	vst v3;
	v3 =	vor.u32 $0x300, v2  }
0xff: {  	v2 =	vor.u32 $0x380, v2;
	[tilespmem:s28+$0x2350] =	vst v3  }
0x100: {  	[tilespmem:s28+$0x23D0] =	vst v2  }
0x101: {  	v2 =	vld [tilespmem:s29+$0x60];
	_ =	sdelay $0x4  }
0x102: {  	v2 =	vadd.s32 s30, v2  }
0x103: {  	v3 =	vshll.u32 v2, $0x3  }
0x104: {  	v2 =	vand.u32 $0x7F, v2;
	v3 =	vand.u32 $0xFFFFFC00, v3  }
0x105: {  	v2 =	vor.u32 v2, v3  }
0x106: {  	v2 =	vadd.s32 s31, v2  }
0x107: {  	[tilespmem:s28+$0x2060] =	vst v2;
	v3 =	vor.u32 $0x80, v2  }
0x108: {  	[tilespmem:s28+$0x20E0] =	vst v3;
	v3 =	vor.u32 $0x100, v2  }
0x109: {  	[tilespmem:s28+$0x2160] =	vst v3;
	v3 =	vor.u32 $0x180, v2  }
0x10a: {  	[tilespmem:s28+$0x21E0] =	vst v3;
	v3 =	vor.u32 $0x200, v2  }
0x10b: {  	[tilespmem:s28+$0x2260] =	vst v3;
	v3 =	vor.u32 $0x280, v2  }
0x10c: {  	[tilespmem:s28+$0x22E0] =	vst v3;
	v3 =	vor.u32 $0x300, v2  }
0x10d: {  	v2 =	vor.u32 $0x380, v2;
	[tilespmem:s28+$0x2360] =	vst v3  }
0x10e: {  	[tilespmem:s28+$0x23E0] =	vst v2  }
0x10f: {  	v2 =	vld [tilespmem:s29+$0x70];
	_ =	sdelay $0x4  }
0x110: {  	v2 =	vadd.s32 s30, v2  }
0x111: {  	v3 =	vshll.u32 v2, $0x3  }
0x112: {  	v2 =	vand.u32 $0x7F, v2;
	v3 =	vand.u32 $0xFFFFFC00, v3  }
0x113: {  	v2 =	vor.u32 v2, v3  }
0x114: {  	v2 =	vadd.s32 s31, v2  }
0x115: {  	[tilespmem:s28+$0x2070] =	vst v2;
	v3 =	vor.u32 $0x80, v2  }
0x116: {  	s4 =	sor.u32 $0x2, s26;
	[tilespmem:s28+$0x20F0] =	vst v3;
	v3 =	vor.u32 $0x100, v2  }
0x117: {  	s26 =	sadd.s32 s7, s4;
	[tilespmem:s28+$0x2170] =	vst v3;
	v3 =	vor.u32 $0x180, v2  }
0x118: {  	s29 =	sshrl.u32 s26, $0x6;
	[tilespmem:s28+$0x21F0] =	vst v3;
	v3 =	vor.u32 $0x200, v2  }
0x119: {  	s30 =	ssub.s32 s29, s9;
	[tilespmem:s28+$0x2270] =	vst v3;
	v3 =	vor.u32 $0x280, v2  }
0x11a: {  	s30 =	sshll.u32 s30, $0xE;
	s31 =	sshll.u32 s26, $0x7;
	[tilespmem:s28+$0x22F0] =	vst v3;
	v3 =	vor.u32 $0x300, v2  }
0x11b: {  	s30 =	sshra.s32 s30, $0x2;
	s31 =	sand.u32 $0xF00, s31;
	v2 =	vor.u32 $0x380, v2;
	[tilespmem:s28+$0x2370] =	vst v3  }
0x11c: {  	[tilespmem:s28+$0x23F0] =	vst v2;
	s28 =	sor.u32 s31, s30  }
0x11d: {  	v2 =	vld [tilespmem:s28+$0x0];
	_ =	sdelay $0x1  }
0x11e: {  	s29 =	smul.u32 $0x9C40, s29;
	_ =	sdelay $0x1  }
0x11f: {  	s29 =	sadd.s32 $0x3A980, s29  }
0x120: {  	v2 =	vadd.s32 s29, v2  }
0x121: {  	s26 =	sshll.u32 s26, $0x1A;
	v3 =	vshll.u32 v2, $0x3  }
0x122: {  	s26 =	sshra.s32 s26, $0x1F;
	v2 =	vand.u32 $0x7F, v2;
	v3 =	vand.u32 $0xFFFFFC00, v3  }
0x123: {  	s4 =	sshll.u32 s4, $0xA;
	s31 =	sand.u32 $0x7EF400, s26;
	v2 =	vor.u32 v2, v3  }
0x124: {  	s26 =	sand.u32 $0x3FFFF800, s4;
	v2 =	vadd.s32 s31, v2  }
0x125: {  	[tilespmem:s26+$0x2000] =	vst v2;
	v3 =	vor.u32 $0x80, v2  }
0x126: {  	[tilespmem:s26+$0x2080] =	vst v3;
	v3 =	vor.u32 $0x100, v2  }
0x127: {  	[tilespmem:s26+$0x2100] =	vst v3;
	v3 =	vor.u32 $0x180, v2  }
0x128: {  	[tilespmem:s26+$0x2180] =	vst v3;
	v3 =	vor.u32 $0x200, v2  }
0x129: {  	[tilespmem:s26+$0x2200] =	vst v3;
	v3 =	vor.u32 $0x280, v2  }
0x12a: {  	[tilespmem:s26+$0x2280] =	vst v3;
	v3 =	vor.u32 $0x300, v2  }
0x12b: {  	v2 =	vor.u32 $0x380, v2;
	[tilespmem:s26+$0x2300] =	vst v3  }
0x12c: {  	[tilespmem:s26+$0x2380] =	vst v2  }
0x12d: {  	v2 =	vld [tilespmem:s28+$0x10];
	_ =	sdelay $0x4  }
0x12e: {  	v2 =	vadd.s32 s29, v2  }
0x12f: {  	v3 =	vshll.u32 v2, $0x3  }
0x130: {  	v2 =	vand.u32 $0x7F, v2;
	v3 =	vand.u32 $0xFFFFFC00, v3  }
0x131: {  	v2 =	vor.u32 v2, v3  }
0x132: {  	v2 =	vadd.s32 s31, v2  }
0x133: {  	[tilespmem:s26+$0x2010] =	vst v2;
	v3 =	vor.u32 $0x80, v2  }
0x134: {  	[tilespmem:s26+$0x2090] =	vst v3;
	v3 =	vor.u32 $0x100, v2  }
0x135: {  	[tilespmem:s26+$0x2110] =	vst v3;
	v3 =	vor.u32 $0x180, v2  }
0x136: {  	[tilespmem:s26+$0x2190] =	vst v3;
	v3 =	vor.u32 $0x200, v2  }
0x137: {  	[tilespmem:s26+$0x2210] =	vst v3;
	v3 =	vor.u32 $0x280, v2  }
0x138: {  	[tilespmem:s26+$0x2290] =	vst v3;
	v3 =	vor.u32 $0x300, v2  }
0x139: {  	v2 =	vor.u32 $0x380, v2;
	[tilespmem:s26+$0x2310] =	vst v3  }
0x13a: {  	[tilespmem:s26+$0x2390] =	vst v2  }
0x13b: {  	v2 =	vld [tilespmem:s28+$0x20];
	_ =	sdelay $0x4  }
0x13c: {  	v2 =	vadd.s32 s29, v2  }
0x13d: {  	v3 =	vshll.u32 v2, $0x3  }
0x13e: {  	v2 =	vand.u32 $0x7F, v2;
	v3 =	vand.u32 $0xFFFFFC00, v3  }
0x13f: {  	v2 =	vor.u32 v2, v3  }
0x140: {  	v2 =	vadd.s32 s31, v2  }
0x141: {  	[tilespmem:s26+$0x2020] =	vst v2;
	v3 =	vor.u32 $0x80, v2  }
0x142: {  	[tilespmem:s26+$0x20A0] =	vst v3;
	v3 =	vor.u32 $0x100, v2  }
0x143: {  	[tilespmem:s26+$0x2120] =	vst v3;
	v3 =	vor.u32 $0x180, v2  }
0x144: {  	[tilespmem:s26+$0x21A0] =	vst v3;
	v3 =	vor.u32 $0x200, v2  }
0x145: {  	[tilespmem:s26+$0x2220] =	vst v3;
	v3 =	vor.u32 $0x280, v2  }
0x146: {  	[tilespmem:s26+$0x22A0] =	vst v3;
	v3 =	vor.u32 $0x300, v2  }
0x147: {  	v2 =	vor.u32 $0x380, v2;
	[tilespmem:s26+$0x2320] =	vst v3  }
0x148: {  	[tilespmem:s26+$0x23A0] =	vst v2  }
0x149: {  	v2 =	vld [tilespmem:s28+$0x30];
	_ =	sdelay $0x4  }
0x14a: {  	v2 =	vadd.s32 s29, v2  }
0x14b: {  	v3 =	vshll.u32 v2, $0x3  }
0x14c: {  	v2 =	vand.u32 $0x7F, v2;
	v3 =	vand.u32 $0xFFFFFC00, v3  }
0x14d: {  	v2 =	vor.u32 v2, v3  }
0x14e: {  	v2 =	vadd.s32 s31, v2  }
0x14f: {  	[tilespmem:s26+$0x2030] =	vst v2;
	v3 =	vor.u32 $0x80, v2  }
0x150: {  	[tilespmem:s26+$0x20B0] =	vst v3;
	v3 =	vor.u32 $0x100, v2  }
0x151: {  	[tilespmem:s26+$0x2130] =	vst v3;
	v3 =	vor.u32 $0x180, v2  }
0x152: {  	[tilespmem:s26+$0x21B0] =	vst v3;
	v3 =	vor.u32 $0x200, v2  }
0x153: {  	[tilespmem:s26+$0x2230] =	vst v3;
	v3 =	vor.u32 $0x280, v2  }
0x154: {  	[tilespmem:s26+$0x22B0] =	vst v3;
	v3 =	vor.u32 $0x300, v2  }
0x155: {  	v2 =	vor.u32 $0x380, v2;
	[tilespmem:s26+$0x2330] =	vst v3  }
0x156: {  	[tilespmem:s26+$0x23B0] =	vst v2  }
0x157: {  	v2 =	vld [tilespmem:s28+$0x40];
	_ =	sdelay $0x4  }
0x158: {  	v2 =	vadd.s32 s29, v2  }
0x159: {  	v3 =	vshll.u32 v2, $0x3  }
0x15a: {  	v2 =	vand.u32 $0x7F, v2;
	v3 =	vand.u32 $0xFFFFFC00, v3  }
0x15b: {  	v2 =	vor.u32 v2, v3  }
0x15c: {  	v2 =	vadd.s32 s31, v2  }
0x15d: {  	[tilespmem:s26+$0x2040] =	vst v2;
	v3 =	vor.u32 $0x80, v2  }
0x15e: {  	[tilespmem:s26+$0x20C0] =	vst v3;
	v3 =	vor.u32 $0x100, v2  }
0x15f: {  	[tilespmem:s26+$0x2140] =	vst v3;
	v3 =	vor.u32 $0x180, v2  }
0x160: {  	[tilespmem:s26+$0x21C0] =	vst v3;
	v3 =	vor.u32 $0x200, v2  }
0x161: {  	[tilespmem:s26+$0x2240] =	vst v3;
	v3 =	vor.u32 $0x280, v2  }
0x162: {  	[tilespmem:s26+$0x22C0] =	vst v3;
	v3 =	vor.u32 $0x300, v2  }
0x163: {  	v2 =	vor.u32 $0x380, v2;
	[tilespmem:s26+$0x2340] =	vst v3  }
0x164: {  	[tilespmem:s26+$0x23C0] =	vst v2  }
0x165: {  	v2 =	vld [tilespmem:s28+$0x50];
	_ =	sdelay $0x4  }
0x166: {  	v2 =	vadd.s32 s29, v2  }
0x167: {  	v3 =	vshll.u32 v2, $0x3  }
0x168: {  	v2 =	vand.u32 $0x7F, v2;
	v3 =	vand.u32 $0xFFFFFC00, v3  }
0x169: {  	v2 =	vor.u32 v2, v3  }
0x16a: {  	v2 =	vadd.s32 s31, v2  }
0x16b: {  	[tilespmem:s26+$0x2050] =	vst v2;
	v3 =	vor.u32 $0x80, v2  }
0x16c: {  	[tilespmem:s26+$0x20D0] =	vst v3;
	v3 =	vor.u32 $0x100, v2  }
0x16d: {  	[tilespmem:s26+$0x2150] =	vst v3;
	v3 =	vor.u32 $0x180, v2  }
0x16e: {  	[tilespmem:s26+$0x21D0] =	vst v3;
	v3 =	vor.u32 $0x200, v2  }
0x16f: {  	[tilespmem:s26+$0x2250] =	vst v3;
	v3 =	vor.u32 $0x280, v2  }
0x170: {  	[tilespmem:s26+$0x22D0] =	vst v3;
	v3 =	vor.u32 $0x300, v2  }
0x171: {  	v2 =	vor.u32 $0x380, v2;
	[tilespmem:s26+$0x2350] =	vst v3  }
0x172: {  	[tilespmem:s26+$0x23D0] =	vst v2  }
0x173: {  	v2 =	vld [tilespmem:s28+$0x60];
	_ =	sdelay $0x4  }
0x174: {  	v2 =	vadd.s32 s29, v2  }
0x175: {  	v3 =	vshll.u32 v2, $0x3  }
0x176: {  	v2 =	vand.u32 $0x7F, v2;
	v3 =	vand.u32 $0xFFFFFC00, v3  }
0x177: {  	v2 =	vor.u32 v2, v3  }
0x178: {  	v2 =	vadd.s32 s31, v2  }
0x179: {  	[tilespmem:s26+$0x2060] =	vst v2;
	v3 =	vor.u32 $0x80, v2  }
0x17a: {  	[tilespmem:s26+$0x20E0] =	vst v3;
	v3 =	vor.u32 $0x100, v2  }
0x17b: {  	[tilespmem:s26+$0x2160] =	vst v3;
	v3 =	vor.u32 $0x180, v2  }
0x17c: {  	[tilespmem:s26+$0x21E0] =	vst v3;
	v3 =	vor.u32 $0x200, v2  }
0x17d: {  	[tilespmem:s26+$0x2260] =	vst v3;
	v3 =	vor.u32 $0x280, v2  }
0x17e: {  	[tilespmem:s26+$0x22E0] =	vst v3;
	v3 =	vor.u32 $0x300, v2  }
0x17f: {  	v2 =	vor.u32 $0x380, v2;
	[tilespmem:s26+$0x2360] =	vst v3  }
0x180: {  	[tilespmem:s26+$0x23E0] =	vst v2  }
0x181: {  	v2 =	vld [tilespmem:s28+$0x70];
	_ =	sdelay $0x4  }
0x182: {  	v2 =	vadd.s32 s29, v2  }
0x183: {  	v3 =	vshll.u32 v2, $0x3  }
0x184: {  	v2 =	vand.u32 $0x7F, v2;
	v3 =	vand.u32 $0xFFFFFC00, v3  }
0x185: {  	v2 =	vor.u32 v2, v3  }
0x186: {  	v2 =	vadd.s32 s31, v2  }
0x187: {  	[tilespmem:s26+$0x2070] =	vst v2;
	v3 =	vor.u32 $0x80, v2  }
0x188: {  	s4 =	sshllo.u32 s24, $0x2;
	[tilespmem:s26+$0x20F0] =	vst v3;
	v3 =	vor.u32 $0x100, v2  }
0x189: {  	s30 =	sadd.s32 s7, s4;
	[tilespmem:s26+$0x2170] =	vst v3;
	v3 =	vor.u32 $0x180, v2  }
0x18a: {  	s29 =	sshrl.u32 s30, $0x6;
	[tilespmem:s26+$0x21F0] =	vst v3;
	v3 =	vor.u32 $0x200, v2  }
0x18b: {  	s28 =	ssub.s32 s29, s9;
	[tilespmem:s26+$0x2270] =	vst v3;
	v3 =	vor.u32 $0x280, v2  }
0x18c: {  	s28 =	sshll.u32 s28, $0xE;
	s31 =	sshll.u32 s30, $0x7;
	[tilespmem:s26+$0x22F0] =	vst v3;
	v3 =	vor.u32 $0x300, v2  }
0x18d: {  	s28 =	sshra.s32 s28, $0x2;
	s31 =	sand.u32 $0xF80, s31;
	v2 =	vor.u32 $0x380, v2;
	[tilespmem:s26+$0x2370] =	vst v3  }
0x18e: {  	s28 =	sor.u32 s31, s28;
	[tilespmem:s26+$0x23F0] =	vst v2  }
0x18f: {  	v2 =	vld [tilespmem:s28+$0x0];
	_ =	sdelay $0x1  }
0x190: {  	s29 =	smul.u32 $0x9C40, s29;
	_ =	sdelay $0x1  }
0x191: {  	s29 =	sadd.s32 $0x3A980, s29  }
0x192: {  	v2 =	vadd.s32 s29, v2  }
0x193: {  	s30 =	sshll.u32 s30, $0x1A;
	v3 =	vshll.u32 v2, $0x3  }
0x194: {  	s26 =	sshra.s32 s30, $0x1F;
	v2 =	vand.u32 $0x7F, v2;
	v3 =	vand.u32 $0xFFFFFC00, v3  }
0x195: {  	s4 =	sshll.u32 s4, $0xA;
	s31 =	sand.u32 $0x7EF400, s26;
	v2 =	vor.u32 v2, v3  }
0x196: {  	s4 =	sand.u32 $0x3FFFFC00, s4;
	v2 =	vadd.s32 s31, v2  }
0x197: {  	[tilespmem:s4+$0x2000] =	vst v2;
	v3 =	vor.u32 $0x80, v2  }
0x198: {  	[tilespmem:s4+$0x2080] =	vst v3;
	v3 =	vor.u32 $0x100, v2  }
0x199: {  	[tilespmem:s4+$0x2100] =	vst v3;
	v3 =	vor.u32 $0x180, v2  }
0x19a: {  	[tilespmem:s4+$0x2180] =	vst v3;
	v3 =	vor.u32 $0x200, v2  }
0x19b: {  	[tilespmem:s4+$0x2200] =	vst v3;
	v3 =	vor.u32 $0x280, v2  }
0x19c: {  	[tilespmem:s4+$0x2280] =	vst v3;
	v3 =	vor.u32 $0x300, v2  }
0x19d: {  	v2 =	vor.u32 $0x380, v2;
	[tilespmem:s4+$0x2300] =	vst v3  }
0x19e: {  	[tilespmem:s4+$0x2380] =	vst v2  }
0x19f: {  	v2 =	vld [tilespmem:s28+$0x10];
	_ =	sdelay $0x4  }
0x1a0: {  	v2 =	vadd.s32 s29, v2  }
0x1a1: {  	v3 =	vshll.u32 v2, $0x3  }
0x1a2: {  	v2 =	vand.u32 $0x7F, v2;
	v3 =	vand.u32 $0xFFFFFC00, v3  }
0x1a3: {  	v2 =	vor.u32 v2, v3  }
0x1a4: {  	v2 =	vadd.s32 s31, v2  }
0x1a5: {  	[tilespmem:s4+$0x2010] =	vst v2;
	v3 =	vor.u32 $0x80, v2  }
0x1a6: {  	[tilespmem:s4+$0x2090] =	vst v3;
	v3 =	vor.u32 $0x100, v2  }
0x1a7: {  	[tilespmem:s4+$0x2110] =	vst v3;
	v3 =	vor.u32 $0x180, v2  }
0x1a8: {  	[tilespmem:s4+$0x2190] =	vst v3;
	v3 =	vor.u32 $0x200, v2  }
0x1a9: {  	[tilespmem:s4+$0x2210] =	vst v3;
	v3 =	vor.u32 $0x280, v2  }
0x1aa: {  	[tilespmem:s4+$0x2290] =	vst v3;
	v3 =	vor.u32 $0x300, v2  }
0x1ab: {  	v2 =	vor.u32 $0x380, v2;
	[tilespmem:s4+$0x2310] =	vst v3  }
0x1ac: {  	[tilespmem:s4+$0x2390] =	vst v2  }
0x1ad: {  	v2 =	vld [tilespmem:s28+$0x20];
	_ =	sdelay $0x4  }
0x1ae: {  	v2 =	vadd.s32 s29, v2  }
0x1af: {  	v3 =	vshll.u32 v2, $0x3  }
0x1b0: {  	v2 =	vand.u32 $0x7F, v2;
	v3 =	vand.u32 $0xFFFFFC00, v3  }
0x1b1: {  	v2 =	vor.u32 v2, v3  }
0x1b2: {  	v2 =	vadd.s32 s31, v2  }
0x1b3: {  	[tilespmem:s4+$0x2020] =	vst v2;
	v3 =	vor.u32 $0x80, v2  }
0x1b4: {  	[tilespmem:s4+$0x20A0] =	vst v3;
	v3 =	vor.u32 $0x100, v2  }
0x1b5: {  	[tilespmem:s4+$0x2120] =	vst v3;
	v3 =	vor.u32 $0x180, v2  }
0x1b6: {  	[tilespmem:s4+$0x21A0] =	vst v3;
	v3 =	vor.u32 $0x200, v2  }
0x1b7: {  	[tilespmem:s4+$0x2220] =	vst v3;
	v3 =	vor.u32 $0x280, v2  }
0x1b8: {  	[tilespmem:s4+$0x22A0] =	vst v3;
	v3 =	vor.u32 $0x300, v2  }
0x1b9: {  	v2 =	vor.u32 $0x380, v2;
	[tilespmem:s4+$0x2320] =	vst v3  }
0x1ba: {  	[tilespmem:s4+$0x23A0] =	vst v2  }
0x1bb: {  	v2 =	vld [tilespmem:s28+$0x30];
	_ =	sdelay $0x4  }
0x1bc: {  	v2 =	vadd.s32 s29, v2  }
0x1bd: {  	v3 =	vshll.u32 v2, $0x3  }
0x1be: {  	v2 =	vand.u32 $0x7F, v2;
	v3 =	vand.u32 $0xFFFFFC00, v3  }
0x1bf: {  	v2 =	vor.u32 v2, v3  }
0x1c0: {  	v2 =	vadd.s32 s31, v2  }
0x1c1: {  	[tilespmem:s4+$0x2030] =	vst v2;
	v3 =	vor.u32 $0x80, v2  }
0x1c2: {  	[tilespmem:s4+$0x20B0] =	vst v3;
	v3 =	vor.u32 $0x100, v2  }
0x1c3: {  	[tilespmem:s4+$0x2130] =	vst v3;
	v3 =	vor.u32 $0x180, v2  }
0x1c4: {  	[tilespmem:s4+$0x21B0] =	vst v3;
	v3 =	vor.u32 $0x200, v2  }
0x1c5: {  	[tilespmem:s4+$0x2230] =	vst v3;
	v3 =	vor.u32 $0x280, v2  }
0x1c6: {  	[tilespmem:s4+$0x22B0] =	vst v3;
	v3 =	vor.u32 $0x300, v2  }
0x1c7: {  	v2 =	vor.u32 $0x380, v2;
	[tilespmem:s4+$0x2330] =	vst v3  }
0x1c8: {  	[tilespmem:s4+$0x23B0] =	vst v2  }
0x1c9: {  	v2 =	vld [tilespmem:s28+$0x40];
	_ =	sdelay $0x4  }
0x1ca: {  	v2 =	vadd.s32 s29, v2  }
0x1cb: {  	v3 =	vshll.u32 v2, $0x3  }
0x1cc: {  	v2 =	vand.u32 $0x7F, v2;
	v3 =	vand.u32 $0xFFFFFC00, v3  }
0x1cd: {  	v2 =	vor.u32 v2, v3  }
0x1ce: {  	v2 =	vadd.s32 s31, v2  }
0x1cf: {  	[tilespmem:s4+$0x2040] =	vst v2;
	v3 =	vor.u32 $0x80, v2  }
0x1d0: {  	[tilespmem:s4+$0x20C0] =	vst v3;
	v3 =	vor.u32 $0x100, v2  }
0x1d1: {  	[tilespmem:s4+$0x2140] =	vst v3;
	v3 =	vor.u32 $0x180, v2  }
0x1d2: {  	[tilespmem:s4+$0x21C0] =	vst v3;
	v3 =	vor.u32 $0x200, v2  }
0x1d3: {  	[tilespmem:s4+$0x2240] =	vst v3;
	v3 =	vor.u32 $0x280, v2  }
0x1d4: {  	[tilespmem:s4+$0x22C0] =	vst v3;
	v3 =	vor.u32 $0x300, v2  }
0x1d5: {  	v2 =	vor.u32 $0x380, v2;
	[tilespmem:s4+$0x2340] =	vst v3  }
0x1d6: {  	[tilespmem:s4+$0x23C0] =	vst v2  }
0x1d7: {  	v2 =	vld [tilespmem:s28+$0x50];
	_ =	sdelay $0x4  }
0x1d8: {  	v2 =	vadd.s32 s29, v2  }
0x1d9: {  	v3 =	vshll.u32 v2, $0x3  }
0x1da: {  	v2 =	vand.u32 $0x7F, v2;
	v3 =	vand.u32 $0xFFFFFC00, v3  }
0x1db: {  	v2 =	vor.u32 v2, v3  }
0x1dc: {  	v2 =	vadd.s32 s31, v2  }
0x1dd: {  	[tilespmem:s4+$0x2050] =	vst v2;
	v3 =	vor.u32 $0x80, v2  }
0x1de: {  	[tilespmem:s4+$0x20D0] =	vst v3;
	v3 =	vor.u32 $0x100, v2  }
0x1df: {  	[tilespmem:s4+$0x2150] =	vst v3;
	v3 =	vor.u32 $0x180, v2  }
0x1e0: {  	[tilespmem:s4+$0x21D0] =	vst v3;
	v3 =	vor.u32 $0x200, v2  }
0x1e1: {  	[tilespmem:s4+$0x2250] =	vst v3;
	v3 =	vor.u32 $0x280, v2  }
0x1e2: {  	[tilespmem:s4+$0x22D0] =	vst v3;
	v3 =	vor.u32 $0x300, v2  }
0x1e3: {  	v2 =	vor.u32 $0x380, v2;
	[tilespmem:s4+$0x2350] =	vst v3  }
0x1e4: {  	[tilespmem:s4+$0x23D0] =	vst v2  }
0x1e5: {  	v2 =	vld [tilespmem:s28+$0x60];
	_ =	sdelay $0x4  }
0x1e6: {  	v2 =	vadd.s32 s29, v2  }
0x1e7: {  	v3 =	vshll.u32 v2, $0x3  }
0x1e8: {  	v2 =	vand.u32 $0x7F, v2;
	v3 =	vand.u32 $0xFFFFFC00, v3  }
0x1e9: {  	v2 =	vor.u32 v2, v3  }
0x1ea: {  	v2 =	vadd.s32 s31, v2  }
0x1eb: {  	[tilespmem:s4+$0x2060] =	vst v2;
	v3 =	vor.u32 $0x80, v2  }
0x1ec: {  	[tilespmem:s4+$0x20E0] =	vst v3;
	v3 =	vor.u32 $0x100, v2  }
0x1ed: {  	[tilespmem:s4+$0x2160] =	vst v3;
	v3 =	vor.u32 $0x180, v2  }
0x1ee: {  	[tilespmem:s4+$0x21E0] =	vst v3;
	v3 =	vor.u32 $0x200, v2  }
0x1ef: {  	[tilespmem:s4+$0x2260] =	vst v3;
	v3 =	vor.u32 $0x280, v2  }
0x1f0: {  	[tilespmem:s4+$0x22E0] =	vst v3;
	v3 =	vor.u32 $0x300, v2  }
0x1f1: {  	v2 =	vor.u32 $0x380, v2;
	[tilespmem:s4+$0x2360] =	vst v3  }
0x1f2: {  	[tilespmem:s4+$0x23E0] =	vst v2  }
0x1f3: {  	v2 =	vld [tilespmem:s28+$0x70];
	_ =	sdelay $0x4  }
0x1f4: {  	v2 =	vadd.s32 s29, v2  }
0x1f5: {  	v3 =	vshll.u32 v2, $0x3  }
0x1f6: {  	v2 =	vand.u32 $0x7F, v2;
	v3 =	vand.u32 $0xFFFFFC00, v3  }
0x1f7: {  	v2 =	vor.u32 v2, v3  }
0x1f8: {  	v2 =	vadd.s32 s31, v2  }
0x1f9: {  	[tilespmem:s4+$0x2070] =	vst v2;
	v3 =	vor.u32 $0x80, v2  }
0x1fa: {  	[tilespmem:s4+$0x20F0] =	vst v3;
	v3 =	vor.u32 $0x100, v2  }
0x1fb: {  	[tilespmem:s4+$0x2170] =	vst v3;
	v3 =	vor.u32 $0x180, v2  }
0x1fc: {  	[tilespmem:s4+$0x21F0] =	vst v3;
	v3 =	vor.u32 $0x200, v2  }
0x1fd: {  	[tilespmem:s4+$0x2270] =	vst v3;
	v3 =	vor.u32 $0x280, v2  }
0x1fe: {  	[tilespmem:s4+$0x22F0] =	vst v3;
	v3 =	vor.u32 $0x300, v2  }
0x1ff: {  	p1 =	slt.u32 s24, $0x2;
	s30 =	sadd.s32 $0x2000, s25;
	v2 =	vor.u32 $0x380, v2;
	[tilespmem:s4+$0x2370] =	vst v3  }
0x200: {  	s29 =	rddreg [dreg:$0x6];
	s31 =	sadd.s32 $0xC000, s25;
	[tilespmem:s4+$0x23F0] =	vst v2;
	s4 =	simm.s32 @!p1 $0x1  }
0x201: {  	[tilespmem:s31], [sflag:$0x1] =	stream.indirect.gather [hbm4b:s0+s29], $0x1, s30, s29, $0xb8;
	[tilespmem:$0x16180] =	vst v63  }
0x202: {  	s26 =	sadd.s32 @!p1 s8, s25;
	_ =	swait.ge @!p1 [sflag:s4], $0x1000  }
0x203: {  	s26 =	sadd.s32 @!p1 $0xFFFFE000, s26;
	[sflag:s4] =	ssyncset.done @!p1 $0x0  }
0x204: {  	s24 =	sadd.s32 $0x1, s24;
	[sflag:s4] =	ssyncadd.s32 @!p1 $0xFFFFF000;
	s4 =	sshrl.u32 @!p1 s26, $0x3  }
0x205: {  	s25 =	sadd.s32 @!p1 $0xA000, s25;
	s26 =	simm.s32 @!p1 $0x0;
	s4 =	sadd.s32 @!p1 s3, s4  }
0x206: {  	[hbm4b:s4+s26] =	stream.linear.scatter @!p1 [tilespmem:s25], [sflag:$0x3], $0x1000, $0x38;
	[tilespmem:$0x16180] =	vst v63  }
0x207: {  	p1 =	sne.s32 s24, $0xA  }
.Ltmp0:
0x208: {  	_ = 	snop;
	(pc) =	sbr.rel @p1 .LBB2_2-.Ltmp0, $1  }
0x209: {  	_ =	sdelay $0x3  }
0x20a: {  	_ =	swait.ge [sflag:s19], $0x1000  }
0x20b: {  	[sflag:s19] =	ssyncset.done $0x0  }
0x20c: {  	[sflag:s19] =	ssyncadd.s32 $0xFFFFF000  }
0x20d: {  	[hbm4b:s11+s6] =	stream.linear.scatter [tilespmem:s20], [sflag:$0x3], $0x1000, $0x38;
	[tilespmem:$0x16180] =	vst v63  }
0x20e: {  	_ =	swait.ge [sflag:s19], $0x1000  }
0x20f: {  	[sflag:s19] =	ssyncset.done $0x0  }
0x210: {  	[sflag:s19] =	ssyncadd.s32 $0xFFFFF000  }
0x211: {  	[hbm4b:s12+s6] =	stream.linear.scatter [tilespmem:s21], [sflag:$0x3], $0x1000, $0x38;
	[tilespmem:$0x16180] =	vst v63  }
0x212: {  	_ =	swait.ge [sflag:s22], $0x1000  }
0x213: {  	[sflag:s22] =	ssyncset.done $0x0  }
0x214: {  	[sflag:s22] =	ssyncadd.s32 $0xFFFFF000  }
0x215: {  	_ =	swait.ge [sflag:s22], $0x1000  }
0x216: {  	[sflag:s22] =	ssyncset.done $0x0  }
0x217: {  	[sflag:s22] =	ssyncadd.s32 $0xFFFFF000  }
0x218: {  	_ =	swait.ge [sflag:s22], $0x1000  }
0x219: {  	[sflag:s22] =	ssyncset.done $0x0  }
0x21a: {  	[sflag:s22] =	ssyncadd.s32 $0xFFFFF000  }
0x21b: {  	_ =	swait.ge [sflag:s22], $0x1000  }
0x21c: {  	[sflag:s22] =	ssyncset.done $0x0  }
0x21d: {  	[sflag:s22] =	ssyncadd.s32 $0xFFFFF000  }
0x21e: {  	_ =	swait.ge [sflag:s22], $0x1000  }
0x21f: {  	[sflag:s22] =	ssyncset.done $0x0  }
0x220: {  	[sflag:s22] =	ssyncadd.s32 $0xFFFFF000  }
0x221: {  	_ =	swait.ge [sflag:s22], $0x1000  }
0x222: {  	[sflag:s22] =	ssyncset.done $0x0  }
0x223: {  	[sflag:s22] =	ssyncadd.s32 $0xFFFFF000  }
0x224: {  	_ =	swait.ge [sflag:s22], $0x1000  }
0x225: {  	[sflag:s22] =	ssyncset.done $0x0  }
0x226: {  	[sflag:s22] =	ssyncadd.s32 $0xFFFFF000  }
0x227: {  	_ =	swait.ge [sflag:s22], $0x1000  }
0x228: {  	[sflag:s22] =	ssyncset.done $0x0  }
0x229: {  	[sflag:s22] =	ssyncadd.s32 $0xFFFFF000  }
0x22a: {  	_ =	swait.ge [sflag:s22], $0x1000  }
0x22b: {  	[sflag:s22] =	ssyncset.done $0x0  }
0x22c: {  	[sflag:s22] =	ssyncadd.s32 $0xFFFFF000  }
0x22d: {  	_ =	swait.ge [sflag:s22], $0x1000  }
0x22e: {  	[sflag:s22] =	ssyncset.done $0x0  }
0x22f: {  	s4 =	simm.s32 @!p0 $0x2;
	[sflag:s22] =	ssyncadd.s32 $0xFFFFF000  }
0x230: {  	_ =	swait.ge @!p0 [sflag:s4], $0x80  }
0x231: {  	s24 =	simm.s32 @!p0 $0x16100;
	s23 =	sadd.s32 $0x1, s23;
	[sflag:s4] =	ssyncset.done @!p0 $0x0  }
0x232: {  	p1 =	sne.s32 s23, s13;
	[sflag:s4] =	ssyncadd.s32 @!p0 $0xFFFFFF80;
	s4 =	simm.s32 @!p0 $0x0  }
0x233: {  	[hbm4b:s5+s4] =	stream.linear.scatter @!p0 [tilespmem:s24], [sflag:$0x4], $0x80, $0x38;
	[tilespmem:$0x16180] =	vst v63  }
.Ltmp1:
0x234: {  	_ = 	snop;
	(pc) =	sbr.rel @p1 .LBB2_1-.Ltmp1, $4  }
0x235: {  	s4 =	simm.s32 @!p0 $0x4  }
0x236: {  	_ =	swait.ge @!p0 [sflag:s4], $0x80  }
0x237: {  	[sflag:s4] =	ssyncset.done @!p0 $0x0  }
0x238: {  	[sflag:s4] =	ssyncadd.s32 @!p0 $0xFFFFFF80  }
0x239: {  	_ =	sfence.sel $0x180000  }
0x23a: {  	[bflag:$0x0] =	sbarrier.arrive $0xFFFF  }
0x23b: {  	_ =	strace $0x90000047  }
0x23c: {  	[bflag:$0x2] =	sbarrier.arrive $0xFFFF  }
0x23d: {  	p0 =	sne.s32 s1, $0x0;
	s0 =	rddreg [dreg:$0x5]  }
0x23e: {  	s0 =	sadd.s32 @!p0 $0x100000, s0  }
0x23f: {  	[sflag:s0] =	ssyncadd.tile.s32 @!p0 $0x1;
	_ =	shalt  }
.Lfunc_end2:
_tile_overlayer_lowered:
.L_overlay_start_2:
0x240: {  	(tag) =	ssettag $0x2  }
0x241: {  	s0 =	rddreg [dreg:$0x0];
	s2 =	stileid.u32  }
0x242: {  	s1 =	rddreg [dreg:$0x1];
	p0 =	sne.s32 s2, $0x0  }
0x243: {  	s3 =	rddreg [dreg:$0x2];
	[bflag:$0x3] =	sbarrier.arrive $0xFFFF;
	s2 =	simm.s32 @!p0 $0x1C04  }
0x244: {  	[timem:s3], [sflag:s2] =	dma.local @!p0 [hbm:s0], s1  }
0x245: {  	s0 =	simm.s32 @!p0 $0x4  }
0x246: {  	_ =	swait.ge @!p0 [sflag:s0], s1  }
0x247: {  	s1 =	ssub.s32 @!p0 $0x0, s1;
	[sflag:s0] =	ssyncset.done @!p0 $0x0  }
0x248: {  	[sflag:s0] =	ssyncadd.s32 @!p0 s1  }
0x249: {  	[bflag:$0x3] =	sbarrier.arrive $0xFFFF  }
0x24a: {  	_ =	shalt  }

</sc_bundles>
